<compile_context>
chip_gen: v7x
topology: tpu7x:2x2x1
jax: 0.10.2.dev20260603
libtpu: 0.0.44.dev20260713+nightly
codegen_flags: <defaults>
</compile_context>

<pallas_src>
import functools

import jax
import jax.numpy as jnp
from jax import lax
from jax.experimental import pallas as pl
from jax.experimental.pallas import tpu as pltpu
from jax.experimental.pallas import tpu_sc as plsc

_NC = 2
_NS = 16
_NW = _NC * _NS
_LANES = 16
_TW = 128
_GRP = 16
_Q = 1
_NB = 8
_LEAD = 7


def _sc_gather_t(uid, iid, umf_t, imf_t, umlp_t, imlp_t):
    b = uid.shape[0]
    bw = b // _NW
    d = umf_t.shape[0]
    ngrp = bw // _GRP

    mesh = plsc.VectorSubcoreMesh(
        core_axis_name="c", subcore_axis_name="s",
        num_cores=_NC, num_subcores=_NS,
    )

    out_t = [jax.ShapeDtypeStruct((d, b), jnp.float32)] * 4

    slab = pltpu.VMEM((d, _Q * _TW), jnp.float32)

    @functools.partial(
        pl.kernel,
        out_type=out_t,
        mesh=mesh,
        compiler_params=pltpu.CompilerParams(
            disable_bounds_checks=True, needs_layout_passes=False),
        scratch_types=[
            pltpu.VMEM((bw,), jnp.int32),
            pltpu.VMEM((bw,), jnp.int32),
        ] + [slab] * (4 * _NB) + [
            pltpu.VMEM((d, bw), jnp.float32),
            pltpu.VMEM((d, bw), jnp.float32),
            pltpu.VMEM((d, bw), jnp.float32),
            pltpu.VMEM((d, bw), jnp.float32),
        ] + [pltpu.SemaphoreType.DMA] * _NB,
    )
    def gather_kernel(uid_h, iid_h, umf_h, imf_h, umlp_h, imlp_h,
                      o_umf, o_imf, o_umlp, o_imlp, *scr):
        uidx, iidx = scr[0], scr[1]
        slab_refs = scr[2:2 + 4 * _NB]
        g_umf, g_imf, g_umlp, g_imlp = scr[2 + 4 * _NB:6 + 4 * _NB]
        sems = scr[6 + 4 * _NB:]
        ci = lax.axis_index("c")
        si = lax.axis_index("s")
        w = si * _NC + ci
        pltpu.sync_copy(uid_h.at[pl.ds(w * bw, bw)], uidx)
        pltpu.sync_copy(iid_h.at[pl.ds(w * bw, bw)], iidx)

        iota = lax.iota(jnp.int32, _LANES)

        banks = tuple(
            ((slab_refs[4 * i], slab_refs[4 * i + 2],
              slab_refs[4 * i + 1], slab_refs[4 * i + 3]), sems[i])
            for i in range(_NB))
        nb = _NB
        lead = _LEAD
        tabs = (umf_h, umlp_h, imf_h, imlp_h)

        def fire_quad(q, bank, rb_uv, rb_iv):
            slabs, sem = banks[bank]
            for k in range(_Q):
                lane = _Q * q + k
                rbu = pl.multiple_of(rb_uv[lane], _TW)
                rbi = pl.multiple_of(rb_iv[lane], _TW)
                for t, (slab_r, tab) in enumerate(zip(slabs, tabs)):
                    rb = rbu if t < 2 else rbi
                    pltpu.async_copy(tab.at[:, pl.ds(rb, _TW)],
                                     slab_r.at[:, pl.ds(k * _TW, _TW)], sem)

        def drain_extract(bank, lane0, pos0, rlo_uv, rlo_iv):
            slabs, sem = banks[bank]
            for slab_r in slabs:
                pltpu.make_async_copy(
                    umf_h.at[:, pl.ds(0, _Q * _TW)], slab_r, sem).wait()
            gs = (g_umf, g_umlp, g_imf, g_imlp)
            for k in range(_Q):
                lane = lane0 + k
                gcols = jnp.full((_LANES,), pos0 + k, jnp.int32)
                for t, (slab_r, g) in enumerate(zip(slabs, gs)):
                    rlo = rlo_uv[lane] if t < 2 else rlo_iv[lane]
                    cols = jnp.full((_LANES,), rlo + k * _TW, jnp.int32)
                    vals = plsc.load_gather(slab_r, [iota, cols])
                    plsc.store_scatter(g, [iota, gcols], vals)

        def load_group(g):
            ruv = uidx[pl.ds(g * _GRP, _GRP)]
            riv = iidx[pl.ds(g * _GRP, _GRP)]
            rlo_uv = lax.rem(ruv, _TW)
            rlo_iv = lax.rem(riv, _TW)
            return rlo_uv, rlo_iv, ruv - rlo_uv, riv - rlo_iv

        nquad = _GRP // _Q

        rlo_uv0, rlo_iv0, rb_uv0, rb_iv0 = load_group(0)
        for q in range(lead):
            fire_quad(q, q % nb, rb_uv0, rb_iv0)
        for q in range(lead, nquad):
            fire_quad(q, q % nb, rb_uv0, rb_iv0)
            drain_extract((q - lead) % nb, _Q * (q - lead), _Q * (q - lead),
                          rlo_uv0, rlo_iv0)

        def group(g, carry):
            rlo_uv_p, rlo_iv_p = carry
            rlo_uv, rlo_iv, rb_uv, rb_iv = load_group(g)
            base = g * _GRP
            for q in range(lead):
                fire_quad(q, q % nb, rb_uv, rb_iv)
                pq = nquad - lead + q
                drain_extract(pq % nb, _Q * pq, base - _GRP + _Q * pq,
                              rlo_uv_p, rlo_iv_p)
            for q in range(lead, nquad):
                fire_quad(q, q % nb, rb_uv, rb_iv)
                drain_extract((q - lead) % nb, _Q * (q - lead),
                              base + _Q * (q - lead), rlo_uv, rlo_iv)
            return (rlo_uv, rlo_iv)

        rlo_uv_l, rlo_iv_l = lax.fori_loop(
            1, ngrp, group, (rlo_uv0, rlo_iv0))
        for q in range(lead):
            pq = nquad - lead + q
            drain_extract(pq % nb, _Q * pq, (ngrp - 1) * _GRP + _Q * pq,
                          rlo_uv_l, rlo_iv_l)

        wcols = pl.ds(pl.multiple_of(w * bw, _TW), bw)
        for gbuf, out in ((g_umf, o_umf), (g_imf, o_imf),
                         (g_umlp, o_umlp), (g_imlp, o_imlp)):
            pltpu.sync_copy(gbuf, out.at[:, wcols])

    return gather_kernel(uid, iid, umf_t, imf_t, umlp_t, imlp_t)


def _mlp_body(umf, imf, umlp, imlp, w1u, w1i, b1, w2, b2, w3, b3,
              wpm, wph, bp, out):
    f32 = jnp.float32
    h = jnp.dot(w1u[...], umlp[...], preferred_element_type=f32)
    h += jnp.dot(w1i[...], imlp[...], preferred_element_type=f32)
    h = jnp.maximum(h + b1[...], 0.0)
    h = jnp.maximum(jnp.dot(w2[...], h, preferred_element_type=f32) + b2[...], 0.0)
    h = jnp.maximum(jnp.dot(w3[...], h, preferred_element_type=f32) + b3[...], 0.0)
    logits = jnp.dot(wpm[...], umf[...] * imf[...], preferred_element_type=f32)
    logits += jnp.dot(wph[...], h, preferred_element_type=f32) + bp[...]
    out[...] = jax.nn.sigmoid(logits)


def _tc_mlp_t(u_mf, i_mf, u_mlp, i_mlp, W1, b1, W2, b2, W3, b3, Wp, bp):
    d, b = u_mf.shape
    h1, h2, h3 = W1.shape[1], W2.shape[1], W3.shape[1]
    bt = 4096
    grid = (b // bt,)

    w1u_t, w1i_t = W1[:d].T, W1[d:].T
    wpm_t, wph_t = Wp[:d].T, Wp[d:].T
    w2_t, w3_t = W2.T, W3.T
    b1c, b2c, b3c, bpc = (b1.reshape(-1, 1), b2.reshape(-1, 1),
                          b3.reshape(-1, 1), bp.reshape(-1, 1))

    col_spec = pl.BlockSpec((d, bt), lambda i: (0, i))
    full = lambda shape: pl.BlockSpec(shape, lambda i: (0, 0))

    return pl.pallas_call(
        _mlp_body,
        grid=grid,
        in_specs=[
            col_spec, col_spec, col_spec, col_spec,
            full((h1, d)), full((h1, d)), full((h1, 1)),
            full((h2, h1)), full((h2, 1)),
            full((h3, h2)), full((h3, 1)),
            full((1, d)), full((1, h3)), full((1, 1)),
        ],
        out_specs=pl.BlockSpec((1, bt), lambda i: (0, i)),
        out_shape=jax.ShapeDtypeStruct((1, b), jnp.float32),
    )(u_mf, i_mf, u_mlp, i_mlp, w1u_t, w1i_t, b1c, w2_t, b2c, w3_t, b3c,
      wpm_t, wph_t, bpc)


def kernel(user_id, item_id, user_mf, item_mf, user_mlp, item_mlp,
           W1, b1, W2, b2, W3, b3, Wp, bp):
    b = user_id.shape[0]
    uid = user_id.astype(jnp.int32)
    iid = item_id.astype(jnp.int32)
    u_mf, i_mf, u_mlp, i_mlp = _sc_gather_t(
        uid, iid, user_mf.T, item_mf.T, user_mlp.T, item_mlp.T)
    out_t = _tc_mlp_t(u_mf, i_mf, u_mlp, i_mlp,
                      W1, b1, W2, b2, W3, b3, Wp, bp)
    return out_t.T

# --- scband reference (transcript-rebuilt; emitter-appended) ---
"""Pipeline reference for scband-neural-mf-2181843387073 (READ-ONLY COPY).

The authoritative reference and input builder live on the scoring server;
editing this copy changes nothing except your own understanding.
"""

import jax, jax.numpy as jnp
import numpy as np

NUM_USERS = 1000000
NUM_ITEMS = 1000000
LATENT_MF = 16
LATENT_MLP = 16
B = 16384
H1, H2, H3 = 256, 128, 64


def setup_inputs(seed: int = 0) -> dict:
    key = jax.random.key(seed)
    ks = jax.random.split(key, 16)
    user_id = jax.random.randint(ks[0], (B,), 0, NUM_USERS)
    item_id = jax.random.randint(ks[1], (B,), 0, NUM_ITEMS)
    user_mf = jax.random.normal(ks[2], (NUM_USERS, LATENT_MF), jnp.float32) * 0.01
    item_mf = jax.random.normal(ks[3], (NUM_ITEMS, LATENT_MF), jnp.float32) * 0.01
    user_mlp = jax.random.normal(ks[4], (NUM_USERS, LATENT_MLP), jnp.float32) * 0.01
    item_mlp = jax.random.normal(ks[5], (NUM_ITEMS, LATENT_MLP), jnp.float32) * 0.01

    def xavier(k, fan_in, fan_out):
        limit = np.sqrt(6.0 / (fan_in + fan_out))
        return jax.random.uniform(k, (fan_in, fan_out), jnp.float32, -limit, limit)

    d_in = 2 * LATENT_MLP
    W1 = xavier(ks[6], d_in, H1)
    b1 = jnp.zeros((H1,), jnp.float32)
    W2 = xavier(ks[7], H1, H2)
    b2 = jnp.zeros((H2,), jnp.float32)
    W3 = xavier(ks[8], H2, H3)
    b3 = jnp.zeros((H3,), jnp.float32)
    Wp = xavier(ks[9], LATENT_MF + H3, 1)
    bp = jnp.zeros((1,), jnp.float32)
    return {
        'user_id': user_id, 'item_id': item_id,
        'user_mf': user_mf, 'item_mf': item_mf,
        'user_mlp': user_mlp, 'item_mlp': item_mlp,
        'W1': W1, 'b1': b1, 'W2': W2, 'b2': b2, 'W3': W3, 'b3': b3,
        'Wp': Wp, 'bp': bp,
    }


def reference(user_id, item_id, user_mf, item_mf, user_mlp, item_mlp,
              W1, b1, W2, b2, W3, b3, Wp, bp):
    # embedding gathers (SparseCore-style lookups)
    u_mf = jnp.take(user_mf, user_id, axis=0)
    i_mf = jnp.take(item_mf, item_id, axis=0)
    u_mlp = jnp.take(user_mlp, user_id, axis=0)
    i_mlp = jnp.take(item_mlp, item_id, axis=0)
    # GMF branch
    vector_mf = u_mf * i_mf
    # MLP branch (dropout is identity in eval mode)
    vector_mlp = jnp.concatenate([u_mlp, i_mlp], axis=-1)
    h = jnp.maximum(vector_mlp @ W1 + b1, 0.0)
    h = jnp.maximum(h @ W2 + b2, 0.0)
    h = jnp.maximum(h @ W3 + b3, 0.0)
    # fusion + prediction
    fused = jnp.concatenate([vector_mf, h], axis=-1)
    logits = fused @ Wp + bp
    return jax.nn.sigmoid(logits)

if __name__ == "__main__":
    import jax
    _d = setup_inputs()
    print(jax.jit(kernel)(*tuple(_d.values())))

</pallas_src>

<mosaic_0001>
#map = affine_map<(d0, d1) -> (0)>
#map1 = affine_map<(d0, d1) -> (0, 0)>
module attributes {stable_mosaic.version = 14 : i64} {
  func.func @gather_kernel(%arg0: i32, %arg1: i32, %arg2: memref<16384xi32, #tpu.memory_space<hbm>>, %arg3: memref<16384xi32, #tpu.memory_space<hbm>>, %arg4: memref<16x1000000xf32, #tpu.memory_space<hbm>>, %arg5: memref<16x1000000xf32, #tpu.memory_space<hbm>>, %arg6: memref<16x1000000xf32, #tpu.memory_space<hbm>>, %arg7: memref<16x1000000xf32, #tpu.memory_space<hbm>>, %arg8: memref<16x16384xf32, #tpu.memory_space<hbm>>, %arg9: memref<16x16384xf32, #tpu.memory_space<hbm>>, %arg10: memref<16x16384xf32, #tpu.memory_space<hbm>>, %arg11: memref<16x16384xf32, #tpu.memory_space<hbm>>, %arg12: memref<512xi32, #tpu.memory_space<vmem>>, %arg13: memref<512xi32, #tpu.memory_space<vmem>>, %arg14: memref<16x128xf32, #tpu.memory_space<vmem>>, %arg15: memref<16x128xf32, #tpu.memory_space<vmem>>, %arg16: memref<16x128xf32, #tpu.memory_space<vmem>>, %arg17: memref<16x128xf32, #tpu.memory_space<vmem>>, %arg18: memref<16x128xf32, #tpu.memory_space<vmem>>, %arg19: memref<16x128xf32, #tpu.memory_space<vmem>>, %arg20: memref<16x128xf32, #tpu.memory_space<vmem>>, %arg21: memref<16x128xf32, #tpu.memory_space<vmem>>, %arg22: memref<16x128xf32, #tpu.memory_space<vmem>>, %arg23: memref<16x128xf32, #tpu.memory_space<vmem>>, %arg24: memref<16x128xf32, #tpu.memory_space<vmem>>, %arg25: memref<16x128xf32, #tpu.memory_space<vmem>>, %arg26: memref<16x128xf32, #tpu.memory_space<vmem>>, %arg27: memref<16x128xf32, #tpu.memory_space<vmem>>, %arg28: memref<16x128xf32, #tpu.memory_space<vmem>>, %arg29: memref<16x128xf32, #tpu.memory_space<vmem>>, %arg30: memref<16x128xf32, #tpu.memory_space<vmem>>, %arg31: memref<16x128xf32, #tpu.memory_space<vmem>>, %arg32: memref<16x128xf32, #tpu.memory_space<vmem>>, %arg33: memref<16x128xf32, #tpu.memory_space<vmem>>, %arg34: memref<16x128xf32, #tpu.memory_space<vmem>>, %arg35: memref<16x128xf32, #tpu.memory_space<vmem>>, %arg36: memref<16x128xf32, #tpu.memory_space<vmem>>, %arg37: memref<16x128xf32, #tpu.memory_space<vmem>>, %arg38: memref<16x128xf32, #tpu.memory_space<vmem>>, %arg39: memref<16x128xf32, #tpu.memory_space<vmem>>, %arg40: memref<16x128xf32, #tpu.memory_space<vmem>>, %arg41: memref<16x128xf32, #tpu.memory_space<vmem>>, %arg42: memref<16x128xf32, #tpu.memory_space<vmem>>, %arg43: memref<16x128xf32, #tpu.memory_space<vmem>>, %arg44: memref<16x128xf32, #tpu.memory_space<vmem>>, %arg45: memref<16x128xf32, #tpu.memory_space<vmem>>, %arg46: memref<16x512xf32, #tpu.memory_space<vmem>>, %arg47: memref<16x512xf32, #tpu.memory_space<vmem>>, %arg48: memref<16x512xf32, #tpu.memory_space<vmem>>, %arg49: memref<16x512xf32, #tpu.memory_space<vmem>>, %arg50: memref<!tpu.dma_semaphore, #tpu.memory_space<semaphore_mem>>, %arg51: memref<!tpu.dma_semaphore, #tpu.memory_space<semaphore_mem>>, %arg52: memref<!tpu.dma_semaphore, #tpu.memory_space<semaphore_mem>>, %arg53: memref<!tpu.dma_semaphore, #tpu.memory_space<semaphore_mem>>, %arg54: memref<!tpu.dma_semaphore, #tpu.memory_space<semaphore_mem>>, %arg55: memref<!tpu.dma_semaphore, #tpu.memory_space<semaphore_mem>>, %arg56: memref<!tpu.dma_semaphore, #tpu.memory_space<semaphore_mem>>, %arg57: memref<!tpu.dma_semaphore, #tpu.memory_space<semaphore_mem>>) attributes {dimension_semantics = [#tpu.dimension_semantics<core_parallel>, #tpu.dimension_semantics<subcore_parallel>], iteration_bounds = array<i64: 2, 16>, scalar_prefetch = 0 : i64, scratch_operands = 46 : i64, tpu.core_type = #tpu.core_type<sc_vector_subcore>, window_params = [{transform_indices = #map}, {transform_indices = #map}, {transform_indices = #map1}, {transform_indices = #map1}, {transform_indices = #map1}, {transform_indices = #map1}, {transform_indices = #map1}, {transform_indices = #map1}, {transform_indices = #map1}, {transform_indices = #map1}]} {
    %mul3A = arith.constant 2 : i32
    %mul3A_0 = arith.muli %arg1, %mul3A : i32
    %add3A = arith.addi %mul3A_0, %arg0 : i32
    %mul3A_1 = arith.constant 512 : i32
    %mul3A_2 = arith.muli %add3A, %mul3A_1 : i32
    "tpu.region"() ({
      %run_scoped3A = tpu.sem_alloc : memref<!tpu.dma_semaphore, #tpu.memory_space<semaphore_mem>>
      %dma_start3A_1551 = tpu.memref_slice %arg2[%mul3A_2] : memref<16384xi32, #tpu.memory_space<hbm>> -> memref<512xi32, #tpu.memory_space<hbm>>
      %dma_start3A_1552 = tpu.memref_slice %arg2[%mul3A_2] : memref<16384xi32, #tpu.memory_space<hbm>> -> memref<512xi32, #tpu.memory_space<hbm>>
      tpu.enqueue_dma source(%dma_start3A_1552 : memref<512xi32, #tpu.memory_space<hbm>>) target(%arg12 : memref<512xi32, #tpu.memory_space<vmem>>) target_semaphore(%run_scoped3A : memref<!tpu.dma_semaphore, #tpu.memory_space<semaphore_mem>>)
      %dma_wait3A_1553 = tpu.memref_slice %arg2[%mul3A_2] : memref<16384xi32, #tpu.memory_space<hbm>> -> memref<512xi32, #tpu.memory_space<hbm>>
      %dma_wait3A_1554 = tpu.memref_slice %arg2[%mul3A_2] : memref<16384xi32, #tpu.memory_space<hbm>> -> memref<512xi32, #tpu.memory_space<hbm>>
      tpu.wait_dma2 semaphore(%run_scoped3A : memref<!tpu.dma_semaphore, #tpu.memory_space<semaphore_mem>>) src(%dma_wait3A_1554 : memref<512xi32, #tpu.memory_space<hbm>>) dst(%arg12 : memref<512xi32, #tpu.memory_space<vmem>>)
      tpu.yield
    }) : () -> ()
    %mul3A_3 = arith.constant 512 : i32
    %mul3A_4 = arith.muli %add3A, %mul3A_3 : i32
    "tpu.region"() ({
      %run_scoped3A = tpu.sem_alloc : memref<!tpu.dma_semaphore, #tpu.memory_space<semaphore_mem>>
      %dma_start3A_1551 = tpu.memref_slice %arg3[%mul3A_4] : memref<16384xi32, #tpu.memory_space<hbm>> -> memref<512xi32, #tpu.memory_space<hbm>>
      %dma_start3A_1552 = tpu.memref_slice %arg3[%mul3A_4] : memref<16384xi32, #tpu.memory_space<hbm>> -> memref<512xi32, #tpu.memory_space<hbm>>
      tpu.enqueue_dma source(%dma_start3A_1552 : memref<512xi32, #tpu.memory_space<hbm>>) target(%arg13 : memref<512xi32, #tpu.memory_space<vmem>>) target_semaphore(%run_scoped3A : memref<!tpu.dma_semaphore, #tpu.memory_space<semaphore_mem>>)
      %dma_wait3A_1553 = tpu.memref_slice %arg3[%mul3A_4] : memref<16384xi32, #tpu.memory_space<hbm>> -> memref<512xi32, #tpu.memory_space<hbm>>
      %dma_wait3A_1554 = tpu.memref_slice %arg3[%mul3A_4] : memref<16384xi32, #tpu.memory_space<hbm>> -> memref<512xi32, #tpu.memory_space<hbm>>
      tpu.wait_dma2 semaphore(%run_scoped3A : memref<!tpu.dma_semaphore, #tpu.memory_space<semaphore_mem>>) src(%dma_wait3A_1554 : memref<512xi32, #tpu.memory_space<hbm>>) dst(%arg13 : memref<512xi32, #tpu.memory_space<vmem>>)
      tpu.yield
    }) : () -> ()
    %iota3A = tpu.iota {dimensions = array<i32: 0>} : vector<16xi32>
    %get3A = arith.constant 0 : index
    %get3A_5 = tpu.vector_load %arg12[%get3A] {strides = array<i32>} : memref<512xi32, #tpu.memory_space<vmem>>, vector<16xi32>,
    %get3A_6 = arith.constant 0 : index
    %get3A_7 = tpu.vector_load %arg13[%get3A_6] {strides = array<i32>} : memref<512xi32, #tpu.memory_space<vmem>>, vector<16xi32>,
    %rem3A = arith.constant 128 : i32
    %rem3A_8 = vector.broadcast %rem3A : i32 to vector<16xi32>
    %rem3A_9 = arith.remsi %get3A_5, %rem3A_8 : vector<16xi32>
    %rem3A_10 = arith.constant 128 : i32
    %rem3A_11 = vector.broadcast %rem3A_10 : i32 to vector<16xi32>
    %rem3A_12 = arith.remsi %get3A_7, %rem3A_11 : vector<16xi32>
    %sub3A = arith.subi %get3A_5, %rem3A_9 : vector<16xi32>
    %sub3A_13 = arith.subi %get3A_7, %rem3A_12 : vector<16xi32>
    %slice3A = vector.extract_strided_slice %sub3A {offsets = [0], sizes = [1], strides = [1]} : vector<16xi32> to vector<1xi32>
    %squeeze3A = vector.extract %slice3A[0] : i32 from vector<1xi32>
    %multiple_of3A = tpu.assume_multiple %squeeze3A, 128 : i32
    %slice3A_14 = vector.extract_strided_slice %sub3A_13 {offsets = [0], sizes = [1], strides = [1]} : vector<16xi32> to vector<1xi32>
    %squeeze3A_15 = vector.extract %slice3A_14[0] : i32 from vector<1xi32>
    %multiple_of3A_16 = tpu.assume_multiple %squeeze3A_15, 128 : i32
    %dma_start3A = arith.constant 0 : i32
    %dma_start3A_17 = arith.constant 0 : i32
    %dma_start3A_18 = tpu.memref_slice %arg14[%dma_start3A, %dma_start3A_17] : memref<16x128xf32, #tpu.memory_space<vmem>> -> memref<16x128xf32, #tpu.memory_space<vmem>>
    %dma_start3A_19 = arith.constant 0 : i32
    %dma_start3A_20 = tpu.memref_slice %arg4[%dma_start3A_19, %multiple_of3A] : memref<16x1000000xf32, #tpu.memory_space<hbm>> -> memref<16x128xf32, #tpu.memory_space<hbm>>
    %dma_start3A_21 = arith.constant 0 : i32
    %dma_start3A_22 = arith.constant 0 : i32
    %dma_start3A_23 = tpu.memref_slice %arg14[%dma_start3A_21, %dma_start3A_22] : memref<16x128xf32, #tpu.memory_space<vmem>> -> memref<16x128xf32, #tpu.memory_space<vmem>>
    %dma_start3A_24 = arith.constant 0 : i32
    %dma_start3A_25 = tpu.memref_slice %arg4[%dma_start3A_24, %multiple_of3A] : memref<16x1000000xf32, #tpu.memory_space<hbm>> -> memref<16x128xf32, #tpu.memory_space<hbm>>
    tpu.enqueue_dma source(%dma_start3A_25 : memref<16x128xf32, #tpu.memory_space<hbm>>) target(%dma_start3A_23 : memref<16x128xf32, #tpu.memory_space<vmem>>) target_semaphore(%arg50 : memref<!tpu.dma_semaphore, #tpu.memory_space<semaphore_mem>>)
    %dma_start3A_26 = arith.constant 0 : i32
    %dma_start3A_27 = arith.constant 0 : i32
    %dma_start3A_28 = tpu.memref_slice %arg16[%dma_start3A_26, %dma_start3A_27] : memref<16x128xf32, #tpu.memory_space<vmem>> -> memref<16x128xf32, #tpu.memory_space<vmem>>
    %dma_start3A_29 = arith.constant 0 : i32
    %dma_start3A_30 = tpu.memref_slice %arg6[%dma_start3A_29, %multiple_of3A] : memref<16x1000000xf32, #tpu.memory_space<hbm>> -> memref<16x128xf32, #tpu.memory_space<hbm>>
    %dma_start3A_31 = arith.constant 0 : i32
    %dma_start3A_32 = arith.constant 0 : i32
    %dma_start3A_33 = tpu.memref_slice %arg16[%dma_start3A_31, %dma_start3A_32] : memref<16x128xf32, #tpu.memory_space<vmem>> -> memref<16x128xf32, #tpu.memory_space<vmem>>
    %dma_start3A_34 = arith.constant 0 : i32
    %dma_start3A_35 = tpu.memref_slice %arg6[%dma_start3A_34, %multiple_of3A] : memref<16x1000000xf32, #tpu.memory_space<hbm>> -> memref<16x128xf32, #tpu.memory_space<hbm>>
    tpu.enqueue_dma source(%dma_start3A_35 : memref<16x128xf32, #tpu.memory_space<hbm>>) target(%dma_start3A_33 : memref<16x128xf32, #tpu.memory_space<vmem>>) target_semaphore(%arg50 : memref<!tpu.dma_semaphore, #tpu.memory_space<semaphore_mem>>)
    %dma_start3A_36 = arith.constant 0 : i32
    %dma_start3A_37 = arith.constant 0 : i32
    %dma_start3A_38 = tpu.memref_slice %arg15[%dma_start3A_36, %dma_start3A_37] : memref<16x128xf32, #tpu.memory_space<vmem>> -> memref<16x128xf32, #tpu.memory_space<vmem>>
    %dma_start3A_39 = arith.constant 0 : i32
    %dma_start3A_40 = tpu.memref_slice %arg5[%dma_start3A_39, %multiple_of3A_16] : memref<16x1000000xf32, #tpu.memory_space<hbm>> -> memref<16x128xf32, #tpu.memory_space<hbm>>
    %dma_start3A_41 = arith.constant 0 : i32
    %dma_start3A_42 = arith.constant 0 : i32
    %dma_start3A_43 = tpu.memref_slice %arg15[%dma_start3A_41, %dma_start3A_42] : memref<16x128xf32, #tpu.memory_space<vmem>> -> memref<16x128xf32, #tpu.memory_space<vmem>>
    %dma_start3A_44 = arith.constant 0 : i32
    %dma_start3A_45 = tpu.memref_slice %arg5[%dma_start3A_44, %multiple_of3A_16] : memref<16x1000000xf32, #tpu.memory_space<hbm>> -> memref<16x128xf32, #tpu.memory_space<hbm>>
    tpu.enqueue_dma source(%dma_start3A_45 : memref<16x128xf32, #tpu.memory_space<hbm>>) target(%dma_start3A_43 : memref<16x128xf32, #tpu.memory_space<vmem>>) target_semaphore(%arg50 : memref<!tpu.dma_semaphore, #tpu.memory_space<semaphore_mem>>)
    %dma_start3A_46 = arith.constant 0 : i32
    %dma_start3A_47 = arith.constant 0 : i32
    %dma_start3A_48 = tpu.memref_slice %arg17[%dma_start3A_46, %dma_start3A_47] : memref<16x128xf32, #tpu.memory_space<vmem>> -> memref<16x128xf32, #tpu.memory_space<vmem>>
    %dma_start3A_49 = arith.constant 0 : i32
    %dma_start3A_50 = tpu.memref_slice %arg7[%dma_start3A_49, %multiple_of3A_16] : memref<16x1000000xf32, #tpu.memory_space<hbm>> -> memref<16x128xf32, #tpu.memory_space<hbm>>
    %dma_start3A_51 = arith.constant 0 : i32
    %dma_start3A_52 = arith.constant 0 : i32
    %dma_start3A_53 = tpu.memref_slice %arg17[%dma_start3A_51, %dma_start3A_52] : memref<16x128xf32, #tpu.memory_space<vmem>> -> memref<16x128xf32, #tpu.memory_space<vmem>>
    %dma_start3A_54 = arith.constant 0 : i32
    %dma_start3A_55 = tpu.memref_slice %arg7[%dma_start3A_54, %multiple_of3A_16] : memref<16x1000000xf32, #tpu.memory_space<hbm>> -> memref<16x128xf32, #tpu.memory_space<hbm>>
    tpu.enqueue_dma source(%dma_start3A_55 : memref<16x128xf32, #tpu.memory_space<hbm>>) target(%dma_start3A_53 : memref<16x128xf32, #tpu.memory_space<vmem>>) target_semaphore(%arg50 : memref<!tpu.dma_semaphore, #tpu.memory_space<semaphore_mem>>)
    %slice3A_56 = vector.extract_strided_slice %sub3A {offsets = [1], sizes = [1], strides = [1]} : vector<16xi32> to vector<1xi32>
    %squeeze3A_57 = vector.extract %slice3A_56[0] : i32 from vector<1xi32>
    %multiple_of3A_58 = tpu.assume_multiple %squeeze3A_57, 128 : i32
    %slice3A_59 = vector.extract_strided_slice %sub3A_13 {offsets = [1], sizes = [1], strides = [1]} : vector<16xi32> to vector<1xi32>
    %squeeze3A_60 = vector.extract %slice3A_59[0] : i32 from vector<1xi32>
    %multiple_of3A_61 = tpu.assume_multiple %squeeze3A_60, 128 : i32
    %dma_start3A_62 = arith.constant 0 : i32
    %dma_start3A_63 = arith.constant 0 : i32
    %dma_start3A_64 = tpu.memref_slice %arg18[%dma_start3A_62, %dma_start3A_63] : memref<16x128xf32, #tpu.memory_space<vmem>> -> memref<16x128xf32, #tpu.memory_space<vmem>>
    %dma_start3A_65 = arith.constant 0 : i32
    %dma_start3A_66 = tpu.memref_slice %arg4[%dma_start3A_65, %multiple_of3A_58] : memref<16x1000000xf32, #tpu.memory_space<hbm>> -> memref<16x128xf32, #tpu.memory_space<hbm>>
    %dma_start3A_67 = arith.constant 0 : i32
    %dma_start3A_68 = arith.constant 0 : i32
    %dma_start3A_69 = tpu.memref_slice %arg18[%dma_start3A_67, %dma_start3A_68] : memref<16x128xf32, #tpu.memory_space<vmem>> -> memref<16x128xf32, #tpu.memory_space<vmem>>
    %dma_start3A_70 = arith.constant 0 : i32
    %dma_start3A_71 = tpu.memref_slice %arg4[%dma_start3A_70, %multiple_of3A_58] : memref<16x1000000xf32, #tpu.memory_space<hbm>> -> memref<16x128xf32, #tpu.memory_space<hbm>>
    tpu.enqueue_dma source(%dma_start3A_71 : memref<16x128xf32, #tpu.memory_space<hbm>>) target(%dma_start3A_69 : memref<16x128xf32, #tpu.memory_space<vmem>>) target_semaphore(%arg51 : memref<!tpu.dma_semaphore, #tpu.memory_space<semaphore_mem>>)
    %dma_start3A_72 = arith.constant 0 : i32
    %dma_start3A_73 = arith.constant 0 : i32
    %dma_start3A_74 = tpu.memref_slice %arg20[%dma_start3A_72, %dma_start3A_73] : memref<16x128xf32, #tpu.memory_space<vmem>> -> memref<16x128xf32, #tpu.memory_space<vmem>>
    %dma_start3A_75 = arith.constant 0 : i32
    %dma_start3A_76 = tpu.memref_slice %arg6[%dma_start3A_75, %multiple_of3A_58] : memref<16x1000000xf32, #tpu.memory_space<hbm>> -> memref<16x128xf32, #tpu.memory_space<hbm>>
    %dma_start3A_77 = arith.constant 0 : i32
    %dma_start3A_78 = arith.constant 0 : i32
    %dma_start3A_79 = tpu.memref_slice %arg20[%dma_start3A_77, %dma_start3A_78] : memref<16x128xf32, #tpu.memory_space<vmem>> -> memref<16x128xf32, #tpu.memory_space<vmem>>
    %dma_start3A_80 = arith.constant 0 : i32
    %dma_start3A_81 = tpu.memref_slice %arg6[%dma_start3A_80, %multiple_of3A_58] : memref<16x1000000xf32, #tpu.memory_space<hbm>> -> memref<16x128xf32, #tpu.memory_space<hbm>>
    tpu.enqueue_dma source(%dma_start3A_81 : memref<16x128xf32, #tpu.memory_space<hbm>>) target(%dma_start3A_79 : memref<16x128xf32, #tpu.memory_space<vmem>>) target_semaphore(%arg51 : memref<!tpu.dma_semaphore, #tpu.memory_space<semaphore_mem>>)
    %dma_start3A_82 = arith.constant 0 : i32
    %dma_start3A_83 = arith.constant 0 : i32
    %dma_start3A_84 = tpu.memref_slice %arg19[%dma_start3A_82, %dma_start3A_83] : memref<16x128xf32, #tpu.memory_space<vmem>> -> memref<16x128xf32, #tpu.memory_space<vmem>>
    %dma_start3A_85 = arith.constant 0 : i32
    %dma_start3A_86 = tpu.memref_slice %arg5[%dma_start3A_85, %multiple_of3A_61] : memref<16x1000000xf32, #tpu.memory_space<hbm>> -> memref<16x128xf32, #tpu.memory_space<hbm>>
    %dma_start3A_87 = arith.constant 0 : i32
    %dma_start3A_88 = arith.constant 0 : i32
    %dma_start3A_89 = tpu.memref_slice %arg19[%dma_start3A_87, %dma_start3A_88] : memref<16x128xf32, #tpu.memory_space<vmem>> -> memref<16x128xf32, #tpu.memory_space<vmem>>
    %dma_start3A_90 = arith.constant 0 : i32
    %dma_start3A_91 = tpu.memref_slice %arg5[%dma_start3A_90, %multiple_of3A_61] : memref<16x1000000xf32, #tpu.memory_space<hbm>> -> memref<16x128xf32, #tpu.memory_space<hbm>>
    tpu.enqueue_dma source(%dma_start3A_91 : memref<16x128xf32, #tpu.memory_space<hbm>>) target(%dma_start3A_89 : memref<16x128xf32, #tpu.memory_space<vmem>>) target_semaphore(%arg51 : memref<!tpu.dma_semaphore, #tpu.memory_space<semaphore_mem>>)
    %dma_start3A_92 = arith.constant 0 : i32
    %dma_start3A_93 = arith.constant 0 : i32
    %dma_start3A_94 = tpu.memref_slice %arg21[%dma_start3A_92, %dma_start3A_93] : memref<16x128xf32, #tpu.memory_space<vmem>> -> memref<16x128xf32, #tpu.memory_space<vmem>>
    %dma_start3A_95 = arith.constant 0 : i32
    %dma_start3A_96 = tpu.memref_slice %arg7[%dma_start3A_95, %multiple_of3A_61] : memref<16x1000000xf32, #tpu.memory_space<hbm>> -> memref<16x128xf32, #tpu.memory_space<hbm>>
    %dma_start3A_97 = arith.constant 0 : i32
    %dma_start3A_98 = arith.constant 0 : i32
    %dma_start3A_99 = tpu.memref_slice %arg21[%dma_start3A_97, %dma_start3A_98] : memref<16x128xf32, #tpu.memory_space<vmem>> -> memref<16x128xf32, #tpu.memory_space<vmem>>
    %dma_start3A_100 = arith.constant 0 : i32
    %dma_start3A_101 = tpu.memref_slice %arg7[%dma_start3A_100, %multiple_of3A_61] : memref<16x1000000xf32, #tpu.memory_space<hbm>> -> memref<16x128xf32, #tpu.memory_space<hbm>>
    tpu.enqueue_dma source(%dma_start3A_101 : memref<16x128xf32, #tpu.memory_space<hbm>>) target(%dma_start3A_99 : memref<16x128xf32, #tpu.memory_space<vmem>>) target_semaphore(%arg51 : memref<!tpu.dma_semaphore, #tpu.memory_space<semaphore_mem>>)
    %slice3A_102 = vector.extract_strided_slice %sub3A {offsets = [2], sizes = [1], strides = [1]} : vector<16xi32> to vector<1xi32>
    %squeeze3A_103 = vector.extract %slice3A_102[0] : i32 from vector<1xi32>
    %multiple_of3A_104 = tpu.assume_multiple %squeeze3A_103, 128 : i32
    %slice3A_105 = vector.extract_strided_slice %sub3A_13 {offsets = [2], sizes = [1], strides = [1]} : vector<16xi32> to vector<1xi32>
    %squeeze3A_106 = vector.extract %slice3A_105[0] : i32 from vector<1xi32>
    %multiple_of3A_107 = tpu.assume_multiple %squeeze3A_106, 128 : i32
    %dma_start3A_108 = arith.constant 0 : i32
    %dma_start3A_109 = arith.constant 0 : i32
    %dma_start3A_110 = tpu.memref_slice %arg22[%dma_start3A_108, %dma_start3A_109] : memref<16x128xf32, #tpu.memory_space<vmem>> -> memref<16x128xf32, #tpu.memory_space<vmem>>
    %dma_start3A_111 = arith.constant 0 : i32
    %dma_start3A_112 = tpu.memref_slice %arg4[%dma_start3A_111, %multiple_of3A_104] : memref<16x1000000xf32, #tpu.memory_space<hbm>> -> memref<16x128xf32, #tpu.memory_space<hbm>>
    %dma_start3A_113 = arith.constant 0 : i32
    %dma_start3A_114 = arith.constant 0 : i32
    %dma_start3A_115 = tpu.memref_slice %arg22[%dma_start3A_113, %dma_start3A_114] : memref<16x128xf32, #tpu.memory_space<vmem>> -> memref<16x128xf32, #tpu.memory_space<vmem>>
    %dma_start3A_116 = arith.constant 0 : i32
    %dma_start3A_117 = tpu.memref_slice %arg4[%dma_start3A_116, %multiple_of3A_104] : memref<16x1000000xf32, #tpu.memory_space<hbm>> -> memref<16x128xf32, #tpu.memory_space<hbm>>
    tpu.enqueue_dma source(%dma_start3A_117 : memref<16x128xf32, #tpu.memory_space<hbm>>) target(%dma_start3A_115 : memref<16x128xf32, #tpu.memory_space<vmem>>) target_semaphore(%arg52 : memref<!tpu.dma_semaphore, #tpu.memory_space<semaphore_mem>>)
    %dma_start3A_118 = arith.constant 0 : i32
    %dma_start3A_119 = arith.constant 0 : i32
    %dma_start3A_120 = tpu.memref_slice %arg24[%dma_start3A_118, %dma_start3A_119] : memref<16x128xf32, #tpu.memory_space<vmem>> -> memref<16x128xf32, #tpu.memory_space<vmem>>
    %dma_start3A_121 = arith.constant 0 : i32
    %dma_start3A_122 = tpu.memref_slice %arg6[%dma_start3A_121, %multiple_of3A_104] : memref<16x1000000xf32, #tpu.memory_space<hbm>> -> memref<16x128xf32, #tpu.memory_space<hbm>>
    %dma_start3A_123 = arith.constant 0 : i32
    %dma_start3A_124 = arith.constant 0 : i32
    %dma_start3A_125 = tpu.memref_slice %arg24[%dma_start3A_123, %dma_start3A_124] : memref<16x128xf32, #tpu.memory_space<vmem>> -> memref<16x128xf32, #tpu.memory_space<vmem>>
    %dma_start3A_126 = arith.constant 0 : i32
    %dma_start3A_127 = tpu.memref_slice %arg6[%dma_start3A_126, %multiple_of3A_104] : memref<16x1000000xf32, #tpu.memory_space<hbm>> -> memref<16x128xf32, #tpu.memory_space<hbm>>
    tpu.enqueue_dma source(%dma_start3A_127 : memref<16x128xf32, #tpu.memory_space<hbm>>) target(%dma_start3A_125 : memref<16x128xf32, #tpu.memory_space<vmem>>) target_semaphore(%arg52 : memref<!tpu.dma_semaphore, #tpu.memory_space<semaphore_mem>>)
    %dma_start3A_128 = arith.constant 0 : i32
    %dma_start3A_129 = arith.constant 0 : i32
    %dma_start3A_130 = tpu.memref_slice %arg23[%dma_start3A_128, %dma_start3A_129] : memref<16x128xf32, #tpu.memory_space<vmem>> -> memref<16x128xf32, #tpu.memory_space<vmem>>
    %dma_start3A_131 = arith.constant 0 : i32
    %dma_start3A_132 = tpu.memref_slice %arg5[%dma_start3A_131, %multiple_of3A_107] : memref<16x1000000xf32, #tpu.memory_space<hbm>> -> memref<16x128xf32, #tpu.memory_space<hbm>>
    %dma_start3A_133 = arith.constant 0 : i32
    %dma_start3A_134 = arith.constant 0 : i32
    %dma_start3A_135 = tpu.memref_slice %arg23[%dma_start3A_133, %dma_start3A_134] : memref<16x128xf32, #tpu.memory_space<vmem>> -> memref<16x128xf32, #tpu.memory_space<vmem>>
    %dma_start3A_136 = arith.constant 0 : i32
    %dma_start3A_137 = tpu.memref_slice %arg5[%dma_start3A_136, %multiple_of3A_107] : memref<16x1000000xf32, #tpu.memory_space<hbm>> -> memref<16x128xf32, #tpu.memory_space<hbm>>
    tpu.enqueue_dma source(%dma_start3A_137 : memref<16x128xf32, #tpu.memory_space<hbm>>) target(%dma_start3A_135 : memref<16x128xf32, #tpu.memory_space<vmem>>) target_semaphore(%arg52 : memref<!tpu.dma_semaphore, #tpu.memory_space<semaphore_mem>>)
    %dma_start3A_138 = arith.constant 0 : i32
    %dma_start3A_139 = arith.constant 0 : i32
    %dma_start3A_140 = tpu.memref_slice %arg25[%dma_start3A_138, %dma_start3A_139] : memref<16x128xf32, #tpu.memory_space<vmem>> -> memref<16x128xf32, #tpu.memory_space<vmem>>
    %dma_start3A_141 = arith.constant 0 : i32
    %dma_start3A_142 = tpu.memref_slice %arg7[%dma_start3A_141, %multiple_of3A_107] : memref<16x1000000xf32, #tpu.memory_space<hbm>> -> memref<16x128xf32, #tpu.memory_space<hbm>>
    %dma_start3A_143 = arith.constant 0 : i32
    %dma_start3A_144 = arith.constant 0 : i32
    %dma_start3A_145 = tpu.memref_slice %arg25[%dma_start3A_143, %dma_start3A_144] : memref<16x128xf32, #tpu.memory_space<vmem>> -> memref<16x128xf32, #tpu.memory_space<vmem>>
    %dma_start3A_146 = arith.constant 0 : i32
    %dma_start3A_147 = tpu.memref_slice %arg7[%dma_start3A_146, %multiple_of3A_107] : memref<16x1000000xf32, #tpu.memory_space<hbm>> -> memref<16x128xf32, #tpu.memory_space<hbm>>
    tpu.enqueue_dma source(%dma_start3A_147 : memref<16x128xf32, #tpu.memory_space<hbm>>) target(%dma_start3A_145 : memref<16x128xf32, #tpu.memory_space<vmem>>) target_semaphore(%arg52 : memref<!tpu.dma_semaphore, #tpu.memory_space<semaphore_mem>>)
    %slice3A_148 = vector.extract_strided_slice %sub3A {offsets = [3], sizes = [1], strides = [1]} : vector<16xi32> to vector<1xi32>
    %squeeze3A_149 = vector.extract %slice3A_148[0] : i32 from vector<1xi32>
    %multiple_of3A_150 = tpu.assume_multiple %squeeze3A_149, 128 : i32
    %slice3A_151 = vector.extract_strided_slice %sub3A_13 {offsets = [3], sizes = [1], strides = [1]} : vector<16xi32> to vector<1xi32>
    %squeeze3A_152 = vector.extract %slice3A_151[0] : i32 from vector<1xi32>
    %multiple_of3A_153 = tpu.assume_multiple %squeeze3A_152, 128 : i32
    %dma_start3A_154 = arith.constant 0 : i32
    %dma_start3A_155 = arith.constant 0 : i32
    %dma_start3A_156 = tpu.memref_slice %arg26[%dma_start3A_154, %dma_start3A_155] : memref<16x128xf32, #tpu.memory_space<vmem>> -> memref<16x128xf32, #tpu.memory_space<vmem>>
    %dma_start3A_157 = arith.constant 0 : i32
    %dma_start3A_158 = tpu.memref_slice %arg4[%dma_start3A_157, %multiple_of3A_150] : memref<16x1000000xf32, #tpu.memory_space<hbm>> -> memref<16x128xf32, #tpu.memory_space<hbm>>
    %dma_start3A_159 = arith.constant 0 : i32
    %dma_start3A_160 = arith.constant 0 : i32
    %dma_start3A_161 = tpu.memref_slice %arg26[%dma_start3A_159, %dma_start3A_160] : memref<16x128xf32, #tpu.memory_space<vmem>> -> memref<16x128xf32, #tpu.memory_space<vmem>>
    %dma_start3A_162 = arith.constant 0 : i32
    %dma_start3A_163 = tpu.memref_slice %arg4[%dma_start3A_162, %multiple_of3A_150] : memref<16x1000000xf32, #tpu.memory_space<hbm>> -> memref<16x128xf32, #tpu.memory_space<hbm>>
    tpu.enqueue_dma source(%dma_start3A_163 : memref<16x128xf32, #tpu.memory_space<hbm>>) target(%dma_start3A_161 : memref<16x128xf32, #tpu.memory_space<vmem>>) target_semaphore(%arg53 : memref<!tpu.dma_semaphore, #tpu.memory_space<semaphore_mem>>)
    %dma_start3A_164 = arith.constant 0 : i32
    %dma_start3A_165 = arith.constant 0 : i32
    %dma_start3A_166 = tpu.memref_slice %arg28[%dma_start3A_164, %dma_start3A_165] : memref<16x128xf32, #tpu.memory_space<vmem>> -> memref<16x128xf32, #tpu.memory_space<vmem>>
    %dma_start3A_167 = arith.constant 0 : i32
    %dma_start3A_168 = tpu.memref_slice %arg6[%dma_start3A_167, %multiple_of3A_150] : memref<16x1000000xf32, #tpu.memory_space<hbm>> -> memref<16x128xf32, #tpu.memory_space<hbm>>
    %dma_start3A_169 = arith.constant 0 : i32
    %dma_start3A_170 = arith.constant 0 : i32
    %dma_start3A_171 = tpu.memref_slice %arg28[%dma_start3A_169, %dma_start3A_170] : memref<16x128xf32, #tpu.memory_space<vmem>> -> memref<16x128xf32, #tpu.memory_space<vmem>>
    %dma_start3A_172 = arith.constant 0 : i32
    %dma_start3A_173 = tpu.memref_slice %arg6[%dma_start3A_172, %multiple_of3A_150] : memref<16x1000000xf32, #tpu.memory_space<hbm>> -> memref<16x128xf32, #tpu.memory_space<hbm>>
    tpu.enqueue_dma source(%dma_start3A_173 : memref<16x128xf32, #tpu.memory_space<hbm>>) target(%dma_start3A_171 : memref<16x128xf32, #tpu.memory_space<vmem>>) target_semaphore(%arg53 : memref<!tpu.dma_semaphore, #tpu.memory_space<semaphore_mem>>)
    %dma_start3A_174 = arith.constant 0 : i32
    %dma_start3A_175 = arith.constant 0 : i32
    %dma_start3A_176 = tpu.memref_slice %arg27[%dma_start3A_174, %dma_start3A_175] : memref<16x128xf32, #tpu.memory_space<vmem>> -> memref<16x128xf32, #tpu.memory_space<vmem>>
    %dma_start3A_177 = arith.constant 0 : i32
    %dma_start3A_178 = tpu.memref_slice %arg5[%dma_start3A_177, %multiple_of3A_153] : memref<16x1000000xf32, #tpu.memory_space<hbm>> -> memref<16x128xf32, #tpu.memory_space<hbm>>
    %dma_start3A_179 = arith.constant 0 : i32
    %dma_start3A_180 = arith.constant 0 : i32
    %dma_start3A_181 = tpu.memref_slice %arg27[%dma_start3A_179, %dma_start3A_180] : memref<16x128xf32, #tpu.memory_space<vmem>> -> memref<16x128xf32, #tpu.memory_space<vmem>>
    %dma_start3A_182 = arith.constant 0 : i32
    %dma_start3A_183 = tpu.memref_slice %arg5[%dma_start3A_182, %multiple_of3A_153] : memref<16x1000000xf32, #tpu.memory_space<hbm>> -> memref<16x128xf32, #tpu.memory_space<hbm>>
    tpu.enqueue_dma source(%dma_start3A_183 : memref<16x128xf32, #tpu.memory_space<hbm>>) target(%dma_start3A_181 : memref<16x128xf32, #tpu.memory_space<vmem>>) target_semaphore(%arg53 : memref<!tpu.dma_semaphore, #tpu.memory_space<semaphore_mem>>)
    %dma_start3A_184 = arith.constant 0 : i32
    %dma_start3A_185 = arith.constant 0 : i32
    %dma_start3A_186 = tpu.memref_slice %arg29[%dma_start3A_184, %dma_start3A_185] : memref<16x128xf32, #tpu.memory_space<vmem>> -> memref<16x128xf32, #tpu.memory_space<vmem>>
    %dma_start3A_187 = arith.constant 0 : i32
    %dma_start3A_188 = tpu.memref_slice %arg7[%dma_start3A_187, %multiple_of3A_153] : memref<16x1000000xf32, #tpu.memory_space<hbm>> -> memref<16x128xf32, #tpu.memory_space<hbm>>
    %dma_start3A_189 = arith.constant 0 : i32
    %dma_start3A_190 = arith.constant 0 : i32
    %dma_start3A_191 = tpu.memref_slice %arg29[%dma_start3A_189, %dma_start3A_190] : memref<16x128xf32, #tpu.memory_space<vmem>> -> memref<16x128xf32, #tpu.memory_space<vmem>>
    %dma_start3A_192 = arith.constant 0 : i32
    %dma_start3A_193 = tpu.memref_slice %arg7[%dma_start3A_192, %multiple_of3A_153] : memref<16x1000000xf32, #tpu.memory_space<hbm>> -> memref<16x128xf32, #tpu.memory_space<hbm>>
    tpu.enqueue_dma source(%dma_start3A_193 : memref<16x128xf32, #tpu.memory_space<hbm>>) target(%dma_start3A_191 : memref<16x128xf32, #tpu.memory_space<vmem>>) target_semaphore(%arg53 : memref<!tpu.dma_semaphore, #tpu.memory_space<semaphore_mem>>)
    %slice3A_194 = vector.extract_strided_slice %sub3A {offsets = [4], sizes = [1], strides = [1]} : vector<16xi32> to vector<1xi32>
    %squeeze3A_195 = vector.extract %slice3A_194[0] : i32 from vector<1xi32>
    %multiple_of3A_196 = tpu.assume_multiple %squeeze3A_195, 128 : i32
    %slice3A_197 = vector.extract_strided_slice %sub3A_13 {offsets = [4], sizes = [1], strides = [1]} : vector<16xi32> to vector<1xi32>
    %squeeze3A_198 = vector.extract %slice3A_197[0] : i32 from vector<1xi32>
    %multiple_of3A_199 = tpu.assume_multiple %squeeze3A_198, 128 : i32
    %dma_start3A_200 = arith.constant 0 : i32
    %dma_start3A_201 = arith.constant 0 : i32
    %dma_start3A_202 = tpu.memref_slice %arg30[%dma_start3A_200, %dma_start3A_201] : memref<16x128xf32, #tpu.memory_space<vmem>> -> memref<16x128xf32, #tpu.memory_space<vmem>>
    %dma_start3A_203 = arith.constant 0 : i32
    %dma_start3A_204 = tpu.memref_slice %arg4[%dma_start3A_203, %multiple_of3A_196] : memref<16x1000000xf32, #tpu.memory_space<hbm>> -> memref<16x128xf32, #tpu.memory_space<hbm>>
    %dma_start3A_205 = arith.constant 0 : i32
    %dma_start3A_206 = arith.constant 0 : i32
    %dma_start3A_207 = tpu.memref_slice %arg30[%dma_start3A_205, %dma_start3A_206] : memref<16x128xf32, #tpu.memory_space<vmem>> -> memref<16x128xf32, #tpu.memory_space<vmem>>
    %dma_start3A_208 = arith.constant 0 : i32
    %dma_start3A_209 = tpu.memref_slice %arg4[%dma_start3A_208, %multiple_of3A_196] : memref<16x1000000xf32, #tpu.memory_space<hbm>> -> memref<16x128xf32, #tpu.memory_space<hbm>>
    tpu.enqueue_dma source(%dma_start3A_209 : memref<16x128xf32, #tpu.memory_space<hbm>>) target(%dma_start3A_207 : memref<16x128xf32, #tpu.memory_space<vmem>>) target_semaphore(%arg54 : memref<!tpu.dma_semaphore, #tpu.memory_space<semaphore_mem>>)
    %dma_start3A_210 = arith.constant 0 : i32
    %dma_start3A_211 = arith.constant 0 : i32
    %dma_start3A_212 = tpu.memref_slice %arg32[%dma_start3A_210, %dma_start3A_211] : memref<16x128xf32, #tpu.memory_space<vmem>> -> memref<16x128xf32, #tpu.memory_space<vmem>>
    %dma_start3A_213 = arith.constant 0 : i32
    %dma_start3A_214 = tpu.memref_slice %arg6[%dma_start3A_213, %multiple_of3A_196] : memref<16x1000000xf32, #tpu.memory_space<hbm>> -> memref<16x128xf32, #tpu.memory_space<hbm>>
    %dma_start3A_215 = arith.constant 0 : i32
    %dma_start3A_216 = arith.constant 0 : i32
    %dma_start3A_217 = tpu.memref_slice %arg32[%dma_start3A_215, %dma_start3A_216] : memref<16x128xf32, #tpu.memory_space<vmem>> -> memref<16x128xf32, #tpu.memory_space<vmem>>
    %dma_start3A_218 = arith.constant 0 : i32
    %dma_start3A_219 = tpu.memref_slice %arg6[%dma_start3A_218, %multiple_of3A_196] : memref<16x1000000xf32, #tpu.memory_space<hbm>> -> memref<16x128xf32, #tpu.memory_space<hbm>>
    tpu.enqueue_dma source(%dma_start3A_219 : memref<16x128xf32, #tpu.memory_space<hbm>>) target(%dma_start3A_217 : memref<16x128xf32, #tpu.memory_space<vmem>>) target_semaphore(%arg54 : memref<!tpu.dma_semaphore, #tpu.memory_space<semaphore_mem>>)
    %dma_start3A_220 = arith.constant 0 : i32
    %dma_start3A_221 = arith.constant 0 : i32
    %dma_start3A_222 = tpu.memref_slice %arg31[%dma_start3A_220, %dma_start3A_221] : memref<16x128xf32, #tpu.memory_space<vmem>> -> memref<16x128xf32, #tpu.memory_space<vmem>>
    %dma_start3A_223 = arith.constant 0 : i32
    %dma_start3A_224 = tpu.memref_slice %arg5[%dma_start3A_223, %multiple_of3A_199] : memref<16x1000000xf32, #tpu.memory_space<hbm>> -> memref<16x128xf32, #tpu.memory_space<hbm>>
    %dma_start3A_225 = arith.constant 0 : i32
    %dma_start3A_226 = arith.constant 0 : i32
    %dma_start3A_227 = tpu.memref_slice %arg31[%dma_start3A_225, %dma_start3A_226] : memref<16x128xf32, #tpu.memory_space<vmem>> -> memref<16x128xf32, #tpu.memory_space<vmem>>
    %dma_start3A_228 = arith.constant 0 : i32
    %dma_start3A_229 = tpu.memref_slice %arg5[%dma_start3A_228, %multiple_of3A_199] : memref<16x1000000xf32, #tpu.memory_space<hbm>> -> memref<16x128xf32, #tpu.memory_space<hbm>>
    tpu.enqueue_dma source(%dma_start3A_229 : memref<16x128xf32, #tpu.memory_space<hbm>>) target(%dma_start3A_227 : memref<16x128xf32, #tpu.memory_space<vmem>>) target_semaphore(%arg54 : memref<!tpu.dma_semaphore, #tpu.memory_space<semaphore_mem>>)
    %dma_start3A_230 = arith.constant 0 : i32
    %dma_start3A_231 = arith.constant 0 : i32
    %dma_start3A_232 = tpu.memref_slice %arg33[%dma_start3A_230, %dma_start3A_231] : memref<16x128xf32, #tpu.memory_space<vmem>> -> memref<16x128xf32, #tpu.memory_space<vmem>>
    %dma_start3A_233 = arith.constant 0 : i32
    %dma_start3A_234 = tpu.memref_slice %arg7[%dma_start3A_233, %multiple_of3A_199] : memref<16x1000000xf32, #tpu.memory_space<hbm>> -> memref<16x128xf32, #tpu.memory_space<hbm>>
    %dma_start3A_235 = arith.constant 0 : i32
    %dma_start3A_236 = arith.constant 0 : i32
    %dma_start3A_237 = tpu.memref_slice %arg33[%dma_start3A_235, %dma_start3A_236] : memref<16x128xf32, #tpu.memory_space<vmem>> -> memref<16x128xf32, #tpu.memory_space<vmem>>
    %dma_start3A_238 = arith.constant 0 : i32
    %dma_start3A_239 = tpu.memref_slice %arg7[%dma_start3A_238, %multiple_of3A_199] : memref<16x1000000xf32, #tpu.memory_space<hbm>> -> memref<16x128xf32, #tpu.memory_space<hbm>>
    tpu.enqueue_dma source(%dma_start3A_239 : memref<16x128xf32, #tpu.memory_space<hbm>>) target(%dma_start3A_237 : memref<16x128xf32, #tpu.memory_space<vmem>>) target_semaphore(%arg54 : memref<!tpu.dma_semaphore, #tpu.memory_space<semaphore_mem>>)
    %slice3A_240 = vector.extract_strided_slice %sub3A {offsets = [5], sizes = [1], strides = [1]} : vector<16xi32> to vector<1xi32>
    %squeeze3A_241 = vector.extract %slice3A_240[0] : i32 from vector<1xi32>
    %multiple_of3A_242 = tpu.assume_multiple %squeeze3A_241, 128 : i32
    %slice3A_243 = vector.extract_strided_slice %sub3A_13 {offsets = [5], sizes = [1], strides = [1]} : vector<16xi32> to vector<1xi32>
    %squeeze3A_244 = vector.extract %slice3A_243[0] : i32 from vector<1xi32>
    %multiple_of3A_245 = tpu.assume_multiple %squeeze3A_244, 128 : i32
    %dma_start3A_246 = arith.constant 0 : i32
    %dma_start3A_247 = arith.constant 0 : i32
    %dma_start3A_248 = tpu.memref_slice %arg34[%dma_start3A_246, %dma_start3A_247] : memref<16x128xf32, #tpu.memory_space<vmem>> -> memref<16x128xf32, #tpu.memory_space<vmem>>
    %dma_start3A_249 = arith.constant 0 : i32
    %dma_start3A_250 = tpu.memref_slice %arg4[%dma_start3A_249, %multiple_of3A_242] : memref<16x1000000xf32, #tpu.memory_space<hbm>> -> memref<16x128xf32, #tpu.memory_space<hbm>>
    %dma_start3A_251 = arith.constant 0 : i32
    %dma_start3A_252 = arith.constant 0 : i32
    %dma_start3A_253 = tpu.memref_slice %arg34[%dma_start3A_251, %dma_start3A_252] : memref<16x128xf32, #tpu.memory_space<vmem>> -> memref<16x128xf32, #tpu.memory_space<vmem>>
    %dma_start3A_254 = arith.constant 0 : i32
    %dma_start3A_255 = tpu.memref_slice %arg4[%dma_start3A_254, %multiple_of3A_242] : memref<16x1000000xf32, #tpu.memory_space<hbm>> -> memref<16x128xf32, #tpu.memory_space<hbm>>
    tpu.enqueue_dma source(%dma_start3A_255 : memref<16x128xf32, #tpu.memory_space<hbm>>) target(%dma_start3A_253 : memref<16x128xf32, #tpu.memory_space<vmem>>) target_semaphore(%arg55 : memref<!tpu.dma_semaphore, #tpu.memory_space<semaphore_mem>>)
    %dma_start3A_256 = arith.constant 0 : i32
    %dma_start3A_257 = arith.constant 0 : i32
    %dma_start3A_258 = tpu.memref_slice %arg36[%dma_start3A_256, %dma_start3A_257] : memref<16x128xf32, #tpu.memory_space<vmem>> -> memref<16x128xf32, #tpu.memory_space<vmem>>
    %dma_start3A_259 = arith.constant 0 : i32
    %dma_start3A_260 = tpu.memref_slice %arg6[%dma_start3A_259, %multiple_of3A_242] : memref<16x1000000xf32, #tpu.memory_space<hbm>> -> memref<16x128xf32, #tpu.memory_space<hbm>>
    %dma_start3A_261 = arith.constant 0 : i32
    %dma_start3A_262 = arith.constant 0 : i32
    %dma_start3A_263 = tpu.memref_slice %arg36[%dma_start3A_261, %dma_start3A_262] : memref<16x128xf32, #tpu.memory_space<vmem>> -> memref<16x128xf32, #tpu.memory_space<vmem>>
    %dma_start3A_264 = arith.constant 0 : i32
    %dma_start3A_265 = tpu.memref_slice %arg6[%dma_start3A_264, %multiple_of3A_242] : memref<16x1000000xf32, #tpu.memory_space<hbm>> -> memref<16x128xf32, #tpu.memory_space<hbm>>
    tpu.enqueue_dma source(%dma_start3A_265 : memref<16x128xf32, #tpu.memory_space<hbm>>) target(%dma_start3A_263 : memref<16x128xf32, #tpu.memory_space<vmem>>) target_semaphore(%arg55 : memref<!tpu.dma_semaphore, #tpu.memory_space<semaphore_mem>>)
    %dma_start3A_266 = arith.constant 0 : i32
    %dma_start3A_267 = arith.constant 0 : i32
    %dma_start3A_268 = tpu.memref_slice %arg35[%dma_start3A_266, %dma_start3A_267] : memref<16x128xf32, #tpu.memory_space<vmem>> -> memref<16x128xf32, #tpu.memory_space<vmem>>
    %dma_start3A_269 = arith.constant 0 : i32
    %dma_start3A_270 = tpu.memref_slice %arg5[%dma_start3A_269, %multiple_of3A_245] : memref<16x1000000xf32, #tpu.memory_space<hbm>> -> memref<16x128xf32, #tpu.memory_space<hbm>>
    %dma_start3A_271 = arith.constant 0 : i32
    %dma_start3A_272 = arith.constant 0 : i32
    %dma_start3A_273 = tpu.memref_slice %arg35[%dma_start3A_271, %dma_start3A_272] : memref<16x128xf32, #tpu.memory_space<vmem>> -> memref<16x128xf32, #tpu.memory_space<vmem>>
    %dma_start3A_274 = arith.constant 0 : i32
    %dma_start3A_275 = tpu.memref_slice %arg5[%dma_start3A_274, %multiple_of3A_245] : memref<16x1000000xf32, #tpu.memory_space<hbm>> -> memref<16x128xf32, #tpu.memory_space<hbm>>
    tpu.enqueue_dma source(%dma_start3A_275 : memref<16x128xf32, #tpu.memory_space<hbm>>) target(%dma_start3A_273 : memref<16x128xf32, #tpu.memory_space<vmem>>) target_semaphore(%arg55 : memref<!tpu.dma_semaphore, #tpu.memory_space<semaphore_mem>>)
    %dma_start3A_276 = arith.constant 0 : i32
    %dma_start3A_277 = arith.constant 0 : i32
    %dma_start3A_278 = tpu.memref_slice %arg37[%dma_start3A_276, %dma_start3A_277] : memref<16x128xf32, #tpu.memory_space<vmem>> -> memref<16x128xf32, #tpu.memory_space<vmem>>
    %dma_start3A_279 = arith.constant 0 : i32
    %dma_start3A_280 = tpu.memref_slice %arg7[%dma_start3A_279, %multiple_of3A_245] : memref<16x1000000xf32, #tpu.memory_space<hbm>> -> memref<16x128xf32, #tpu.memory_space<hbm>>
    %dma_start3A_281 = arith.constant 0 : i32
    %dma_start3A_282 = arith.constant 0 : i32
    %dma_start3A_283 = tpu.memref_slice %arg37[%dma_start3A_281, %dma_start3A_282] : memref<16x128xf32, #tpu.memory_space<vmem>> -> memref<16x128xf32, #tpu.memory_space<vmem>>
    %dma_start3A_284 = arith.constant 0 : i32
    %dma_start3A_285 = tpu.memref_slice %arg7[%dma_start3A_284, %multiple_of3A_245] : memref<16x1000000xf32, #tpu.memory_space<hbm>> -> memref<16x128xf32, #tpu.memory_space<hbm>>
    tpu.enqueue_dma source(%dma_start3A_285 : memref<16x128xf32, #tpu.memory_space<hbm>>) target(%dma_start3A_283 : memref<16x128xf32, #tpu.memory_space<vmem>>) target_semaphore(%arg55 : memref<!tpu.dma_semaphore, #tpu.memory_space<semaphore_mem>>)
    %slice3A_286 = vector.extract_strided_slice %sub3A {offsets = [6], sizes = [1], strides = [1]} : vector<16xi32> to vector<1xi32>
    %squeeze3A_287 = vector.extract %slice3A_286[0] : i32 from vector<1xi32>
    %multiple_of3A_288 = tpu.assume_multiple %squeeze3A_287, 128 : i32
    %slice3A_289 = vector.extract_strided_slice %sub3A_13 {offsets = [6], sizes = [1], strides = [1]} : vector<16xi32> to vector<1xi32>
    %squeeze3A_290 = vector.extract %slice3A_289[0] : i32 from vector<1xi32>
    %multiple_of3A_291 = tpu.assume_multiple %squeeze3A_290, 128 : i32
    %dma_start3A_292 = arith.constant 0 : i32
    %dma_start3A_293 = arith.constant 0 : i32
    %dma_start3A_294 = tpu.memref_slice %arg38[%dma_start3A_292, %dma_start3A_293] : memref<16x128xf32, #tpu.memory_space<vmem>> -> memref<16x128xf32, #tpu.memory_space<vmem>>
    %dma_start3A_295 = arith.constant 0 : i32
    %dma_start3A_296 = tpu.memref_slice %arg4[%dma_start3A_295, %multiple_of3A_288] : memref<16x1000000xf32, #tpu.memory_space<hbm>> -> memref<16x128xf32, #tpu.memory_space<hbm>>
    %dma_start3A_297 = arith.constant 0 : i32
    %dma_start3A_298 = arith.constant 0 : i32
    %dma_start3A_299 = tpu.memref_slice %arg38[%dma_start3A_297, %dma_start3A_298] : memref<16x128xf32, #tpu.memory_space<vmem>> -> memref<16x128xf32, #tpu.memory_space<vmem>>
    %dma_start3A_300 = arith.constant 0 : i32
    %dma_start3A_301 = tpu.memref_slice %arg4[%dma_start3A_300, %multiple_of3A_288] : memref<16x1000000xf32, #tpu.memory_space<hbm>> -> memref<16x128xf32, #tpu.memory_space<hbm>>
    tpu.enqueue_dma source(%dma_start3A_301 : memref<16x128xf32, #tpu.memory_space<hbm>>) target(%dma_start3A_299 : memref<16x128xf32, #tpu.memory_space<vmem>>) target_semaphore(%arg56 : memref<!tpu.dma_semaphore, #tpu.memory_space<semaphore_mem>>)
    %dma_start3A_302 = arith.constant 0 : i32
    %dma_start3A_303 = arith.constant 0 : i32
    %dma_start3A_304 = tpu.memref_slice %arg40[%dma_start3A_302, %dma_start3A_303] : memref<16x128xf32, #tpu.memory_space<vmem>> -> memref<16x128xf32, #tpu.memory_space<vmem>>
    %dma_start3A_305 = arith.constant 0 : i32
    %dma_start3A_306 = tpu.memref_slice %arg6[%dma_start3A_305, %multiple_of3A_288] : memref<16x1000000xf32, #tpu.memory_space<hbm>> -> memref<16x128xf32, #tpu.memory_space<hbm>>
    %dma_start3A_307 = arith.constant 0 : i32
    %dma_start3A_308 = arith.constant 0 : i32
    %dma_start3A_309 = tpu.memref_slice %arg40[%dma_start3A_307, %dma_start3A_308] : memref<16x128xf32, #tpu.memory_space<vmem>> -> memref<16x128xf32, #tpu.memory_space<vmem>>
    %dma_start3A_310 = arith.constant 0 : i32
    %dma_start3A_311 = tpu.memref_slice %arg6[%dma_start3A_310, %multiple_of3A_288] : memref<16x1000000xf32, #tpu.memory_space<hbm>> -> memref<16x128xf32, #tpu.memory_space<hbm>>
    tpu.enqueue_dma source(%dma_start3A_311 : memref<16x128xf32, #tpu.memory_space<hbm>>) target(%dma_start3A_309 : memref<16x128xf32, #tpu.memory_space<vmem>>) target_semaphore(%arg56 : memref<!tpu.dma_semaphore, #tpu.memory_space<semaphore_mem>>)
    %dma_start3A_312 = arith.constant 0 : i32
    %dma_start3A_313 = arith.constant 0 : i32
    %dma_start3A_314 = tpu.memref_slice %arg39[%dma_start3A_312, %dma_start3A_313] : memref<16x128xf32, #tpu.memory_space<vmem>> -> memref<16x128xf32, #tpu.memory_space<vmem>>
    %dma_start3A_315 = arith.constant 0 : i32
    %dma_start3A_316 = tpu.memref_slice %arg5[%dma_start3A_315, %multiple_of3A_291] : memref<16x1000000xf32, #tpu.memory_space<hbm>> -> memref<16x128xf32, #tpu.memory_space<hbm>>
    %dma_start3A_317 = arith.constant 0 : i32
    %dma_start3A_318 = arith.constant 0 : i32
    %dma_start3A_319 = tpu.memref_slice %arg39[%dma_start3A_317, %dma_start3A_318] : memref<16x128xf32, #tpu.memory_space<vmem>> -> memref<16x128xf32, #tpu.memory_space<vmem>>
    %dma_start3A_320 = arith.constant 0 : i32
    %dma_start3A_321 = tpu.memref_slice %arg5[%dma_start3A_320, %multiple_of3A_291] : memref<16x1000000xf32, #tpu.memory_space<hbm>> -> memref<16x128xf32, #tpu.memory_space<hbm>>
    tpu.enqueue_dma source(%dma_start3A_321 : memref<16x128xf32, #tpu.memory_space<hbm>>) target(%dma_start3A_319 : memref<16x128xf32, #tpu.memory_space<vmem>>) target_semaphore(%arg56 : memref<!tpu.dma_semaphore, #tpu.memory_space<semaphore_mem>>)
    %dma_start3A_322 = arith.constant 0 : i32
    %dma_start3A_323 = arith.constant 0 : i32
    %dma_start3A_324 = tpu.memref_slice %arg41[%dma_start3A_322, %dma_start3A_323] : memref<16x128xf32, #tpu.memory_space<vmem>> -> memref<16x128xf32, #tpu.memory_space<vmem>>
    %dma_start3A_325 = arith.constant 0 : i32
    %dma_start3A_326 = tpu.memref_slice %arg7[%dma_start3A_325, %multiple_of3A_291] : memref<16x1000000xf32, #tpu.memory_space<hbm>> -> memref<16x128xf32, #tpu.memory_space<hbm>>
    %dma_start3A_327 = arith.constant 0 : i32
    %dma_start3A_328 = arith.constant 0 : i32
    %dma_start3A_329 = tpu.memref_slice %arg41[%dma_start3A_327, %dma_start3A_328] : memref<16x128xf32, #tpu.memory_space<vmem>> -> memref<16x128xf32, #tpu.memory_space<vmem>>
    %dma_start3A_330 = arith.constant 0 : i32
    %dma_start3A_331 = tpu.memref_slice %arg7[%dma_start3A_330, %multiple_of3A_291] : memref<16x1000000xf32, #tpu.memory_space<hbm>> -> memref<16x128xf32, #tpu.memory_space<hbm>>
    tpu.enqueue_dma source(%dma_start3A_331 : memref<16x128xf32, #tpu.memory_space<hbm>>) target(%dma_start3A_329 : memref<16x128xf32, #tpu.memory_space<vmem>>) target_semaphore(%arg56 : memref<!tpu.dma_semaphore, #tpu.memory_space<semaphore_mem>>)
    %slice3A_332 = vector.extract_strided_slice %sub3A {offsets = [7], sizes = [1], strides = [1]} : vector<16xi32> to vector<1xi32>
    %squeeze3A_333 = vector.extract %slice3A_332[0] : i32 from vector<1xi32>
    %multiple_of3A_334 = tpu.assume_multiple %squeeze3A_333, 128 : i32
    %slice3A_335 = vector.extract_strided_slice %sub3A_13 {offsets = [7], sizes = [1], strides = [1]} : vector<16xi32> to vector<1xi32>
    %squeeze3A_336 = vector.extract %slice3A_335[0] : i32 from vector<1xi32>
    %multiple_of3A_337 = tpu.assume_multiple %squeeze3A_336, 128 : i32
    %dma_start3A_338 = arith.constant 0 : i32
    %dma_start3A_339 = arith.constant 0 : i32
    %dma_start3A_340 = tpu.memref_slice %arg42[%dma_start3A_338, %dma_start3A_339] : memref<16x128xf32, #tpu.memory_space<vmem>> -> memref<16x128xf32, #tpu.memory_space<vmem>>
    %dma_start3A_341 = arith.constant 0 : i32
    %dma_start3A_342 = tpu.memref_slice %arg4[%dma_start3A_341, %multiple_of3A_334] : memref<16x1000000xf32, #tpu.memory_space<hbm>> -> memref<16x128xf32, #tpu.memory_space<hbm>>
    %dma_start3A_343 = arith.constant 0 : i32
    %dma_start3A_344 = arith.constant 0 : i32
    %dma_start3A_345 = tpu.memref_slice %arg42[%dma_start3A_343, %dma_start3A_344] : memref<16x128xf32, #tpu.memory_space<vmem>> -> memref<16x128xf32, #tpu.memory_space<vmem>>
    %dma_start3A_346 = arith.constant 0 : i32
    %dma_start3A_347 = tpu.memref_slice %arg4[%dma_start3A_346, %multiple_of3A_334] : memref<16x1000000xf32, #tpu.memory_space<hbm>> -> memref<16x128xf32, #tpu.memory_space<hbm>>
    tpu.enqueue_dma source(%dma_start3A_347 : memref<16x128xf32, #tpu.memory_space<hbm>>) target(%dma_start3A_345 : memref<16x128xf32, #tpu.memory_space<vmem>>) target_semaphore(%arg57 : memref<!tpu.dma_semaphore, #tpu.memory_space<semaphore_mem>>)
    %dma_start3A_348 = arith.constant 0 : i32
    %dma_start3A_349 = arith.constant 0 : i32
    %dma_start3A_350 = tpu.memref_slice %arg44[%dma_start3A_348, %dma_start3A_349] : memref<16x128xf32, #tpu.memory_space<vmem>> -> memref<16x128xf32, #tpu.memory_space<vmem>>
    %dma_start3A_351 = arith.constant 0 : i32
    %dma_start3A_352 = tpu.memref_slice %arg6[%dma_start3A_351, %multiple_of3A_334] : memref<16x1000000xf32, #tpu.memory_space<hbm>> -> memref<16x128xf32, #tpu.memory_space<hbm>>
    %dma_start3A_353 = arith.constant 0 : i32
    %dma_start3A_354 = arith.constant 0 : i32
    %dma_start3A_355 = tpu.memref_slice %arg44[%dma_start3A_353, %dma_start3A_354] : memref<16x128xf32, #tpu.memory_space<vmem>> -> memref<16x128xf32, #tpu.memory_space<vmem>>
    %dma_start3A_356 = arith.constant 0 : i32
    %dma_start3A_357 = tpu.memref_slice %arg6[%dma_start3A_356, %multiple_of3A_334] : memref<16x1000000xf32, #tpu.memory_space<hbm>> -> memref<16x128xf32, #tpu.memory_space<hbm>>
    tpu.enqueue_dma source(%dma_start3A_357 : memref<16x128xf32, #tpu.memory_space<hbm>>) target(%dma_start3A_355 : memref<16x128xf32, #tpu.memory_space<vmem>>) target_semaphore(%arg57 : memref<!tpu.dma_semaphore, #tpu.memory_space<semaphore_mem>>)
    %dma_start3A_358 = arith.constant 0 : i32
    %dma_start3A_359 = arith.constant 0 : i32
    %dma_start3A_360 = tpu.memref_slice %arg43[%dma_start3A_358, %dma_start3A_359] : memref<16x128xf32, #tpu.memory_space<vmem>> -> memref<16x128xf32, #tpu.memory_space<vmem>>
    %dma_start3A_361 = arith.constant 0 : i32
    %dma_start3A_362 = tpu.memref_slice %arg5[%dma_start3A_361, %multiple_of3A_337] : memref<16x1000000xf32, #tpu.memory_space<hbm>> -> memref<16x128xf32, #tpu.memory_space<hbm>>
    %dma_start3A_363 = arith.constant 0 : i32
    %dma_start3A_364 = arith.constant 0 : i32
    %dma_start3A_365 = tpu.memref_slice %arg43[%dma_start3A_363, %dma_start3A_364] : memref<16x128xf32, #tpu.memory_space<vmem>> -> memref<16x128xf32, #tpu.memory_space<vmem>>
    %dma_start3A_366 = arith.constant 0 : i32
    %dma_start3A_367 = tpu.memref_slice %arg5[%dma_start3A_366, %multiple_of3A_337] : memref<16x1000000xf32, #tpu.memory_space<hbm>> -> memref<16x128xf32, #tpu.memory_space<hbm>>
    tpu.enqueue_dma source(%dma_start3A_367 : memref<16x128xf32, #tpu.memory_space<hbm>>) target(%dma_start3A_365 : memref<16x128xf32, #tpu.memory_space<vmem>>) target_semaphore(%arg57 : memref<!tpu.dma_semaphore, #tpu.memory_space<semaphore_mem>>)
    %dma_start3A_368 = arith.constant 0 : i32
    %dma_start3A_369 = arith.constant 0 : i32
    %dma_start3A_370 = tpu.memref_slice %arg45[%dma_start3A_368, %dma_start3A_369] : memref<16x128xf32, #tpu.memory_space<vmem>> -> memref<16x128xf32, #tpu.memory_space<vmem>>
    %dma_start3A_371 = arith.constant 0 : i32
    %dma_start3A_372 = tpu.memref_slice %arg7[%dma_start3A_371, %multiple_of3A_337] : memref<16x1000000xf32, #tpu.memory_space<hbm>> -> memref<16x128xf32, #tpu.memory_space<hbm>>
    %dma_start3A_373 = arith.constant 0 : i32
    %dma_start3A_374 = arith.constant 0 : i32
    %dma_start3A_375 = tpu.memref_slice %arg45[%dma_start3A_373, %dma_start3A_374] : memref<16x128xf32, #tpu.memory_space<vmem>> -> memref<16x128xf32, #tpu.memory_space<vmem>>
    %dma_start3A_376 = arith.constant 0 : i32
    %dma_start3A_377 = tpu.memref_slice %arg7[%dma_start3A_376, %multiple_of3A_337] : memref<16x1000000xf32, #tpu.memory_space<hbm>> -> memref<16x128xf32, #tpu.memory_space<hbm>>
    tpu.enqueue_dma source(%dma_start3A_377 : memref<16x128xf32, #tpu.memory_space<hbm>>) target(%dma_start3A_375 : memref<16x128xf32, #tpu.memory_space<vmem>>) target_semaphore(%arg57 : memref<!tpu.dma_semaphore, #tpu.memory_space<semaphore_mem>>)
    %dma_wait3A = arith.constant 0 : i32
    %dma_wait3A_378 = arith.constant 0 : i32
    %dma_wait3A_379 = tpu.memref_slice %arg4[%dma_wait3A, %dma_wait3A_378] : memref<16x1000000xf32, #tpu.memory_space<hbm>> -> memref<16x128xf32, #tpu.memory_space<hbm>>
    %dma_wait3A_380 = arith.constant 0 : i32
    %dma_wait3A_381 = arith.constant 0 : i32
    %dma_wait3A_382 = tpu.memref_slice %arg4[%dma_wait3A_380, %dma_wait3A_381] : memref<16x1000000xf32, #tpu.memory_space<hbm>> -> memref<16x128xf32, #tpu.memory_space<hbm>>
    tpu.wait_dma2 semaphore(%arg50 : memref<!tpu.dma_semaphore, #tpu.memory_space<semaphore_mem>>) src(%dma_wait3A_382 : memref<16x128xf32, #tpu.memory_space<hbm>>) dst(%arg14 : memref<16x128xf32, #tpu.memory_space<vmem>>)
    %dma_wait3A_383 = arith.constant 0 : i32
    %dma_wait3A_384 = arith.constant 0 : i32
    %dma_wait3A_385 = tpu.memref_slice %arg4[%dma_wait3A_383, %dma_wait3A_384] : memref<16x1000000xf32, #tpu.memory_space<hbm>> -> memref<16x128xf32, #tpu.memory_space<hbm>>
    %dma_wait3A_386 = arith.constant 0 : i32
    %dma_wait3A_387 = arith.constant 0 : i32
    %dma_wait3A_388 = tpu.memref_slice %arg4[%dma_wait3A_386, %dma_wait3A_387] : memref<16x1000000xf32, #tpu.memory_space<hbm>> -> memref<16x128xf32, #tpu.memory_space<hbm>>
    tpu.wait_dma2 semaphore(%arg50 : memref<!tpu.dma_semaphore, #tpu.memory_space<semaphore_mem>>) src(%dma_wait3A_388 : memref<16x128xf32, #tpu.memory_space<hbm>>) dst(%arg16 : memref<16x128xf32, #tpu.memory_space<vmem>>)
    %dma_wait3A_389 = arith.constant 0 : i32
    %dma_wait3A_390 = arith.constant 0 : i32
    %dma_wait3A_391 = tpu.memref_slice %arg4[%dma_wait3A_389, %dma_wait3A_390] : memref<16x1000000xf32, #tpu.memory_space<hbm>> -> memref<16x128xf32, #tpu.memory_space<hbm>>
    %dma_wait3A_392 = arith.constant 0 : i32
    %dma_wait3A_393 = arith.constant 0 : i32
    %dma_wait3A_394 = tpu.memref_slice %arg4[%dma_wait3A_392, %dma_wait3A_393] : memref<16x1000000xf32, #tpu.memory_space<hbm>> -> memref<16x128xf32, #tpu.memory_space<hbm>>
    tpu.wait_dma2 semaphore(%arg50 : memref<!tpu.dma_semaphore, #tpu.memory_space<semaphore_mem>>) src(%dma_wait3A_394 : memref<16x128xf32, #tpu.memory_space<hbm>>) dst(%arg15 : memref<16x128xf32, #tpu.memory_space<vmem>>)
    %dma_wait3A_395 = arith.constant 0 : i32
    %dma_wait3A_396 = arith.constant 0 : i32
    %dma_wait3A_397 = tpu.memref_slice %arg4[%dma_wait3A_395, %dma_wait3A_396] : memref<16x1000000xf32, #tpu.memory_space<hbm>> -> memref<16x128xf32, #tpu.memory_space<hbm>>
    %dma_wait3A_398 = arith.constant 0 : i32
    %dma_wait3A_399 = arith.constant 0 : i32
    %dma_wait3A_400 = tpu.memref_slice %arg4[%dma_wait3A_398, %dma_wait3A_399] : memref<16x1000000xf32, #tpu.memory_space<hbm>> -> memref<16x128xf32, #tpu.memory_space<hbm>>
    tpu.wait_dma2 semaphore(%arg50 : memref<!tpu.dma_semaphore, #tpu.memory_space<semaphore_mem>>) src(%dma_wait3A_400 : memref<16x128xf32, #tpu.memory_space<hbm>>) dst(%arg17 : memref<16x128xf32, #tpu.memory_space<vmem>>)
    %broadcast_in_dim3A = arith.constant 0 : i32
    %broadcast_in_dim3A_401 = vector.broadcast %broadcast_in_dim3A : i32 to vector<16xi32>
    %slice3A_402 = vector.extract_strided_slice %rem3A_9 {offsets = [0], sizes = [1], strides = [1]} : vector<16xi32> to vector<1xi32>
    %squeeze3A_403 = vector.extract %slice3A_402[0] : i32 from vector<1xi32>
    %add3A_404 = arith.constant 0 : i32
    %add3A_405 = arith.addi %squeeze3A_403, %add3A_404 : i32
    %broadcast_in_dim3A_406 = vector.broadcast %add3A_405 : i32 to vector<16xi32>
    %gather3A = tpu.vector_load_idx %arg14[%iota3A, %broadcast_in_dim3A_406] : memref<16x128xf32, #tpu.memory_space<vmem>>[vector<16xi32>, vector<16xi32>], vector<16xf32>,
    tpu.vector_store_idx %arg46[%iota3A, %broadcast_in_dim3A_401], %gather3A : memref<16x512xf32, #tpu.memory_space<vmem>>[vector<16xi32>, vector<16xi32>], vector<16xf32>,
    %slice3A_407 = vector.extract_strided_slice %rem3A_9 {offsets = [0], sizes = [1], strides = [1]} : vector<16xi32> to vector<1xi32>
    %squeeze3A_408 = vector.extract %slice3A_407[0] : i32 from vector<1xi32>
    %add3A_409 = arith.constant 0 : i32
    %add3A_410 = arith.addi %squeeze3A_408, %add3A_409 : i32
    %broadcast_in_dim3A_411 = vector.broadcast %add3A_410 : i32 to vector<16xi32>
    %gather3A_412 = tpu.vector_load_idx %arg16[%iota3A, %broadcast_in_dim3A_411] : memref<16x128xf32, #tpu.memory_space<vmem>>[vector<16xi32>, vector<16xi32>], vector<16xf32>,
    tpu.vector_store_idx %arg48[%iota3A, %broadcast_in_dim3A_401], %gather3A_412 : memref<16x512xf32, #tpu.memory_space<vmem>>[vector<16xi32>, vector<16xi32>], vector<16xf32>,
    %slice3A_413 = vector.extract_strided_slice %rem3A_12 {offsets = [0], sizes = [1], strides = [1]} : vector<16xi32> to vector<1xi32>
    %squeeze3A_414 = vector.extract %slice3A_413[0] : i32 from vector<1xi32>
    %add3A_415 = arith.constant 0 : i32
    %add3A_416 = arith.addi %squeeze3A_414, %add3A_415 : i32
    %broadcast_in_dim3A_417 = vector.broadcast %add3A_416 : i32 to vector<16xi32>
    %gather3A_418 = tpu.vector_load_idx %arg15[%iota3A, %broadcast_in_dim3A_417] : memref<16x128xf32, #tpu.memory_space<vmem>>[vector<16xi32>, vector<16xi32>], vector<16xf32>,
    tpu.vector_store_idx %arg47[%iota3A, %broadcast_in_dim3A_401], %gather3A_418 : memref<16x512xf32, #tpu.memory_space<vmem>>[vector<16xi32>, vector<16xi32>], vector<16xf32>,
    %slice3A_419 = vector.extract_strided_slice %rem3A_12 {offsets = [0], sizes = [1], strides = [1]} : vector<16xi32> to vector<1xi32>
    %squeeze3A_420 = vector.extract %slice3A_419[0] : i32 from vector<1xi32>
    %add3A_421 = arith.constant 0 : i32
    %add3A_422 = arith.addi %squeeze3A_420, %add3A_421 : i32
    %broadcast_in_dim3A_423 = vector.broadcast %add3A_422 : i32 to vector<16xi32>
    %gather3A_424 = tpu.vector_load_idx %arg17[%iota3A, %broadcast_in_dim3A_423] : memref<16x128xf32, #tpu.memory_space<vmem>>[vector<16xi32>, vector<16xi32>], vector<16xf32>,
    tpu.vector_store_idx %arg49[%iota3A, %broadcast_in_dim3A_401], %gather3A_424 : memref<16x512xf32, #tpu.memory_space<vmem>>[vector<16xi32>, vector<16xi32>], vector<16xf32>,
    %slice3A_425 = vector.extract_strided_slice %sub3A {offsets = [8], sizes = [1], strides = [1]} : vector<16xi32> to vector<1xi32>
    %squeeze3A_426 = vector.extract %slice3A_425[0] : i32 from vector<1xi32>
    %multiple_of3A_427 = tpu.assume_multiple %squeeze3A_426, 128 : i32
    %slice3A_428 = vector.extract_strided_slice %sub3A_13 {offsets = [8], sizes = [1], strides = [1]} : vector<16xi32> to vector<1xi32>
    %squeeze3A_429 = vector.extract %slice3A_428[0] : i32 from vector<1xi32>
    %multiple_of3A_430 = tpu.assume_multiple %squeeze3A_429, 128 : i32
    %dma_start3A_431 = arith.constant 0 : i32
    %dma_start3A_432 = arith.constant 0 : i32
    %dma_start3A_433 = tpu.memref_slice %arg14[%dma_start3A_431, %dma_start3A_432] : memref<16x128xf32, #tpu.memory_space<vmem>> -> memref<16x128xf32, #tpu.memory_space<vmem>>
    %dma_start3A_434 = arith.constant 0 : i32
    %dma_start3A_435 = tpu.memref_slice %arg4[%dma_start3A_434, %multiple_of3A_427] : memref<16x1000000xf32, #tpu.memory_space<hbm>> -> memref<16x128xf32, #tpu.memory_space<hbm>>
    %dma_start3A_436 = arith.constant 0 : i32
    %dma_start3A_437 = arith.constant 0 : i32
    %dma_start3A_438 = tpu.memref_slice %arg14[%dma_start3A_436, %dma_start3A_437] : memref<16x128xf32, #tpu.memory_space<vmem>> -> memref<16x128xf32, #tpu.memory_space<vmem>>
    %dma_start3A_439 = arith.constant 0 : i32
    %dma_start3A_440 = tpu.memref_slice %arg4[%dma_start3A_439, %multiple_of3A_427] : memref<16x1000000xf32, #tpu.memory_space<hbm>> -> memref<16x128xf32, #tpu.memory_space<hbm>>
    tpu.enqueue_dma source(%dma_start3A_440 : memref<16x128xf32, #tpu.memory_space<hbm>>) target(%dma_start3A_438 : memref<16x128xf32, #tpu.memory_space<vmem>>) target_semaphore(%arg50 : memref<!tpu.dma_semaphore, #tpu.memory_space<semaphore_mem>>)
    %dma_start3A_441 = arith.constant 0 : i32
    %dma_start3A_442 = arith.constant 0 : i32
    %dma_start3A_443 = tpu.memref_slice %arg16[%dma_start3A_441, %dma_start3A_442] : memref<16x128xf32, #tpu.memory_space<vmem>> -> memref<16x128xf32, #tpu.memory_space<vmem>>
    %dma_start3A_444 = arith.constant 0 : i32
    %dma_start3A_445 = tpu.memref_slice %arg6[%dma_start3A_444, %multiple_of3A_427] : memref<16x1000000xf32, #tpu.memory_space<hbm>> -> memref<16x128xf32, #tpu.memory_space<hbm>>
    %dma_start3A_446 = arith.constant 0 : i32
    %dma_start3A_447 = arith.constant 0 : i32
    %dma_start3A_448 = tpu.memref_slice %arg16[%dma_start3A_446, %dma_start3A_447] : memref<16x128xf32, #tpu.memory_space<vmem>> -> memref<16x128xf32, #tpu.memory_space<vmem>>
    %dma_start3A_449 = arith.constant 0 : i32
    %dma_start3A_450 = tpu.memref_slice %arg6[%dma_start3A_449, %multiple_of3A_427] : memref<16x1000000xf32, #tpu.memory_space<hbm>> -> memref<16x128xf32, #tpu.memory_space<hbm>>
    tpu.enqueue_dma source(%dma_start3A_450 : memref<16x128xf32, #tpu.memory_space<hbm>>) target(%dma_start3A_448 : memref<16x128xf32, #tpu.memory_space<vmem>>) target_semaphore(%arg50 : memref<!tpu.dma_semaphore, #tpu.memory_space<semaphore_mem>>)
    %dma_start3A_451 = arith.constant 0 : i32
    %dma_start3A_452 = arith.constant 0 : i32
    %dma_start3A_453 = tpu.memref_slice %arg15[%dma_start3A_451, %dma_start3A_452] : memref<16x128xf32, #tpu.memory_space<vmem>> -> memref<16x128xf32, #tpu.memory_space<vmem>>
    %dma_start3A_454 = arith.constant 0 : i32
    %dma_start3A_455 = tpu.memref_slice %arg5[%dma_start3A_454, %multiple_of3A_430] : memref<16x1000000xf32, #tpu.memory_space<hbm>> -> memref<16x128xf32, #tpu.memory_space<hbm>>
    %dma_start3A_456 = arith.constant 0 : i32
    %dma_start3A_457 = arith.constant 0 : i32
    %dma_start3A_458 = tpu.memref_slice %arg15[%dma_start3A_456, %dma_start3A_457] : memref<16x128xf32, #tpu.memory_space<vmem>> -> memref<16x128xf32, #tpu.memory_space<vmem>>
    %dma_start3A_459 = arith.constant 0 : i32
    %dma_start3A_460 = tpu.memref_slice %arg5[%dma_start3A_459, %multiple_of3A_430] : memref<16x1000000xf32, #tpu.memory_space<hbm>> -> memref<16x128xf32, #tpu.memory_space<hbm>>
    tpu.enqueue_dma source(%dma_start3A_460 : memref<16x128xf32, #tpu.memory_space<hbm>>) target(%dma_start3A_458 : memref<16x128xf32, #tpu.memory_space<vmem>>) target_semaphore(%arg50 : memref<!tpu.dma_semaphore, #tpu.memory_space<semaphore_mem>>)
    %dma_start3A_461 = arith.constant 0 : i32
    %dma_start3A_462 = arith.constant 0 : i32
    %dma_start3A_463 = tpu.memref_slice %arg17[%dma_start3A_461, %dma_start3A_462] : memref<16x128xf32, #tpu.memory_space<vmem>> -> memref<16x128xf32, #tpu.memory_space<vmem>>
    %dma_start3A_464 = arith.constant 0 : i32
    %dma_start3A_465 = tpu.memref_slice %arg7[%dma_start3A_464, %multiple_of3A_430] : memref<16x1000000xf32, #tpu.memory_space<hbm>> -> memref<16x128xf32, #tpu.memory_space<hbm>>
    %dma_start3A_466 = arith.constant 0 : i32
    %dma_start3A_467 = arith.constant 0 : i32
    %dma_start3A_468 = tpu.memref_slice %arg17[%dma_start3A_466, %dma_start3A_467] : memref<16x128xf32, #tpu.memory_space<vmem>> -> memref<16x128xf32, #tpu.memory_space<vmem>>
    %dma_start3A_469 = arith.constant 0 : i32
    %dma_start3A_470 = tpu.memref_slice %arg7[%dma_start3A_469, %multiple_of3A_430] : memref<16x1000000xf32, #tpu.memory_space<hbm>> -> memref<16x128xf32, #tpu.memory_space<hbm>>
    tpu.enqueue_dma source(%dma_start3A_470 : memref<16x128xf32, #tpu.memory_space<hbm>>) target(%dma_start3A_468 : memref<16x128xf32, #tpu.memory_space<vmem>>) target_semaphore(%arg50 : memref<!tpu.dma_semaphore, #tpu.memory_space<semaphore_mem>>)
    %dma_wait3A_471 = arith.constant 0 : i32
    %dma_wait3A_472 = arith.constant 0 : i32
    %dma_wait3A_473 = tpu.memref_slice %arg4[%dma_wait3A_471, %dma_wait3A_472] : memref<16x1000000xf32, #tpu.memory_space<hbm>> -> memref<16x128xf32, #tpu.memory_space<hbm>>
    %dma_wait3A_474 = arith.constant 0 : i32
    %dma_wait3A_475 = arith.constant 0 : i32
    %dma_wait3A_476 = tpu.memref_slice %arg4[%dma_wait3A_474, %dma_wait3A_475] : memref<16x1000000xf32, #tpu.memory_space<hbm>> -> memref<16x128xf32, #tpu.memory_space<hbm>>
    tpu.wait_dma2 semaphore(%arg51 : memref<!tpu.dma_semaphore, #tpu.memory_space<semaphore_mem>>) src(%dma_wait3A_476 : memref<16x128xf32, #tpu.memory_space<hbm>>) dst(%arg18 : memref<16x128xf32, #tpu.memory_space<vmem>>)
    %dma_wait3A_477 = arith.constant 0 : i32
    %dma_wait3A_478 = arith.constant 0 : i32
    %dma_wait3A_479 = tpu.memref_slice %arg4[%dma_wait3A_477, %dma_wait3A_478] : memref<16x1000000xf32, #tpu.memory_space<hbm>> -> memref<16x128xf32, #tpu.memory_space<hbm>>
    %dma_wait3A_480 = arith.constant 0 : i32
    %dma_wait3A_481 = arith.constant 0 : i32
    %dma_wait3A_482 = tpu.memref_slice %arg4[%dma_wait3A_480, %dma_wait3A_481] : memref<16x1000000xf32, #tpu.memory_space<hbm>> -> memref<16x128xf32, #tpu.memory_space<hbm>>
    tpu.wait_dma2 semaphore(%arg51 : memref<!tpu.dma_semaphore, #tpu.memory_space<semaphore_mem>>) src(%dma_wait3A_482 : memref<16x128xf32, #tpu.memory_space<hbm>>) dst(%arg20 : memref<16x128xf32, #tpu.memory_space<vmem>>)
    %dma_wait3A_483 = arith.constant 0 : i32
    %dma_wait3A_484 = arith.constant 0 : i32
    %dma_wait3A_485 = tpu.memref_slice %arg4[%dma_wait3A_483, %dma_wait3A_484] : memref<16x1000000xf32, #tpu.memory_space<hbm>> -> memref<16x128xf32, #tpu.memory_space<hbm>>
    %dma_wait3A_486 = arith.constant 0 : i32
    %dma_wait3A_487 = arith.constant 0 : i32
    %dma_wait3A_488 = tpu.memref_slice %arg4[%dma_wait3A_486, %dma_wait3A_487] : memref<16x1000000xf32, #tpu.memory_space<hbm>> -> memref<16x128xf32, #tpu.memory_space<hbm>>
    tpu.wait_dma2 semaphore(%arg51 : memref<!tpu.dma_semaphore, #tpu.memory_space<semaphore_mem>>) src(%dma_wait3A_488 : memref<16x128xf32, #tpu.memory_space<hbm>>) dst(%arg19 : memref<16x128xf32, #tpu.memory_space<vmem>>)
    %dma_wait3A_489 = arith.constant 0 : i32
    %dma_wait3A_490 = arith.constant 0 : i32
    %dma_wait3A_491 = tpu.memref_slice %arg4[%dma_wait3A_489, %dma_wait3A_490] : memref<16x1000000xf32, #tpu.memory_space<hbm>> -> memref<16x128xf32, #tpu.memory_space<hbm>>
    %dma_wait3A_492 = arith.constant 0 : i32
    %dma_wait3A_493 = arith.constant 0 : i32
    %dma_wait3A_494 = tpu.memref_slice %arg4[%dma_wait3A_492, %dma_wait3A_493] : memref<16x1000000xf32, #tpu.memory_space<hbm>> -> memref<16x128xf32, #tpu.memory_space<hbm>>
    tpu.wait_dma2 semaphore(%arg51 : memref<!tpu.dma_semaphore, #tpu.memory_space<semaphore_mem>>) src(%dma_wait3A_494 : memref<16x128xf32, #tpu.memory_space<hbm>>) dst(%arg21 : memref<16x128xf32, #tpu.memory_space<vmem>>)
    %broadcast_in_dim3A_495 = arith.constant 1 : i32
    %broadcast_in_dim3A_496 = vector.broadcast %broadcast_in_dim3A_495 : i32 to vector<16xi32>
    %slice3A_497 = vector.extract_strided_slice %rem3A_9 {offsets = [1], sizes = [1], strides = [1]} : vector<16xi32> to vector<1xi32>
    %squeeze3A_498 = vector.extract %slice3A_497[0] : i32 from vector<1xi32>
    %add3A_499 = arith.constant 0 : i32
    %add3A_500 = arith.addi %squeeze3A_498, %add3A_499 : i32
    %broadcast_in_dim3A_501 = vector.broadcast %add3A_500 : i32 to vector<16xi32>
    %gather3A_502 = tpu.vector_load_idx %arg18[%iota3A, %broadcast_in_dim3A_501] : memref<16x128xf32, #tpu.memory_space<vmem>>[vector<16xi32>, vector<16xi32>], vector<16xf32>,
    tpu.vector_store_idx %arg46[%iota3A, %broadcast_in_dim3A_496], %gather3A_502 : memref<16x512xf32, #tpu.memory_space<vmem>>[vector<16xi32>, vector<16xi32>], vector<16xf32>,
    %slice3A_503 = vector.extract_strided_slice %rem3A_9 {offsets = [1], sizes = [1], strides = [1]} : vector<16xi32> to vector<1xi32>
    %squeeze3A_504 = vector.extract %slice3A_503[0] : i32 from vector<1xi32>
    %add3A_505 = arith.constant 0 : i32
    %add3A_506 = arith.addi %squeeze3A_504, %add3A_505 : i32
    %broadcast_in_dim3A_507 = vector.broadcast %add3A_506 : i32 to vector<16xi32>
    %gather3A_508 = tpu.vector_load_idx %arg20[%iota3A, %broadcast_in_dim3A_507] : memref<16x128xf32, #tpu.memory_space<vmem>>[vector<16xi32>, vector<16xi32>], vector<16xf32>,
    tpu.vector_store_idx %arg48[%iota3A, %broadcast_in_dim3A_496], %gather3A_508 : memref<16x512xf32, #tpu.memory_space<vmem>>[vector<16xi32>, vector<16xi32>], vector<16xf32>,
    %slice3A_509 = vector.extract_strided_slice %rem3A_12 {offsets = [1], sizes = [1], strides = [1]} : vector<16xi32> to vector<1xi32>
    %squeeze3A_510 = vector.extract %slice3A_509[0] : i32 from vector<1xi32>
    %add3A_511 = arith.constant 0 : i32
    %add3A_512 = arith.addi %squeeze3A_510, %add3A_511 : i32
    %broadcast_in_dim3A_513 = vector.broadcast %add3A_512 : i32 to vector<16xi32>
    %gather3A_514 = tpu.vector_load_idx %arg19[%iota3A, %broadcast_in_dim3A_513] : memref<16x128xf32, #tpu.memory_space<vmem>>[vector<16xi32>, vector<16xi32>], vector<16xf32>,
    tpu.vector_store_idx %arg47[%iota3A, %broadcast_in_dim3A_496], %gather3A_514 : memref<16x512xf32, #tpu.memory_space<vmem>>[vector<16xi32>, vector<16xi32>], vector<16xf32>,
    %slice3A_515 = vector.extract_strided_slice %rem3A_12 {offsets = [1], sizes = [1], strides = [1]} : vector<16xi32> to vector<1xi32>
    %squeeze3A_516 = vector.extract %slice3A_515[0] : i32 from vector<1xi32>
    %add3A_517 = arith.constant 0 : i32
    %add3A_518 = arith.addi %squeeze3A_516, %add3A_517 : i32
    %broadcast_in_dim3A_519 = vector.broadcast %add3A_518 : i32 to vector<16xi32>
    %gather3A_520 = tpu.vector_load_idx %arg21[%iota3A, %broadcast_in_dim3A_519] : memref<16x128xf32, #tpu.memory_space<vmem>>[vector<16xi32>, vector<16xi32>], vector<16xf32>,
    tpu.vector_store_idx %arg49[%iota3A, %broadcast_in_dim3A_496], %gather3A_520 : memref<16x512xf32, #tpu.memory_space<vmem>>[vector<16xi32>, vector<16xi32>], vector<16xf32>,
    %slice3A_521 = vector.extract_strided_slice %sub3A {offsets = [9], sizes = [1], strides = [1]} : vector<16xi32> to vector<1xi32>
    %squeeze3A_522 = vector.extract %slice3A_521[0] : i32 from vector<1xi32>
    %multiple_of3A_523 = tpu.assume_multiple %squeeze3A_522, 128 : i32
    %slice3A_524 = vector.extract_strided_slice %sub3A_13 {offsets = [9], sizes = [1], strides = [1]} : vector<16xi32> to vector<1xi32>
    %squeeze3A_525 = vector.extract %slice3A_524[0] : i32 from vector<1xi32>
    %multiple_of3A_526 = tpu.assume_multiple %squeeze3A_525, 128 : i32
    %dma_start3A_527 = arith.constant 0 : i32
    %dma_start3A_528 = arith.constant 0 : i32
    %dma_start3A_529 = tpu.memref_slice %arg18[%dma_start3A_527, %dma_start3A_528] : memref<16x128xf32, #tpu.memory_space<vmem>> -> memref<16x128xf32, #tpu.memory_space<vmem>>
    %dma_start3A_530 = arith.constant 0 : i32
    %dma_start3A_531 = tpu.memref_slice %arg4[%dma_start3A_530, %multiple_of3A_523] : memref<16x1000000xf32, #tpu.memory_space<hbm>> -> memref<16x128xf32, #tpu.memory_space<hbm>>
    %dma_start3A_532 = arith.constant 0 : i32
    %dma_start3A_533 = arith.constant 0 : i32
    %dma_start3A_534 = tpu.memref_slice %arg18[%dma_start3A_532, %dma_start3A_533] : memref<16x128xf32, #tpu.memory_space<vmem>> -> memref<16x128xf32, #tpu.memory_space<vmem>>
    %dma_start3A_535 = arith.constant 0 : i32
    %dma_start3A_536 = tpu.memref_slice %arg4[%dma_start3A_535, %multiple_of3A_523] : memref<16x1000000xf32, #tpu.memory_space<hbm>> -> memref<16x128xf32, #tpu.memory_space<hbm>>
    tpu.enqueue_dma source(%dma_start3A_536 : memref<16x128xf32, #tpu.memory_space<hbm>>) target(%dma_start3A_534 : memref<16x128xf32, #tpu.memory_space<vmem>>) target_semaphore(%arg51 : memref<!tpu.dma_semaphore, #tpu.memory_space<semaphore_mem>>)
    %dma_start3A_537 = arith.constant 0 : i32
    %dma_start3A_538 = arith.constant 0 : i32
    %dma_start3A_539 = tpu.memref_slice %arg20[%dma_start3A_537, %dma_start3A_538] : memref<16x128xf32, #tpu.memory_space<vmem>> -> memref<16x128xf32, #tpu.memory_space<vmem>>
    %dma_start3A_540 = arith.constant 0 : i32
    %dma_start3A_541 = tpu.memref_slice %arg6[%dma_start3A_540, %multiple_of3A_523] : memref<16x1000000xf32, #tpu.memory_space<hbm>> -> memref<16x128xf32, #tpu.memory_space<hbm>>
    %dma_start3A_542 = arith.constant 0 : i32
    %dma_start3A_543 = arith.constant 0 : i32
    %dma_start3A_544 = tpu.memref_slice %arg20[%dma_start3A_542, %dma_start3A_543] : memref<16x128xf32, #tpu.memory_space<vmem>> -> memref<16x128xf32, #tpu.memory_space<vmem>>
    %dma_start3A_545 = arith.constant 0 : i32
    %dma_start3A_546 = tpu.memref_slice %arg6[%dma_start3A_545, %multiple_of3A_523] : memref<16x1000000xf32, #tpu.memory_space<hbm>> -> memref<16x128xf32, #tpu.memory_space<hbm>>
    tpu.enqueue_dma source(%dma_start3A_546 : memref<16x128xf32, #tpu.memory_space<hbm>>) target(%dma_start3A_544 : memref<16x128xf32, #tpu.memory_space<vmem>>) target_semaphore(%arg51 : memref<!tpu.dma_semaphore, #tpu.memory_space<semaphore_mem>>)
    %dma_start3A_547 = arith.constant 0 : i32
    %dma_start3A_548 = arith.constant 0 : i32
    %dma_start3A_549 = tpu.memref_slice %arg19[%dma_start3A_547, %dma_start3A_548] : memref<16x128xf32, #tpu.memory_space<vmem>> -> memref<16x128xf32, #tpu.memory_space<vmem>>
    %dma_start3A_550 = arith.constant 0 : i32
    %dma_start3A_551 = tpu.memref_slice %arg5[%dma_start3A_550, %multiple_of3A_526] : memref<16x1000000xf32, #tpu.memory_space<hbm>> -> memref<16x128xf32, #tpu.memory_space<hbm>>
    %dma_start3A_552 = arith.constant 0 : i32
    %dma_start3A_553 = arith.constant 0 : i32
    %dma_start3A_554 = tpu.memref_slice %arg19[%dma_start3A_552, %dma_start3A_553] : memref<16x128xf32, #tpu.memory_space<vmem>> -> memref<16x128xf32, #tpu.memory_space<vmem>>
    %dma_start3A_555 = arith.constant 0 : i32
    %dma_start3A_556 = tpu.memref_slice %arg5[%dma_start3A_555, %multiple_of3A_526] : memref<16x1000000xf32, #tpu.memory_space<hbm>> -> memref<16x128xf32, #tpu.memory_space<hbm>>
    tpu.enqueue_dma source(%dma_start3A_556 : memref<16x128xf32, #tpu.memory_space<hbm>>) target(%dma_start3A_554 : memref<16x128xf32, #tpu.memory_space<vmem>>) target_semaphore(%arg51 : memref<!tpu.dma_semaphore, #tpu.memory_space<semaphore_mem>>)
    %dma_start3A_557 = arith.constant 0 : i32
    %dma_start3A_558 = arith.constant 0 : i32
    %dma_start3A_559 = tpu.memref_slice %arg21[%dma_start3A_557, %dma_start3A_558] : memref<16x128xf32, #tpu.memory_space<vmem>> -> memref<16x128xf32, #tpu.memory_space<vmem>>
    %dma_start3A_560 = arith.constant 0 : i32
    %dma_start3A_561 = tpu.memref_slice %arg7[%dma_start3A_560, %multiple_of3A_526] : memref<16x1000000xf32, #tpu.memory_space<hbm>> -> memref<16x128xf32, #tpu.memory_space<hbm>>
    %dma_start3A_562 = arith.constant 0 : i32
    %dma_start3A_563 = arith.constant 0 : i32
    %dma_start3A_564 = tpu.memref_slice %arg21[%dma_start3A_562, %dma_start3A_563] : memref<16x128xf32, #tpu.memory_space<vmem>> -> memref<16x128xf32, #tpu.memory_space<vmem>>
    %dma_start3A_565 = arith.constant 0 : i32
    %dma_start3A_566 = tpu.memref_slice %arg7[%dma_start3A_565, %multiple_of3A_526] : memref<16x1000000xf32, #tpu.memory_space<hbm>> -> memref<16x128xf32, #tpu.memory_space<hbm>>
    tpu.enqueue_dma source(%dma_start3A_566 : memref<16x128xf32, #tpu.memory_space<hbm>>) target(%dma_start3A_564 : memref<16x128xf32, #tpu.memory_space<vmem>>) target_semaphore(%arg51 : memref<!tpu.dma_semaphore, #tpu.memory_space<semaphore_mem>>)
    %dma_wait3A_567 = arith.constant 0 : i32
    %dma_wait3A_568 = arith.constant 0 : i32
    %dma_wait3A_569 = tpu.memref_slice %arg4[%dma_wait3A_567, %dma_wait3A_568] : memref<16x1000000xf32, #tpu.memory_space<hbm>> -> memref<16x128xf32, #tpu.memory_space<hbm>>
    %dma_wait3A_570 = arith.constant 0 : i32
    %dma_wait3A_571 = arith.constant 0 : i32
    %dma_wait3A_572 = tpu.memref_slice %arg4[%dma_wait3A_570, %dma_wait3A_571] : memref<16x1000000xf32, #tpu.memory_space<hbm>> -> memref<16x128xf32, #tpu.memory_space<hbm>>
    tpu.wait_dma2 semaphore(%arg52 : memref<!tpu.dma_semaphore, #tpu.memory_space<semaphore_mem>>) src(%dma_wait3A_572 : memref<16x128xf32, #tpu.memory_space<hbm>>) dst(%arg22 : memref<16x128xf32, #tpu.memory_space<vmem>>)
    %dma_wait3A_573 = arith.constant 0 : i32
    %dma_wait3A_574 = arith.constant 0 : i32
    %dma_wait3A_575 = tpu.memref_slice %arg4[%dma_wait3A_573, %dma_wait3A_574] : memref<16x1000000xf32, #tpu.memory_space<hbm>> -> memref<16x128xf32, #tpu.memory_space<hbm>>
    %dma_wait3A_576 = arith.constant 0 : i32
    %dma_wait3A_577 = arith.constant 0 : i32
    %dma_wait3A_578 = tpu.memref_slice %arg4[%dma_wait3A_576, %dma_wait3A_577] : memref<16x1000000xf32, #tpu.memory_space<hbm>> -> memref<16x128xf32, #tpu.memory_space<hbm>>
    tpu.wait_dma2 semaphore(%arg52 : memref<!tpu.dma_semaphore, #tpu.memory_space<semaphore_mem>>) src(%dma_wait3A_578 : memref<16x128xf32, #tpu.memory_space<hbm>>) dst(%arg24 : memref<16x128xf32, #tpu.memory_space<vmem>>)
    %dma_wait3A_579 = arith.constant 0 : i32
    %dma_wait3A_580 = arith.constant 0 : i32
    %dma_wait3A_581 = tpu.memref_slice %arg4[%dma_wait3A_579, %dma_wait3A_580] : memref<16x1000000xf32, #tpu.memory_space<hbm>> -> memref<16x128xf32, #tpu.memory_space<hbm>>
    %dma_wait3A_582 = arith.constant 0 : i32
    %dma_wait3A_583 = arith.constant 0 : i32
    %dma_wait3A_584 = tpu.memref_slice %arg4[%dma_wait3A_582, %dma_wait3A_583] : memref<16x1000000xf32, #tpu.memory_space<hbm>> -> memref<16x128xf32, #tpu.memory_space<hbm>>
    tpu.wait_dma2 semaphore(%arg52 : memref<!tpu.dma_semaphore, #tpu.memory_space<semaphore_mem>>) src(%dma_wait3A_584 : memref<16x128xf32, #tpu.memory_space<hbm>>) dst(%arg23 : memref<16x128xf32, #tpu.memory_space<vmem>>)
    %dma_wait3A_585 = arith.constant 0 : i32
    %dma_wait3A_586 = arith.constant 0 : i32
    %dma_wait3A_587 = tpu.memref_slice %arg4[%dma_wait3A_585, %dma_wait3A_586] : memref<16x1000000xf32, #tpu.memory_space<hbm>> -> memref<16x128xf32, #tpu.memory_space<hbm>>
    %dma_wait3A_588 = arith.constant 0 : i32
    %dma_wait3A_589 = arith.constant 0 : i32
    %dma_wait3A_590 = tpu.memref_slice %arg4[%dma_wait3A_588, %dma_wait3A_589] : memref<16x1000000xf32, #tpu.memory_space<hbm>> -> memref<16x128xf32, #tpu.memory_space<hbm>>
    tpu.wait_dma2 semaphore(%arg52 : memref<!tpu.dma_semaphore, #tpu.memory_space<semaphore_mem>>) src(%dma_wait3A_590 : memref<16x128xf32, #tpu.memory_space<hbm>>) dst(%arg25 : memref<16x128xf32, #tpu.memory_space<vmem>>)
    %broadcast_in_dim3A_591 = arith.constant 2 : i32
    %broadcast_in_dim3A_592 = vector.broadcast %broadcast_in_dim3A_591 : i32 to vector<16xi32>
    %slice3A_593 = vector.extract_strided_slice %rem3A_9 {offsets = [2], sizes = [1], strides = [1]} : vector<16xi32> to vector<1xi32>
    %squeeze3A_594 = vector.extract %slice3A_593[0] : i32 from vector<1xi32>
    %add3A_595 = arith.constant 0 : i32
    %add3A_596 = arith.addi %squeeze3A_594, %add3A_595 : i32
    %broadcast_in_dim3A_597 = vector.broadcast %add3A_596 : i32 to vector<16xi32>
    %gather3A_598 = tpu.vector_load_idx %arg22[%iota3A, %broadcast_in_dim3A_597] : memref<16x128xf32, #tpu.memory_space<vmem>>[vector<16xi32>, vector<16xi32>], vector<16xf32>,
    tpu.vector_store_idx %arg46[%iota3A, %broadcast_in_dim3A_592], %gather3A_598 : memref<16x512xf32, #tpu.memory_space<vmem>>[vector<16xi32>, vector<16xi32>], vector<16xf32>,
    %slice3A_599 = vector.extract_strided_slice %rem3A_9 {offsets = [2], sizes = [1], strides = [1]} : vector<16xi32> to vector<1xi32>
    %squeeze3A_600 = vector.extract %slice3A_599[0] : i32 from vector<1xi32>
    %add3A_601 = arith.constant 0 : i32
    %add3A_602 = arith.addi %squeeze3A_600, %add3A_601 : i32
    %broadcast_in_dim3A_603 = vector.broadcast %add3A_602 : i32 to vector<16xi32>
    %gather3A_604 = tpu.vector_load_idx %arg24[%iota3A, %broadcast_in_dim3A_603] : memref<16x128xf32, #tpu.memory_space<vmem>>[vector<16xi32>, vector<16xi32>], vector<16xf32>,
    tpu.vector_store_idx %arg48[%iota3A, %broadcast_in_dim3A_592], %gather3A_604 : memref<16x512xf32, #tpu.memory_space<vmem>>[vector<16xi32>, vector<16xi32>], vector<16xf32>,
    %slice3A_605 = vector.extract_strided_slice %rem3A_12 {offsets = [2], sizes = [1], strides = [1]} : vector<16xi32> to vector<1xi32>
    %squeeze3A_606 = vector.extract %slice3A_605[0] : i32 from vector<1xi32>
    %add3A_607 = arith.constant 0 : i32
    %add3A_608 = arith.addi %squeeze3A_606, %add3A_607 : i32
    %broadcast_in_dim3A_609 = vector.broadcast %add3A_608 : i32 to vector<16xi32>
    %gather3A_610 = tpu.vector_load_idx %arg23[%iota3A, %broadcast_in_dim3A_609] : memref<16x128xf32, #tpu.memory_space<vmem>>[vector<16xi32>, vector<16xi32>], vector<16xf32>,
    tpu.vector_store_idx %arg47[%iota3A, %broadcast_in_dim3A_592], %gather3A_610 : memref<16x512xf32, #tpu.memory_space<vmem>>[vector<16xi32>, vector<16xi32>], vector<16xf32>,
    %slice3A_611 = vector.extract_strided_slice %rem3A_12 {offsets = [2], sizes = [1], strides = [1]} : vector<16xi32> to vector<1xi32>
    %squeeze3A_612 = vector.extract %slice3A_611[0] : i32 from vector<1xi32>
    %add3A_613 = arith.constant 0 : i32
    %add3A_614 = arith.addi %squeeze3A_612, %add3A_613 : i32
    %broadcast_in_dim3A_615 = vector.broadcast %add3A_614 : i32 to vector<16xi32>
    %gather3A_616 = tpu.vector_load_idx %arg25[%iota3A, %broadcast_in_dim3A_615] : memref<16x128xf32, #tpu.memory_space<vmem>>[vector<16xi32>, vector<16xi32>], vector<16xf32>,
    tpu.vector_store_idx %arg49[%iota3A, %broadcast_in_dim3A_592], %gather3A_616 : memref<16x512xf32, #tpu.memory_space<vmem>>[vector<16xi32>, vector<16xi32>], vector<16xf32>,
    %slice3A_617 = vector.extract_strided_slice %sub3A {offsets = [10], sizes = [1], strides = [1]} : vector<16xi32> to vector<1xi32>
    %squeeze3A_618 = vector.extract %slice3A_617[0] : i32 from vector<1xi32>
    %multiple_of3A_619 = tpu.assume_multiple %squeeze3A_618, 128 : i32
    %slice3A_620 = vector.extract_strided_slice %sub3A_13 {offsets = [10], sizes = [1], strides = [1]} : vector<16xi32> to vector<1xi32>
    %squeeze3A_621 = vector.extract %slice3A_620[0] : i32 from vector<1xi32>
    %multiple_of3A_622 = tpu.assume_multiple %squeeze3A_621, 128 : i32
    %dma_start3A_623 = arith.constant 0 : i32
    %dma_start3A_624 = arith.constant 0 : i32
    %dma_start3A_625 = tpu.memref_slice %arg22[%dma_start3A_623, %dma_start3A_624] : memref<16x128xf32, #tpu.memory_space<vmem>> -> memref<16x128xf32, #tpu.memory_space<vmem>>
    %dma_start3A_626 = arith.constant 0 : i32
    %dma_start3A_627 = tpu.memref_slice %arg4[%dma_start3A_626, %multiple_of3A_619] : memref<16x1000000xf32, #tpu.memory_space<hbm>> -> memref<16x128xf32, #tpu.memory_space<hbm>>
    %dma_start3A_628 = arith.constant 0 : i32
    %dma_start3A_629 = arith.constant 0 : i32
    %dma_start3A_630 = tpu.memref_slice %arg22[%dma_start3A_628, %dma_start3A_629] : memref<16x128xf32, #tpu.memory_space<vmem>> -> memref<16x128xf32, #tpu.memory_space<vmem>>
    %dma_start3A_631 = arith.constant 0 : i32
    %dma_start3A_632 = tpu.memref_slice %arg4[%dma_start3A_631, %multiple_of3A_619] : memref<16x1000000xf32, #tpu.memory_space<hbm>> -> memref<16x128xf32, #tpu.memory_space<hbm>>
    tpu.enqueue_dma source(%dma_start3A_632 : memref<16x128xf32, #tpu.memory_space<hbm>>) target(%dma_start3A_630 : memref<16x128xf32, #tpu.memory_space<vmem>>) target_semaphore(%arg52 : memref<!tpu.dma_semaphore, #tpu.memory_space<semaphore_mem>>)
    %dma_start3A_633 = arith.constant 0 : i32
    %dma_start3A_634 = arith.constant 0 : i32
    %dma_start3A_635 = tpu.memref_slice %arg24[%dma_start3A_633, %dma_start3A_634] : memref<16x128xf32, #tpu.memory_space<vmem>> -> memref<16x128xf32, #tpu.memory_space<vmem>>
    %dma_start3A_636 = arith.constant 0 : i32
    %dma_start3A_637 = tpu.memref_slice %arg6[%dma_start3A_636, %multiple_of3A_619] : memref<16x1000000xf32, #tpu.memory_space<hbm>> -> memref<16x128xf32, #tpu.memory_space<hbm>>
    %dma_start3A_638 = arith.constant 0 : i32
    %dma_start3A_639 = arith.constant 0 : i32
    %dma_start3A_640 = tpu.memref_slice %arg24[%dma_start3A_638, %dma_start3A_639] : memref<16x128xf32, #tpu.memory_space<vmem>> -> memref<16x128xf32, #tpu.memory_space<vmem>>
    %dma_start3A_641 = arith.constant 0 : i32
    %dma_start3A_642 = tpu.memref_slice %arg6[%dma_start3A_641, %multiple_of3A_619] : memref<16x1000000xf32, #tpu.memory_space<hbm>> -> memref<16x128xf32, #tpu.memory_space<hbm>>
    tpu.enqueue_dma source(%dma_start3A_642 : memref<16x128xf32, #tpu.memory_space<hbm>>) target(%dma_start3A_640 : memref<16x128xf32, #tpu.memory_space<vmem>>) target_semaphore(%arg52 : memref<!tpu.dma_semaphore, #tpu.memory_space<semaphore_mem>>)
    %dma_start3A_643 = arith.constant 0 : i32
    %dma_start3A_644 = arith.constant 0 : i32
    %dma_start3A_645 = tpu.memref_slice %arg23[%dma_start3A_643, %dma_start3A_644] : memref<16x128xf32, #tpu.memory_space<vmem>> -> memref<16x128xf32, #tpu.memory_space<vmem>>
    %dma_start3A_646 = arith.constant 0 : i32
    %dma_start3A_647 = tpu.memref_slice %arg5[%dma_start3A_646, %multiple_of3A_622] : memref<16x1000000xf32, #tpu.memory_space<hbm>> -> memref<16x128xf32, #tpu.memory_space<hbm>>
    %dma_start3A_648 = arith.constant 0 : i32
    %dma_start3A_649 = arith.constant 0 : i32
    %dma_start3A_650 = tpu.memref_slice %arg23[%dma_start3A_648, %dma_start3A_649] : memref<16x128xf32, #tpu.memory_space<vmem>> -> memref<16x128xf32, #tpu.memory_space<vmem>>
    %dma_start3A_651 = arith.constant 0 : i32
    %dma_start3A_652 = tpu.memref_slice %arg5[%dma_start3A_651, %multiple_of3A_622] : memref<16x1000000xf32, #tpu.memory_space<hbm>> -> memref<16x128xf32, #tpu.memory_space<hbm>>
    tpu.enqueue_dma source(%dma_start3A_652 : memref<16x128xf32, #tpu.memory_space<hbm>>) target(%dma_start3A_650 : memref<16x128xf32, #tpu.memory_space<vmem>>) target_semaphore(%arg52 : memref<!tpu.dma_semaphore, #tpu.memory_space<semaphore_mem>>)
    %dma_start3A_653 = arith.constant 0 : i32
    %dma_start3A_654 = arith.constant 0 : i32
    %dma_start3A_655 = tpu.memref_slice %arg25[%dma_start3A_653, %dma_start3A_654] : memref<16x128xf32, #tpu.memory_space<vmem>> -> memref<16x128xf32, #tpu.memory_space<vmem>>
    %dma_start3A_656 = arith.constant 0 : i32
    %dma_start3A_657 = tpu.memref_slice %arg7[%dma_start3A_656, %multiple_of3A_622] : memref<16x1000000xf32, #tpu.memory_space<hbm>> -> memref<16x128xf32, #tpu.memory_space<hbm>>
    %dma_start3A_658 = arith.constant 0 : i32
    %dma_start3A_659 = arith.constant 0 : i32
    %dma_start3A_660 = tpu.memref_slice %arg25[%dma_start3A_658, %dma_start3A_659] : memref<16x128xf32, #tpu.memory_space<vmem>> -> memref<16x128xf32, #tpu.memory_space<vmem>>
    %dma_start3A_661 = arith.constant 0 : i32
    %dma_start3A_662 = tpu.memref_slice %arg7[%dma_start3A_661, %multiple_of3A_622] : memref<16x1000000xf32, #tpu.memory_space<hbm>> -> memref<16x128xf32, #tpu.memory_space<hbm>>
    tpu.enqueue_dma source(%dma_start3A_662 : memref<16x128xf32, #tpu.memory_space<hbm>>) target(%dma_start3A_660 : memref<16x128xf32, #tpu.memory_space<vmem>>) target_semaphore(%arg52 : memref<!tpu.dma_semaphore, #tpu.memory_space<semaphore_mem>>)
    %dma_wait3A_663 = arith.constant 0 : i32
    %dma_wait3A_664 = arith.constant 0 : i32
    %dma_wait3A_665 = tpu.memref_slice %arg4[%dma_wait3A_663, %dma_wait3A_664] : memref<16x1000000xf32, #tpu.memory_space<hbm>> -> memref<16x128xf32, #tpu.memory_space<hbm>>
    %dma_wait3A_666 = arith.constant 0 : i32
    %dma_wait3A_667 = arith.constant 0 : i32
    %dma_wait3A_668 = tpu.memref_slice %arg4[%dma_wait3A_666, %dma_wait3A_667] : memref<16x1000000xf32, #tpu.memory_space<hbm>> -> memref<16x128xf32, #tpu.memory_space<hbm>>
    tpu.wait_dma2 semaphore(%arg53 : memref<!tpu.dma_semaphore, #tpu.memory_space<semaphore_mem>>) src(%dma_wait3A_668 : memref<16x128xf32, #tpu.memory_space<hbm>>) dst(%arg26 : memref<16x128xf32, #tpu.memory_space<vmem>>)
    %dma_wait3A_669 = arith.constant 0 : i32
    %dma_wait3A_670 = arith.constant 0 : i32
    %dma_wait3A_671 = tpu.memref_slice %arg4[%dma_wait3A_669, %dma_wait3A_670] : memref<16x1000000xf32, #tpu.memory_space<hbm>> -> memref<16x128xf32, #tpu.memory_space<hbm>>
    %dma_wait3A_672 = arith.constant 0 : i32
    %dma_wait3A_673 = arith.constant 0 : i32
    %dma_wait3A_674 = tpu.memref_slice %arg4[%dma_wait3A_672, %dma_wait3A_673] : memref<16x1000000xf32, #tpu.memory_space<hbm>> -> memref<16x128xf32, #tpu.memory_space<hbm>>
    tpu.wait_dma2 semaphore(%arg53 : memref<!tpu.dma_semaphore, #tpu.memory_space<semaphore_mem>>) src(%dma_wait3A_674 : memref<16x128xf32, #tpu.memory_space<hbm>>) dst(%arg28 : memref<16x128xf32, #tpu.memory_space<vmem>>)
    %dma_wait3A_675 = arith.constant 0 : i32
    %dma_wait3A_676 = arith.constant 0 : i32
    %dma_wait3A_677 = tpu.memref_slice %arg4[%dma_wait3A_675, %dma_wait3A_676] : memref<16x1000000xf32, #tpu.memory_space<hbm>> -> memref<16x128xf32, #tpu.memory_space<hbm>>
    %dma_wait3A_678 = arith.constant 0 : i32
    %dma_wait3A_679 = arith.constant 0 : i32
    %dma_wait3A_680 = tpu.memref_slice %arg4[%dma_wait3A_678, %dma_wait3A_679] : memref<16x1000000xf32, #tpu.memory_space<hbm>> -> memref<16x128xf32, #tpu.memory_space<hbm>>
    tpu.wait_dma2 semaphore(%arg53 : memref<!tpu.dma_semaphore, #tpu.memory_space<semaphore_mem>>) src(%dma_wait3A_680 : memref<16x128xf32, #tpu.memory_space<hbm>>) dst(%arg27 : memref<16x128xf32, #tpu.memory_space<vmem>>)
    %dma_wait3A_681 = arith.constant 0 : i32
    %dma_wait3A_682 = arith.constant 0 : i32
    %dma_wait3A_683 = tpu.memref_slice %arg4[%dma_wait3A_681, %dma_wait3A_682] : memref<16x1000000xf32, #tpu.memory_space<hbm>> -> memref<16x128xf32, #tpu.memory_space<hbm>>
    %dma_wait3A_684 = arith.constant 0 : i32
    %dma_wait3A_685 = arith.constant 0 : i32
    %dma_wait3A_686 = tpu.memref_slice %arg4[%dma_wait3A_684, %dma_wait3A_685] : memref<16x1000000xf32, #tpu.memory_space<hbm>> -> memref<16x128xf32, #tpu.memory_space<hbm>>
    tpu.wait_dma2 semaphore(%arg53 : memref<!tpu.dma_semaphore, #tpu.memory_space<semaphore_mem>>) src(%dma_wait3A_686 : memref<16x128xf32, #tpu.memory_space<hbm>>) dst(%arg29 : memref<16x128xf32, #tpu.memory_space<vmem>>)
    %broadcast_in_dim3A_687 = arith.constant 3 : i32
    %broadcast_in_dim3A_688 = vector.broadcast %broadcast_in_dim3A_687 : i32 to vector<16xi32>
    %slice3A_689 = vector.extract_strided_slice %rem3A_9 {offsets = [3], sizes = [1], strides = [1]} : vector<16xi32> to vector<1xi32>
    %squeeze3A_690 = vector.extract %slice3A_689[0] : i32 from vector<1xi32>
    %add3A_691 = arith.constant 0 : i32
    %add3A_692 = arith.addi %squeeze3A_690, %add3A_691 : i32
    %broadcast_in_dim3A_693 = vector.broadcast %add3A_692 : i32 to vector<16xi32>
    %gather3A_694 = tpu.vector_load_idx %arg26[%iota3A, %broadcast_in_dim3A_693] : memref<16x128xf32, #tpu.memory_space<vmem>>[vector<16xi32>, vector<16xi32>], vector<16xf32>,
    tpu.vector_store_idx %arg46[%iota3A, %broadcast_in_dim3A_688], %gather3A_694 : memref<16x512xf32, #tpu.memory_space<vmem>>[vector<16xi32>, vector<16xi32>], vector<16xf32>,
    %slice3A_695 = vector.extract_strided_slice %rem3A_9 {offsets = [3], sizes = [1], strides = [1]} : vector<16xi32> to vector<1xi32>
    %squeeze3A_696 = vector.extract %slice3A_695[0] : i32 from vector<1xi32>
    %add3A_697 = arith.constant 0 : i32
    %add3A_698 = arith.addi %squeeze3A_696, %add3A_697 : i32
    %broadcast_in_dim3A_699 = vector.broadcast %add3A_698 : i32 to vector<16xi32>
    %gather3A_700 = tpu.vector_load_idx %arg28[%iota3A, %broadcast_in_dim3A_699] : memref<16x128xf32, #tpu.memory_space<vmem>>[vector<16xi32>, vector<16xi32>], vector<16xf32>,
    tpu.vector_store_idx %arg48[%iota3A, %broadcast_in_dim3A_688], %gather3A_700 : memref<16x512xf32, #tpu.memory_space<vmem>>[vector<16xi32>, vector<16xi32>], vector<16xf32>,
    %slice3A_701 = vector.extract_strided_slice %rem3A_12 {offsets = [3], sizes = [1], strides = [1]} : vector<16xi32> to vector<1xi32>
    %squeeze3A_702 = vector.extract %slice3A_701[0] : i32 from vector<1xi32>
    %add3A_703 = arith.constant 0 : i32
    %add3A_704 = arith.addi %squeeze3A_702, %add3A_703 : i32
    %broadcast_in_dim3A_705 = vector.broadcast %add3A_704 : i32 to vector<16xi32>
    %gather3A_706 = tpu.vector_load_idx %arg27[%iota3A, %broadcast_in_dim3A_705] : memref<16x128xf32, #tpu.memory_space<vmem>>[vector<16xi32>, vector<16xi32>], vector<16xf32>,
    tpu.vector_store_idx %arg47[%iota3A, %broadcast_in_dim3A_688], %gather3A_706 : memref<16x512xf32, #tpu.memory_space<vmem>>[vector<16xi32>, vector<16xi32>], vector<16xf32>,
    %slice3A_707 = vector.extract_strided_slice %rem3A_12 {offsets = [3], sizes = [1], strides = [1]} : vector<16xi32> to vector<1xi32>
    %squeeze3A_708 = vector.extract %slice3A_707[0] : i32 from vector<1xi32>
    %add3A_709 = arith.constant 0 : i32
    %add3A_710 = arith.addi %squeeze3A_708, %add3A_709 : i32
    %broadcast_in_dim3A_711 = vector.broadcast %add3A_710 : i32 to vector<16xi32>
    %gather3A_712 = tpu.vector_load_idx %arg29[%iota3A, %broadcast_in_dim3A_711] : memref<16x128xf32, #tpu.memory_space<vmem>>[vector<16xi32>, vector<16xi32>], vector<16xf32>,
    tpu.vector_store_idx %arg49[%iota3A, %broadcast_in_dim3A_688], %gather3A_712 : memref<16x512xf32, #tpu.memory_space<vmem>>[vector<16xi32>, vector<16xi32>], vector<16xf32>,
    %slice3A_713 = vector.extract_strided_slice %sub3A {offsets = [11], sizes = [1], strides = [1]} : vector<16xi32> to vector<1xi32>
    %squeeze3A_714 = vector.extract %slice3A_713[0] : i32 from vector<1xi32>
    %multiple_of3A_715 = tpu.assume_multiple %squeeze3A_714, 128 : i32
    %slice3A_716 = vector.extract_strided_slice %sub3A_13 {offsets = [11], sizes = [1], strides = [1]} : vector<16xi32> to vector<1xi32>
    %squeeze3A_717 = vector.extract %slice3A_716[0] : i32 from vector<1xi32>
    %multiple_of3A_718 = tpu.assume_multiple %squeeze3A_717, 128 : i32
    %dma_start3A_719 = arith.constant 0 : i32
    %dma_start3A_720 = arith.constant 0 : i32
    %dma_start3A_721 = tpu.memref_slice %arg26[%dma_start3A_719, %dma_start3A_720] : memref<16x128xf32, #tpu.memory_space<vmem>> -> memref<16x128xf32, #tpu.memory_space<vmem>>
    %dma_start3A_722 = arith.constant 0 : i32
    %dma_start3A_723 = tpu.memref_slice %arg4[%dma_start3A_722, %multiple_of3A_715] : memref<16x1000000xf32, #tpu.memory_space<hbm>> -> memref<16x128xf32, #tpu.memory_space<hbm>>
    %dma_start3A_724 = arith.constant 0 : i32
    %dma_start3A_725 = arith.constant 0 : i32
    %dma_start3A_726 = tpu.memref_slice %arg26[%dma_start3A_724, %dma_start3A_725] : memref<16x128xf32, #tpu.memory_space<vmem>> -> memref<16x128xf32, #tpu.memory_space<vmem>>
    %dma_start3A_727 = arith.constant 0 : i32
    %dma_start3A_728 = tpu.memref_slice %arg4[%dma_start3A_727, %multiple_of3A_715] : memref<16x1000000xf32, #tpu.memory_space<hbm>> -> memref<16x128xf32, #tpu.memory_space<hbm>>
    tpu.enqueue_dma source(%dma_start3A_728 : memref<16x128xf32, #tpu.memory_space<hbm>>) target(%dma_start3A_726 : memref<16x128xf32, #tpu.memory_space<vmem>>) target_semaphore(%arg53 : memref<!tpu.dma_semaphore, #tpu.memory_space<semaphore_mem>>)
    %dma_start3A_729 = arith.constant 0 : i32
    %dma_start3A_730 = arith.constant 0 : i32
    %dma_start3A_731 = tpu.memref_slice %arg28[%dma_start3A_729, %dma_start3A_730] : memref<16x128xf32, #tpu.memory_space<vmem>> -> memref<16x128xf32, #tpu.memory_space<vmem>>
    %dma_start3A_732 = arith.constant 0 : i32
    %dma_start3A_733 = tpu.memref_slice %arg6[%dma_start3A_732, %multiple_of3A_715] : memref<16x1000000xf32, #tpu.memory_space<hbm>> -> memref<16x128xf32, #tpu.memory_space<hbm>>
    %dma_start3A_734 = arith.constant 0 : i32
    %dma_start3A_735 = arith.constant 0 : i32
    %dma_start3A_736 = tpu.memref_slice %arg28[%dma_start3A_734, %dma_start3A_735] : memref<16x128xf32, #tpu.memory_space<vmem>> -> memref<16x128xf32, #tpu.memory_space<vmem>>
    %dma_start3A_737 = arith.constant 0 : i32
    %dma_start3A_738 = tpu.memref_slice %arg6[%dma_start3A_737, %multiple_of3A_715] : memref<16x1000000xf32, #tpu.memory_space<hbm>> -> memref<16x128xf32, #tpu.memory_space<hbm>>
    tpu.enqueue_dma source(%dma_start3A_738 : memref<16x128xf32, #tpu.memory_space<hbm>>) target(%dma_start3A_736 : memref<16x128xf32, #tpu.memory_space<vmem>>) target_semaphore(%arg53 : memref<!tpu.dma_semaphore, #tpu.memory_space<semaphore_mem>>)
    %dma_start3A_739 = arith.constant 0 : i32
    %dma_start3A_740 = arith.constant 0 : i32
    %dma_start3A_741 = tpu.memref_slice %arg27[%dma_start3A_739, %dma_start3A_740] : memref<16x128xf32, #tpu.memory_space<vmem>> -> memref<16x128xf32, #tpu.memory_space<vmem>>
    %dma_start3A_742 = arith.constant 0 : i32
    %dma_start3A_743 = tpu.memref_slice %arg5[%dma_start3A_742, %multiple_of3A_718] : memref<16x1000000xf32, #tpu.memory_space<hbm>> -> memref<16x128xf32, #tpu.memory_space<hbm>>
    %dma_start3A_744 = arith.constant 0 : i32
    %dma_start3A_745 = arith.constant 0 : i32
    %dma_start3A_746 = tpu.memref_slice %arg27[%dma_start3A_744, %dma_start3A_745] : memref<16x128xf32, #tpu.memory_space<vmem>> -> memref<16x128xf32, #tpu.memory_space<vmem>>
    %dma_start3A_747 = arith.constant 0 : i32
    %dma_start3A_748 = tpu.memref_slice %arg5[%dma_start3A_747, %multiple_of3A_718] : memref<16x1000000xf32, #tpu.memory_space<hbm>> -> memref<16x128xf32, #tpu.memory_space<hbm>>
    tpu.enqueue_dma source(%dma_start3A_748 : memref<16x128xf32, #tpu.memory_space<hbm>>) target(%dma_start3A_746 : memref<16x128xf32, #tpu.memory_space<vmem>>) target_semaphore(%arg53 : memref<!tpu.dma_semaphore, #tpu.memory_space<semaphore_mem>>)
    %dma_start3A_749 = arith.constant 0 : i32
    %dma_start3A_750 = arith.constant 0 : i32
    %dma_start3A_751 = tpu.memref_slice %arg29[%dma_start3A_749, %dma_start3A_750] : memref<16x128xf32, #tpu.memory_space<vmem>> -> memref<16x128xf32, #tpu.memory_space<vmem>>
    %dma_start3A_752 = arith.constant 0 : i32
    %dma_start3A_753 = tpu.memref_slice %arg7[%dma_start3A_752, %multiple_of3A_718] : memref<16x1000000xf32, #tpu.memory_space<hbm>> -> memref<16x128xf32, #tpu.memory_space<hbm>>
    %dma_start3A_754 = arith.constant 0 : i32
    %dma_start3A_755 = arith.constant 0 : i32
    %dma_start3A_756 = tpu.memref_slice %arg29[%dma_start3A_754, %dma_start3A_755] : memref<16x128xf32, #tpu.memory_space<vmem>> -> memref<16x128xf32, #tpu.memory_space<vmem>>
    %dma_start3A_757 = arith.constant 0 : i32
    %dma_start3A_758 = tpu.memref_slice %arg7[%dma_start3A_757, %multiple_of3A_718] : memref<16x1000000xf32, #tpu.memory_space<hbm>> -> memref<16x128xf32, #tpu.memory_space<hbm>>
    tpu.enqueue_dma source(%dma_start3A_758 : memref<16x128xf32, #tpu.memory_space<hbm>>) target(%dma_start3A_756 : memref<16x128xf32, #tpu.memory_space<vmem>>) target_semaphore(%arg53 : memref<!tpu.dma_semaphore, #tpu.memory_space<semaphore_mem>>)
    %dma_wait3A_759 = arith.constant 0 : i32
    %dma_wait3A_760 = arith.constant 0 : i32
    %dma_wait3A_761 = tpu.memref_slice %arg4[%dma_wait3A_759, %dma_wait3A_760] : memref<16x1000000xf32, #tpu.memory_space<hbm>> -> memref<16x128xf32, #tpu.memory_space<hbm>>
    %dma_wait3A_762 = arith.constant 0 : i32
    %dma_wait3A_763 = arith.constant 0 : i32
    %dma_wait3A_764 = tpu.memref_slice %arg4[%dma_wait3A_762, %dma_wait3A_763] : memref<16x1000000xf32, #tpu.memory_space<hbm>> -> memref<16x128xf32, #tpu.memory_space<hbm>>
    tpu.wait_dma2 semaphore(%arg54 : memref<!tpu.dma_semaphore, #tpu.memory_space<semaphore_mem>>) src(%dma_wait3A_764 : memref<16x128xf32, #tpu.memory_space<hbm>>) dst(%arg30 : memref<16x128xf32, #tpu.memory_space<vmem>>)
    %dma_wait3A_765 = arith.constant 0 : i32
    %dma_wait3A_766 = arith.constant 0 : i32
    %dma_wait3A_767 = tpu.memref_slice %arg4[%dma_wait3A_765, %dma_wait3A_766] : memref<16x1000000xf32, #tpu.memory_space<hbm>> -> memref<16x128xf32, #tpu.memory_space<hbm>>
    %dma_wait3A_768 = arith.constant 0 : i32
    %dma_wait3A_769 = arith.constant 0 : i32
    %dma_wait3A_770 = tpu.memref_slice %arg4[%dma_wait3A_768, %dma_wait3A_769] : memref<16x1000000xf32, #tpu.memory_space<hbm>> -> memref<16x128xf32, #tpu.memory_space<hbm>>
    tpu.wait_dma2 semaphore(%arg54 : memref<!tpu.dma_semaphore, #tpu.memory_space<semaphore_mem>>) src(%dma_wait3A_770 : memref<16x128xf32, #tpu.memory_space<hbm>>) dst(%arg32 : memref<16x128xf32, #tpu.memory_space<vmem>>)
    %dma_wait3A_771 = arith.constant 0 : i32
    %dma_wait3A_772 = arith.constant 0 : i32
    %dma_wait3A_773 = tpu.memref_slice %arg4[%dma_wait3A_771, %dma_wait3A_772] : memref<16x1000000xf32, #tpu.memory_space<hbm>> -> memref<16x128xf32, #tpu.memory_space<hbm>>
    %dma_wait3A_774 = arith.constant 0 : i32
    %dma_wait3A_775 = arith.constant 0 : i32
    %dma_wait3A_776 = tpu.memref_slice %arg4[%dma_wait3A_774, %dma_wait3A_775] : memref<16x1000000xf32, #tpu.memory_space<hbm>> -> memref<16x128xf32, #tpu.memory_space<hbm>>
    tpu.wait_dma2 semaphore(%arg54 : memref<!tpu.dma_semaphore, #tpu.memory_space<semaphore_mem>>) src(%dma_wait3A_776 : memref<16x128xf32, #tpu.memory_space<hbm>>) dst(%arg31 : memref<16x128xf32, #tpu.memory_space<vmem>>)
    %dma_wait3A_777 = arith.constant 0 : i32
    %dma_wait3A_778 = arith.constant 0 : i32
    %dma_wait3A_779 = tpu.memref_slice %arg4[%dma_wait3A_777, %dma_wait3A_778] : memref<16x1000000xf32, #tpu.memory_space<hbm>> -> memref<16x128xf32, #tpu.memory_space<hbm>>
    %dma_wait3A_780 = arith.constant 0 : i32
    %dma_wait3A_781 = arith.constant 0 : i32
    %dma_wait3A_782 = tpu.memref_slice %arg4[%dma_wait3A_780, %dma_wait3A_781] : memref<16x1000000xf32, #tpu.memory_space<hbm>> -> memref<16x128xf32, #tpu.memory_space<hbm>>
    tpu.wait_dma2 semaphore(%arg54 : memref<!tpu.dma_semaphore, #tpu.memory_space<semaphore_mem>>) src(%dma_wait3A_782 : memref<16x128xf32, #tpu.memory_space<hbm>>) dst(%arg33 : memref<16x128xf32, #tpu.memory_space<vmem>>)
    %broadcast_in_dim3A_783 = arith.constant 4 : i32
    %broadcast_in_dim3A_784 = vector.broadcast %broadcast_in_dim3A_783 : i32 to vector<16xi32>
    %slice3A_785 = vector.extract_strided_slice %rem3A_9 {offsets = [4], sizes = [1], strides = [1]} : vector<16xi32> to vector<1xi32>
    %squeeze3A_786 = vector.extract %slice3A_785[0] : i32 from vector<1xi32>
    %add3A_787 = arith.constant 0 : i32
    %add3A_788 = arith.addi %squeeze3A_786, %add3A_787 : i32
    %broadcast_in_dim3A_789 = vector.broadcast %add3A_788 : i32 to vector<16xi32>
    %gather3A_790 = tpu.vector_load_idx %arg30[%iota3A, %broadcast_in_dim3A_789] : memref<16x128xf32, #tpu.memory_space<vmem>>[vector<16xi32>, vector<16xi32>], vector<16xf32>,
    tpu.vector_store_idx %arg46[%iota3A, %broadcast_in_dim3A_784], %gather3A_790 : memref<16x512xf32, #tpu.memory_space<vmem>>[vector<16xi32>, vector<16xi32>], vector<16xf32>,
    %slice3A_791 = vector.extract_strided_slice %rem3A_9 {offsets = [4], sizes = [1], strides = [1]} : vector<16xi32> to vector<1xi32>
    %squeeze3A_792 = vector.extract %slice3A_791[0] : i32 from vector<1xi32>
    %add3A_793 = arith.constant 0 : i32
    %add3A_794 = arith.addi %squeeze3A_792, %add3A_793 : i32
    %broadcast_in_dim3A_795 = vector.broadcast %add3A_794 : i32 to vector<16xi32>
    %gather3A_796 = tpu.vector_load_idx %arg32[%iota3A, %broadcast_in_dim3A_795] : memref<16x128xf32, #tpu.memory_space<vmem>>[vector<16xi32>, vector<16xi32>], vector<16xf32>,
    tpu.vector_store_idx %arg48[%iota3A, %broadcast_in_dim3A_784], %gather3A_796 : memref<16x512xf32, #tpu.memory_space<vmem>>[vector<16xi32>, vector<16xi32>], vector<16xf32>,
    %slice3A_797 = vector.extract_strided_slice %rem3A_12 {offsets = [4], sizes = [1], strides = [1]} : vector<16xi32> to vector<1xi32>
    %squeeze3A_798 = vector.extract %slice3A_797[0] : i32 from vector<1xi32>
    %add3A_799 = arith.constant 0 : i32
    %add3A_800 = arith.addi %squeeze3A_798, %add3A_799 : i32
    %broadcast_in_dim3A_801 = vector.broadcast %add3A_800 : i32 to vector<16xi32>
    %gather3A_802 = tpu.vector_load_idx %arg31[%iota3A, %broadcast_in_dim3A_801] : memref<16x128xf32, #tpu.memory_space<vmem>>[vector<16xi32>, vector<16xi32>], vector<16xf32>,
    tpu.vector_store_idx %arg47[%iota3A, %broadcast_in_dim3A_784], %gather3A_802 : memref<16x512xf32, #tpu.memory_space<vmem>>[vector<16xi32>, vector<16xi32>], vector<16xf32>,
    %slice3A_803 = vector.extract_strided_slice %rem3A_12 {offsets = [4], sizes = [1], strides = [1]} : vector<16xi32> to vector<1xi32>
    %squeeze3A_804 = vector.extract %slice3A_803[0] : i32 from vector<1xi32>
    %add3A_805 = arith.constant 0 : i32
    %add3A_806 = arith.addi %squeeze3A_804, %add3A_805 : i32
    %broadcast_in_dim3A_807 = vector.broadcast %add3A_806 : i32 to vector<16xi32>
    %gather3A_808 = tpu.vector_load_idx %arg33[%iota3A, %broadcast_in_dim3A_807] : memref<16x128xf32, #tpu.memory_space<vmem>>[vector<16xi32>, vector<16xi32>], vector<16xf32>,
    tpu.vector_store_idx %arg49[%iota3A, %broadcast_in_dim3A_784], %gather3A_808 : memref<16x512xf32, #tpu.memory_space<vmem>>[vector<16xi32>, vector<16xi32>], vector<16xf32>,
    %slice3A_809 = vector.extract_strided_slice %sub3A {offsets = [12], sizes = [1], strides = [1]} : vector<16xi32> to vector<1xi32>
    %squeeze3A_810 = vector.extract %slice3A_809[0] : i32 from vector<1xi32>
    %multiple_of3A_811 = tpu.assume_multiple %squeeze3A_810, 128 : i32
    %slice3A_812 = vector.extract_strided_slice %sub3A_13 {offsets = [12], sizes = [1], strides = [1]} : vector<16xi32> to vector<1xi32>
    %squeeze3A_813 = vector.extract %slice3A_812[0] : i32 from vector<1xi32>
    %multiple_of3A_814 = tpu.assume_multiple %squeeze3A_813, 128 : i32
    %dma_start3A_815 = arith.constant 0 : i32
    %dma_start3A_816 = arith.constant 0 : i32
    %dma_start3A_817 = tpu.memref_slice %arg30[%dma_start3A_815, %dma_start3A_816] : memref<16x128xf32, #tpu.memory_space<vmem>> -> memref<16x128xf32, #tpu.memory_space<vmem>>
    %dma_start3A_818 = arith.constant 0 : i32
    %dma_start3A_819 = tpu.memref_slice %arg4[%dma_start3A_818, %multiple_of3A_811] : memref<16x1000000xf32, #tpu.memory_space<hbm>> -> memref<16x128xf32, #tpu.memory_space<hbm>>
    %dma_start3A_820 = arith.constant 0 : i32
    %dma_start3A_821 = arith.constant 0 : i32
    %dma_start3A_822 = tpu.memref_slice %arg30[%dma_start3A_820, %dma_start3A_821] : memref<16x128xf32, #tpu.memory_space<vmem>> -> memref<16x128xf32, #tpu.memory_space<vmem>>
    %dma_start3A_823 = arith.constant 0 : i32
    %dma_start3A_824 = tpu.memref_slice %arg4[%dma_start3A_823, %multiple_of3A_811] : memref<16x1000000xf32, #tpu.memory_space<hbm>> -> memref<16x128xf32, #tpu.memory_space<hbm>>
    tpu.enqueue_dma source(%dma_start3A_824 : memref<16x128xf32, #tpu.memory_space<hbm>>) target(%dma_start3A_822 : memref<16x128xf32, #tpu.memory_space<vmem>>) target_semaphore(%arg54 : memref<!tpu.dma_semaphore, #tpu.memory_space<semaphore_mem>>)
    %dma_start3A_825 = arith.constant 0 : i32
    %dma_start3A_826 = arith.constant 0 : i32
    %dma_start3A_827 = tpu.memref_slice %arg32[%dma_start3A_825, %dma_start3A_826] : memref<16x128xf32, #tpu.memory_space<vmem>> -> memref<16x128xf32, #tpu.memory_space<vmem>>
    %dma_start3A_828 = arith.constant 0 : i32
    %dma_start3A_829 = tpu.memref_slice %arg6[%dma_start3A_828, %multiple_of3A_811] : memref<16x1000000xf32, #tpu.memory_space<hbm>> -> memref<16x128xf32, #tpu.memory_space<hbm>>
    %dma_start3A_830 = arith.constant 0 : i32
    %dma_start3A_831 = arith.constant 0 : i32
    %dma_start3A_832 = tpu.memref_slice %arg32[%dma_start3A_830, %dma_start3A_831] : memref<16x128xf32, #tpu.memory_space<vmem>> -> memref<16x128xf32, #tpu.memory_space<vmem>>
    %dma_start3A_833 = arith.constant 0 : i32
    %dma_start3A_834 = tpu.memref_slice %arg6[%dma_start3A_833, %multiple_of3A_811] : memref<16x1000000xf32, #tpu.memory_space<hbm>> -> memref<16x128xf32, #tpu.memory_space<hbm>>
    tpu.enqueue_dma source(%dma_start3A_834 : memref<16x128xf32, #tpu.memory_space<hbm>>) target(%dma_start3A_832 : memref<16x128xf32, #tpu.memory_space<vmem>>) target_semaphore(%arg54 : memref<!tpu.dma_semaphore, #tpu.memory_space<semaphore_mem>>)
    %dma_start3A_835 = arith.constant 0 : i32
    %dma_start3A_836 = arith.constant 0 : i32
    %dma_start3A_837 = tpu.memref_slice %arg31[%dma_start3A_835, %dma_start3A_836] : memref<16x128xf32, #tpu.memory_space<vmem>> -> memref<16x128xf32, #tpu.memory_space<vmem>>
    %dma_start3A_838 = arith.constant 0 : i32
    %dma_start3A_839 = tpu.memref_slice %arg5[%dma_start3A_838, %multiple_of3A_814] : memref<16x1000000xf32, #tpu.memory_space<hbm>> -> memref<16x128xf32, #tpu.memory_space<hbm>>
    %dma_start3A_840 = arith.constant 0 : i32
    %dma_start3A_841 = arith.constant 0 : i32
    %dma_start3A_842 = tpu.memref_slice %arg31[%dma_start3A_840, %dma_start3A_841] : memref<16x128xf32, #tpu.memory_space<vmem>> -> memref<16x128xf32, #tpu.memory_space<vmem>>
    %dma_start3A_843 = arith.constant 0 : i32
    %dma_start3A_844 = tpu.memref_slice %arg5[%dma_start3A_843, %multiple_of3A_814] : memref<16x1000000xf32, #tpu.memory_space<hbm>> -> memref<16x128xf32, #tpu.memory_space<hbm>>
    tpu.enqueue_dma source(%dma_start3A_844 : memref<16x128xf32, #tpu.memory_space<hbm>>) target(%dma_start3A_842 : memref<16x128xf32, #tpu.memory_space<vmem>>) target_semaphore(%arg54 : memref<!tpu.dma_semaphore, #tpu.memory_space<semaphore_mem>>)
    %dma_start3A_845 = arith.constant 0 : i32
    %dma_start3A_846 = arith.constant 0 : i32
    %dma_start3A_847 = tpu.memref_slice %arg33[%dma_start3A_845, %dma_start3A_846] : memref<16x128xf32, #tpu.memory_space<vmem>> -> memref<16x128xf32, #tpu.memory_space<vmem>>
    %dma_start3A_848 = arith.constant 0 : i32
    %dma_start3A_849 = tpu.memref_slice %arg7[%dma_start3A_848, %multiple_of3A_814] : memref<16x1000000xf32, #tpu.memory_space<hbm>> -> memref<16x128xf32, #tpu.memory_space<hbm>>
    %dma_start3A_850 = arith.constant 0 : i32
    %dma_start3A_851 = arith.constant 0 : i32
    %dma_start3A_852 = tpu.memref_slice %arg33[%dma_start3A_850, %dma_start3A_851] : memref<16x128xf32, #tpu.memory_space<vmem>> -> memref<16x128xf32, #tpu.memory_space<vmem>>
    %dma_start3A_853 = arith.constant 0 : i32
    %dma_start3A_854 = tpu.memref_slice %arg7[%dma_start3A_853, %multiple_of3A_814] : memref<16x1000000xf32, #tpu.memory_space<hbm>> -> memref<16x128xf32, #tpu.memory_space<hbm>>
    tpu.enqueue_dma source(%dma_start3A_854 : memref<16x128xf32, #tpu.memory_space<hbm>>) target(%dma_start3A_852 : memref<16x128xf32, #tpu.memory_space<vmem>>) target_semaphore(%arg54 : memref<!tpu.dma_semaphore, #tpu.memory_space<semaphore_mem>>)
    %dma_wait3A_855 = arith.constant 0 : i32
    %dma_wait3A_856 = arith.constant 0 : i32
    %dma_wait3A_857 = tpu.memref_slice %arg4[%dma_wait3A_855, %dma_wait3A_856] : memref<16x1000000xf32, #tpu.memory_space<hbm>> -> memref<16x128xf32, #tpu.memory_space<hbm>>
    %dma_wait3A_858 = arith.constant 0 : i32
    %dma_wait3A_859 = arith.constant 0 : i32
    %dma_wait3A_860 = tpu.memref_slice %arg4[%dma_wait3A_858, %dma_wait3A_859] : memref<16x1000000xf32, #tpu.memory_space<hbm>> -> memref<16x128xf32, #tpu.memory_space<hbm>>
    tpu.wait_dma2 semaphore(%arg55 : memref<!tpu.dma_semaphore, #tpu.memory_space<semaphore_mem>>) src(%dma_wait3A_860 : memref<16x128xf32, #tpu.memory_space<hbm>>) dst(%arg34 : memref<16x128xf32, #tpu.memory_space<vmem>>)
    %dma_wait3A_861 = arith.constant 0 : i32
    %dma_wait3A_862 = arith.constant 0 : i32
    %dma_wait3A_863 = tpu.memref_slice %arg4[%dma_wait3A_861, %dma_wait3A_862] : memref<16x1000000xf32, #tpu.memory_space<hbm>> -> memref<16x128xf32, #tpu.memory_space<hbm>>
    %dma_wait3A_864 = arith.constant 0 : i32
    %dma_wait3A_865 = arith.constant 0 : i32
    %dma_wait3A_866 = tpu.memref_slice %arg4[%dma_wait3A_864, %dma_wait3A_865] : memref<16x1000000xf32, #tpu.memory_space<hbm>> -> memref<16x128xf32, #tpu.memory_space<hbm>>
    tpu.wait_dma2 semaphore(%arg55 : memref<!tpu.dma_semaphore, #tpu.memory_space<semaphore_mem>>) src(%dma_wait3A_866 : memref<16x128xf32, #tpu.memory_space<hbm>>) dst(%arg36 : memref<16x128xf32, #tpu.memory_space<vmem>>)
    %dma_wait3A_867 = arith.constant 0 : i32
    %dma_wait3A_868 = arith.constant 0 : i32
    %dma_wait3A_869 = tpu.memref_slice %arg4[%dma_wait3A_867, %dma_wait3A_868] : memref<16x1000000xf32, #tpu.memory_space<hbm>> -> memref<16x128xf32, #tpu.memory_space<hbm>>
    %dma_wait3A_870 = arith.constant 0 : i32
    %dma_wait3A_871 = arith.constant 0 : i32
    %dma_wait3A_872 = tpu.memref_slice %arg4[%dma_wait3A_870, %dma_wait3A_871] : memref<16x1000000xf32, #tpu.memory_space<hbm>> -> memref<16x128xf32, #tpu.memory_space<hbm>>
    tpu.wait_dma2 semaphore(%arg55 : memref<!tpu.dma_semaphore, #tpu.memory_space<semaphore_mem>>) src(%dma_wait3A_872 : memref<16x128xf32, #tpu.memory_space<hbm>>) dst(%arg35 : memref<16x128xf32, #tpu.memory_space<vmem>>)
    %dma_wait3A_873 = arith.constant 0 : i32
    %dma_wait3A_874 = arith.constant 0 : i32
    %dma_wait3A_875 = tpu.memref_slice %arg4[%dma_wait3A_873, %dma_wait3A_874] : memref<16x1000000xf32, #tpu.memory_space<hbm>> -> memref<16x128xf32, #tpu.memory_space<hbm>>
    %dma_wait3A_876 = arith.constant 0 : i32
    %dma_wait3A_877 = arith.constant 0 : i32
    %dma_wait3A_878 = tpu.memref_slice %arg4[%dma_wait3A_876, %dma_wait3A_877] : memref<16x1000000xf32, #tpu.memory_space<hbm>> -> memref<16x128xf32, #tpu.memory_space<hbm>>
    tpu.wait_dma2 semaphore(%arg55 : memref<!tpu.dma_semaphore, #tpu.memory_space<semaphore_mem>>) src(%dma_wait3A_878 : memref<16x128xf32, #tpu.memory_space<hbm>>) dst(%arg37 : memref<16x128xf32, #tpu.memory_space<vmem>>)
    %broadcast_in_dim3A_879 = arith.constant 5 : i32
    %broadcast_in_dim3A_880 = vector.broadcast %broadcast_in_dim3A_879 : i32 to vector<16xi32>
    %slice3A_881 = vector.extract_strided_slice %rem3A_9 {offsets = [5], sizes = [1], strides = [1]} : vector<16xi32> to vector<1xi32>
    %squeeze3A_882 = vector.extract %slice3A_881[0] : i32 from vector<1xi32>
    %add3A_883 = arith.constant 0 : i32
    %add3A_884 = arith.addi %squeeze3A_882, %add3A_883 : i32
    %broadcast_in_dim3A_885 = vector.broadcast %add3A_884 : i32 to vector<16xi32>
    %gather3A_886 = tpu.vector_load_idx %arg34[%iota3A, %broadcast_in_dim3A_885] : memref<16x128xf32, #tpu.memory_space<vmem>>[vector<16xi32>, vector<16xi32>], vector<16xf32>,
    tpu.vector_store_idx %arg46[%iota3A, %broadcast_in_dim3A_880], %gather3A_886 : memref<16x512xf32, #tpu.memory_space<vmem>>[vector<16xi32>, vector<16xi32>], vector<16xf32>,
    %slice3A_887 = vector.extract_strided_slice %rem3A_9 {offsets = [5], sizes = [1], strides = [1]} : vector<16xi32> to vector<1xi32>
    %squeeze3A_888 = vector.extract %slice3A_887[0] : i32 from vector<1xi32>
    %add3A_889 = arith.constant 0 : i32
    %add3A_890 = arith.addi %squeeze3A_888, %add3A_889 : i32
    %broadcast_in_dim3A_891 = vector.broadcast %add3A_890 : i32 to vector<16xi32>
    %gather3A_892 = tpu.vector_load_idx %arg36[%iota3A, %broadcast_in_dim3A_891] : memref<16x128xf32, #tpu.memory_space<vmem>>[vector<16xi32>, vector<16xi32>], vector<16xf32>,
    tpu.vector_store_idx %arg48[%iota3A, %broadcast_in_dim3A_880], %gather3A_892 : memref<16x512xf32, #tpu.memory_space<vmem>>[vector<16xi32>, vector<16xi32>], vector<16xf32>,
    %slice3A_893 = vector.extract_strided_slice %rem3A_12 {offsets = [5], sizes = [1], strides = [1]} : vector<16xi32> to vector<1xi32>
    %squeeze3A_894 = vector.extract %slice3A_893[0] : i32 from vector<1xi32>
    %add3A_895 = arith.constant 0 : i32
    %add3A_896 = arith.addi %squeeze3A_894, %add3A_895 : i32
    %broadcast_in_dim3A_897 = vector.broadcast %add3A_896 : i32 to vector<16xi32>
    %gather3A_898 = tpu.vector_load_idx %arg35[%iota3A, %broadcast_in_dim3A_897] : memref<16x128xf32, #tpu.memory_space<vmem>>[vector<16xi32>, vector<16xi32>], vector<16xf32>,
    tpu.vector_store_idx %arg47[%iota3A, %broadcast_in_dim3A_880], %gather3A_898 : memref<16x512xf32, #tpu.memory_space<vmem>>[vector<16xi32>, vector<16xi32>], vector<16xf32>,
    %slice3A_899 = vector.extract_strided_slice %rem3A_12 {offsets = [5], sizes = [1], strides = [1]} : vector<16xi32> to vector<1xi32>
    %squeeze3A_900 = vector.extract %slice3A_899[0] : i32 from vector<1xi32>
    %add3A_901 = arith.constant 0 : i32
    %add3A_902 = arith.addi %squeeze3A_900, %add3A_901 : i32
    %broadcast_in_dim3A_903 = vector.broadcast %add3A_902 : i32 to vector<16xi32>
    %gather3A_904 = tpu.vector_load_idx %arg37[%iota3A, %broadcast_in_dim3A_903] : memref<16x128xf32, #tpu.memory_space<vmem>>[vector<16xi32>, vector<16xi32>], vector<16xf32>,
    tpu.vector_store_idx %arg49[%iota3A, %broadcast_in_dim3A_880], %gather3A_904 : memref<16x512xf32, #tpu.memory_space<vmem>>[vector<16xi32>, vector<16xi32>], vector<16xf32>,
    %slice3A_905 = vector.extract_strided_slice %sub3A {offsets = [13], sizes = [1], strides = [1]} : vector<16xi32> to vector<1xi32>
    %squeeze3A_906 = vector.extract %slice3A_905[0] : i32 from vector<1xi32>
    %multiple_of3A_907 = tpu.assume_multiple %squeeze3A_906, 128 : i32
    %slice3A_908 = vector.extract_strided_slice %sub3A_13 {offsets = [13], sizes = [1], strides = [1]} : vector<16xi32> to vector<1xi32>
    %squeeze3A_909 = vector.extract %slice3A_908[0] : i32 from vector<1xi32>
    %multiple_of3A_910 = tpu.assume_multiple %squeeze3A_909, 128 : i32
    %dma_start3A_911 = arith.constant 0 : i32
    %dma_start3A_912 = arith.constant 0 : i32
    %dma_start3A_913 = tpu.memref_slice %arg34[%dma_start3A_911, %dma_start3A_912] : memref<16x128xf32, #tpu.memory_space<vmem>> -> memref<16x128xf32, #tpu.memory_space<vmem>>
    %dma_start3A_914 = arith.constant 0 : i32
    %dma_start3A_915 = tpu.memref_slice %arg4[%dma_start3A_914, %multiple_of3A_907] : memref<16x1000000xf32, #tpu.memory_space<hbm>> -> memref<16x128xf32, #tpu.memory_space<hbm>>
    %dma_start3A_916 = arith.constant 0 : i32
    %dma_start3A_917 = arith.constant 0 : i32
    %dma_start3A_918 = tpu.memref_slice %arg34[%dma_start3A_916, %dma_start3A_917] : memref<16x128xf32, #tpu.memory_space<vmem>> -> memref<16x128xf32, #tpu.memory_space<vmem>>
    %dma_start3A_919 = arith.constant 0 : i32
    %dma_start3A_920 = tpu.memref_slice %arg4[%dma_start3A_919, %multiple_of3A_907] : memref<16x1000000xf32, #tpu.memory_space<hbm>> -> memref<16x128xf32, #tpu.memory_space<hbm>>
    tpu.enqueue_dma source(%dma_start3A_920 : memref<16x128xf32, #tpu.memory_space<hbm>>) target(%dma_start3A_918 : memref<16x128xf32, #tpu.memory_space<vmem>>) target_semaphore(%arg55 : memref<!tpu.dma_semaphore, #tpu.memory_space<semaphore_mem>>)
    %dma_start3A_921 = arith.constant 0 : i32
    %dma_start3A_922 = arith.constant 0 : i32
    %dma_start3A_923 = tpu.memref_slice %arg36[%dma_start3A_921, %dma_start3A_922] : memref<16x128xf32, #tpu.memory_space<vmem>> -> memref<16x128xf32, #tpu.memory_space<vmem>>
    %dma_start3A_924 = arith.constant 0 : i32
    %dma_start3A_925 = tpu.memref_slice %arg6[%dma_start3A_924, %multiple_of3A_907] : memref<16x1000000xf32, #tpu.memory_space<hbm>> -> memref<16x128xf32, #tpu.memory_space<hbm>>
    %dma_start3A_926 = arith.constant 0 : i32
    %dma_start3A_927 = arith.constant 0 : i32
    %dma_start3A_928 = tpu.memref_slice %arg36[%dma_start3A_926, %dma_start3A_927] : memref<16x128xf32, #tpu.memory_space<vmem>> -> memref<16x128xf32, #tpu.memory_space<vmem>>
    %dma_start3A_929 = arith.constant 0 : i32
    %dma_start3A_930 = tpu.memref_slice %arg6[%dma_start3A_929, %multiple_of3A_907] : memref<16x1000000xf32, #tpu.memory_space<hbm>> -> memref<16x128xf32, #tpu.memory_space<hbm>>
    tpu.enqueue_dma source(%dma_start3A_930 : memref<16x128xf32, #tpu.memory_space<hbm>>) target(%dma_start3A_928 : memref<16x128xf32, #tpu.memory_space<vmem>>) target_semaphore(%arg55 : memref<!tpu.dma_semaphore, #tpu.memory_space<semaphore_mem>>)
    %dma_start3A_931 = arith.constant 0 : i32
    %dma_start3A_932 = arith.constant 0 : i32
    %dma_start3A_933 = tpu.memref_slice %arg35[%dma_start3A_931, %dma_start3A_932] : memref<16x128xf32, #tpu.memory_space<vmem>> -> memref<16x128xf32, #tpu.memory_space<vmem>>
    %dma_start3A_934 = arith.constant 0 : i32
    %dma_start3A_935 = tpu.memref_slice %arg5[%dma_start3A_934, %multiple_of3A_910] : memref<16x1000000xf32, #tpu.memory_space<hbm>> -> memref<16x128xf32, #tpu.memory_space<hbm>>
    %dma_start3A_936 = arith.constant 0 : i32
    %dma_start3A_937 = arith.constant 0 : i32
    %dma_start3A_938 = tpu.memref_slice %arg35[%dma_start3A_936, %dma_start3A_937] : memref<16x128xf32, #tpu.memory_space<vmem>> -> memref<16x128xf32, #tpu.memory_space<vmem>>
    %dma_start3A_939 = arith.constant 0 : i32
    %dma_start3A_940 = tpu.memref_slice %arg5[%dma_start3A_939, %multiple_of3A_910] : memref<16x1000000xf32, #tpu.memory_space<hbm>> -> memref<16x128xf32, #tpu.memory_space<hbm>>
    tpu.enqueue_dma source(%dma_start3A_940 : memref<16x128xf32, #tpu.memory_space<hbm>>) target(%dma_start3A_938 : memref<16x128xf32, #tpu.memory_space<vmem>>) target_semaphore(%arg55 : memref<!tpu.dma_semaphore, #tpu.memory_space<semaphore_mem>>)
    %dma_start3A_941 = arith.constant 0 : i32
    %dma_start3A_942 = arith.constant 0 : i32
    %dma_start3A_943 = tpu.memref_slice %arg37[%dma_start3A_941, %dma_start3A_942] : memref<16x128xf32, #tpu.memory_space<vmem>> -> memref<16x128xf32, #tpu.memory_space<vmem>>
    %dma_start3A_944 = arith.constant 0 : i32
    %dma_start3A_945 = tpu.memref_slice %arg7[%dma_start3A_944, %multiple_of3A_910] : memref<16x1000000xf32, #tpu.memory_space<hbm>> -> memref<16x128xf32, #tpu.memory_space<hbm>>
    %dma_start3A_946 = arith.constant 0 : i32
    %dma_start3A_947 = arith.constant 0 : i32
    %dma_start3A_948 = tpu.memref_slice %arg37[%dma_start3A_946, %dma_start3A_947] : memref<16x128xf32, #tpu.memory_space<vmem>> -> memref<16x128xf32, #tpu.memory_space<vmem>>
    %dma_start3A_949 = arith.constant 0 : i32
    %dma_start3A_950 = tpu.memref_slice %arg7[%dma_start3A_949, %multiple_of3A_910] : memref<16x1000000xf32, #tpu.memory_space<hbm>> -> memref<16x128xf32, #tpu.memory_space<hbm>>
    tpu.enqueue_dma source(%dma_start3A_950 : memref<16x128xf32, #tpu.memory_space<hbm>>) target(%dma_start3A_948 : memref<16x128xf32, #tpu.memory_space<vmem>>) target_semaphore(%arg55 : memref<!tpu.dma_semaphore, #tpu.memory_space<semaphore_mem>>)
    %dma_wait3A_951 = arith.constant 0 : i32
    %dma_wait3A_952 = arith.constant 0 : i32
    %dma_wait3A_953 = tpu.memref_slice %arg4[%dma_wait3A_951, %dma_wait3A_952] : memref<16x1000000xf32, #tpu.memory_space<hbm>> -> memref<16x128xf32, #tpu.memory_space<hbm>>
    %dma_wait3A_954 = arith.constant 0 : i32
    %dma_wait3A_955 = arith.constant 0 : i32
    %dma_wait3A_956 = tpu.memref_slice %arg4[%dma_wait3A_954, %dma_wait3A_955] : memref<16x1000000xf32, #tpu.memory_space<hbm>> -> memref<16x128xf32, #tpu.memory_space<hbm>>
    tpu.wait_dma2 semaphore(%arg56 : memref<!tpu.dma_semaphore, #tpu.memory_space<semaphore_mem>>) src(%dma_wait3A_956 : memref<16x128xf32, #tpu.memory_space<hbm>>) dst(%arg38 : memref<16x128xf32, #tpu.memory_space<vmem>>)
    %dma_wait3A_957 = arith.constant 0 : i32
    %dma_wait3A_958 = arith.constant 0 : i32
    %dma_wait3A_959 = tpu.memref_slice %arg4[%dma_wait3A_957, %dma_wait3A_958] : memref<16x1000000xf32, #tpu.memory_space<hbm>> -> memref<16x128xf32, #tpu.memory_space<hbm>>
    %dma_wait3A_960 = arith.constant 0 : i32
    %dma_wait3A_961 = arith.constant 0 : i32
    %dma_wait3A_962 = tpu.memref_slice %arg4[%dma_wait3A_960, %dma_wait3A_961] : memref<16x1000000xf32, #tpu.memory_space<hbm>> -> memref<16x128xf32, #tpu.memory_space<hbm>>
    tpu.wait_dma2 semaphore(%arg56 : memref<!tpu.dma_semaphore, #tpu.memory_space<semaphore_mem>>) src(%dma_wait3A_962 : memref<16x128xf32, #tpu.memory_space<hbm>>) dst(%arg40 : memref<16x128xf32, #tpu.memory_space<vmem>>)
    %dma_wait3A_963 = arith.constant 0 : i32
    %dma_wait3A_964 = arith.constant 0 : i32
    %dma_wait3A_965 = tpu.memref_slice %arg4[%dma_wait3A_963, %dma_wait3A_964] : memref<16x1000000xf32, #tpu.memory_space<hbm>> -> memref<16x128xf32, #tpu.memory_space<hbm>>
    %dma_wait3A_966 = arith.constant 0 : i32
    %dma_wait3A_967 = arith.constant 0 : i32
    %dma_wait3A_968 = tpu.memref_slice %arg4[%dma_wait3A_966, %dma_wait3A_967] : memref<16x1000000xf32, #tpu.memory_space<hbm>> -> memref<16x128xf32, #tpu.memory_space<hbm>>
    tpu.wait_dma2 semaphore(%arg56 : memref<!tpu.dma_semaphore, #tpu.memory_space<semaphore_mem>>) src(%dma_wait3A_968 : memref<16x128xf32, #tpu.memory_space<hbm>>) dst(%arg39 : memref<16x128xf32, #tpu.memory_space<vmem>>)
    %dma_wait3A_969 = arith.constant 0 : i32
    %dma_wait3A_970 = arith.constant 0 : i32
    %dma_wait3A_971 = tpu.memref_slice %arg4[%dma_wait3A_969, %dma_wait3A_970] : memref<16x1000000xf32, #tpu.memory_space<hbm>> -> memref<16x128xf32, #tpu.memory_space<hbm>>
    %dma_wait3A_972 = arith.constant 0 : i32
    %dma_wait3A_973 = arith.constant 0 : i32
    %dma_wait3A_974 = tpu.memref_slice %arg4[%dma_wait3A_972, %dma_wait3A_973] : memref<16x1000000xf32, #tpu.memory_space<hbm>> -> memref<16x128xf32, #tpu.memory_space<hbm>>
    tpu.wait_dma2 semaphore(%arg56 : memref<!tpu.dma_semaphore, #tpu.memory_space<semaphore_mem>>) src(%dma_wait3A_974 : memref<16x128xf32, #tpu.memory_space<hbm>>) dst(%arg41 : memref<16x128xf32, #tpu.memory_space<vmem>>)
    %broadcast_in_dim3A_975 = arith.constant 6 : i32
    %broadcast_in_dim3A_976 = vector.broadcast %broadcast_in_dim3A_975 : i32 to vector<16xi32>
    %slice3A_977 = vector.extract_strided_slice %rem3A_9 {offsets = [6], sizes = [1], strides = [1]} : vector<16xi32> to vector<1xi32>
    %squeeze3A_978 = vector.extract %slice3A_977[0] : i32 from vector<1xi32>
    %add3A_979 = arith.constant 0 : i32
    %add3A_980 = arith.addi %squeeze3A_978, %add3A_979 : i32
    %broadcast_in_dim3A_981 = vector.broadcast %add3A_980 : i32 to vector<16xi32>
    %gather3A_982 = tpu.vector_load_idx %arg38[%iota3A, %broadcast_in_dim3A_981] : memref<16x128xf32, #tpu.memory_space<vmem>>[vector<16xi32>, vector<16xi32>], vector<16xf32>,
    tpu.vector_store_idx %arg46[%iota3A, %broadcast_in_dim3A_976], %gather3A_982 : memref<16x512xf32, #tpu.memory_space<vmem>>[vector<16xi32>, vector<16xi32>], vector<16xf32>,
    %slice3A_983 = vector.extract_strided_slice %rem3A_9 {offsets = [6], sizes = [1], strides = [1]} : vector<16xi32> to vector<1xi32>
    %squeeze3A_984 = vector.extract %slice3A_983[0] : i32 from vector<1xi32>
    %add3A_985 = arith.constant 0 : i32
    %add3A_986 = arith.addi %squeeze3A_984, %add3A_985 : i32
    %broadcast_in_dim3A_987 = vector.broadcast %add3A_986 : i32 to vector<16xi32>
    %gather3A_988 = tpu.vector_load_idx %arg40[%iota3A, %broadcast_in_dim3A_987] : memref<16x128xf32, #tpu.memory_space<vmem>>[vector<16xi32>, vector<16xi32>], vector<16xf32>,
    tpu.vector_store_idx %arg48[%iota3A, %broadcast_in_dim3A_976], %gather3A_988 : memref<16x512xf32, #tpu.memory_space<vmem>>[vector<16xi32>, vector<16xi32>], vector<16xf32>,
    %slice3A_989 = vector.extract_strided_slice %rem3A_12 {offsets = [6], sizes = [1], strides = [1]} : vector<16xi32> to vector<1xi32>
    %squeeze3A_990 = vector.extract %slice3A_989[0] : i32 from vector<1xi32>
    %add3A_991 = arith.constant 0 : i32
    %add3A_992 = arith.addi %squeeze3A_990, %add3A_991 : i32
    %broadcast_in_dim3A_993 = vector.broadcast %add3A_992 : i32 to vector<16xi32>
    %gather3A_994 = tpu.vector_load_idx %arg39[%iota3A, %broadcast_in_dim3A_993] : memref<16x128xf32, #tpu.memory_space<vmem>>[vector<16xi32>, vector<16xi32>], vector<16xf32>,
    tpu.vector_store_idx %arg47[%iota3A, %broadcast_in_dim3A_976], %gather3A_994 : memref<16x512xf32, #tpu.memory_space<vmem>>[vector<16xi32>, vector<16xi32>], vector<16xf32>,
    %slice3A_995 = vector.extract_strided_slice %rem3A_12 {offsets = [6], sizes = [1], strides = [1]} : vector<16xi32> to vector<1xi32>
    %squeeze3A_996 = vector.extract %slice3A_995[0] : i32 from vector<1xi32>
    %add3A_997 = arith.constant 0 : i32
    %add3A_998 = arith.addi %squeeze3A_996, %add3A_997 : i32
    %broadcast_in_dim3A_999 = vector.broadcast %add3A_998 : i32 to vector<16xi32>
    %gather3A_1000 = tpu.vector_load_idx %arg41[%iota3A, %broadcast_in_dim3A_999] : memref<16x128xf32, #tpu.memory_space<vmem>>[vector<16xi32>, vector<16xi32>], vector<16xf32>,
    tpu.vector_store_idx %arg49[%iota3A, %broadcast_in_dim3A_976], %gather3A_1000 : memref<16x512xf32, #tpu.memory_space<vmem>>[vector<16xi32>, vector<16xi32>], vector<16xf32>,
    %slice3A_1001 = vector.extract_strided_slice %sub3A {offsets = [14], sizes = [1], strides = [1]} : vector<16xi32> to vector<1xi32>
    %squeeze3A_1002 = vector.extract %slice3A_1001[0] : i32 from vector<1xi32>
    %multiple_of3A_1003 = tpu.assume_multiple %squeeze3A_1002, 128 : i32
    %slice3A_1004 = vector.extract_strided_slice %sub3A_13 {offsets = [14], sizes = [1], strides = [1]} : vector<16xi32> to vector<1xi32>
    %squeeze3A_1005 = vector.extract %slice3A_1004[0] : i32 from vector<1xi32>
    %multiple_of3A_1006 = tpu.assume_multiple %squeeze3A_1005, 128 : i32
    %dma_start3A_1007 = arith.constant 0 : i32
    %dma_start3A_1008 = arith.constant 0 : i32
    %dma_start3A_1009 = tpu.memref_slice %arg38[%dma_start3A_1007, %dma_start3A_1008] : memref<16x128xf32, #tpu.memory_space<vmem>> -> memref<16x128xf32, #tpu.memory_space<vmem>>
    %dma_start3A_1010 = arith.constant 0 : i32
    %dma_start3A_1011 = tpu.memref_slice %arg4[%dma_start3A_1010, %multiple_of3A_1003] : memref<16x1000000xf32, #tpu.memory_space<hbm>> -> memref<16x128xf32, #tpu.memory_space<hbm>>
    %dma_start3A_1012 = arith.constant 0 : i32
    %dma_start3A_1013 = arith.constant 0 : i32
    %dma_start3A_1014 = tpu.memref_slice %arg38[%dma_start3A_1012, %dma_start3A_1013] : memref<16x128xf32, #tpu.memory_space<vmem>> -> memref<16x128xf32, #tpu.memory_space<vmem>>
    %dma_start3A_1015 = arith.constant 0 : i32
    %dma_start3A_1016 = tpu.memref_slice %arg4[%dma_start3A_1015, %multiple_of3A_1003] : memref<16x1000000xf32, #tpu.memory_space<hbm>> -> memref<16x128xf32, #tpu.memory_space<hbm>>
    tpu.enqueue_dma source(%dma_start3A_1016 : memref<16x128xf32, #tpu.memory_space<hbm>>) target(%dma_start3A_1014 : memref<16x128xf32, #tpu.memory_space<vmem>>) target_semaphore(%arg56 : memref<!tpu.dma_semaphore, #tpu.memory_space<semaphore_mem>>)
    %dma_start3A_1017 = arith.constant 0 : i32
    %dma_start3A_1018 = arith.constant 0 : i32
    %dma_start3A_1019 = tpu.memref_slice %arg40[%dma_start3A_1017, %dma_start3A_1018] : memref<16x128xf32, #tpu.memory_space<vmem>> -> memref<16x128xf32, #tpu.memory_space<vmem>>
    %dma_start3A_1020 = arith.constant 0 : i32
    %dma_start3A_1021 = tpu.memref_slice %arg6[%dma_start3A_1020, %multiple_of3A_1003] : memref<16x1000000xf32, #tpu.memory_space<hbm>> -> memref<16x128xf32, #tpu.memory_space<hbm>>
    %dma_start3A_1022 = arith.constant 0 : i32
    %dma_start3A_1023 = arith.constant 0 : i32
    %dma_start3A_1024 = tpu.memref_slice %arg40[%dma_start3A_1022, %dma_start3A_1023] : memref<16x128xf32, #tpu.memory_space<vmem>> -> memref<16x128xf32, #tpu.memory_space<vmem>>
    %dma_start3A_1025 = arith.constant 0 : i32
    %dma_start3A_1026 = tpu.memref_slice %arg6[%dma_start3A_1025, %multiple_of3A_1003] : memref<16x1000000xf32, #tpu.memory_space<hbm>> -> memref<16x128xf32, #tpu.memory_space<hbm>>
    tpu.enqueue_dma source(%dma_start3A_1026 : memref<16x128xf32, #tpu.memory_space<hbm>>) target(%dma_start3A_1024 : memref<16x128xf32, #tpu.memory_space<vmem>>) target_semaphore(%arg56 : memref<!tpu.dma_semaphore, #tpu.memory_space<semaphore_mem>>)
    %dma_start3A_1027 = arith.constant 0 : i32
    %dma_start3A_1028 = arith.constant 0 : i32
    %dma_start3A_1029 = tpu.memref_slice %arg39[%dma_start3A_1027, %dma_start3A_1028] : memref<16x128xf32, #tpu.memory_space<vmem>> -> memref<16x128xf32, #tpu.memory_space<vmem>>
    %dma_start3A_1030 = arith.constant 0 : i32
    %dma_start3A_1031 = tpu.memref_slice %arg5[%dma_start3A_1030, %multiple_of3A_1006] : memref<16x1000000xf32, #tpu.memory_space<hbm>> -> memref<16x128xf32, #tpu.memory_space<hbm>>
    %dma_start3A_1032 = arith.constant 0 : i32
    %dma_start3A_1033 = arith.constant 0 : i32
    %dma_start3A_1034 = tpu.memref_slice %arg39[%dma_start3A_1032, %dma_start3A_1033] : memref<16x128xf32, #tpu.memory_space<vmem>> -> memref<16x128xf32, #tpu.memory_space<vmem>>
    %dma_start3A_1035 = arith.constant 0 : i32
    %dma_start3A_1036 = tpu.memref_slice %arg5[%dma_start3A_1035, %multiple_of3A_1006] : memref<16x1000000xf32, #tpu.memory_space<hbm>> -> memref<16x128xf32, #tpu.memory_space<hbm>>
    tpu.enqueue_dma source(%dma_start3A_1036 : memref<16x128xf32, #tpu.memory_space<hbm>>) target(%dma_start3A_1034 : memref<16x128xf32, #tpu.memory_space<vmem>>) target_semaphore(%arg56 : memref<!tpu.dma_semaphore, #tpu.memory_space<semaphore_mem>>)
    %dma_start3A_1037 = arith.constant 0 : i32
    %dma_start3A_1038 = arith.constant 0 : i32
    %dma_start3A_1039 = tpu.memref_slice %arg41[%dma_start3A_1037, %dma_start3A_1038] : memref<16x128xf32, #tpu.memory_space<vmem>> -> memref<16x128xf32, #tpu.memory_space<vmem>>
    %dma_start3A_1040 = arith.constant 0 : i32
    %dma_start3A_1041 = tpu.memref_slice %arg7[%dma_start3A_1040, %multiple_of3A_1006] : memref<16x1000000xf32, #tpu.memory_space<hbm>> -> memref<16x128xf32, #tpu.memory_space<hbm>>
    %dma_start3A_1042 = arith.constant 0 : i32
    %dma_start3A_1043 = arith.constant 0 : i32
    %dma_start3A_1044 = tpu.memref_slice %arg41[%dma_start3A_1042, %dma_start3A_1043] : memref<16x128xf32, #tpu.memory_space<vmem>> -> memref<16x128xf32, #tpu.memory_space<vmem>>
    %dma_start3A_1045 = arith.constant 0 : i32
    %dma_start3A_1046 = tpu.memref_slice %arg7[%dma_start3A_1045, %multiple_of3A_1006] : memref<16x1000000xf32, #tpu.memory_space<hbm>> -> memref<16x128xf32, #tpu.memory_space<hbm>>
    tpu.enqueue_dma source(%dma_start3A_1046 : memref<16x128xf32, #tpu.memory_space<hbm>>) target(%dma_start3A_1044 : memref<16x128xf32, #tpu.memory_space<vmem>>) target_semaphore(%arg56 : memref<!tpu.dma_semaphore, #tpu.memory_space<semaphore_mem>>)
    %dma_wait3A_1047 = arith.constant 0 : i32
    %dma_wait3A_1048 = arith.constant 0 : i32
    %dma_wait3A_1049 = tpu.memref_slice %arg4[%dma_wait3A_1047, %dma_wait3A_1048] : memref<16x1000000xf32, #tpu.memory_space<hbm>> -> memref<16x128xf32, #tpu.memory_space<hbm>>
    %dma_wait3A_1050 = arith.constant 0 : i32
    %dma_wait3A_1051 = arith.constant 0 : i32
    %dma_wait3A_1052 = tpu.memref_slice %arg4[%dma_wait3A_1050, %dma_wait3A_1051] : memref<16x1000000xf32, #tpu.memory_space<hbm>> -> memref<16x128xf32, #tpu.memory_space<hbm>>
    tpu.wait_dma2 semaphore(%arg57 : memref<!tpu.dma_semaphore, #tpu.memory_space<semaphore_mem>>) src(%dma_wait3A_1052 : memref<16x128xf32, #tpu.memory_space<hbm>>) dst(%arg42 : memref<16x128xf32, #tpu.memory_space<vmem>>)
    %dma_wait3A_1053 = arith.constant 0 : i32
    %dma_wait3A_1054 = arith.constant 0 : i32
    %dma_wait3A_1055 = tpu.memref_slice %arg4[%dma_wait3A_1053, %dma_wait3A_1054] : memref<16x1000000xf32, #tpu.memory_space<hbm>> -> memref<16x128xf32, #tpu.memory_space<hbm>>
    %dma_wait3A_1056 = arith.constant 0 : i32
    %dma_wait3A_1057 = arith.constant 0 : i32
    %dma_wait3A_1058 = tpu.memref_slice %arg4[%dma_wait3A_1056, %dma_wait3A_1057] : memref<16x1000000xf32, #tpu.memory_space<hbm>> -> memref<16x128xf32, #tpu.memory_space<hbm>>
    tpu.wait_dma2 semaphore(%arg57 : memref<!tpu.dma_semaphore, #tpu.memory_space<semaphore_mem>>) src(%dma_wait3A_1058 : memref<16x128xf32, #tpu.memory_space<hbm>>) dst(%arg44 : memref<16x128xf32, #tpu.memory_space<vmem>>)
    %dma_wait3A_1059 = arith.constant 0 : i32
    %dma_wait3A_1060 = arith.constant 0 : i32
    %dma_wait3A_1061 = tpu.memref_slice %arg4[%dma_wait3A_1059, %dma_wait3A_1060] : memref<16x1000000xf32, #tpu.memory_space<hbm>> -> memref<16x128xf32, #tpu.memory_space<hbm>>
    %dma_wait3A_1062 = arith.constant 0 : i32
    %dma_wait3A_1063 = arith.constant 0 : i32
    %dma_wait3A_1064 = tpu.memref_slice %arg4[%dma_wait3A_1062, %dma_wait3A_1063] : memref<16x1000000xf32, #tpu.memory_space<hbm>> -> memref<16x128xf32, #tpu.memory_space<hbm>>
    tpu.wait_dma2 semaphore(%arg57 : memref<!tpu.dma_semaphore, #tpu.memory_space<semaphore_mem>>) src(%dma_wait3A_1064 : memref<16x128xf32, #tpu.memory_space<hbm>>) dst(%arg43 : memref<16x128xf32, #tpu.memory_space<vmem>>)
    %dma_wait3A_1065 = arith.constant 0 : i32
    %dma_wait3A_1066 = arith.constant 0 : i32
    %dma_wait3A_1067 = tpu.memref_slice %arg4[%dma_wait3A_1065, %dma_wait3A_1066] : memref<16x1000000xf32, #tpu.memory_space<hbm>> -> memref<16x128xf32, #tpu.memory_space<hbm>>
    %dma_wait3A_1068 = arith.constant 0 : i32
    %dma_wait3A_1069 = arith.constant 0 : i32
    %dma_wait3A_1070 = tpu.memref_slice %arg4[%dma_wait3A_1068, %dma_wait3A_1069] : memref<16x1000000xf32, #tpu.memory_space<hbm>> -> memref<16x128xf32, #tpu.memory_space<hbm>>
    tpu.wait_dma2 semaphore(%arg57 : memref<!tpu.dma_semaphore, #tpu.memory_space<semaphore_mem>>) src(%dma_wait3A_1070 : memref<16x128xf32, #tpu.memory_space<hbm>>) dst(%arg45 : memref<16x128xf32, #tpu.memory_space<vmem>>)
    %broadcast_in_dim3A_1071 = arith.constant 7 : i32
    %broadcast_in_dim3A_1072 = vector.broadcast %broadcast_in_dim3A_1071 : i32 to vector<16xi32>
    %slice3A_1073 = vector.extract_strided_slice %rem3A_9 {offsets = [7], sizes = [1], strides = [1]} : vector<16xi32> to vector<1xi32>
    %squeeze3A_1074 = vector.extract %slice3A_1073[0] : i32 from vector<1xi32>
    %add3A_1075 = arith.constant 0 : i32
    %add3A_1076 = arith.addi %squeeze3A_1074, %add3A_1075 : i32
    %broadcast_in_dim3A_1077 = vector.broadcast %add3A_1076 : i32 to vector<16xi32>
    %gather3A_1078 = tpu.vector_load_idx %arg42[%iota3A, %broadcast_in_dim3A_1077] : memref<16x128xf32, #tpu.memory_space<vmem>>[vector<16xi32>, vector<16xi32>], vector<16xf32>,
    tpu.vector_store_idx %arg46[%iota3A, %broadcast_in_dim3A_1072], %gather3A_1078 : memref<16x512xf32, #tpu.memory_space<vmem>>[vector<16xi32>, vector<16xi32>], vector<16xf32>,
    %slice3A_1079 = vector.extract_strided_slice %rem3A_9 {offsets = [7], sizes = [1], strides = [1]} : vector<16xi32> to vector<1xi32>
    %squeeze3A_1080 = vector.extract %slice3A_1079[0] : i32 from vector<1xi32>
    %add3A_1081 = arith.constant 0 : i32
    %add3A_1082 = arith.addi %squeeze3A_1080, %add3A_1081 : i32
    %broadcast_in_dim3A_1083 = vector.broadcast %add3A_1082 : i32 to vector<16xi32>
    %gather3A_1084 = tpu.vector_load_idx %arg44[%iota3A, %broadcast_in_dim3A_1083] : memref<16x128xf32, #tpu.memory_space<vmem>>[vector<16xi32>, vector<16xi32>], vector<16xf32>,
    tpu.vector_store_idx %arg48[%iota3A, %broadcast_in_dim3A_1072], %gather3A_1084 : memref<16x512xf32, #tpu.memory_space<vmem>>[vector<16xi32>, vector<16xi32>], vector<16xf32>,
    %slice3A_1085 = vector.extract_strided_slice %rem3A_12 {offsets = [7], sizes = [1], strides = [1]} : vector<16xi32> to vector<1xi32>
    %squeeze3A_1086 = vector.extract %slice3A_1085[0] : i32 from vector<1xi32>
    %add3A_1087 = arith.constant 0 : i32
    %add3A_1088 = arith.addi %squeeze3A_1086, %add3A_1087 : i32
    %broadcast_in_dim3A_1089 = vector.broadcast %add3A_1088 : i32 to vector<16xi32>
    %gather3A_1090 = tpu.vector_load_idx %arg43[%iota3A, %broadcast_in_dim3A_1089] : memref<16x128xf32, #tpu.memory_space<vmem>>[vector<16xi32>, vector<16xi32>], vector<16xf32>,
    tpu.vector_store_idx %arg47[%iota3A, %broadcast_in_dim3A_1072], %gather3A_1090 : memref<16x512xf32, #tpu.memory_space<vmem>>[vector<16xi32>, vector<16xi32>], vector<16xf32>,
    %slice3A_1091 = vector.extract_strided_slice %rem3A_12 {offsets = [7], sizes = [1], strides = [1]} : vector<16xi32> to vector<1xi32>
    %squeeze3A_1092 = vector.extract %slice3A_1091[0] : i32 from vector<1xi32>
    %add3A_1093 = arith.constant 0 : i32
    %add3A_1094 = arith.addi %squeeze3A_1092, %add3A_1093 : i32
    %broadcast_in_dim3A_1095 = vector.broadcast %add3A_1094 : i32 to vector<16xi32>
    %gather3A_1096 = tpu.vector_load_idx %arg45[%iota3A, %broadcast_in_dim3A_1095] : memref<16x128xf32, #tpu.memory_space<vmem>>[vector<16xi32>, vector<16xi32>], vector<16xf32>,
    tpu.vector_store_idx %arg49[%iota3A, %broadcast_in_dim3A_1072], %gather3A_1096 : memref<16x512xf32, #tpu.memory_space<vmem>>[vector<16xi32>, vector<16xi32>], vector<16xf32>,
    %slice3A_1097 = vector.extract_strided_slice %sub3A {offsets = [15], sizes = [1], strides = [1]} : vector<16xi32> to vector<1xi32>
    %squeeze3A_1098 = vector.extract %slice3A_1097[0] : i32 from vector<1xi32>
    %multiple_of3A_1099 = tpu.assume_multiple %squeeze3A_1098, 128 : i32
    %slice3A_1100 = vector.extract_strided_slice %sub3A_13 {offsets = [15], sizes = [1], strides = [1]} : vector<16xi32> to vector<1xi32>
    %squeeze3A_1101 = vector.extract %slice3A_1100[0] : i32 from vector<1xi32>
    %multiple_of3A_1102 = tpu.assume_multiple %squeeze3A_1101, 128 : i32
    %dma_start3A_1103 = arith.constant 0 : i32
    %dma_start3A_1104 = arith.constant 0 : i32
    %dma_start3A_1105 = tpu.memref_slice %arg42[%dma_start3A_1103, %dma_start3A_1104] : memref<16x128xf32, #tpu.memory_space<vmem>> -> memref<16x128xf32, #tpu.memory_space<vmem>>
    %dma_start3A_1106 = arith.constant 0 : i32
    %dma_start3A_1107 = tpu.memref_slice %arg4[%dma_start3A_1106, %multiple_of3A_1099] : memref<16x1000000xf32, #tpu.memory_space<hbm>> -> memref<16x128xf32, #tpu.memory_space<hbm>>
    %dma_start3A_1108 = arith.constant 0 : i32
    %dma_start3A_1109 = arith.constant 0 : i32
    %dma_start3A_1110 = tpu.memref_slice %arg42[%dma_start3A_1108, %dma_start3A_1109] : memref<16x128xf32, #tpu.memory_space<vmem>> -> memref<16x128xf32, #tpu.memory_space<vmem>>
    %dma_start3A_1111 = arith.constant 0 : i32
    %dma_start3A_1112 = tpu.memref_slice %arg4[%dma_start3A_1111, %multiple_of3A_1099] : memref<16x1000000xf32, #tpu.memory_space<hbm>> -> memref<16x128xf32, #tpu.memory_space<hbm>>
    tpu.enqueue_dma source(%dma_start3A_1112 : memref<16x128xf32, #tpu.memory_space<hbm>>) target(%dma_start3A_1110 : memref<16x128xf32, #tpu.memory_space<vmem>>) target_semaphore(%arg57 : memref<!tpu.dma_semaphore, #tpu.memory_space<semaphore_mem>>)
    %dma_start3A_1113 = arith.constant 0 : i32
    %dma_start3A_1114 = arith.constant 0 : i32
    %dma_start3A_1115 = tpu.memref_slice %arg44[%dma_start3A_1113, %dma_start3A_1114] : memref<16x128xf32, #tpu.memory_space<vmem>> -> memref<16x128xf32, #tpu.memory_space<vmem>>
    %dma_start3A_1116 = arith.constant 0 : i32
    %dma_start3A_1117 = tpu.memref_slice %arg6[%dma_start3A_1116, %multiple_of3A_1099] : memref<16x1000000xf32, #tpu.memory_space<hbm>> -> memref<16x128xf32, #tpu.memory_space<hbm>>
    %dma_start3A_1118 = arith.constant 0 : i32
    %dma_start3A_1119 = arith.constant 0 : i32
    %dma_start3A_1120 = tpu.memref_slice %arg44[%dma_start3A_1118, %dma_start3A_1119] : memref<16x128xf32, #tpu.memory_space<vmem>> -> memref<16x128xf32, #tpu.memory_space<vmem>>
    %dma_start3A_1121 = arith.constant 0 : i32
    %dma_start3A_1122 = tpu.memref_slice %arg6[%dma_start3A_1121, %multiple_of3A_1099] : memref<16x1000000xf32, #tpu.memory_space<hbm>> -> memref<16x128xf32, #tpu.memory_space<hbm>>
    tpu.enqueue_dma source(%dma_start3A_1122 : memref<16x128xf32, #tpu.memory_space<hbm>>) target(%dma_start3A_1120 : memref<16x128xf32, #tpu.memory_space<vmem>>) target_semaphore(%arg57 : memref<!tpu.dma_semaphore, #tpu.memory_space<semaphore_mem>>)
    %dma_start3A_1123 = arith.constant 0 : i32
    %dma_start3A_1124 = arith.constant 0 : i32
    %dma_start3A_1125 = tpu.memref_slice %arg43[%dma_start3A_1123, %dma_start3A_1124] : memref<16x128xf32, #tpu.memory_space<vmem>> -> memref<16x128xf32, #tpu.memory_space<vmem>>
    %dma_start3A_1126 = arith.constant 0 : i32
    %dma_start3A_1127 = tpu.memref_slice %arg5[%dma_start3A_1126, %multiple_of3A_1102] : memref<16x1000000xf32, #tpu.memory_space<hbm>> -> memref<16x128xf32, #tpu.memory_space<hbm>>
    %dma_start3A_1128 = arith.constant 0 : i32
    %dma_start3A_1129 = arith.constant 0 : i32
    %dma_start3A_1130 = tpu.memref_slice %arg43[%dma_start3A_1128, %dma_start3A_1129] : memref<16x128xf32, #tpu.memory_space<vmem>> -> memref<16x128xf32, #tpu.memory_space<vmem>>
    %dma_start3A_1131 = arith.constant 0 : i32
    %dma_start3A_1132 = tpu.memref_slice %arg5[%dma_start3A_1131, %multiple_of3A_1102] : memref<16x1000000xf32, #tpu.memory_space<hbm>> -> memref<16x128xf32, #tpu.memory_space<hbm>>
    tpu.enqueue_dma source(%dma_start3A_1132 : memref<16x128xf32, #tpu.memory_space<hbm>>) target(%dma_start3A_1130 : memref<16x128xf32, #tpu.memory_space<vmem>>) target_semaphore(%arg57 : memref<!tpu.dma_semaphore, #tpu.memory_space<semaphore_mem>>)
    %dma_start3A_1133 = arith.constant 0 : i32
    %dma_start3A_1134 = arith.constant 0 : i32
    %dma_start3A_1135 = tpu.memref_slice %arg45[%dma_start3A_1133, %dma_start3A_1134] : memref<16x128xf32, #tpu.memory_space<vmem>> -> memref<16x128xf32, #tpu.memory_space<vmem>>
    %dma_start3A_1136 = arith.constant 0 : i32
    %dma_start3A_1137 = tpu.memref_slice %arg7[%dma_start3A_1136, %multiple_of3A_1102] : memref<16x1000000xf32, #tpu.memory_space<hbm>> -> memref<16x128xf32, #tpu.memory_space<hbm>>
    %dma_start3A_1138 = arith.constant 0 : i32
    %dma_start3A_1139 = arith.constant 0 : i32
    %dma_start3A_1140 = tpu.memref_slice %arg45[%dma_start3A_1138, %dma_start3A_1139] : memref<16x128xf32, #tpu.memory_space<vmem>> -> memref<16x128xf32, #tpu.memory_space<vmem>>
    %dma_start3A_1141 = arith.constant 0 : i32
    %dma_start3A_1142 = tpu.memref_slice %arg7[%dma_start3A_1141, %multiple_of3A_1102] : memref<16x1000000xf32, #tpu.memory_space<hbm>> -> memref<16x128xf32, #tpu.memory_space<hbm>>
    tpu.enqueue_dma source(%dma_start3A_1142 : memref<16x128xf32, #tpu.memory_space<hbm>>) target(%dma_start3A_1140 : memref<16x128xf32, #tpu.memory_space<vmem>>) target_semaphore(%arg57 : memref<!tpu.dma_semaphore, #tpu.memory_space<semaphore_mem>>)
    %dma_wait3A_1143 = arith.constant 0 : i32
    %dma_wait3A_1144 = arith.constant 0 : i32
    %dma_wait3A_1145 = tpu.memref_slice %arg4[%dma_wait3A_1143, %dma_wait3A_1144] : memref<16x1000000xf32, #tpu.memory_space<hbm>> -> memref<16x128xf32, #tpu.memory_space<hbm>>
    %dma_wait3A_1146 = arith.constant 0 : i32
    %dma_wait3A_1147 = arith.constant 0 : i32
    %dma_wait3A_1148 = tpu.memref_slice %arg4[%dma_wait3A_1146, %dma_wait3A_1147] : memref<16x1000000xf32, #tpu.memory_space<hbm>> -> memref<16x128xf32, #tpu.memory_space<hbm>>
    tpu.wait_dma2 semaphore(%arg50 : memref<!tpu.dma_semaphore, #tpu.memory_space<semaphore_mem>>) src(%dma_wait3A_1148 : memref<16x128xf32, #tpu.memory_space<hbm>>) dst(%arg14 : memref<16x128xf32, #tpu.memory_space<vmem>>)
    %dma_wait3A_1149 = arith.constant 0 : i32
    %dma_wait3A_1150 = arith.constant 0 : i32
    %dma_wait3A_1151 = tpu.memref_slice %arg4[%dma_wait3A_1149, %dma_wait3A_1150] : memref<16x1000000xf32, #tpu.memory_space<hbm>> -> memref<16x128xf32, #tpu.memory_space<hbm>>
    %dma_wait3A_1152 = arith.constant 0 : i32
    %dma_wait3A_1153 = arith.constant 0 : i32
    %dma_wait3A_1154 = tpu.memref_slice %arg4[%dma_wait3A_1152, %dma_wait3A_1153] : memref<16x1000000xf32, #tpu.memory_space<hbm>> -> memref<16x128xf32, #tpu.memory_space<hbm>>
    tpu.wait_dma2 semaphore(%arg50 : memref<!tpu.dma_semaphore, #tpu.memory_space<semaphore_mem>>) src(%dma_wait3A_1154 : memref<16x128xf32, #tpu.memory_space<hbm>>) dst(%arg16 : memref<16x128xf32, #tpu.memory_space<vmem>>)
    %dma_wait3A_1155 = arith.constant 0 : i32
    %dma_wait3A_1156 = arith.constant 0 : i32
    %dma_wait3A_1157 = tpu.memref_slice %arg4[%dma_wait3A_1155, %dma_wait3A_1156] : memref<16x1000000xf32, #tpu.memory_space<hbm>> -> memref<16x128xf32, #tpu.memory_space<hbm>>
    %dma_wait3A_1158 = arith.constant 0 : i32
    %dma_wait3A_1159 = arith.constant 0 : i32
    %dma_wait3A_1160 = tpu.memref_slice %arg4[%dma_wait3A_1158, %dma_wait3A_1159] : memref<16x1000000xf32, #tpu.memory_space<hbm>> -> memref<16x128xf32, #tpu.memory_space<hbm>>
    tpu.wait_dma2 semaphore(%arg50 : memref<!tpu.dma_semaphore, #tpu.memory_space<semaphore_mem>>) src(%dma_wait3A_1160 : memref<16x128xf32, #tpu.memory_space<hbm>>) dst(%arg15 : memref<16x128xf32, #tpu.memory_space<vmem>>)
    %dma_wait3A_1161 = arith.constant 0 : i32
    %dma_wait3A_1162 = arith.constant 0 : i32
    %dma_wait3A_1163 = tpu.memref_slice %arg4[%dma_wait3A_1161, %dma_wait3A_1162] : memref<16x1000000xf32, #tpu.memory_space<hbm>> -> memref<16x128xf32, #tpu.memory_space<hbm>>
    %dma_wait3A_1164 = arith.constant 0 : i32
    %dma_wait3A_1165 = arith.constant 0 : i32
    %dma_wait3A_1166 = tpu.memref_slice %arg4[%dma_wait3A_1164, %dma_wait3A_1165] : memref<16x1000000xf32, #tpu.memory_space<hbm>> -> memref<16x128xf32, #tpu.memory_space<hbm>>
    tpu.wait_dma2 semaphore(%arg50 : memref<!tpu.dma_semaphore, #tpu.memory_space<semaphore_mem>>) src(%dma_wait3A_1166 : memref<16x128xf32, #tpu.memory_space<hbm>>) dst(%arg17 : memref<16x128xf32, #tpu.memory_space<vmem>>)
    %broadcast_in_dim3A_1167 = arith.constant 8 : i32
    %broadcast_in_dim3A_1168 = vector.broadcast %broadcast_in_dim3A_1167 : i32 to vector<16xi32>
    %slice3A_1169 = vector.extract_strided_slice %rem3A_9 {offsets = [8], sizes = [1], strides = [1]} : vector<16xi32> to vector<1xi32>
    %squeeze3A_1170 = vector.extract %slice3A_1169[0] : i32 from vector<1xi32>
    %add3A_1171 = arith.constant 0 : i32
    %add3A_1172 = arith.addi %squeeze3A_1170, %add3A_1171 : i32
    %broadcast_in_dim3A_1173 = vector.broadcast %add3A_1172 : i32 to vector<16xi32>
    %gather3A_1174 = tpu.vector_load_idx %arg14[%iota3A, %broadcast_in_dim3A_1173] : memref<16x128xf32, #tpu.memory_space<vmem>>[vector<16xi32>, vector<16xi32>], vector<16xf32>,
    tpu.vector_store_idx %arg46[%iota3A, %broadcast_in_dim3A_1168], %gather3A_1174 : memref<16x512xf32, #tpu.memory_space<vmem>>[vector<16xi32>, vector<16xi32>], vector<16xf32>,
    %slice3A_1175 = vector.extract_strided_slice %rem3A_9 {offsets = [8], sizes = [1], strides = [1]} : vector<16xi32> to vector<1xi32>
    %squeeze3A_1176 = vector.extract %slice3A_1175[0] : i32 from vector<1xi32>
    %add3A_1177 = arith.constant 0 : i32
    %add3A_1178 = arith.addi %squeeze3A_1176, %add3A_1177 : i32
    %broadcast_in_dim3A_1179 = vector.broadcast %add3A_1178 : i32 to vector<16xi32>
    %gather3A_1180 = tpu.vector_load_idx %arg16[%iota3A, %broadcast_in_dim3A_1179] : memref<16x128xf32, #tpu.memory_space<vmem>>[vector<16xi32>, vector<16xi32>], vector<16xf32>,
    tpu.vector_store_idx %arg48[%iota3A, %broadcast_in_dim3A_1168], %gather3A_1180 : memref<16x512xf32, #tpu.memory_space<vmem>>[vector<16xi32>, vector<16xi32>], vector<16xf32>,
    %slice3A_1181 = vector.extract_strided_slice %rem3A_12 {offsets = [8], sizes = [1], strides = [1]} : vector<16xi32> to vector<1xi32>
    %squeeze3A_1182 = vector.extract %slice3A_1181[0] : i32 from vector<1xi32>
    %add3A_1183 = arith.constant 0 : i32
    %add3A_1184 = arith.addi %squeeze3A_1182, %add3A_1183 : i32
    %broadcast_in_dim3A_1185 = vector.broadcast %add3A_1184 : i32 to vector<16xi32>
    %gather3A_1186 = tpu.vector_load_idx %arg15[%iota3A, %broadcast_in_dim3A_1185] : memref<16x128xf32, #tpu.memory_space<vmem>>[vector<16xi32>, vector<16xi32>], vector<16xf32>,
    tpu.vector_store_idx %arg47[%iota3A, %broadcast_in_dim3A_1168], %gather3A_1186 : memref<16x512xf32, #tpu.memory_space<vmem>>[vector<16xi32>, vector<16xi32>], vector<16xf32>,
    %slice3A_1187 = vector.extract_strided_slice %rem3A_12 {offsets = [8], sizes = [1], strides = [1]} : vector<16xi32> to vector<1xi32>
    %squeeze3A_1188 = vector.extract %slice3A_1187[0] : i32 from vector<1xi32>
    %add3A_1189 = arith.constant 0 : i32
    %add3A_1190 = arith.addi %squeeze3A_1188, %add3A_1189 : i32
    %broadcast_in_dim3A_1191 = vector.broadcast %add3A_1190 : i32 to vector<16xi32>
    %gather3A_1192 = tpu.vector_load_idx %arg17[%iota3A, %broadcast_in_dim3A_1191] : memref<16x128xf32, #tpu.memory_space<vmem>>[vector<16xi32>, vector<16xi32>], vector<16xf32>,
    tpu.vector_store_idx %arg49[%iota3A, %broadcast_in_dim3A_1168], %gather3A_1192 : memref<16x512xf32, #tpu.memory_space<vmem>>[vector<16xi32>, vector<16xi32>], vector<16xf32>,
    %scan3A = arith.constant 1 : i32
    %scan3A_1193 = arith.constant 31 : i32
    %scan3A_1194 = arith.addi %scan3A, %scan3A_1193 : i32
    %scan3A_1195 = arith.constant 1 : i32
    %scan3A_1196:2 = scf.for %scan3A_1551 = %scan3A to %scan3A_1194 step %scan3A_1195 iter_args(%scan3A_1552 = %rem3A_9, %scan3A_1553 = %rem3A_12) -> (vector<16xi32>, vector<16xi32>)  : i32 {
      %mul3A_1554 = arith.constant 16 : i32
      %mul3A_1555 = arith.muli %scan3A_1551, %mul3A_1554 : i32
      %get3A_1556 = arith.index_cast %mul3A_1555 : i32 to index
      %get3A_1557 = tpu.vector_load %arg12[%get3A_1556] {strides = array<i32>} : memref<512xi32, #tpu.memory_space<vmem>>, vector<16xi32>,
      %mul3A_1558 = arith.constant 16 : i32
      %mul3A_1559 = arith.muli %scan3A_1551, %mul3A_1558 : i32
      %get3A_1560 = arith.index_cast %mul3A_1559 : i32 to index
      %get3A_1561 = tpu.vector_load %arg13[%get3A_1560] {strides = array<i32>} : memref<512xi32, #tpu.memory_space<vmem>>, vector<16xi32>,
      %rem3A_1562 = arith.constant 128 : i32
      %rem3A_1563 = vector.broadcast %rem3A_1562 : i32 to vector<16xi32>
      %rem3A_1564 = arith.remsi %get3A_1557, %rem3A_1563 : vector<16xi32>
      %rem3A_1565 = arith.constant 128 : i32
      %rem3A_1566 = vector.broadcast %rem3A_1565 : i32 to vector<16xi32>
      %rem3A_1567 = arith.remsi %get3A_1561, %rem3A_1566 : vector<16xi32>
      %sub3A_1568 = arith.subi %get3A_1557, %rem3A_1564 : vector<16xi32>
      %sub3A_1569 = arith.subi %get3A_1561, %rem3A_1567 : vector<16xi32>
      %mul3A_1570 = arith.constant 16 : i32
      %mul3A_1571 = arith.muli %scan3A_1551, %mul3A_1570 : i32
      %slice3A_1572 = vector.extract_strided_slice %sub3A_1568 {offsets = [0], sizes = [1], strides = [1]} : vector<16xi32> to vector<1xi32>
      %squeeze3A_1573 = vector.extract %slice3A_1572[0] : i32 from vector<1xi32>
      %multiple_of3A_1574 = tpu.assume_multiple %squeeze3A_1573, 128 : i32
      %slice3A_1575 = vector.extract_strided_slice %sub3A_1569 {offsets = [0], sizes = [1], strides = [1]} : vector<16xi32> to vector<1xi32>
      %squeeze3A_1576 = vector.extract %slice3A_1575[0] : i32 from vector<1xi32>
      %multiple_of3A_1577 = tpu.assume_multiple %squeeze3A_1576, 128 : i32
      %dma_start3A_1578 = arith.constant 0 : i32
      %dma_start3A_1579 = arith.constant 0 : i32
      %dma_start3A_1580 = tpu.memref_slice %arg14[%dma_start3A_1578, %dma_start3A_1579] : memref<16x128xf32, #tpu.memory_space<vmem>> -> memref<16x128xf32, #tpu.memory_space<vmem>>
      %dma_start3A_1581 = arith.constant 0 : i32
      %dma_start3A_1582 = tpu.memref_slice %arg4[%dma_start3A_1581, %multiple_of3A_1574] : memref<16x1000000xf32, #tpu.memory_space<hbm>> -> memref<16x128xf32, #tpu.memory_space<hbm>>
      %dma_start3A_1583 = arith.constant 0 : i32
      %dma_start3A_1584 = arith.constant 0 : i32
      %dma_start3A_1585 = tpu.memref_slice %arg14[%dma_start3A_1583, %dma_start3A_1584] : memref<16x128xf32, #tpu.memory_space<vmem>> -> memref<16x128xf32, #tpu.memory_space<vmem>>
      %dma_start3A_1586 = arith.constant 0 : i32
      %dma_start3A_1587 = tpu.memref_slice %arg4[%dma_start3A_1586, %multiple_of3A_1574] : memref<16x1000000xf32, #tpu.memory_space<hbm>> -> memref<16x128xf32, #tpu.memory_space<hbm>>
      tpu.enqueue_dma source(%dma_start3A_1587 : memref<16x128xf32, #tpu.memory_space<hbm>>) target(%dma_start3A_1585 : memref<16x128xf32, #tpu.memory_space<vmem>>) target_semaphore(%arg50 : memref<!tpu.dma_semaphore, #tpu.memory_space<semaphore_mem>>)
      %dma_start3A_1588 = arith.constant 0 : i32
      %dma_start3A_1589 = arith.constant 0 : i32
      %dma_start3A_1590 = tpu.memref_slice %arg16[%dma_start3A_1588, %dma_start3A_1589] : memref<16x128xf32, #tpu.memory_space<vmem>> -> memref<16x128xf32, #tpu.memory_space<vmem>>
      %dma_start3A_1591 = arith.constant 0 : i32
      %dma_start3A_1592 = tpu.memref_slice %arg6[%dma_start3A_1591, %multiple_of3A_1574] : memref<16x1000000xf32, #tpu.memory_space<hbm>> -> memref<16x128xf32, #tpu.memory_space<hbm>>
      %dma_start3A_1593 = arith.constant 0 : i32
      %dma_start3A_1594 = arith.constant 0 : i32
      %dma_start3A_1595 = tpu.memref_slice %arg16[%dma_start3A_1593, %dma_start3A_1594] : memref<16x128xf32, #tpu.memory_space<vmem>> -> memref<16x128xf32, #tpu.memory_space<vmem>>
      %dma_start3A_1596 = arith.constant 0 : i32
      %dma_start3A_1597 = tpu.memref_slice %arg6[%dma_start3A_1596, %multiple_of3A_1574] : memref<16x1000000xf32, #tpu.memory_space<hbm>> -> memref<16x128xf32, #tpu.memory_space<hbm>>
      tpu.enqueue_dma source(%dma_start3A_1597 : memref<16x128xf32, #tpu.memory_space<hbm>>) target(%dma_start3A_1595 : memref<16x128xf32, #tpu.memory_space<vmem>>) target_semaphore(%arg50 : memref<!tpu.dma_semaphore, #tpu.memory_space<semaphore_mem>>)
      %dma_start3A_1598 = arith.constant 0 : i32
      %dma_start3A_1599 = arith.constant 0 : i32
      %dma_start3A_1600 = tpu.memref_slice %arg15[%dma_start3A_1598, %dma_start3A_1599] : memref<16x128xf32, #tpu.memory_space<vmem>> -> memref<16x128xf32, #tpu.memory_space<vmem>>
      %dma_start3A_1601 = arith.constant 0 : i32
      %dma_start3A_1602 = tpu.memref_slice %arg5[%dma_start3A_1601, %multiple_of3A_1577] : memref<16x1000000xf32, #tpu.memory_space<hbm>> -> memref<16x128xf32, #tpu.memory_space<hbm>>
      %dma_start3A_1603 = arith.constant 0 : i32
      %dma_start3A_1604 = arith.constant 0 : i32
      %dma_start3A_1605 = tpu.memref_slice %arg15[%dma_start3A_1603, %dma_start3A_1604] : memref<16x128xf32, #tpu.memory_space<vmem>> -> memref<16x128xf32, #tpu.memory_space<vmem>>
      %dma_start3A_1606 = arith.constant 0 : i32
      %dma_start3A_1607 = tpu.memref_slice %arg5[%dma_start3A_1606, %multiple_of3A_1577] : memref<16x1000000xf32, #tpu.memory_space<hbm>> -> memref<16x128xf32, #tpu.memory_space<hbm>>
      tpu.enqueue_dma source(%dma_start3A_1607 : memref<16x128xf32, #tpu.memory_space<hbm>>) target(%dma_start3A_1605 : memref<16x128xf32, #tpu.memory_space<vmem>>) target_semaphore(%arg50 : memref<!tpu.dma_semaphore, #tpu.memory_space<semaphore_mem>>)
      %dma_start3A_1608 = arith.constant 0 : i32
      %dma_start3A_1609 = arith.constant 0 : i32
      %dma_start3A_1610 = tpu.memref_slice %arg17[%dma_start3A_1608, %dma_start3A_1609] : memref<16x128xf32, #tpu.memory_space<vmem>> -> memref<16x128xf32, #tpu.memory_space<vmem>>
      %dma_start3A_1611 = arith.constant 0 : i32
      %dma_start3A_1612 = tpu.memref_slice %arg7[%dma_start3A_1611, %multiple_of3A_1577] : memref<16x1000000xf32, #tpu.memory_space<hbm>> -> memref<16x128xf32, #tpu.memory_space<hbm>>
      %dma_start3A_1613 = arith.constant 0 : i32
      %dma_start3A_1614 = arith.constant 0 : i32
      %dma_start3A_1615 = tpu.memref_slice %arg17[%dma_start3A_1613, %dma_start3A_1614] : memref<16x128xf32, #tpu.memory_space<vmem>> -> memref<16x128xf32, #tpu.memory_space<vmem>>
      %dma_start3A_1616 = arith.constant 0 : i32
      %dma_start3A_1617 = tpu.memref_slice %arg7[%dma_start3A_1616, %multiple_of3A_1577] : memref<16x1000000xf32, #tpu.memory_space<hbm>> -> memref<16x128xf32, #tpu.memory_space<hbm>>
      tpu.enqueue_dma source(%dma_start3A_1617 : memref<16x128xf32, #tpu.memory_space<hbm>>) target(%dma_start3A_1615 : memref<16x128xf32, #tpu.memory_space<vmem>>) target_semaphore(%arg50 : memref<!tpu.dma_semaphore, #tpu.memory_space<semaphore_mem>>)
      %sub3A_1618 = arith.constant 16 : i32
      %sub3A_1619 = arith.subi %mul3A_1571, %sub3A_1618 : i32
      %add3A_1620 = arith.constant 9 : i32
      %add3A_1621 = arith.addi %sub3A_1619, %add3A_1620 : i32
      %dma_wait3A_1622 = arith.constant 0 : i32
      %dma_wait3A_1623 = arith.constant 0 : i32
      %dma_wait3A_1624 = tpu.memref_slice %arg4[%dma_wait3A_1622, %dma_wait3A_1623] : memref<16x1000000xf32, #tpu.memory_space<hbm>> -> memref<16x128xf32, #tpu.memory_space<hbm>>
      %dma_wait3A_1625 = arith.constant 0 : i32
      %dma_wait3A_1626 = arith.constant 0 : i32
      %dma_wait3A_1627 = tpu.memref_slice %arg4[%dma_wait3A_1625, %dma_wait3A_1626] : memref<16x1000000xf32, #tpu.memory_space<hbm>> -> memref<16x128xf32, #tpu.memory_space<hbm>>
      tpu.wait_dma2 semaphore(%arg51 : memref<!tpu.dma_semaphore, #tpu.memory_space<semaphore_mem>>) src(%dma_wait3A_1627 : memref<16x128xf32, #tpu.memory_space<hbm>>) dst(%arg18 : memref<16x128xf32, #tpu.memory_space<vmem>>)
      %dma_wait3A_1628 = arith.constant 0 : i32
      %dma_wait3A_1629 = arith.constant 0 : i32
      %dma_wait3A_1630 = tpu.memref_slice %arg4[%dma_wait3A_1628, %dma_wait3A_1629] : memref<16x1000000xf32, #tpu.memory_space<hbm>> -> memref<16x128xf32, #tpu.memory_space<hbm>>
      %dma_wait3A_1631 = arith.constant 0 : i32
      %dma_wait3A_1632 = arith.constant 0 : i32
      %dma_wait3A_1633 = tpu.memref_slice %arg4[%dma_wait3A_1631, %dma_wait3A_1632] : memref<16x1000000xf32, #tpu.memory_space<hbm>> -> memref<16x128xf32, #tpu.memory_space<hbm>>
      tpu.wait_dma2 semaphore(%arg51 : memref<!tpu.dma_semaphore, #tpu.memory_space<semaphore_mem>>) src(%dma_wait3A_1633 : memref<16x128xf32, #tpu.memory_space<hbm>>) dst(%arg20 : memref<16x128xf32, #tpu.memory_space<vmem>>)
      %dma_wait3A_1634 = arith.constant 0 : i32
      %dma_wait3A_1635 = arith.constant 0 : i32
      %dma_wait3A_1636 = tpu.memref_slice %arg4[%dma_wait3A_1634, %dma_wait3A_1635] : memref<16x1000000xf32, #tpu.memory_space<hbm>> -> memref<16x128xf32, #tpu.memory_space<hbm>>
      %dma_wait3A_1637 = arith.constant 0 : i32
      %dma_wait3A_1638 = arith.constant 0 : i32
      %dma_wait3A_1639 = tpu.memref_slice %arg4[%dma_wait3A_1637, %dma_wait3A_1638] : memref<16x1000000xf32, #tpu.memory_space<hbm>> -> memref<16x128xf32, #tpu.memory_space<hbm>>
      tpu.wait_dma2 semaphore(%arg51 : memref<!tpu.dma_semaphore, #tpu.memory_space<semaphore_mem>>) src(%dma_wait3A_1639 : memref<16x128xf32, #tpu.memory_space<hbm>>) dst(%arg19 : memref<16x128xf32, #tpu.memory_space<vmem>>)
      %dma_wait3A_1640 = arith.constant 0 : i32
      %dma_wait3A_1641 = arith.constant 0 : i32
      %dma_wait3A_1642 = tpu.memref_slice %arg4[%dma_wait3A_1640, %dma_wait3A_1641] : memref<16x1000000xf32, #tpu.memory_space<hbm>> -> memref<16x128xf32, #tpu.memory_space<hbm>>
      %dma_wait3A_1643 = arith.constant 0 : i32
      %dma_wait3A_1644 = arith.constant 0 : i32
      %dma_wait3A_1645 = tpu.memref_slice %arg4[%dma_wait3A_1643, %dma_wait3A_1644] : memref<16x1000000xf32, #tpu.memory_space<hbm>> -> memref<16x128xf32, #tpu.memory_space<hbm>>
      tpu.wait_dma2 semaphore(%arg51 : memref<!tpu.dma_semaphore, #tpu.memory_space<semaphore_mem>>) src(%dma_wait3A_1645 : memref<16x128xf32, #tpu.memory_space<hbm>>) dst(%arg21 : memref<16x128xf32, #tpu.memory_space<vmem>>)
      %add3A_1646 = arith.constant 0 : i32
      %add3A_1647 = arith.addi %add3A_1621, %add3A_1646 : i32
      %broadcast_in_dim3A_1648 = vector.broadcast %add3A_1647 : i32 to vector<16xi32>
      %slice3A_1649 = vector.extract_strided_slice %scan3A_1552 {offsets = [9], sizes = [1], strides = [1]} : vector<16xi32> to vector<1xi32>
      %squeeze3A_1650 = vector.extract %slice3A_1649[0] : i32 from vector<1xi32>
      %add3A_1651 = arith.constant 0 : i32
      %add3A_1652 = arith.addi %squeeze3A_1650, %add3A_1651 : i32
      %broadcast_in_dim3A_1653 = vector.broadcast %add3A_1652 : i32 to vector<16xi32>
      %gather3A_1654 = tpu.vector_load_idx %arg18[%iota3A, %broadcast_in_dim3A_1653] : memref<16x128xf32, #tpu.memory_space<vmem>>[vector<16xi32>, vector<16xi32>], vector<16xf32>,
      tpu.vector_store_idx %arg46[%iota3A, %broadcast_in_dim3A_1648], %gather3A_1654 : memref<16x512xf32, #tpu.memory_space<vmem>>[vector<16xi32>, vector<16xi32>], vector<16xf32>,
      %slice3A_1655 = vector.extract_strided_slice %scan3A_1552 {offsets = [9], sizes = [1], strides = [1]} : vector<16xi32> to vector<1xi32>
      %squeeze3A_1656 = vector.extract %slice3A_1655[0] : i32 from vector<1xi32>
      %add3A_1657 = arith.constant 0 : i32
      %add3A_1658 = arith.addi %squeeze3A_1656, %add3A_1657 : i32
      %broadcast_in_dim3A_1659 = vector.broadcast %add3A_1658 : i32 to vector<16xi32>
      %gather3A_1660 = tpu.vector_load_idx %arg20[%iota3A, %broadcast_in_dim3A_1659] : memref<16x128xf32, #tpu.memory_space<vmem>>[vector<16xi32>, vector<16xi32>], vector<16xf32>,
      tpu.vector_store_idx %arg48[%iota3A, %broadcast_in_dim3A_1648], %gather3A_1660 : memref<16x512xf32, #tpu.memory_space<vmem>>[vector<16xi32>, vector<16xi32>], vector<16xf32>,
      %slice3A_1661 = vector.extract_strided_slice %scan3A_1553 {offsets = [9], sizes = [1], strides = [1]} : vector<16xi32> to vector<1xi32>
      %squeeze3A_1662 = vector.extract %slice3A_1661[0] : i32 from vector<1xi32>
      %add3A_1663 = arith.constant 0 : i32
      %add3A_1664 = arith.addi %squeeze3A_1662, %add3A_1663 : i32
      %broadcast_in_dim3A_1665 = vector.broadcast %add3A_1664 : i32 to vector<16xi32>
      %gather3A_1666 = tpu.vector_load_idx %arg19[%iota3A, %broadcast_in_dim3A_1665] : memref<16x128xf32, #tpu.memory_space<vmem>>[vector<16xi32>, vector<16xi32>], vector<16xf32>,
      tpu.vector_store_idx %arg47[%iota3A, %broadcast_in_dim3A_1648], %gather3A_1666 : memref<16x512xf32, #tpu.memory_space<vmem>>[vector<16xi32>, vector<16xi32>], vector<16xf32>,
      %slice3A_1667 = vector.extract_strided_slice %scan3A_1553 {offsets = [9], sizes = [1], strides = [1]} : vector<16xi32> to vector<1xi32>
      %squeeze3A_1668 = vector.extract %slice3A_1667[0] : i32 from vector<1xi32>
      %add3A_1669 = arith.constant 0 : i32
      %add3A_1670 = arith.addi %squeeze3A_1668, %add3A_1669 : i32
      %broadcast_in_dim3A_1671 = vector.broadcast %add3A_1670 : i32 to vector<16xi32>
      %gather3A_1672 = tpu.vector_load_idx %arg21[%iota3A, %broadcast_in_dim3A_1671] : memref<16x128xf32, #tpu.memory_space<vmem>>[vector<16xi32>, vector<16xi32>], vector<16xf32>,
      tpu.vector_store_idx %arg49[%iota3A, %broadcast_in_dim3A_1648], %gather3A_1672 : memref<16x512xf32, #tpu.memory_space<vmem>>[vector<16xi32>, vector<16xi32>], vector<16xf32>,
      %slice3A_1673 = vector.extract_strided_slice %sub3A_1568 {offsets = [1], sizes = [1], strides = [1]} : vector<16xi32> to vector<1xi32>
      %squeeze3A_1674 = vector.extract %slice3A_1673[0] : i32 from vector<1xi32>
      %multiple_of3A_1675 = tpu.assume_multiple %squeeze3A_1674, 128 : i32
      %slice3A_1676 = vector.extract_strided_slice %sub3A_1569 {offsets = [1], sizes = [1], strides = [1]} : vector<16xi32> to vector<1xi32>
      %squeeze3A_1677 = vector.extract %slice3A_1676[0] : i32 from vector<1xi32>
      %multiple_of3A_1678 = tpu.assume_multiple %squeeze3A_1677, 128 : i32
      %dma_start3A_1679 = arith.constant 0 : i32
      %dma_start3A_1680 = arith.constant 0 : i32
      %dma_start3A_1681 = tpu.memref_slice %arg18[%dma_start3A_1679, %dma_start3A_1680] : memref<16x128xf32, #tpu.memory_space<vmem>> -> memref<16x128xf32, #tpu.memory_space<vmem>>
      %dma_start3A_1682 = arith.constant 0 : i32
      %dma_start3A_1683 = tpu.memref_slice %arg4[%dma_start3A_1682, %multiple_of3A_1675] : memref<16x1000000xf32, #tpu.memory_space<hbm>> -> memref<16x128xf32, #tpu.memory_space<hbm>>
      %dma_start3A_1684 = arith.constant 0 : i32
      %dma_start3A_1685 = arith.constant 0 : i32
      %dma_start3A_1686 = tpu.memref_slice %arg18[%dma_start3A_1684, %dma_start3A_1685] : memref<16x128xf32, #tpu.memory_space<vmem>> -> memref<16x128xf32, #tpu.memory_space<vmem>>
      %dma_start3A_1687 = arith.constant 0 : i32
      %dma_start3A_1688 = tpu.memref_slice %arg4[%dma_start3A_1687, %multiple_of3A_1675] : memref<16x1000000xf32, #tpu.memory_space<hbm>> -> memref<16x128xf32, #tpu.memory_space<hbm>>
      tpu.enqueue_dma source(%dma_start3A_1688 : memref<16x128xf32, #tpu.memory_space<hbm>>) target(%dma_start3A_1686 : memref<16x128xf32, #tpu.memory_space<vmem>>) target_semaphore(%arg51 : memref<!tpu.dma_semaphore, #tpu.memory_space<semaphore_mem>>)
      %dma_start3A_1689 = arith.constant 0 : i32
      %dma_start3A_1690 = arith.constant 0 : i32
      %dma_start3A_1691 = tpu.memref_slice %arg20[%dma_start3A_1689, %dma_start3A_1690] : memref<16x128xf32, #tpu.memory_space<vmem>> -> memref<16x128xf32, #tpu.memory_space<vmem>>
      %dma_start3A_1692 = arith.constant 0 : i32
      %dma_start3A_1693 = tpu.memref_slice %arg6[%dma_start3A_1692, %multiple_of3A_1675] : memref<16x1000000xf32, #tpu.memory_space<hbm>> -> memref<16x128xf32, #tpu.memory_space<hbm>>
      %dma_start3A_1694 = arith.constant 0 : i32
      %dma_start3A_1695 = arith.constant 0 : i32
      %dma_start3A_1696 = tpu.memref_slice %arg20[%dma_start3A_1694, %dma_start3A_1695] : memref<16x128xf32, #tpu.memory_space<vmem>> -> memref<16x128xf32, #tpu.memory_space<vmem>>
      %dma_start3A_1697 = arith.constant 0 : i32
      %dma_start3A_1698 = tpu.memref_slice %arg6[%dma_start3A_1697, %multiple_of3A_1675] : memref<16x1000000xf32, #tpu.memory_space<hbm>> -> memref<16x128xf32, #tpu.memory_space<hbm>>
      tpu.enqueue_dma source(%dma_start3A_1698 : memref<16x128xf32, #tpu.memory_space<hbm>>) target(%dma_start3A_1696 : memref<16x128xf32, #tpu.memory_space<vmem>>) target_semaphore(%arg51 : memref<!tpu.dma_semaphore, #tpu.memory_space<semaphore_mem>>)
      %dma_start3A_1699 = arith.constant 0 : i32
      %dma_start3A_1700 = arith.constant 0 : i32
      %dma_start3A_1701 = tpu.memref_slice %arg19[%dma_start3A_1699, %dma_start3A_1700] : memref<16x128xf32, #tpu.memory_space<vmem>> -> memref<16x128xf32, #tpu.memory_space<vmem>>
      %dma_start3A_1702 = arith.constant 0 : i32
      %dma_start3A_1703 = tpu.memref_slice %arg5[%dma_start3A_1702, %multiple_of3A_1678] : memref<16x1000000xf32, #tpu.memory_space<hbm>> -> memref<16x128xf32, #tpu.memory_space<hbm>>
      %dma_start3A_1704 = arith.constant 0 : i32
      %dma_start3A_1705 = arith.constant 0 : i32
      %dma_start3A_1706 = tpu.memref_slice %arg19[%dma_start3A_1704, %dma_start3A_1705] : memref<16x128xf32, #tpu.memory_space<vmem>> -> memref<16x128xf32, #tpu.memory_space<vmem>>
      %dma_start3A_1707 = arith.constant 0 : i32
      %dma_start3A_1708 = tpu.memref_slice %arg5[%dma_start3A_1707, %multiple_of3A_1678] : memref<16x1000000xf32, #tpu.memory_space<hbm>> -> memref<16x128xf32, #tpu.memory_space<hbm>>
      tpu.enqueue_dma source(%dma_start3A_1708 : memref<16x128xf32, #tpu.memory_space<hbm>>) target(%dma_start3A_1706 : memref<16x128xf32, #tpu.memory_space<vmem>>) target_semaphore(%arg51 : memref<!tpu.dma_semaphore, #tpu.memory_space<semaphore_mem>>)
      %dma_start3A_1709 = arith.constant 0 : i32
      %dma_start3A_1710 = arith.constant 0 : i32
      %dma_start3A_1711 = tpu.memref_slice %arg21[%dma_start3A_1709, %dma_start3A_1710] : memref<16x128xf32, #tpu.memory_space<vmem>> -> memref<16x128xf32, #tpu.memory_space<vmem>>
      %dma_start3A_1712 = arith.constant 0 : i32
      %dma_start3A_1713 = tpu.memref_slice %arg7[%dma_start3A_1712, %multiple_of3A_1678] : memref<16x1000000xf32, #tpu.memory_space<hbm>> -> memref<16x128xf32, #tpu.memory_space<hbm>>
      %dma_start3A_1714 = arith.constant 0 : i32
      %dma_start3A_1715 = arith.constant 0 : i32
      %dma_start3A_1716 = tpu.memref_slice %arg21[%dma_start3A_1714, %dma_start3A_1715] : memref<16x128xf32, #tpu.memory_space<vmem>> -> memref<16x128xf32, #tpu.memory_space<vmem>>
      %dma_start3A_1717 = arith.constant 0 : i32
      %dma_start3A_1718 = tpu.memref_slice %arg7[%dma_start3A_1717, %multiple_of3A_1678] : memref<16x1000000xf32, #tpu.memory_space<hbm>> -> memref<16x128xf32, #tpu.memory_space<hbm>>
      tpu.enqueue_dma source(%dma_start3A_1718 : memref<16x128xf32, #tpu.memory_space<hbm>>) target(%dma_start3A_1716 : memref<16x128xf32, #tpu.memory_space<vmem>>) target_semaphore(%arg51 : memref<!tpu.dma_semaphore, #tpu.memory_space<semaphore_mem>>)
      %sub3A_1719 = arith.constant 16 : i32
      %sub3A_1720 = arith.subi %mul3A_1571, %sub3A_1719 : i32
      %add3A_1721 = arith.constant 10 : i32
      %add3A_1722 = arith.addi %sub3A_1720, %add3A_1721 : i32
      %dma_wait3A_1723 = arith.constant 0 : i32
      %dma_wait3A_1724 = arith.constant 0 : i32
      %dma_wait3A_1725 = tpu.memref_slice %arg4[%dma_wait3A_1723, %dma_wait3A_1724] : memref<16x1000000xf32, #tpu.memory_space<hbm>> -> memref<16x128xf32, #tpu.memory_space<hbm>>
      %dma_wait3A_1726 = arith.constant 0 : i32
      %dma_wait3A_1727 = arith.constant 0 : i32
      %dma_wait3A_1728 = tpu.memref_slice %arg4[%dma_wait3A_1726, %dma_wait3A_1727] : memref<16x1000000xf32, #tpu.memory_space<hbm>> -> memref<16x128xf32, #tpu.memory_space<hbm>>
      tpu.wait_dma2 semaphore(%arg52 : memref<!tpu.dma_semaphore, #tpu.memory_space<semaphore_mem>>) src(%dma_wait3A_1728 : memref<16x128xf32, #tpu.memory_space<hbm>>) dst(%arg22 : memref<16x128xf32, #tpu.memory_space<vmem>>)
      %dma_wait3A_1729 = arith.constant 0 : i32
      %dma_wait3A_1730 = arith.constant 0 : i32
      %dma_wait3A_1731 = tpu.memref_slice %arg4[%dma_wait3A_1729, %dma_wait3A_1730] : memref<16x1000000xf32, #tpu.memory_space<hbm>> -> memref<16x128xf32, #tpu.memory_space<hbm>>
      %dma_wait3A_1732 = arith.constant 0 : i32
      %dma_wait3A_1733 = arith.constant 0 : i32
      %dma_wait3A_1734 = tpu.memref_slice %arg4[%dma_wait3A_1732, %dma_wait3A_1733] : memref<16x1000000xf32, #tpu.memory_space<hbm>> -> memref<16x128xf32, #tpu.memory_space<hbm>>
      tpu.wait_dma2 semaphore(%arg52 : memref<!tpu.dma_semaphore, #tpu.memory_space<semaphore_mem>>) src(%dma_wait3A_1734 : memref<16x128xf32, #tpu.memory_space<hbm>>) dst(%arg24 : memref<16x128xf32, #tpu.memory_space<vmem>>)
      %dma_wait3A_1735 = arith.constant 0 : i32
      %dma_wait3A_1736 = arith.constant 0 : i32
      %dma_wait3A_1737 = tpu.memref_slice %arg4[%dma_wait3A_1735, %dma_wait3A_1736] : memref<16x1000000xf32, #tpu.memory_space<hbm>> -> memref<16x128xf32, #tpu.memory_space<hbm>>
      %dma_wait3A_1738 = arith.constant 0 : i32
      %dma_wait3A_1739 = arith.constant 0 : i32
      %dma_wait3A_1740 = tpu.memref_slice %arg4[%dma_wait3A_1738, %dma_wait3A_1739] : memref<16x1000000xf32, #tpu.memory_space<hbm>> -> memref<16x128xf32, #tpu.memory_space<hbm>>
      tpu.wait_dma2 semaphore(%arg52 : memref<!tpu.dma_semaphore, #tpu.memory_space<semaphore_mem>>) src(%dma_wait3A_1740 : memref<16x128xf32, #tpu.memory_space<hbm>>) dst(%arg23 : memref<16x128xf32, #tpu.memory_space<vmem>>)
      %dma_wait3A_1741 = arith.constant 0 : i32
      %dma_wait3A_1742 = arith.constant 0 : i32
      %dma_wait3A_1743 = tpu.memref_slice %arg4[%dma_wait3A_1741, %dma_wait3A_1742] : memref<16x1000000xf32, #tpu.memory_space<hbm>> -> memref<16x128xf32, #tpu.memory_space<hbm>>
      %dma_wait3A_1744 = arith.constant 0 : i32
      %dma_wait3A_1745 = arith.constant 0 : i32
      %dma_wait3A_1746 = tpu.memref_slice %arg4[%dma_wait3A_1744, %dma_wait3A_1745] : memref<16x1000000xf32, #tpu.memory_space<hbm>> -> memref<16x128xf32, #tpu.memory_space<hbm>>
      tpu.wait_dma2 semaphore(%arg52 : memref<!tpu.dma_semaphore, #tpu.memory_space<semaphore_mem>>) src(%dma_wait3A_1746 : memref<16x128xf32, #tpu.memory_space<hbm>>) dst(%arg25 : memref<16x128xf32, #tpu.memory_space<vmem>>)
      %add3A_1747 = arith.constant 0 : i32
      %add3A_1748 = arith.addi %add3A_1722, %add3A_1747 : i32
      %broadcast_in_dim3A_1749 = vector.broadcast %add3A_1748 : i32 to vector<16xi32>
      %slice3A_1750 = vector.extract_strided_slice %scan3A_1552 {offsets = [10], sizes = [1], strides = [1]} : vector<16xi32> to vector<1xi32>
      %squeeze3A_1751 = vector.extract %slice3A_1750[0] : i32 from vector<1xi32>
      %add3A_1752 = arith.constant 0 : i32
      %add3A_1753 = arith.addi %squeeze3A_1751, %add3A_1752 : i32
      %broadcast_in_dim3A_1754 = vector.broadcast %add3A_1753 : i32 to vector<16xi32>
      %gather3A_1755 = tpu.vector_load_idx %arg22[%iota3A, %broadcast_in_dim3A_1754] : memref<16x128xf32, #tpu.memory_space<vmem>>[vector<16xi32>, vector<16xi32>], vector<16xf32>,
      tpu.vector_store_idx %arg46[%iota3A, %broadcast_in_dim3A_1749], %gather3A_1755 : memref<16x512xf32, #tpu.memory_space<vmem>>[vector<16xi32>, vector<16xi32>], vector<16xf32>,
      %slice3A_1756 = vector.extract_strided_slice %scan3A_1552 {offsets = [10], sizes = [1], strides = [1]} : vector<16xi32> to vector<1xi32>
      %squeeze3A_1757 = vector.extract %slice3A_1756[0] : i32 from vector<1xi32>
      %add3A_1758 = arith.constant 0 : i32
      %add3A_1759 = arith.addi %squeeze3A_1757, %add3A_1758 : i32
      %broadcast_in_dim3A_1760 = vector.broadcast %add3A_1759 : i32 to vector<16xi32>
      %gather3A_1761 = tpu.vector_load_idx %arg24[%iota3A, %broadcast_in_dim3A_1760] : memref<16x128xf32, #tpu.memory_space<vmem>>[vector<16xi32>, vector<16xi32>], vector<16xf32>,
      tpu.vector_store_idx %arg48[%iota3A, %broadcast_in_dim3A_1749], %gather3A_1761 : memref<16x512xf32, #tpu.memory_space<vmem>>[vector<16xi32>, vector<16xi32>], vector<16xf32>,
      %slice3A_1762 = vector.extract_strided_slice %scan3A_1553 {offsets = [10], sizes = [1], strides = [1]} : vector<16xi32> to vector<1xi32>
      %squeeze3A_1763 = vector.extract %slice3A_1762[0] : i32 from vector<1xi32>
      %add3A_1764 = arith.constant 0 : i32
      %add3A_1765 = arith.addi %squeeze3A_1763, %add3A_1764 : i32
      %broadcast_in_dim3A_1766 = vector.broadcast %add3A_1765 : i32 to vector<16xi32>
      %gather3A_1767 = tpu.vector_load_idx %arg23[%iota3A, %broadcast_in_dim3A_1766] : memref<16x128xf32, #tpu.memory_space<vmem>>[vector<16xi32>, vector<16xi32>], vector<16xf32>,
      tpu.vector_store_idx %arg47[%iota3A, %broadcast_in_dim3A_1749], %gather3A_1767 : memref<16x512xf32, #tpu.memory_space<vmem>>[vector<16xi32>, vector<16xi32>], vector<16xf32>,
      %slice3A_1768 = vector.extract_strided_slice %scan3A_1553 {offsets = [10], sizes = [1], strides = [1]} : vector<16xi32> to vector<1xi32>
      %squeeze3A_1769 = vector.extract %slice3A_1768[0] : i32 from vector<1xi32>
      %add3A_1770 = arith.constant 0 : i32
      %add3A_1771 = arith.addi %squeeze3A_1769, %add3A_1770 : i32
      %broadcast_in_dim3A_1772 = vector.broadcast %add3A_1771 : i32 to vector<16xi32>
      %gather3A_1773 = tpu.vector_load_idx %arg25[%iota3A, %broadcast_in_dim3A_1772] : memref<16x128xf32, #tpu.memory_space<vmem>>[vector<16xi32>, vector<16xi32>], vector<16xf32>,
      tpu.vector_store_idx %arg49[%iota3A, %broadcast_in_dim3A_1749], %gather3A_1773 : memref<16x512xf32, #tpu.memory_space<vmem>>[vector<16xi32>, vector<16xi32>], vector<16xf32>,
      %slice3A_1774 = vector.extract_strided_slice %sub3A_1568 {offsets = [2], sizes = [1], strides = [1]} : vector<16xi32> to vector<1xi32>
      %squeeze3A_1775 = vector.extract %slice3A_1774[0] : i32 from vector<1xi32>
      %multiple_of3A_1776 = tpu.assume_multiple %squeeze3A_1775, 128 : i32
      %slice3A_1777 = vector.extract_strided_slice %sub3A_1569 {offsets = [2], sizes = [1], strides = [1]} : vector<16xi32> to vector<1xi32>
      %squeeze3A_1778 = vector.extract %slice3A_1777[0] : i32 from vector<1xi32>
      %multiple_of3A_1779 = tpu.assume_multiple %squeeze3A_1778, 128 : i32
      %dma_start3A_1780 = arith.constant 0 : i32
      %dma_start3A_1781 = arith.constant 0 : i32
      %dma_start3A_1782 = tpu.memref_slice %arg22[%dma_start3A_1780, %dma_start3A_1781] : memref<16x128xf32, #tpu.memory_space<vmem>> -> memref<16x128xf32, #tpu.memory_space<vmem>>
      %dma_start3A_1783 = arith.constant 0 : i32
      %dma_start3A_1784 = tpu.memref_slice %arg4[%dma_start3A_1783, %multiple_of3A_1776] : memref<16x1000000xf32, #tpu.memory_space<hbm>> -> memref<16x128xf32, #tpu.memory_space<hbm>>
      %dma_start3A_1785 = arith.constant 0 : i32
      %dma_start3A_1786 = arith.constant 0 : i32
      %dma_start3A_1787 = tpu.memref_slice %arg22[%dma_start3A_1785, %dma_start3A_1786] : memref<16x128xf32, #tpu.memory_space<vmem>> -> memref<16x128xf32, #tpu.memory_space<vmem>>
      %dma_start3A_1788 = arith.constant 0 : i32
      %dma_start3A_1789 = tpu.memref_slice %arg4[%dma_start3A_1788, %multiple_of3A_1776] : memref<16x1000000xf32, #tpu.memory_space<hbm>> -> memref<16x128xf32, #tpu.memory_space<hbm>>
      tpu.enqueue_dma source(%dma_start3A_1789 : memref<16x128xf32, #tpu.memory_space<hbm>>) target(%dma_start3A_1787 : memref<16x128xf32, #tpu.memory_space<vmem>>) target_semaphore(%arg52 : memref<!tpu.dma_semaphore, #tpu.memory_space<semaphore_mem>>)
      %dma_start3A_1790 = arith.constant 0 : i32
      %dma_start3A_1791 = arith.constant 0 : i32
      %dma_start3A_1792 = tpu.memref_slice %arg24[%dma_start3A_1790, %dma_start3A_1791] : memref<16x128xf32, #tpu.memory_space<vmem>> -> memref<16x128xf32, #tpu.memory_space<vmem>>
      %dma_start3A_1793 = arith.constant 0 : i32
      %dma_start3A_1794 = tpu.memref_slice %arg6[%dma_start3A_1793, %multiple_of3A_1776] : memref<16x1000000xf32, #tpu.memory_space<hbm>> -> memref<16x128xf32, #tpu.memory_space<hbm>>
      %dma_start3A_1795 = arith.constant 0 : i32
      %dma_start3A_1796 = arith.constant 0 : i32
      %dma_start3A_1797 = tpu.memref_slice %arg24[%dma_start3A_1795, %dma_start3A_1796] : memref<16x128xf32, #tpu.memory_space<vmem>> -> memref<16x128xf32, #tpu.memory_space<vmem>>
      %dma_start3A_1798 = arith.constant 0 : i32
      %dma_start3A_1799 = tpu.memref_slice %arg6[%dma_start3A_1798, %multiple_of3A_1776] : memref<16x1000000xf32, #tpu.memory_space<hbm>> -> memref<16x128xf32, #tpu.memory_space<hbm>>
      tpu.enqueue_dma source(%dma_start3A_1799 : memref<16x128xf32, #tpu.memory_space<hbm>>) target(%dma_start3A_1797 : memref<16x128xf32, #tpu.memory_space<vmem>>) target_semaphore(%arg52 : memref<!tpu.dma_semaphore, #tpu.memory_space<semaphore_mem>>)
      %dma_start3A_1800 = arith.constant 0 : i32
      %dma_start3A_1801 = arith.constant 0 : i32
      %dma_start3A_1802 = tpu.memref_slice %arg23[%dma_start3A_1800, %dma_start3A_1801] : memref<16x128xf32, #tpu.memory_space<vmem>> -> memref<16x128xf32, #tpu.memory_space<vmem>>
      %dma_start3A_1803 = arith.constant 0 : i32
      %dma_start3A_1804 = tpu.memref_slice %arg5[%dma_start3A_1803, %multiple_of3A_1779] : memref<16x1000000xf32, #tpu.memory_space<hbm>> -> memref<16x128xf32, #tpu.memory_space<hbm>>
      %dma_start3A_1805 = arith.constant 0 : i32
      %dma_start3A_1806 = arith.constant 0 : i32
      %dma_start3A_1807 = tpu.memref_slice %arg23[%dma_start3A_1805, %dma_start3A_1806] : memref<16x128xf32, #tpu.memory_space<vmem>> -> memref<16x128xf32, #tpu.memory_space<vmem>>
      %dma_start3A_1808 = arith.constant 0 : i32
      %dma_start3A_1809 = tpu.memref_slice %arg5[%dma_start3A_1808, %multiple_of3A_1779] : memref<16x1000000xf32, #tpu.memory_space<hbm>> -> memref<16x128xf32, #tpu.memory_space<hbm>>
      tpu.enqueue_dma source(%dma_start3A_1809 : memref<16x128xf32, #tpu.memory_space<hbm>>) target(%dma_start3A_1807 : memref<16x128xf32, #tpu.memory_space<vmem>>) target_semaphore(%arg52 : memref<!tpu.dma_semaphore, #tpu.memory_space<semaphore_mem>>)
      %dma_start3A_1810 = arith.constant 0 : i32
      %dma_start3A_1811 = arith.constant 0 : i32
      %dma_start3A_1812 = tpu.memref_slice %arg25[%dma_start3A_1810, %dma_start3A_1811] : memref<16x128xf32, #tpu.memory_space<vmem>> -> memref<16x128xf32, #tpu.memory_space<vmem>>
      %dma_start3A_1813 = arith.constant 0 : i32
      %dma_start3A_1814 = tpu.memref_slice %arg7[%dma_start3A_1813, %multiple_of3A_1779] : memref<16x1000000xf32, #tpu.memory_space<hbm>> -> memref<16x128xf32, #tpu.memory_space<hbm>>
      %dma_start3A_1815 = arith.constant 0 : i32
      %dma_start3A_1816 = arith.constant 0 : i32
      %dma_start3A_1817 = tpu.memref_slice %arg25[%dma_start3A_1815, %dma_start3A_1816] : memref<16x128xf32, #tpu.memory_space<vmem>> -> memref<16x128xf32, #tpu.memory_space<vmem>>
      %dma_start3A_1818 = arith.constant 0 : i32
      %dma_start3A_1819 = tpu.memref_slice %arg7[%dma_start3A_1818, %multiple_of3A_1779] : memref<16x1000000xf32, #tpu.memory_space<hbm>> -> memref<16x128xf32, #tpu.memory_space<hbm>>
      tpu.enqueue_dma source(%dma_start3A_1819 : memref<16x128xf32, #tpu.memory_space<hbm>>) target(%dma_start3A_1817 : memref<16x128xf32, #tpu.memory_space<vmem>>) target_semaphore(%arg52 : memref<!tpu.dma_semaphore, #tpu.memory_space<semaphore_mem>>)
      %sub3A_1820 = arith.constant 16 : i32
      %sub3A_1821 = arith.subi %mul3A_1571, %sub3A_1820 : i32
      %add3A_1822 = arith.constant 11 : i32
      %add3A_1823 = arith.addi %sub3A_1821, %add3A_1822 : i32
      %dma_wait3A_1824 = arith.constant 0 : i32
      %dma_wait3A_1825 = arith.constant 0 : i32
      %dma_wait3A_1826 = tpu.memref_slice %arg4[%dma_wait3A_1824, %dma_wait3A_1825] : memref<16x1000000xf32, #tpu.memory_space<hbm>> -> memref<16x128xf32, #tpu.memory_space<hbm>>
      %dma_wait3A_1827 = arith.constant 0 : i32
      %dma_wait3A_1828 = arith.constant 0 : i32
      %dma_wait3A_1829 = tpu.memref_slice %arg4[%dma_wait3A_1827, %dma_wait3A_1828] : memref<16x1000000xf32, #tpu.memory_space<hbm>> -> memref<16x128xf32, #tpu.memory_space<hbm>>
      tpu.wait_dma2 semaphore(%arg53 : memref<!tpu.dma_semaphore, #tpu.memory_space<semaphore_mem>>) src(%dma_wait3A_1829 : memref<16x128xf32, #tpu.memory_space<hbm>>) dst(%arg26 : memref<16x128xf32, #tpu.memory_space<vmem>>)
      %dma_wait3A_1830 = arith.constant 0 : i32
      %dma_wait3A_1831 = arith.constant 0 : i32
      %dma_wait3A_1832 = tpu.memref_slice %arg4[%dma_wait3A_1830, %dma_wait3A_1831] : memref<16x1000000xf32, #tpu.memory_space<hbm>> -> memref<16x128xf32, #tpu.memory_space<hbm>>
      %dma_wait3A_1833 = arith.constant 0 : i32
      %dma_wait3A_1834 = arith.constant 0 : i32
      %dma_wait3A_1835 = tpu.memref_slice %arg4[%dma_wait3A_1833, %dma_wait3A_1834] : memref<16x1000000xf32, #tpu.memory_space<hbm>> -> memref<16x128xf32, #tpu.memory_space<hbm>>
      tpu.wait_dma2 semaphore(%arg53 : memref<!tpu.dma_semaphore, #tpu.memory_space<semaphore_mem>>) src(%dma_wait3A_1835 : memref<16x128xf32, #tpu.memory_space<hbm>>) dst(%arg28 : memref<16x128xf32, #tpu.memory_space<vmem>>)
      %dma_wait3A_1836 = arith.constant 0 : i32
      %dma_wait3A_1837 = arith.constant 0 : i32
      %dma_wait3A_1838 = tpu.memref_slice %arg4[%dma_wait3A_1836, %dma_wait3A_1837] : memref<16x1000000xf32, #tpu.memory_space<hbm>> -> memref<16x128xf32, #tpu.memory_space<hbm>>
      %dma_wait3A_1839 = arith.constant 0 : i32
      %dma_wait3A_1840 = arith.constant 0 : i32
      %dma_wait3A_1841 = tpu.memref_slice %arg4[%dma_wait3A_1839, %dma_wait3A_1840] : memref<16x1000000xf32, #tpu.memory_space<hbm>> -> memref<16x128xf32, #tpu.memory_space<hbm>>
      tpu.wait_dma2 semaphore(%arg53 : memref<!tpu.dma_semaphore, #tpu.memory_space<semaphore_mem>>) src(%dma_wait3A_1841 : memref<16x128xf32, #tpu.memory_space<hbm>>) dst(%arg27 : memref<16x128xf32, #tpu.memory_space<vmem>>)
      %dma_wait3A_1842 = arith.constant 0 : i32
      %dma_wait3A_1843 = arith.constant 0 : i32
      %dma_wait3A_1844 = tpu.memref_slice %arg4[%dma_wait3A_1842, %dma_wait3A_1843] : memref<16x1000000xf32, #tpu.memory_space<hbm>> -> memref<16x128xf32, #tpu.memory_space<hbm>>
      %dma_wait3A_1845 = arith.constant 0 : i32
      %dma_wait3A_1846 = arith.constant 0 : i32
      %dma_wait3A_1847 = tpu.memref_slice %arg4[%dma_wait3A_1845, %dma_wait3A_1846] : memref<16x1000000xf32, #tpu.memory_space<hbm>> -> memref<16x128xf32, #tpu.memory_space<hbm>>
      tpu.wait_dma2 semaphore(%arg53 : memref<!tpu.dma_semaphore, #tpu.memory_space<semaphore_mem>>) src(%dma_wait3A_1847 : memref<16x128xf32, #tpu.memory_space<hbm>>) dst(%arg29 : memref<16x128xf32, #tpu.memory_space<vmem>>)
      %add3A_1848 = arith.constant 0 : i32
      %add3A_1849 = arith.addi %add3A_1823, %add3A_1848 : i32
      %broadcast_in_dim3A_1850 = vector.broadcast %add3A_1849 : i32 to vector<16xi32>
      %slice3A_1851 = vector.extract_strided_slice %scan3A_1552 {offsets = [11], sizes = [1], strides = [1]} : vector<16xi32> to vector<1xi32>
      %squeeze3A_1852 = vector.extract %slice3A_1851[0] : i32 from vector<1xi32>
      %add3A_1853 = arith.constant 0 : i32
      %add3A_1854 = arith.addi %squeeze3A_1852, %add3A_1853 : i32
      %broadcast_in_dim3A_1855 = vector.broadcast %add3A_1854 : i32 to vector<16xi32>
      %gather3A_1856 = tpu.vector_load_idx %arg26[%iota3A, %broadcast_in_dim3A_1855] : memref<16x128xf32, #tpu.memory_space<vmem>>[vector<16xi32>, vector<16xi32>], vector<16xf32>,
      tpu.vector_store_idx %arg46[%iota3A, %broadcast_in_dim3A_1850], %gather3A_1856 : memref<16x512xf32, #tpu.memory_space<vmem>>[vector<16xi32>, vector<16xi32>], vector<16xf32>,
      %slice3A_1857 = vector.extract_strided_slice %scan3A_1552 {offsets = [11], sizes = [1], strides = [1]} : vector<16xi32> to vector<1xi32>
      %squeeze3A_1858 = vector.extract %slice3A_1857[0] : i32 from vector<1xi32>
      %add3A_1859 = arith.constant 0 : i32
      %add3A_1860 = arith.addi %squeeze3A_1858, %add3A_1859 : i32
      %broadcast_in_dim3A_1861 = vector.broadcast %add3A_1860 : i32 to vector<16xi32>
      %gather3A_1862 = tpu.vector_load_idx %arg28[%iota3A, %broadcast_in_dim3A_1861] : memref<16x128xf32, #tpu.memory_space<vmem>>[vector<16xi32>, vector<16xi32>], vector<16xf32>,
      tpu.vector_store_idx %arg48[%iota3A, %broadcast_in_dim3A_1850], %gather3A_1862 : memref<16x512xf32, #tpu.memory_space<vmem>>[vector<16xi32>, vector<16xi32>], vector<16xf32>,
      %slice3A_1863 = vector.extract_strided_slice %scan3A_1553 {offsets = [11], sizes = [1], strides = [1]} : vector<16xi32> to vector<1xi32>
      %squeeze3A_1864 = vector.extract %slice3A_1863[0] : i32 from vector<1xi32>
      %add3A_1865 = arith.constant 0 : i32
      %add3A_1866 = arith.addi %squeeze3A_1864, %add3A_1865 : i32
      %broadcast_in_dim3A_1867 = vector.broadcast %add3A_1866 : i32 to vector<16xi32>
      %gather3A_1868 = tpu.vector_load_idx %arg27[%iota3A, %broadcast_in_dim3A_1867] : memref<16x128xf32, #tpu.memory_space<vmem>>[vector<16xi32>, vector<16xi32>], vector<16xf32>,
      tpu.vector_store_idx %arg47[%iota3A, %broadcast_in_dim3A_1850], %gather3A_1868 : memref<16x512xf32, #tpu.memory_space<vmem>>[vector<16xi32>, vector<16xi32>], vector<16xf32>,
      %slice3A_1869 = vector.extract_strided_slice %scan3A_1553 {offsets = [11], sizes = [1], strides = [1]} : vector<16xi32> to vector<1xi32>
      %squeeze3A_1870 = vector.extract %slice3A_1869[0] : i32 from vector<1xi32>
      %add3A_1871 = arith.constant 0 : i32
      %add3A_1872 = arith.addi %squeeze3A_1870, %add3A_1871 : i32
      %broadcast_in_dim3A_1873 = vector.broadcast %add3A_1872 : i32 to vector<16xi32>
      %gather3A_1874 = tpu.vector_load_idx %arg29[%iota3A, %broadcast_in_dim3A_1873] : memref<16x128xf32, #tpu.memory_space<vmem>>[vector<16xi32>, vector<16xi32>], vector<16xf32>,
      tpu.vector_store_idx %arg49[%iota3A, %broadcast_in_dim3A_1850], %gather3A_1874 : memref<16x512xf32, #tpu.memory_space<vmem>>[vector<16xi32>, vector<16xi32>], vector<16xf32>,
      %slice3A_1875 = vector.extract_strided_slice %sub3A_1568 {offsets = [3], sizes = [1], strides = [1]} : vector<16xi32> to vector<1xi32>
      %squeeze3A_1876 = vector.extract %slice3A_1875[0] : i32 from vector<1xi32>
      %multiple_of3A_1877 = tpu.assume_multiple %squeeze3A_1876, 128 : i32
      %slice3A_1878 = vector.extract_strided_slice %sub3A_1569 {offsets = [3], sizes = [1], strides = [1]} : vector<16xi32> to vector<1xi32>
      %squeeze3A_1879 = vector.extract %slice3A_1878[0] : i32 from vector<1xi32>
      %multiple_of3A_1880 = tpu.assume_multiple %squeeze3A_1879, 128 : i32
      %dma_start3A_1881 = arith.constant 0 : i32
      %dma_start3A_1882 = arith.constant 0 : i32
      %dma_start3A_1883 = tpu.memref_slice %arg26[%dma_start3A_1881, %dma_start3A_1882] : memref<16x128xf32, #tpu.memory_space<vmem>> -> memref<16x128xf32, #tpu.memory_space<vmem>>
      %dma_start3A_1884 = arith.constant 0 : i32
      %dma_start3A_1885 = tpu.memref_slice %arg4[%dma_start3A_1884, %multiple_of3A_1877] : memref<16x1000000xf32, #tpu.memory_space<hbm>> -> memref<16x128xf32, #tpu.memory_space<hbm>>
      %dma_start3A_1886 = arith.constant 0 : i32
      %dma_start3A_1887 = arith.constant 0 : i32
      %dma_start3A_1888 = tpu.memref_slice %arg26[%dma_start3A_1886, %dma_start3A_1887] : memref<16x128xf32, #tpu.memory_space<vmem>> -> memref<16x128xf32, #tpu.memory_space<vmem>>
      %dma_start3A_1889 = arith.constant 0 : i32
      %dma_start3A_1890 = tpu.memref_slice %arg4[%dma_start3A_1889, %multiple_of3A_1877] : memref<16x1000000xf32, #tpu.memory_space<hbm>> -> memref<16x128xf32, #tpu.memory_space<hbm>>
      tpu.enqueue_dma source(%dma_start3A_1890 : memref<16x128xf32, #tpu.memory_space<hbm>>) target(%dma_start3A_1888 : memref<16x128xf32, #tpu.memory_space<vmem>>) target_semaphore(%arg53 : memref<!tpu.dma_semaphore, #tpu.memory_space<semaphore_mem>>)
      %dma_start3A_1891 = arith.constant 0 : i32
      %dma_start3A_1892 = arith.constant 0 : i32
      %dma_start3A_1893 = tpu.memref_slice %arg28[%dma_start3A_1891, %dma_start3A_1892] : memref<16x128xf32, #tpu.memory_space<vmem>> -> memref<16x128xf32, #tpu.memory_space<vmem>>
      %dma_start3A_1894 = arith.constant 0 : i32
      %dma_start3A_1895 = tpu.memref_slice %arg6[%dma_start3A_1894, %multiple_of3A_1877] : memref<16x1000000xf32, #tpu.memory_space<hbm>> -> memref<16x128xf32, #tpu.memory_space<hbm>>
      %dma_start3A_1896 = arith.constant 0 : i32
      %dma_start3A_1897 = arith.constant 0 : i32
      %dma_start3A_1898 = tpu.memref_slice %arg28[%dma_start3A_1896, %dma_start3A_1897] : memref<16x128xf32, #tpu.memory_space<vmem>> -> memref<16x128xf32, #tpu.memory_space<vmem>>
      %dma_start3A_1899 = arith.constant 0 : i32
      %dma_start3A_1900 = tpu.memref_slice %arg6[%dma_start3A_1899, %multiple_of3A_1877] : memref<16x1000000xf32, #tpu.memory_space<hbm>> -> memref<16x128xf32, #tpu.memory_space<hbm>>
      tpu.enqueue_dma source(%dma_start3A_1900 : memref<16x128xf32, #tpu.memory_space<hbm>>) target(%dma_start3A_1898 : memref<16x128xf32, #tpu.memory_space<vmem>>) target_semaphore(%arg53 : memref<!tpu.dma_semaphore, #tpu.memory_space<semaphore_mem>>)
      %dma_start3A_1901 = arith.constant 0 : i32
      %dma_start3A_1902 = arith.constant 0 : i32
      %dma_start3A_1903 = tpu.memref_slice %arg27[%dma_start3A_1901, %dma_start3A_1902] : memref<16x128xf32, #tpu.memory_space<vmem>> -> memref<16x128xf32, #tpu.memory_space<vmem>>
      %dma_start3A_1904 = arith.constant 0 : i32
      %dma_start3A_1905 = tpu.memref_slice %arg5[%dma_start3A_1904, %multiple_of3A_1880] : memref<16x1000000xf32, #tpu.memory_space<hbm>> -> memref<16x128xf32, #tpu.memory_space<hbm>>
      %dma_start3A_1906 = arith.constant 0 : i32
      %dma_start3A_1907 = arith.constant 0 : i32
      %dma_start3A_1908 = tpu.memref_slice %arg27[%dma_start3A_1906, %dma_start3A_1907] : memref<16x128xf32, #tpu.memory_space<vmem>> -> memref<16x128xf32, #tpu.memory_space<vmem>>
      %dma_start3A_1909 = arith.constant 0 : i32
      %dma_start3A_1910 = tpu.memref_slice %arg5[%dma_start3A_1909, %multiple_of3A_1880] : memref<16x1000000xf32, #tpu.memory_space<hbm>> -> memref<16x128xf32, #tpu.memory_space<hbm>>
      tpu.enqueue_dma source(%dma_start3A_1910 : memref<16x128xf32, #tpu.memory_space<hbm>>) target(%dma_start3A_1908 : memref<16x128xf32, #tpu.memory_space<vmem>>) target_semaphore(%arg53 : memref<!tpu.dma_semaphore, #tpu.memory_space<semaphore_mem>>)
      %dma_start3A_1911 = arith.constant 0 : i32
      %dma_start3A_1912 = arith.constant 0 : i32
      %dma_start3A_1913 = tpu.memref_slice %arg29[%dma_start3A_1911, %dma_start3A_1912] : memref<16x128xf32, #tpu.memory_space<vmem>> -> memref<16x128xf32, #tpu.memory_space<vmem>>
      %dma_start3A_1914 = arith.constant 0 : i32
      %dma_start3A_1915 = tpu.memref_slice %arg7[%dma_start3A_1914, %multiple_of3A_1880] : memref<16x1000000xf32, #tpu.memory_space<hbm>> -> memref<16x128xf32, #tpu.memory_space<hbm>>
      %dma_start3A_1916 = arith.constant 0 : i32
      %dma_start3A_1917 = arith.constant 0 : i32
      %dma_start3A_1918 = tpu.memref_slice %arg29[%dma_start3A_1916, %dma_start3A_1917] : memref<16x128xf32, #tpu.memory_space<vmem>> -> memref<16x128xf32, #tpu.memory_space<vmem>>
      %dma_start3A_1919 = arith.constant 0 : i32
      %dma_start3A_1920 = tpu.memref_slice %arg7[%dma_start3A_1919, %multiple_of3A_1880] : memref<16x1000000xf32, #tpu.memory_space<hbm>> -> memref<16x128xf32, #tpu.memory_space<hbm>>
      tpu.enqueue_dma source(%dma_start3A_1920 : memref<16x128xf32, #tpu.memory_space<hbm>>) target(%dma_start3A_1918 : memref<16x128xf32, #tpu.memory_space<vmem>>) target_semaphore(%arg53 : memref<!tpu.dma_semaphore, #tpu.memory_space<semaphore_mem>>)
      %sub3A_1921 = arith.constant 16 : i32
      %sub3A_1922 = arith.subi %mul3A_1571, %sub3A_1921 : i32
      %add3A_1923 = arith.constant 12 : i32
      %add3A_1924 = arith.addi %sub3A_1922, %add3A_1923 : i32
      %dma_wait3A_1925 = arith.constant 0 : i32
      %dma_wait3A_1926 = arith.constant 0 : i32
      %dma_wait3A_1927 = tpu.memref_slice %arg4[%dma_wait3A_1925, %dma_wait3A_1926] : memref<16x1000000xf32, #tpu.memory_space<hbm>> -> memref<16x128xf32, #tpu.memory_space<hbm>>
      %dma_wait3A_1928 = arith.constant 0 : i32
      %dma_wait3A_1929 = arith.constant 0 : i32
      %dma_wait3A_1930 = tpu.memref_slice %arg4[%dma_wait3A_1928, %dma_wait3A_1929] : memref<16x1000000xf32, #tpu.memory_space<hbm>> -> memref<16x128xf32, #tpu.memory_space<hbm>>
      tpu.wait_dma2 semaphore(%arg54 : memref<!tpu.dma_semaphore, #tpu.memory_space<semaphore_mem>>) src(%dma_wait3A_1930 : memref<16x128xf32, #tpu.memory_space<hbm>>) dst(%arg30 : memref<16x128xf32, #tpu.memory_space<vmem>>)
      %dma_wait3A_1931 = arith.constant 0 : i32
      %dma_wait3A_1932 = arith.constant 0 : i32
      %dma_wait3A_1933 = tpu.memref_slice %arg4[%dma_wait3A_1931, %dma_wait3A_1932] : memref<16x1000000xf32, #tpu.memory_space<hbm>> -> memref<16x128xf32, #tpu.memory_space<hbm>>
      %dma_wait3A_1934 = arith.constant 0 : i32
      %dma_wait3A_1935 = arith.constant 0 : i32
      %dma_wait3A_1936 = tpu.memref_slice %arg4[%dma_wait3A_1934, %dma_wait3A_1935] : memref<16x1000000xf32, #tpu.memory_space<hbm>> -> memref<16x128xf32, #tpu.memory_space<hbm>>
      tpu.wait_dma2 semaphore(%arg54 : memref<!tpu.dma_semaphore, #tpu.memory_space<semaphore_mem>>) src(%dma_wait3A_1936 : memref<16x128xf32, #tpu.memory_space<hbm>>) dst(%arg32 : memref<16x128xf32, #tpu.memory_space<vmem>>)
      %dma_wait3A_1937 = arith.constant 0 : i32
      %dma_wait3A_1938 = arith.constant 0 : i32
      %dma_wait3A_1939 = tpu.memref_slice %arg4[%dma_wait3A_1937, %dma_wait3A_1938] : memref<16x1000000xf32, #tpu.memory_space<hbm>> -> memref<16x128xf32, #tpu.memory_space<hbm>>
      %dma_wait3A_1940 = arith.constant 0 : i32
      %dma_wait3A_1941 = arith.constant 0 : i32
      %dma_wait3A_1942 = tpu.memref_slice %arg4[%dma_wait3A_1940, %dma_wait3A_1941] : memref<16x1000000xf32, #tpu.memory_space<hbm>> -> memref<16x128xf32, #tpu.memory_space<hbm>>
      tpu.wait_dma2 semaphore(%arg54 : memref<!tpu.dma_semaphore, #tpu.memory_space<semaphore_mem>>) src(%dma_wait3A_1942 : memref<16x128xf32, #tpu.memory_space<hbm>>) dst(%arg31 : memref<16x128xf32, #tpu.memory_space<vmem>>)
      %dma_wait3A_1943 = arith.constant 0 : i32
      %dma_wait3A_1944 = arith.constant 0 : i32
      %dma_wait3A_1945 = tpu.memref_slice %arg4[%dma_wait3A_1943, %dma_wait3A_1944] : memref<16x1000000xf32, #tpu.memory_space<hbm>> -> memref<16x128xf32, #tpu.memory_space<hbm>>
      %dma_wait3A_1946 = arith.constant 0 : i32
      %dma_wait3A_1947 = arith.constant 0 : i32
      %dma_wait3A_1948 = tpu.memref_slice %arg4[%dma_wait3A_1946, %dma_wait3A_1947] : memref<16x1000000xf32, #tpu.memory_space<hbm>> -> memref<16x128xf32, #tpu.memory_space<hbm>>
      tpu.wait_dma2 semaphore(%arg54 : memref<!tpu.dma_semaphore, #tpu.memory_space<semaphore_mem>>) src(%dma_wait3A_1948 : memref<16x128xf32, #tpu.memory_space<hbm>>) dst(%arg33 : memref<16x128xf32, #tpu.memory_space<vmem>>)
      %add3A_1949 = arith.constant 0 : i32
      %add3A_1950 = arith.addi %add3A_1924, %add3A_1949 : i32
      %broadcast_in_dim3A_1951 = vector.broadcast %add3A_1950 : i32 to vector<16xi32>
      %slice3A_1952 = vector.extract_strided_slice %scan3A_1552 {offsets = [12], sizes = [1], strides = [1]} : vector<16xi32> to vector<1xi32>
      %squeeze3A_1953 = vector.extract %slice3A_1952[0] : i32 from vector<1xi32>
      %add3A_1954 = arith.constant 0 : i32
      %add3A_1955 = arith.addi %squeeze3A_1953, %add3A_1954 : i32
      %broadcast_in_dim3A_1956 = vector.broadcast %add3A_1955 : i32 to vector<16xi32>
      %gather3A_1957 = tpu.vector_load_idx %arg30[%iota3A, %broadcast_in_dim3A_1956] : memref<16x128xf32, #tpu.memory_space<vmem>>[vector<16xi32>, vector<16xi32>], vector<16xf32>,
      tpu.vector_store_idx %arg46[%iota3A, %broadcast_in_dim3A_1951], %gather3A_1957 : memref<16x512xf32, #tpu.memory_space<vmem>>[vector<16xi32>, vector<16xi32>], vector<16xf32>,
      %slice3A_1958 = vector.extract_strided_slice %scan3A_1552 {offsets = [12], sizes = [1], strides = [1]} : vector<16xi32> to vector<1xi32>
      %squeeze3A_1959 = vector.extract %slice3A_1958[0] : i32 from vector<1xi32>
      %add3A_1960 = arith.constant 0 : i32
      %add3A_1961 = arith.addi %squeeze3A_1959, %add3A_1960 : i32
      %broadcast_in_dim3A_1962 = vector.broadcast %add3A_1961 : i32 to vector<16xi32>
      %gather3A_1963 = tpu.vector_load_idx %arg32[%iota3A, %broadcast_in_dim3A_1962] : memref<16x128xf32, #tpu.memory_space<vmem>>[vector<16xi32>, vector<16xi32>], vector<16xf32>,
      tpu.vector_store_idx %arg48[%iota3A, %broadcast_in_dim3A_1951], %gather3A_1963 : memref<16x512xf32, #tpu.memory_space<vmem>>[vector<16xi32>, vector<16xi32>], vector<16xf32>,
      %slice3A_1964 = vector.extract_strided_slice %scan3A_1553 {offsets = [12], sizes = [1], strides = [1]} : vector<16xi32> to vector<1xi32>
      %squeeze3A_1965 = vector.extract %slice3A_1964[0] : i32 from vector<1xi32>
      %add3A_1966 = arith.constant 0 : i32
      %add3A_1967 = arith.addi %squeeze3A_1965, %add3A_1966 : i32
      %broadcast_in_dim3A_1968 = vector.broadcast %add3A_1967 : i32 to vector<16xi32>
      %gather3A_1969 = tpu.vector_load_idx %arg31[%iota3A, %broadcast_in_dim3A_1968] : memref<16x128xf32, #tpu.memory_space<vmem>>[vector<16xi32>, vector<16xi32>], vector<16xf32>,
      tpu.vector_store_idx %arg47[%iota3A, %broadcast_in_dim3A_1951], %gather3A_1969 : memref<16x512xf32, #tpu.memory_space<vmem>>[vector<16xi32>, vector<16xi32>], vector<16xf32>,
      %slice3A_1970 = vector.extract_strided_slice %scan3A_1553 {offsets = [12], sizes = [1], strides = [1]} : vector<16xi32> to vector<1xi32>
      %squeeze3A_1971 = vector.extract %slice3A_1970[0] : i32 from vector<1xi32>
      %add3A_1972 = arith.constant 0 : i32
      %add3A_1973 = arith.addi %squeeze3A_1971, %add3A_1972 : i32
      %broadcast_in_dim3A_1974 = vector.broadcast %add3A_1973 : i32 to vector<16xi32>
      %gather3A_1975 = tpu.vector_load_idx %arg33[%iota3A, %broadcast_in_dim3A_1974] : memref<16x128xf32, #tpu.memory_space<vmem>>[vector<16xi32>, vector<16xi32>], vector<16xf32>,
      tpu.vector_store_idx %arg49[%iota3A, %broadcast_in_dim3A_1951], %gather3A_1975 : memref<16x512xf32, #tpu.memory_space<vmem>>[vector<16xi32>, vector<16xi32>], vector<16xf32>,
      %slice3A_1976 = vector.extract_strided_slice %sub3A_1568 {offsets = [4], sizes = [1], strides = [1]} : vector<16xi32> to vector<1xi32>
      %squeeze3A_1977 = vector.extract %slice3A_1976[0] : i32 from vector<1xi32>
      %multiple_of3A_1978 = tpu.assume_multiple %squeeze3A_1977, 128 : i32
      %slice3A_1979 = vector.extract_strided_slice %sub3A_1569 {offsets = [4], sizes = [1], strides = [1]} : vector<16xi32> to vector<1xi32>
      %squeeze3A_1980 = vector.extract %slice3A_1979[0] : i32 from vector<1xi32>
      %multiple_of3A_1981 = tpu.assume_multiple %squeeze3A_1980, 128 : i32
      %dma_start3A_1982 = arith.constant 0 : i32
      %dma_start3A_1983 = arith.constant 0 : i32
      %dma_start3A_1984 = tpu.memref_slice %arg30[%dma_start3A_1982, %dma_start3A_1983] : memref<16x128xf32, #tpu.memory_space<vmem>> -> memref<16x128xf32, #tpu.memory_space<vmem>>
      %dma_start3A_1985 = arith.constant 0 : i32
      %dma_start3A_1986 = tpu.memref_slice %arg4[%dma_start3A_1985, %multiple_of3A_1978] : memref<16x1000000xf32, #tpu.memory_space<hbm>> -> memref<16x128xf32, #tpu.memory_space<hbm>>
      %dma_start3A_1987 = arith.constant 0 : i32
      %dma_start3A_1988 = arith.constant 0 : i32
      %dma_start3A_1989 = tpu.memref_slice %arg30[%dma_start3A_1987, %dma_start3A_1988] : memref<16x128xf32, #tpu.memory_space<vmem>> -> memref<16x128xf32, #tpu.memory_space<vmem>>
      %dma_start3A_1990 = arith.constant 0 : i32
      %dma_start3A_1991 = tpu.memref_slice %arg4[%dma_start3A_1990, %multiple_of3A_1978] : memref<16x1000000xf32, #tpu.memory_space<hbm>> -> memref<16x128xf32, #tpu.memory_space<hbm>>
      tpu.enqueue_dma source(%dma_start3A_1991 : memref<16x128xf32, #tpu.memory_space<hbm>>) target(%dma_start3A_1989 : memref<16x128xf32, #tpu.memory_space<vmem>>) target_semaphore(%arg54 : memref<!tpu.dma_semaphore, #tpu.memory_space<semaphore_mem>>)
      %dma_start3A_1992 = arith.constant 0 : i32
      %dma_start3A_1993 = arith.constant 0 : i32
      %dma_start3A_1994 = tpu.memref_slice %arg32[%dma_start3A_1992, %dma_start3A_1993] : memref<16x128xf32, #tpu.memory_space<vmem>> -> memref<16x128xf32, #tpu.memory_space<vmem>>
      %dma_start3A_1995 = arith.constant 0 : i32
      %dma_start3A_1996 = tpu.memref_slice %arg6[%dma_start3A_1995, %multiple_of3A_1978] : memref<16x1000000xf32, #tpu.memory_space<hbm>> -> memref<16x128xf32, #tpu.memory_space<hbm>>
      %dma_start3A_1997 = arith.constant 0 : i32
      %dma_start3A_1998 = arith.constant 0 : i32
      %dma_start3A_1999 = tpu.memref_slice %arg32[%dma_start3A_1997, %dma_start3A_1998] : memref<16x128xf32, #tpu.memory_space<vmem>> -> memref<16x128xf32, #tpu.memory_space<vmem>>
      %dma_start3A_2000 = arith.constant 0 : i32
      %dma_start3A_2001 = tpu.memref_slice %arg6[%dma_start3A_2000, %multiple_of3A_1978] : memref<16x1000000xf32, #tpu.memory_space<hbm>> -> memref<16x128xf32, #tpu.memory_space<hbm>>
      tpu.enqueue_dma source(%dma_start3A_2001 : memref<16x128xf32, #tpu.memory_space<hbm>>) target(%dma_start3A_1999 : memref<16x128xf32, #tpu.memory_space<vmem>>) target_semaphore(%arg54 : memref<!tpu.dma_semaphore, #tpu.memory_space<semaphore_mem>>)
      %dma_start3A_2002 = arith.constant 0 : i32
      %dma_start3A_2003 = arith.constant 0 : i32
      %dma_start3A_2004 = tpu.memref_slice %arg31[%dma_start3A_2002, %dma_start3A_2003] : memref<16x128xf32, #tpu.memory_space<vmem>> -> memref<16x128xf32, #tpu.memory_space<vmem>>
      %dma_start3A_2005 = arith.constant 0 : i32
      %dma_start3A_2006 = tpu.memref_slice %arg5[%dma_start3A_2005, %multiple_of3A_1981] : memref<16x1000000xf32, #tpu.memory_space<hbm>> -> memref<16x128xf32, #tpu.memory_space<hbm>>
      %dma_start3A_2007 = arith.constant 0 : i32
      %dma_start3A_2008 = arith.constant 0 : i32
      %dma_start3A_2009 = tpu.memref_slice %arg31[%dma_start3A_2007, %dma_start3A_2008] : memref<16x128xf32, #tpu.memory_space<vmem>> -> memref<16x128xf32, #tpu.memory_space<vmem>>
      %dma_start3A_2010 = arith.constant 0 : i32
      %dma_start3A_2011 = tpu.memref_slice %arg5[%dma_start3A_2010, %multiple_of3A_1981] : memref<16x1000000xf32, #tpu.memory_space<hbm>> -> memref<16x128xf32, #tpu.memory_space<hbm>>
      tpu.enqueue_dma source(%dma_start3A_2011 : memref<16x128xf32, #tpu.memory_space<hbm>>) target(%dma_start3A_2009 : memref<16x128xf32, #tpu.memory_space<vmem>>) target_semaphore(%arg54 : memref<!tpu.dma_semaphore, #tpu.memory_space<semaphore_mem>>)
      %dma_start3A_2012 = arith.constant 0 : i32
      %dma_start3A_2013 = arith.constant 0 : i32
      %dma_start3A_2014 = tpu.memref_slice %arg33[%dma_start3A_2012, %dma_start3A_2013] : memref<16x128xf32, #tpu.memory_space<vmem>> -> memref<16x128xf32, #tpu.memory_space<vmem>>
      %dma_start3A_2015 = arith.constant 0 : i32
      %dma_start3A_2016 = tpu.memref_slice %arg7[%dma_start3A_2015, %multiple_of3A_1981] : memref<16x1000000xf32, #tpu.memory_space<hbm>> -> memref<16x128xf32, #tpu.memory_space<hbm>>
      %dma_start3A_2017 = arith.constant 0 : i32
      %dma_start3A_2018 = arith.constant 0 : i32
      %dma_start3A_2019 = tpu.memref_slice %arg33[%dma_start3A_2017, %dma_start3A_2018] : memref<16x128xf32, #tpu.memory_space<vmem>> -> memref<16x128xf32, #tpu.memory_space<vmem>>
      %dma_start3A_2020 = arith.constant 0 : i32
      %dma_start3A_2021 = tpu.memref_slice %arg7[%dma_start3A_2020, %multiple_of3A_1981] : memref<16x1000000xf32, #tpu.memory_space<hbm>> -> memref<16x128xf32, #tpu.memory_space<hbm>>
      tpu.enqueue_dma source(%dma_start3A_2021 : memref<16x128xf32, #tpu.memory_space<hbm>>) target(%dma_start3A_2019 : memref<16x128xf32, #tpu.memory_space<vmem>>) target_semaphore(%arg54 : memref<!tpu.dma_semaphore, #tpu.memory_space<semaphore_mem>>)
      %sub3A_2022 = arith.constant 16 : i32
      %sub3A_2023 = arith.subi %mul3A_1571, %sub3A_2022 : i32
      %add3A_2024 = arith.constant 13 : i32
      %add3A_2025 = arith.addi %sub3A_2023, %add3A_2024 : i32
      %dma_wait3A_2026 = arith.constant 0 : i32
      %dma_wait3A_2027 = arith.constant 0 : i32
      %dma_wait3A_2028 = tpu.memref_slice %arg4[%dma_wait3A_2026, %dma_wait3A_2027] : memref<16x1000000xf32, #tpu.memory_space<hbm>> -> memref<16x128xf32, #tpu.memory_space<hbm>>
      %dma_wait3A_2029 = arith.constant 0 : i32
      %dma_wait3A_2030 = arith.constant 0 : i32
      %dma_wait3A_2031 = tpu.memref_slice %arg4[%dma_wait3A_2029, %dma_wait3A_2030] : memref<16x1000000xf32, #tpu.memory_space<hbm>> -> memref<16x128xf32, #tpu.memory_space<hbm>>
      tpu.wait_dma2 semaphore(%arg55 : memref<!tpu.dma_semaphore, #tpu.memory_space<semaphore_mem>>) src(%dma_wait3A_2031 : memref<16x128xf32, #tpu.memory_space<hbm>>) dst(%arg34 : memref<16x128xf32, #tpu.memory_space<vmem>>)
      %dma_wait3A_2032 = arith.constant 0 : i32
      %dma_wait3A_2033 = arith.constant 0 : i32
      %dma_wait3A_2034 = tpu.memref_slice %arg4[%dma_wait3A_2032, %dma_wait3A_2033] : memref<16x1000000xf32, #tpu.memory_space<hbm>> -> memref<16x128xf32, #tpu.memory_space<hbm>>
      %dma_wait3A_2035 = arith.constant 0 : i32
      %dma_wait3A_2036 = arith.constant 0 : i32
      %dma_wait3A_2037 = tpu.memref_slice %arg4[%dma_wait3A_2035, %dma_wait3A_2036] : memref<16x1000000xf32, #tpu.memory_space<hbm>> -> memref<16x128xf32, #tpu.memory_space<hbm>>
      tpu.wait_dma2 semaphore(%arg55 : memref<!tpu.dma_semaphore, #tpu.memory_space<semaphore_mem>>) src(%dma_wait3A_2037 : memref<16x128xf32, #tpu.memory_space<hbm>>) dst(%arg36 : memref<16x128xf32, #tpu.memory_space<vmem>>)
      %dma_wait3A_2038 = arith.constant 0 : i32
      %dma_wait3A_2039 = arith.constant 0 : i32
      %dma_wait3A_2040 = tpu.memref_slice %arg4[%dma_wait3A_2038, %dma_wait3A_2039] : memref<16x1000000xf32, #tpu.memory_space<hbm>> -> memref<16x128xf32, #tpu.memory_space<hbm>>
      %dma_wait3A_2041 = arith.constant 0 : i32
      %dma_wait3A_2042 = arith.constant 0 : i32
      %dma_wait3A_2043 = tpu.memref_slice %arg4[%dma_wait3A_2041, %dma_wait3A_2042] : memref<16x1000000xf32, #tpu.memory_space<hbm>> -> memref<16x128xf32, #tpu.memory_space<hbm>>
      tpu.wait_dma2 semaphore(%arg55 : memref<!tpu.dma_semaphore, #tpu.memory_space<semaphore_mem>>) src(%dma_wait3A_2043 : memref<16x128xf32, #tpu.memory_space<hbm>>) dst(%arg35 : memref<16x128xf32, #tpu.memory_space<vmem>>)
      %dma_wait3A_2044 = arith.constant 0 : i32
      %dma_wait3A_2045 = arith.constant 0 : i32
      %dma_wait3A_2046 = tpu.memref_slice %arg4[%dma_wait3A_2044, %dma_wait3A_2045] : memref<16x1000000xf32, #tpu.memory_space<hbm>> -> memref<16x128xf32, #tpu.memory_space<hbm>>
      %dma_wait3A_2047 = arith.constant 0 : i32
      %dma_wait3A_2048 = arith.constant 0 : i32
      %dma_wait3A_2049 = tpu.memref_slice %arg4[%dma_wait3A_2047, %dma_wait3A_2048] : memref<16x1000000xf32, #tpu.memory_space<hbm>> -> memref<16x128xf32, #tpu.memory_space<hbm>>
      tpu.wait_dma2 semaphore(%arg55 : memref<!tpu.dma_semaphore, #tpu.memory_space<semaphore_mem>>) src(%dma_wait3A_2049 : memref<16x128xf32, #tpu.memory_space<hbm>>) dst(%arg37 : memref<16x128xf32, #tpu.memory_space<vmem>>)
      %add3A_2050 = arith.constant 0 : i32
      %add3A_2051 = arith.addi %add3A_2025, %add3A_2050 : i32
      %broadcast_in_dim3A_2052 = vector.broadcast %add3A_2051 : i32 to vector<16xi32>
      %slice3A_2053 = vector.extract_strided_slice %scan3A_1552 {offsets = [13], sizes = [1], strides = [1]} : vector<16xi32> to vector<1xi32>
      %squeeze3A_2054 = vector.extract %slice3A_2053[0] : i32 from vector<1xi32>
      %add3A_2055 = arith.constant 0 : i32
      %add3A_2056 = arith.addi %squeeze3A_2054, %add3A_2055 : i32
      %broadcast_in_dim3A_2057 = vector.broadcast %add3A_2056 : i32 to vector<16xi32>
      %gather3A_2058 = tpu.vector_load_idx %arg34[%iota3A, %broadcast_in_dim3A_2057] : memref<16x128xf32, #tpu.memory_space<vmem>>[vector<16xi32>, vector<16xi32>], vector<16xf32>,
      tpu.vector_store_idx %arg46[%iota3A, %broadcast_in_dim3A_2052], %gather3A_2058 : memref<16x512xf32, #tpu.memory_space<vmem>>[vector<16xi32>, vector<16xi32>], vector<16xf32>,
      %slice3A_2059 = vector.extract_strided_slice %scan3A_1552 {offsets = [13], sizes = [1], strides = [1]} : vector<16xi32> to vector<1xi32>
      %squeeze3A_2060 = vector.extract %slice3A_2059[0] : i32 from vector<1xi32>
      %add3A_2061 = arith.constant 0 : i32
      %add3A_2062 = arith.addi %squeeze3A_2060, %add3A_2061 : i32
      %broadcast_in_dim3A_2063 = vector.broadcast %add3A_2062 : i32 to vector<16xi32>
      %gather3A_2064 = tpu.vector_load_idx %arg36[%iota3A, %broadcast_in_dim3A_2063] : memref<16x128xf32, #tpu.memory_space<vmem>>[vector<16xi32>, vector<16xi32>], vector<16xf32>,
      tpu.vector_store_idx %arg48[%iota3A, %broadcast_in_dim3A_2052], %gather3A_2064 : memref<16x512xf32, #tpu.memory_space<vmem>>[vector<16xi32>, vector<16xi32>], vector<16xf32>,
      %slice3A_2065 = vector.extract_strided_slice %scan3A_1553 {offsets = [13], sizes = [1], strides = [1]} : vector<16xi32> to vector<1xi32>
      %squeeze3A_2066 = vector.extract %slice3A_2065[0] : i32 from vector<1xi32>
      %add3A_2067 = arith.constant 0 : i32
      %add3A_2068 = arith.addi %squeeze3A_2066, %add3A_2067 : i32
      %broadcast_in_dim3A_2069 = vector.broadcast %add3A_2068 : i32 to vector<16xi32>
      %gather3A_2070 = tpu.vector_load_idx %arg35[%iota3A, %broadcast_in_dim3A_2069] : memref<16x128xf32, #tpu.memory_space<vmem>>[vector<16xi32>, vector<16xi32>], vector<16xf32>,
      tpu.vector_store_idx %arg47[%iota3A, %broadcast_in_dim3A_2052], %gather3A_2070 : memref<16x512xf32, #tpu.memory_space<vmem>>[vector<16xi32>, vector<16xi32>], vector<16xf32>,
      %slice3A_2071 = vector.extract_strided_slice %scan3A_1553 {offsets = [13], sizes = [1], strides = [1]} : vector<16xi32> to vector<1xi32>
      %squeeze3A_2072 = vector.extract %slice3A_2071[0] : i32 from vector<1xi32>
      %add3A_2073 = arith.constant 0 : i32
      %add3A_2074 = arith.addi %squeeze3A_2072, %add3A_2073 : i32
      %broadcast_in_dim3A_2075 = vector.broadcast %add3A_2074 : i32 to vector<16xi32>
      %gather3A_2076 = tpu.vector_load_idx %arg37[%iota3A, %broadcast_in_dim3A_2075] : memref<16x128xf32, #tpu.memory_space<vmem>>[vector<16xi32>, vector<16xi32>], vector<16xf32>,
      tpu.vector_store_idx %arg49[%iota3A, %broadcast_in_dim3A_2052], %gather3A_2076 : memref<16x512xf32, #tpu.memory_space<vmem>>[vector<16xi32>, vector<16xi32>], vector<16xf32>,
      %slice3A_2077 = vector.extract_strided_slice %sub3A_1568 {offsets = [5], sizes = [1], strides = [1]} : vector<16xi32> to vector<1xi32>
      %squeeze3A_2078 = vector.extract %slice3A_2077[0] : i32 from vector<1xi32>
      %multiple_of3A_2079 = tpu.assume_multiple %squeeze3A_2078, 128 : i32
      %slice3A_2080 = vector.extract_strided_slice %sub3A_1569 {offsets = [5], sizes = [1], strides = [1]} : vector<16xi32> to vector<1xi32>
      %squeeze3A_2081 = vector.extract %slice3A_2080[0] : i32 from vector<1xi32>
      %multiple_of3A_2082 = tpu.assume_multiple %squeeze3A_2081, 128 : i32
      %dma_start3A_2083 = arith.constant 0 : i32
      %dma_start3A_2084 = arith.constant 0 : i32
      %dma_start3A_2085 = tpu.memref_slice %arg34[%dma_start3A_2083, %dma_start3A_2084] : memref<16x128xf32, #tpu.memory_space<vmem>> -> memref<16x128xf32, #tpu.memory_space<vmem>>
      %dma_start3A_2086 = arith.constant 0 : i32
      %dma_start3A_2087 = tpu.memref_slice %arg4[%dma_start3A_2086, %multiple_of3A_2079] : memref<16x1000000xf32, #tpu.memory_space<hbm>> -> memref<16x128xf32, #tpu.memory_space<hbm>>
      %dma_start3A_2088 = arith.constant 0 : i32
      %dma_start3A_2089 = arith.constant 0 : i32
      %dma_start3A_2090 = tpu.memref_slice %arg34[%dma_start3A_2088, %dma_start3A_2089] : memref<16x128xf32, #tpu.memory_space<vmem>> -> memref<16x128xf32, #tpu.memory_space<vmem>>
      %dma_start3A_2091 = arith.constant 0 : i32
      %dma_start3A_2092 = tpu.memref_slice %arg4[%dma_start3A_2091, %multiple_of3A_2079] : memref<16x1000000xf32, #tpu.memory_space<hbm>> -> memref<16x128xf32, #tpu.memory_space<hbm>>
      tpu.enqueue_dma source(%dma_start3A_2092 : memref<16x128xf32, #tpu.memory_space<hbm>>) target(%dma_start3A_2090 : memref<16x128xf32, #tpu.memory_space<vmem>>) target_semaphore(%arg55 : memref<!tpu.dma_semaphore, #tpu.memory_space<semaphore_mem>>)
      %dma_start3A_2093 = arith.constant 0 : i32
      %dma_start3A_2094 = arith.constant 0 : i32
      %dma_start3A_2095 = tpu.memref_slice %arg36[%dma_start3A_2093, %dma_start3A_2094] : memref<16x128xf32, #tpu.memory_space<vmem>> -> memref<16x128xf32, #tpu.memory_space<vmem>>
      %dma_start3A_2096 = arith.constant 0 : i32
      %dma_start3A_2097 = tpu.memref_slice %arg6[%dma_start3A_2096, %multiple_of3A_2079] : memref<16x1000000xf32, #tpu.memory_space<hbm>> -> memref<16x128xf32, #tpu.memory_space<hbm>>
      %dma_start3A_2098 = arith.constant 0 : i32
      %dma_start3A_2099 = arith.constant 0 : i32
      %dma_start3A_2100 = tpu.memref_slice %arg36[%dma_start3A_2098, %dma_start3A_2099] : memref<16x128xf32, #tpu.memory_space<vmem>> -> memref<16x128xf32, #tpu.memory_space<vmem>>
      %dma_start3A_2101 = arith.constant 0 : i32
      %dma_start3A_2102 = tpu.memref_slice %arg6[%dma_start3A_2101, %multiple_of3A_2079] : memref<16x1000000xf32, #tpu.memory_space<hbm>> -> memref<16x128xf32, #tpu.memory_space<hbm>>
      tpu.enqueue_dma source(%dma_start3A_2102 : memref<16x128xf32, #tpu.memory_space<hbm>>) target(%dma_start3A_2100 : memref<16x128xf32, #tpu.memory_space<vmem>>) target_semaphore(%arg55 : memref<!tpu.dma_semaphore, #tpu.memory_space<semaphore_mem>>)
      %dma_start3A_2103 = arith.constant 0 : i32
      %dma_start3A_2104 = arith.constant 0 : i32
      %dma_start3A_2105 = tpu.memref_slice %arg35[%dma_start3A_2103, %dma_start3A_2104] : memref<16x128xf32, #tpu.memory_space<vmem>> -> memref<16x128xf32, #tpu.memory_space<vmem>>
      %dma_start3A_2106 = arith.constant 0 : i32
      %dma_start3A_2107 = tpu.memref_slice %arg5[%dma_start3A_2106, %multiple_of3A_2082] : memref<16x1000000xf32, #tpu.memory_space<hbm>> -> memref<16x128xf32, #tpu.memory_space<hbm>>
      %dma_start3A_2108 = arith.constant 0 : i32
      %dma_start3A_2109 = arith.constant 0 : i32
      %dma_start3A_2110 = tpu.memref_slice %arg35[%dma_start3A_2108, %dma_start3A_2109] : memref<16x128xf32, #tpu.memory_space<vmem>> -> memref<16x128xf32, #tpu.memory_space<vmem>>
      %dma_start3A_2111 = arith.constant 0 : i32
      %dma_start3A_2112 = tpu.memref_slice %arg5[%dma_start3A_2111, %multiple_of3A_2082] : memref<16x1000000xf32, #tpu.memory_space<hbm>> -> memref<16x128xf32, #tpu.memory_space<hbm>>
      tpu.enqueue_dma source(%dma_start3A_2112 : memref<16x128xf32, #tpu.memory_space<hbm>>) target(%dma_start3A_2110 : memref<16x128xf32, #tpu.memory_space<vmem>>) target_semaphore(%arg55 : memref<!tpu.dma_semaphore, #tpu.memory_space<semaphore_mem>>)
      %dma_start3A_2113 = arith.constant 0 : i32
      %dma_start3A_2114 = arith.constant 0 : i32
      %dma_start3A_2115 = tpu.memref_slice %arg37[%dma_start3A_2113, %dma_start3A_2114] : memref<16x128xf32, #tpu.memory_space<vmem>> -> memref<16x128xf32, #tpu.memory_space<vmem>>
      %dma_start3A_2116 = arith.constant 0 : i32
      %dma_start3A_2117 = tpu.memref_slice %arg7[%dma_start3A_2116, %multiple_of3A_2082] : memref<16x1000000xf32, #tpu.memory_space<hbm>> -> memref<16x128xf32, #tpu.memory_space<hbm>>
      %dma_start3A_2118 = arith.constant 0 : i32
      %dma_start3A_2119 = arith.constant 0 : i32
      %dma_start3A_2120 = tpu.memref_slice %arg37[%dma_start3A_2118, %dma_start3A_2119] : memref<16x128xf32, #tpu.memory_space<vmem>> -> memref<16x128xf32, #tpu.memory_space<vmem>>
      %dma_start3A_2121 = arith.constant 0 : i32
      %dma_start3A_2122 = tpu.memref_slice %arg7[%dma_start3A_2121, %multiple_of3A_2082] : memref<16x1000000xf32, #tpu.memory_space<hbm>> -> memref<16x128xf32, #tpu.memory_space<hbm>>
      tpu.enqueue_dma source(%dma_start3A_2122 : memref<16x128xf32, #tpu.memory_space<hbm>>) target(%dma_start3A_2120 : memref<16x128xf32, #tpu.memory_space<vmem>>) target_semaphore(%arg55 : memref<!tpu.dma_semaphore, #tpu.memory_space<semaphore_mem>>)
      %sub3A_2123 = arith.constant 16 : i32
      %sub3A_2124 = arith.subi %mul3A_1571, %sub3A_2123 : i32
      %add3A_2125 = arith.constant 14 : i32
      %add3A_2126 = arith.addi %sub3A_2124, %add3A_2125 : i32
      %dma_wait3A_2127 = arith.constant 0 : i32
      %dma_wait3A_2128 = arith.constant 0 : i32
      %dma_wait3A_2129 = tpu.memref_slice %arg4[%dma_wait3A_2127, %dma_wait3A_2128] : memref<16x1000000xf32, #tpu.memory_space<hbm>> -> memref<16x128xf32, #tpu.memory_space<hbm>>
      %dma_wait3A_2130 = arith.constant 0 : i32
      %dma_wait3A_2131 = arith.constant 0 : i32
      %dma_wait3A_2132 = tpu.memref_slice %arg4[%dma_wait3A_2130, %dma_wait3A_2131] : memref<16x1000000xf32, #tpu.memory_space<hbm>> -> memref<16x128xf32, #tpu.memory_space<hbm>>
      tpu.wait_dma2 semaphore(%arg56 : memref<!tpu.dma_semaphore, #tpu.memory_space<semaphore_mem>>) src(%dma_wait3A_2132 : memref<16x128xf32, #tpu.memory_space<hbm>>) dst(%arg38 : memref<16x128xf32, #tpu.memory_space<vmem>>)
      %dma_wait3A_2133 = arith.constant 0 : i32
      %dma_wait3A_2134 = arith.constant 0 : i32
      %dma_wait3A_2135 = tpu.memref_slice %arg4[%dma_wait3A_2133, %dma_wait3A_2134] : memref<16x1000000xf32, #tpu.memory_space<hbm>> -> memref<16x128xf32, #tpu.memory_space<hbm>>
      %dma_wait3A_2136 = arith.constant 0 : i32
      %dma_wait3A_2137 = arith.constant 0 : i32
      %dma_wait3A_2138 = tpu.memref_slice %arg4[%dma_wait3A_2136, %dma_wait3A_2137] : memref<16x1000000xf32, #tpu.memory_space<hbm>> -> memref<16x128xf32, #tpu.memory_space<hbm>>
      tpu.wait_dma2 semaphore(%arg56 : memref<!tpu.dma_semaphore, #tpu.memory_space<semaphore_mem>>) src(%dma_wait3A_2138 : memref<16x128xf32, #tpu.memory_space<hbm>>) dst(%arg40 : memref<16x128xf32, #tpu.memory_space<vmem>>)
      %dma_wait3A_2139 = arith.constant 0 : i32
      %dma_wait3A_2140 = arith.constant 0 : i32
      %dma_wait3A_2141 = tpu.memref_slice %arg4[%dma_wait3A_2139, %dma_wait3A_2140] : memref<16x1000000xf32, #tpu.memory_space<hbm>> -> memref<16x128xf32, #tpu.memory_space<hbm>>
      %dma_wait3A_2142 = arith.constant 0 : i32
      %dma_wait3A_2143 = arith.constant 0 : i32
      %dma_wait3A_2144 = tpu.memref_slice %arg4[%dma_wait3A_2142, %dma_wait3A_2143] : memref<16x1000000xf32, #tpu.memory_space<hbm>> -> memref<16x128xf32, #tpu.memory_space<hbm>>
      tpu.wait_dma2 semaphore(%arg56 : memref<!tpu.dma_semaphore, #tpu.memory_space<semaphore_mem>>) src(%dma_wait3A_2144 : memref<16x128xf32, #tpu.memory_space<hbm>>) dst(%arg39 : memref<16x128xf32, #tpu.memory_space<vmem>>)
      %dma_wait3A_2145 = arith.constant 0 : i32
      %dma_wait3A_2146 = arith.constant 0 : i32
      %dma_wait3A_2147 = tpu.memref_slice %arg4[%dma_wait3A_2145, %dma_wait3A_2146] : memref<16x1000000xf32, #tpu.memory_space<hbm>> -> memref<16x128xf32, #tpu.memory_space<hbm>>
      %dma_wait3A_2148 = arith.constant 0 : i32
      %dma_wait3A_2149 = arith.constant 0 : i32
      %dma_wait3A_2150 = tpu.memref_slice %arg4[%dma_wait3A_2148, %dma_wait3A_2149] : memref<16x1000000xf32, #tpu.memory_space<hbm>> -> memref<16x128xf32, #tpu.memory_space<hbm>>
      tpu.wait_dma2 semaphore(%arg56 : memref<!tpu.dma_semaphore, #tpu.memory_space<semaphore_mem>>) src(%dma_wait3A_2150 : memref<16x128xf32, #tpu.memory_space<hbm>>) dst(%arg41 : memref<16x128xf32, #tpu.memory_space<vmem>>)
      %add3A_2151 = arith.constant 0 : i32
      %add3A_2152 = arith.addi %add3A_2126, %add3A_2151 : i32
      %broadcast_in_dim3A_2153 = vector.broadcast %add3A_2152 : i32 to vector<16xi32>
      %slice3A_2154 = vector.extract_strided_slice %scan3A_1552 {offsets = [14], sizes = [1], strides = [1]} : vector<16xi32> to vector<1xi32>
      %squeeze3A_2155 = vector.extract %slice3A_2154[0] : i32 from vector<1xi32>
      %add3A_2156 = arith.constant 0 : i32
      %add3A_2157 = arith.addi %squeeze3A_2155, %add3A_2156 : i32
      %broadcast_in_dim3A_2158 = vector.broadcast %add3A_2157 : i32 to vector<16xi32>
      %gather3A_2159 = tpu.vector_load_idx %arg38[%iota3A, %broadcast_in_dim3A_2158] : memref<16x128xf32, #tpu.memory_space<vmem>>[vector<16xi32>, vector<16xi32>], vector<16xf32>,
      tpu.vector_store_idx %arg46[%iota3A, %broadcast_in_dim3A_2153], %gather3A_2159 : memref<16x512xf32, #tpu.memory_space<vmem>>[vector<16xi32>, vector<16xi32>], vector<16xf32>,
      %slice3A_2160 = vector.extract_strided_slice %scan3A_1552 {offsets = [14], sizes = [1], strides = [1]} : vector<16xi32> to vector<1xi32>
      %squeeze3A_2161 = vector.extract %slice3A_2160[0] : i32 from vector<1xi32>
      %add3A_2162 = arith.constant 0 : i32
      %add3A_2163 = arith.addi %squeeze3A_2161, %add3A_2162 : i32
      %broadcast_in_dim3A_2164 = vector.broadcast %add3A_2163 : i32 to vector<16xi32>
      %gather3A_2165 = tpu.vector_load_idx %arg40[%iota3A, %broadcast_in_dim3A_2164] : memref<16x128xf32, #tpu.memory_space<vmem>>[vector<16xi32>, vector<16xi32>], vector<16xf32>,
      tpu.vector_store_idx %arg48[%iota3A, %broadcast_in_dim3A_2153], %gather3A_2165 : memref<16x512xf32, #tpu.memory_space<vmem>>[vector<16xi32>, vector<16xi32>], vector<16xf32>,
      %slice3A_2166 = vector.extract_strided_slice %scan3A_1553 {offsets = [14], sizes = [1], strides = [1]} : vector<16xi32> to vector<1xi32>
      %squeeze3A_2167 = vector.extract %slice3A_2166[0] : i32 from vector<1xi32>
      %add3A_2168 = arith.constant 0 : i32
      %add3A_2169 = arith.addi %squeeze3A_2167, %add3A_2168 : i32
      %broadcast_in_dim3A_2170 = vector.broadcast %add3A_2169 : i32 to vector<16xi32>
      %gather3A_2171 = tpu.vector_load_idx %arg39[%iota3A, %broadcast_in_dim3A_2170] : memref<16x128xf32, #tpu.memory_space<vmem>>[vector<16xi32>, vector<16xi32>], vector<16xf32>,
      tpu.vector_store_idx %arg47[%iota3A, %broadcast_in_dim3A_2153], %gather3A_2171 : memref<16x512xf32, #tpu.memory_space<vmem>>[vector<16xi32>, vector<16xi32>], vector<16xf32>,
      %slice3A_2172 = vector.extract_strided_slice %scan3A_1553 {offsets = [14], sizes = [1], strides = [1]} : vector<16xi32> to vector<1xi32>
      %squeeze3A_2173 = vector.extract %slice3A_2172[0] : i32 from vector<1xi32>
      %add3A_2174 = arith.constant 0 : i32
      %add3A_2175 = arith.addi %squeeze3A_2173, %add3A_2174 : i32
      %broadcast_in_dim3A_2176 = vector.broadcast %add3A_2175 : i32 to vector<16xi32>
      %gather3A_2177 = tpu.vector_load_idx %arg41[%iota3A, %broadcast_in_dim3A_2176] : memref<16x128xf32, #tpu.memory_space<vmem>>[vector<16xi32>, vector<16xi32>], vector<16xf32>,
      tpu.vector_store_idx %arg49[%iota3A, %broadcast_in_dim3A_2153], %gather3A_2177 : memref<16x512xf32, #tpu.memory_space<vmem>>[vector<16xi32>, vector<16xi32>], vector<16xf32>,
      %slice3A_2178 = vector.extract_strided_slice %sub3A_1568 {offsets = [6], sizes = [1], strides = [1]} : vector<16xi32> to vector<1xi32>
      %squeeze3A_2179 = vector.extract %slice3A_2178[0] : i32 from vector<1xi32>
      %multiple_of3A_2180 = tpu.assume_multiple %squeeze3A_2179, 128 : i32
      %slice3A_2181 = vector.extract_strided_slice %sub3A_1569 {offsets = [6], sizes = [1], strides = [1]} : vector<16xi32> to vector<1xi32>
      %squeeze3A_2182 = vector.extract %slice3A_2181[0] : i32 from vector<1xi32>
      %multiple_of3A_2183 = tpu.assume_multiple %squeeze3A_2182, 128 : i32
      %dma_start3A_2184 = arith.constant 0 : i32
      %dma_start3A_2185 = arith.constant 0 : i32
      %dma_start3A_2186 = tpu.memref_slice %arg38[%dma_start3A_2184, %dma_start3A_2185] : memref<16x128xf32, #tpu.memory_space<vmem>> -> memref<16x128xf32, #tpu.memory_space<vmem>>
      %dma_start3A_2187 = arith.constant 0 : i32
      %dma_start3A_2188 = tpu.memref_slice %arg4[%dma_start3A_2187, %multiple_of3A_2180] : memref<16x1000000xf32, #tpu.memory_space<hbm>> -> memref<16x128xf32, #tpu.memory_space<hbm>>
      %dma_start3A_2189 = arith.constant 0 : i32
      %dma_start3A_2190 = arith.constant 0 : i32
      %dma_start3A_2191 = tpu.memref_slice %arg38[%dma_start3A_2189, %dma_start3A_2190] : memref<16x128xf32, #tpu.memory_space<vmem>> -> memref<16x128xf32, #tpu.memory_space<vmem>>
      %dma_start3A_2192 = arith.constant 0 : i32
      %dma_start3A_2193 = tpu.memref_slice %arg4[%dma_start3A_2192, %multiple_of3A_2180] : memref<16x1000000xf32, #tpu.memory_space<hbm>> -> memref<16x128xf32, #tpu.memory_space<hbm>>
      tpu.enqueue_dma source(%dma_start3A_2193 : memref<16x128xf32, #tpu.memory_space<hbm>>) target(%dma_start3A_2191 : memref<16x128xf32, #tpu.memory_space<vmem>>) target_semaphore(%arg56 : memref<!tpu.dma_semaphore, #tpu.memory_space<semaphore_mem>>)
      %dma_start3A_2194 = arith.constant 0 : i32
      %dma_start3A_2195 = arith.constant 0 : i32
      %dma_start3A_2196 = tpu.memref_slice %arg40[%dma_start3A_2194, %dma_start3A_2195] : memref<16x128xf32, #tpu.memory_space<vmem>> -> memref<16x128xf32, #tpu.memory_space<vmem>>
      %dma_start3A_2197 = arith.constant 0 : i32
      %dma_start3A_2198 = tpu.memref_slice %arg6[%dma_start3A_2197, %multiple_of3A_2180] : memref<16x1000000xf32, #tpu.memory_space<hbm>> -> memref<16x128xf32, #tpu.memory_space<hbm>>
      %dma_start3A_2199 = arith.constant 0 : i32
      %dma_start3A_2200 = arith.constant 0 : i32
      %dma_start3A_2201 = tpu.memref_slice %arg40[%dma_start3A_2199, %dma_start3A_2200] : memref<16x128xf32, #tpu.memory_space<vmem>> -> memref<16x128xf32, #tpu.memory_space<vmem>>
      %dma_start3A_2202 = arith.constant 0 : i32
      %dma_start3A_2203 = tpu.memref_slice %arg6[%dma_start3A_2202, %multiple_of3A_2180] : memref<16x1000000xf32, #tpu.memory_space<hbm>> -> memref<16x128xf32, #tpu.memory_space<hbm>>
      tpu.enqueue_dma source(%dma_start3A_2203 : memref<16x128xf32, #tpu.memory_space<hbm>>) target(%dma_start3A_2201 : memref<16x128xf32, #tpu.memory_space<vmem>>) target_semaphore(%arg56 : memref<!tpu.dma_semaphore, #tpu.memory_space<semaphore_mem>>)
      %dma_start3A_2204 = arith.constant 0 : i32
      %dma_start3A_2205 = arith.constant 0 : i32
      %dma_start3A_2206 = tpu.memref_slice %arg39[%dma_start3A_2204, %dma_start3A_2205] : memref<16x128xf32, #tpu.memory_space<vmem>> -> memref<16x128xf32, #tpu.memory_space<vmem>>
      %dma_start3A_2207 = arith.constant 0 : i32
      %dma_start3A_2208 = tpu.memref_slice %arg5[%dma_start3A_2207, %multiple_of3A_2183] : memref<16x1000000xf32, #tpu.memory_space<hbm>> -> memref<16x128xf32, #tpu.memory_space<hbm>>
      %dma_start3A_2209 = arith.constant 0 : i32
      %dma_start3A_2210 = arith.constant 0 : i32
      %dma_start3A_2211 = tpu.memref_slice %arg39[%dma_start3A_2209, %dma_start3A_2210] : memref<16x128xf32, #tpu.memory_space<vmem>> -> memref<16x128xf32, #tpu.memory_space<vmem>>
      %dma_start3A_2212 = arith.constant 0 : i32
      %dma_start3A_2213 = tpu.memref_slice %arg5[%dma_start3A_2212, %multiple_of3A_2183] : memref<16x1000000xf32, #tpu.memory_space<hbm>> -> memref<16x128xf32, #tpu.memory_space<hbm>>
      tpu.enqueue_dma source(%dma_start3A_2213 : memref<16x128xf32, #tpu.memory_space<hbm>>) target(%dma_start3A_2211 : memref<16x128xf32, #tpu.memory_space<vmem>>) target_semaphore(%arg56 : memref<!tpu.dma_semaphore, #tpu.memory_space<semaphore_mem>>)
      %dma_start3A_2214 = arith.constant 0 : i32
      %dma_start3A_2215 = arith.constant 0 : i32
      %dma_start3A_2216 = tpu.memref_slice %arg41[%dma_start3A_2214, %dma_start3A_2215] : memref<16x128xf32, #tpu.memory_space<vmem>> -> memref<16x128xf32, #tpu.memory_space<vmem>>
      %dma_start3A_2217 = arith.constant 0 : i32
      %dma_start3A_2218 = tpu.memref_slice %arg7[%dma_start3A_2217, %multiple_of3A_2183] : memref<16x1000000xf32, #tpu.memory_space<hbm>> -> memref<16x128xf32, #tpu.memory_space<hbm>>
      %dma_start3A_2219 = arith.constant 0 : i32
      %dma_start3A_2220 = arith.constant 0 : i32
      %dma_start3A_2221 = tpu.memref_slice %arg41[%dma_start3A_2219, %dma_start3A_2220] : memref<16x128xf32, #tpu.memory_space<vmem>> -> memref<16x128xf32, #tpu.memory_space<vmem>>
      %dma_start3A_2222 = arith.constant 0 : i32
      %dma_start3A_2223 = tpu.memref_slice %arg7[%dma_start3A_2222, %multiple_of3A_2183] : memref<16x1000000xf32, #tpu.memory_space<hbm>> -> memref<16x128xf32, #tpu.memory_space<hbm>>
      tpu.enqueue_dma source(%dma_start3A_2223 : memref<16x128xf32, #tpu.memory_space<hbm>>) target(%dma_start3A_2221 : memref<16x128xf32, #tpu.memory_space<vmem>>) target_semaphore(%arg56 : memref<!tpu.dma_semaphore, #tpu.memory_space<semaphore_mem>>)
      %sub3A_2224 = arith.constant 16 : i32
      %sub3A_2225 = arith.subi %mul3A_1571, %sub3A_2224 : i32
      %add3A_2226 = arith.constant 15 : i32
      %add3A_2227 = arith.addi %sub3A_2225, %add3A_2226 : i32
      %dma_wait3A_2228 = arith.constant 0 : i32
      %dma_wait3A_2229 = arith.constant 0 : i32
      %dma_wait3A_2230 = tpu.memref_slice %arg4[%dma_wait3A_2228, %dma_wait3A_2229] : memref<16x1000000xf32, #tpu.memory_space<hbm>> -> memref<16x128xf32, #tpu.memory_space<hbm>>
      %dma_wait3A_2231 = arith.constant 0 : i32
      %dma_wait3A_2232 = arith.constant 0 : i32
      %dma_wait3A_2233 = tpu.memref_slice %arg4[%dma_wait3A_2231, %dma_wait3A_2232] : memref<16x1000000xf32, #tpu.memory_space<hbm>> -> memref<16x128xf32, #tpu.memory_space<hbm>>
      tpu.wait_dma2 semaphore(%arg57 : memref<!tpu.dma_semaphore, #tpu.memory_space<semaphore_mem>>) src(%dma_wait3A_2233 : memref<16x128xf32, #tpu.memory_space<hbm>>) dst(%arg42 : memref<16x128xf32, #tpu.memory_space<vmem>>)
      %dma_wait3A_2234 = arith.constant 0 : i32
      %dma_wait3A_2235 = arith.constant 0 : i32
      %dma_wait3A_2236 = tpu.memref_slice %arg4[%dma_wait3A_2234, %dma_wait3A_2235] : memref<16x1000000xf32, #tpu.memory_space<hbm>> -> memref<16x128xf32, #tpu.memory_space<hbm>>
      %dma_wait3A_2237 = arith.constant 0 : i32
      %dma_wait3A_2238 = arith.constant 0 : i32
      %dma_wait3A_2239 = tpu.memref_slice %arg4[%dma_wait3A_2237, %dma_wait3A_2238] : memref<16x1000000xf32, #tpu.memory_space<hbm>> -> memref<16x128xf32, #tpu.memory_space<hbm>>
      tpu.wait_dma2 semaphore(%arg57 : memref<!tpu.dma_semaphore, #tpu.memory_space<semaphore_mem>>) src(%dma_wait3A_2239 : memref<16x128xf32, #tpu.memory_space<hbm>>) dst(%arg44 : memref<16x128xf32, #tpu.memory_space<vmem>>)
      %dma_wait3A_2240 = arith.constant 0 : i32
      %dma_wait3A_2241 = arith.constant 0 : i32
      %dma_wait3A_2242 = tpu.memref_slice %arg4[%dma_wait3A_2240, %dma_wait3A_2241] : memref<16x1000000xf32, #tpu.memory_space<hbm>> -> memref<16x128xf32, #tpu.memory_space<hbm>>
      %dma_wait3A_2243 = arith.constant 0 : i32
      %dma_wait3A_2244 = arith.constant 0 : i32
      %dma_wait3A_2245 = tpu.memref_slice %arg4[%dma_wait3A_2243, %dma_wait3A_2244] : memref<16x1000000xf32, #tpu.memory_space<hbm>> -> memref<16x128xf32, #tpu.memory_space<hbm>>
      tpu.wait_dma2 semaphore(%arg57 : memref<!tpu.dma_semaphore, #tpu.memory_space<semaphore_mem>>) src(%dma_wait3A_2245 : memref<16x128xf32, #tpu.memory_space<hbm>>) dst(%arg43 : memref<16x128xf32, #tpu.memory_space<vmem>>)
      %dma_wait3A_2246 = arith.constant 0 : i32
      %dma_wait3A_2247 = arith.constant 0 : i32
      %dma_wait3A_2248 = tpu.memref_slice %arg4[%dma_wait3A_2246, %dma_wait3A_2247] : memref<16x1000000xf32, #tpu.memory_space<hbm>> -> memref<16x128xf32, #tpu.memory_space<hbm>>
      %dma_wait3A_2249 = arith.constant 0 : i32
      %dma_wait3A_2250 = arith.constant 0 : i32
      %dma_wait3A_2251 = tpu.memref_slice %arg4[%dma_wait3A_2249, %dma_wait3A_2250] : memref<16x1000000xf32, #tpu.memory_space<hbm>> -> memref<16x128xf32, #tpu.memory_space<hbm>>
      tpu.wait_dma2 semaphore(%arg57 : memref<!tpu.dma_semaphore, #tpu.memory_space<semaphore_mem>>) src(%dma_wait3A_2251 : memref<16x128xf32, #tpu.memory_space<hbm>>) dst(%arg45 : memref<16x128xf32, #tpu.memory_space<vmem>>)
      %add3A_2252 = arith.constant 0 : i32
      %add3A_2253 = arith.addi %add3A_2227, %add3A_2252 : i32
      %broadcast_in_dim3A_2254 = vector.broadcast %add3A_2253 : i32 to vector<16xi32>
      %slice3A_2255 = vector.extract_strided_slice %scan3A_1552 {offsets = [15], sizes = [1], strides = [1]} : vector<16xi32> to vector<1xi32>
      %squeeze3A_2256 = vector.extract %slice3A_2255[0] : i32 from vector<1xi32>
      %add3A_2257 = arith.constant 0 : i32
      %add3A_2258 = arith.addi %squeeze3A_2256, %add3A_2257 : i32
      %broadcast_in_dim3A_2259 = vector.broadcast %add3A_2258 : i32 to vector<16xi32>
      %gather3A_2260 = tpu.vector_load_idx %arg42[%iota3A, %broadcast_in_dim3A_2259] : memref<16x128xf32, #tpu.memory_space<vmem>>[vector<16xi32>, vector<16xi32>], vector<16xf32>,
      tpu.vector_store_idx %arg46[%iota3A, %broadcast_in_dim3A_2254], %gather3A_2260 : memref<16x512xf32, #tpu.memory_space<vmem>>[vector<16xi32>, vector<16xi32>], vector<16xf32>,
      %slice3A_2261 = vector.extract_strided_slice %scan3A_1552 {offsets = [15], sizes = [1], strides = [1]} : vector<16xi32> to vector<1xi32>
      %squeeze3A_2262 = vector.extract %slice3A_2261[0] : i32 from vector<1xi32>
      %add3A_2263 = arith.constant 0 : i32
      %add3A_2264 = arith.addi %squeeze3A_2262, %add3A_2263 : i32
      %broadcast_in_dim3A_2265 = vector.broadcast %add3A_2264 : i32 to vector<16xi32>
      %gather3A_2266 = tpu.vector_load_idx %arg44[%iota3A, %broadcast_in_dim3A_2265] : memref<16x128xf32, #tpu.memory_space<vmem>>[vector<16xi32>, vector<16xi32>], vector<16xf32>,
      tpu.vector_store_idx %arg48[%iota3A, %broadcast_in_dim3A_2254], %gather3A_2266 : memref<16x512xf32, #tpu.memory_space<vmem>>[vector<16xi32>, vector<16xi32>], vector<16xf32>,
      %slice3A_2267 = vector.extract_strided_slice %scan3A_1553 {offsets = [15], sizes = [1], strides = [1]} : vector<16xi32> to vector<1xi32>
      %squeeze3A_2268 = vector.extract %slice3A_2267[0] : i32 from vector<1xi32>
      %add3A_2269 = arith.constant 0 : i32
      %add3A_2270 = arith.addi %squeeze3A_2268, %add3A_2269 : i32
      %broadcast_in_dim3A_2271 = vector.broadcast %add3A_2270 : i32 to vector<16xi32>
      %gather3A_2272 = tpu.vector_load_idx %arg43[%iota3A, %broadcast_in_dim3A_2271] : memref<16x128xf32, #tpu.memory_space<vmem>>[vector<16xi32>, vector<16xi32>], vector<16xf32>,
      tpu.vector_store_idx %arg47[%iota3A, %broadcast_in_dim3A_2254], %gather3A_2272 : memref<16x512xf32, #tpu.memory_space<vmem>>[vector<16xi32>, vector<16xi32>], vector<16xf32>,
      %slice3A_2273 = vector.extract_strided_slice %scan3A_1553 {offsets = [15], sizes = [1], strides = [1]} : vector<16xi32> to vector<1xi32>
      %squeeze3A_2274 = vector.extract %slice3A_2273[0] : i32 from vector<1xi32>
      %add3A_2275 = arith.constant 0 : i32
      %add3A_2276 = arith.addi %squeeze3A_2274, %add3A_2275 : i32
      %broadcast_in_dim3A_2277 = vector.broadcast %add3A_2276 : i32 to vector<16xi32>
      %gather3A_2278 = tpu.vector_load_idx %arg45[%iota3A, %broadcast_in_dim3A_2277] : memref<16x128xf32, #tpu.memory_space<vmem>>[vector<16xi32>, vector<16xi32>], vector<16xf32>,
      tpu.vector_store_idx %arg49[%iota3A, %broadcast_in_dim3A_2254], %gather3A_2278 : memref<16x512xf32, #tpu.memory_space<vmem>>[vector<16xi32>, vector<16xi32>], vector<16xf32>,
      %slice3A_2279 = vector.extract_strided_slice %sub3A_1568 {offsets = [7], sizes = [1], strides = [1]} : vector<16xi32> to vector<1xi32>
      %squeeze3A_2280 = vector.extract %slice3A_2279[0] : i32 from vector<1xi32>
      %multiple_of3A_2281 = tpu.assume_multiple %squeeze3A_2280, 128 : i32
      %slice3A_2282 = vector.extract_strided_slice %sub3A_1569 {offsets = [7], sizes = [1], strides = [1]} : vector<16xi32> to vector<1xi32>
      %squeeze3A_2283 = vector.extract %slice3A_2282[0] : i32 from vector<1xi32>
      %multiple_of3A_2284 = tpu.assume_multiple %squeeze3A_2283, 128 : i32
      %dma_start3A_2285 = arith.constant 0 : i32
      %dma_start3A_2286 = arith.constant 0 : i32
      %dma_start3A_2287 = tpu.memref_slice %arg42[%dma_start3A_2285, %dma_start3A_2286] : memref<16x128xf32, #tpu.memory_space<vmem>> -> memref<16x128xf32, #tpu.memory_space<vmem>>
      %dma_start3A_2288 = arith.constant 0 : i32
      %dma_start3A_2289 = tpu.memref_slice %arg4[%dma_start3A_2288, %multiple_of3A_2281] : memref<16x1000000xf32, #tpu.memory_space<hbm>> -> memref<16x128xf32, #tpu.memory_space<hbm>>
      %dma_start3A_2290 = arith.constant 0 : i32
      %dma_start3A_2291 = arith.constant 0 : i32
      %dma_start3A_2292 = tpu.memref_slice %arg42[%dma_start3A_2290, %dma_start3A_2291] : memref<16x128xf32, #tpu.memory_space<vmem>> -> memref<16x128xf32, #tpu.memory_space<vmem>>
      %dma_start3A_2293 = arith.constant 0 : i32
      %dma_start3A_2294 = tpu.memref_slice %arg4[%dma_start3A_2293, %multiple_of3A_2281] : memref<16x1000000xf32, #tpu.memory_space<hbm>> -> memref<16x128xf32, #tpu.memory_space<hbm>>
      tpu.enqueue_dma source(%dma_start3A_2294 : memref<16x128xf32, #tpu.memory_space<hbm>>) target(%dma_start3A_2292 : memref<16x128xf32, #tpu.memory_space<vmem>>) target_semaphore(%arg57 : memref<!tpu.dma_semaphore, #tpu.memory_space<semaphore_mem>>)
      %dma_start3A_2295 = arith.constant 0 : i32
      %dma_start3A_2296 = arith.constant 0 : i32
      %dma_start3A_2297 = tpu.memref_slice %arg44[%dma_start3A_2295, %dma_start3A_2296] : memref<16x128xf32, #tpu.memory_space<vmem>> -> memref<16x128xf32, #tpu.memory_space<vmem>>
      %dma_start3A_2298 = arith.constant 0 : i32
      %dma_start3A_2299 = tpu.memref_slice %arg6[%dma_start3A_2298, %multiple_of3A_2281] : memref<16x1000000xf32, #tpu.memory_space<hbm>> -> memref<16x128xf32, #tpu.memory_space<hbm>>
      %dma_start3A_2300 = arith.constant 0 : i32
      %dma_start3A_2301 = arith.constant 0 : i32
      %dma_start3A_2302 = tpu.memref_slice %arg44[%dma_start3A_2300, %dma_start3A_2301] : memref<16x128xf32, #tpu.memory_space<vmem>> -> memref<16x128xf32, #tpu.memory_space<vmem>>
      %dma_start3A_2303 = arith.constant 0 : i32
      %dma_start3A_2304 = tpu.memref_slice %arg6[%dma_start3A_2303, %multiple_of3A_2281] : memref<16x1000000xf32, #tpu.memory_space<hbm>> -> memref<16x128xf32, #tpu.memory_space<hbm>>
      tpu.enqueue_dma source(%dma_start3A_2304 : memref<16x128xf32, #tpu.memory_space<hbm>>) target(%dma_start3A_2302 : memref<16x128xf32, #tpu.memory_space<vmem>>) target_semaphore(%arg57 : memref<!tpu.dma_semaphore, #tpu.memory_space<semaphore_mem>>)
      %dma_start3A_2305 = arith.constant 0 : i32
      %dma_start3A_2306 = arith.constant 0 : i32
      %dma_start3A_2307 = tpu.memref_slice %arg43[%dma_start3A_2305, %dma_start3A_2306] : memref<16x128xf32, #tpu.memory_space<vmem>> -> memref<16x128xf32, #tpu.memory_space<vmem>>
      %dma_start3A_2308 = arith.constant 0 : i32
      %dma_start3A_2309 = tpu.memref_slice %arg5[%dma_start3A_2308, %multiple_of3A_2284] : memref<16x1000000xf32, #tpu.memory_space<hbm>> -> memref<16x128xf32, #tpu.memory_space<hbm>>
      %dma_start3A_2310 = arith.constant 0 : i32
      %dma_start3A_2311 = arith.constant 0 : i32
      %dma_start3A_2312 = tpu.memref_slice %arg43[%dma_start3A_2310, %dma_start3A_2311] : memref<16x128xf32, #tpu.memory_space<vmem>> -> memref<16x128xf32, #tpu.memory_space<vmem>>
      %dma_start3A_2313 = arith.constant 0 : i32
      %dma_start3A_2314 = tpu.memref_slice %arg5[%dma_start3A_2313, %multiple_of3A_2284] : memref<16x1000000xf32, #tpu.memory_space<hbm>> -> memref<16x128xf32, #tpu.memory_space<hbm>>
      tpu.enqueue_dma source(%dma_start3A_2314 : memref<16x128xf32, #tpu.memory_space<hbm>>) target(%dma_start3A_2312 : memref<16x128xf32, #tpu.memory_space<vmem>>) target_semaphore(%arg57 : memref<!tpu.dma_semaphore, #tpu.memory_space<semaphore_mem>>)
      %dma_start3A_2315 = arith.constant 0 : i32
      %dma_start3A_2316 = arith.constant 0 : i32
      %dma_start3A_2317 = tpu.memref_slice %arg45[%dma_start3A_2315, %dma_start3A_2316] : memref<16x128xf32, #tpu.memory_space<vmem>> -> memref<16x128xf32, #tpu.memory_space<vmem>>
      %dma_start3A_2318 = arith.constant 0 : i32
      %dma_start3A_2319 = tpu.memref_slice %arg7[%dma_start3A_2318, %multiple_of3A_2284] : memref<16x1000000xf32, #tpu.memory_space<hbm>> -> memref<16x128xf32, #tpu.memory_space<hbm>>
      %dma_start3A_2320 = arith.constant 0 : i32
      %dma_start3A_2321 = arith.constant 0 : i32
      %dma_start3A_2322 = tpu.memref_slice %arg45[%dma_start3A_2320, %dma_start3A_2321] : memref<16x128xf32, #tpu.memory_space<vmem>> -> memref<16x128xf32, #tpu.memory_space<vmem>>
      %dma_start3A_2323 = arith.constant 0 : i32
      %dma_start3A_2324 = tpu.memref_slice %arg7[%dma_start3A_2323, %multiple_of3A_2284] : memref<16x1000000xf32, #tpu.memory_space<hbm>> -> memref<16x128xf32, #tpu.memory_space<hbm>>
      tpu.enqueue_dma source(%dma_start3A_2324 : memref<16x128xf32, #tpu.memory_space<hbm>>) target(%dma_start3A_2322 : memref<16x128xf32, #tpu.memory_space<vmem>>) target_semaphore(%arg57 : memref<!tpu.dma_semaphore, #tpu.memory_space<semaphore_mem>>)
      %add3A_2325 = arith.constant 0 : i32
      %add3A_2326 = arith.addi %mul3A_1571, %add3A_2325 : i32
      %dma_wait3A_2327 = arith.constant 0 : i32
      %dma_wait3A_2328 = arith.constant 0 : i32
      %dma_wait3A_2329 = tpu.memref_slice %arg4[%dma_wait3A_2327, %dma_wait3A_2328] : memref<16x1000000xf32, #tpu.memory_space<hbm>> -> memref<16x128xf32, #tpu.memory_space<hbm>>
      %dma_wait3A_2330 = arith.constant 0 : i32
      %dma_wait3A_2331 = arith.constant 0 : i32
      %dma_wait3A_2332 = tpu.memref_slice %arg4[%dma_wait3A_2330, %dma_wait3A_2331] : memref<16x1000000xf32, #tpu.memory_space<hbm>> -> memref<16x128xf32, #tpu.memory_space<hbm>>
      tpu.wait_dma2 semaphore(%arg50 : memref<!tpu.dma_semaphore, #tpu.memory_space<semaphore_mem>>) src(%dma_wait3A_2332 : memref<16x128xf32, #tpu.memory_space<hbm>>) dst(%arg14 : memref<16x128xf32, #tpu.memory_space<vmem>>)
      %dma_wait3A_2333 = arith.constant 0 : i32
      %dma_wait3A_2334 = arith.constant 0 : i32
      %dma_wait3A_2335 = tpu.memref_slice %arg4[%dma_wait3A_2333, %dma_wait3A_2334] : memref<16x1000000xf32, #tpu.memory_space<hbm>> -> memref<16x128xf32, #tpu.memory_space<hbm>>
      %dma_wait3A_2336 = arith.constant 0 : i32
      %dma_wait3A_2337 = arith.constant 0 : i32
      %dma_wait3A_2338 = tpu.memref_slice %arg4[%dma_wait3A_2336, %dma_wait3A_2337] : memref<16x1000000xf32, #tpu.memory_space<hbm>> -> memref<16x128xf32, #tpu.memory_space<hbm>>
      tpu.wait_dma2 semaphore(%arg50 : memref<!tpu.dma_semaphore, #tpu.memory_space<semaphore_mem>>) src(%dma_wait3A_2338 : memref<16x128xf32, #tpu.memory_space<hbm>>) dst(%arg16 : memref<16x128xf32, #tpu.memory_space<vmem>>)
      %dma_wait3A_2339 = arith.constant 0 : i32
      %dma_wait3A_2340 = arith.constant 0 : i32
      %dma_wait3A_2341 = tpu.memref_slice %arg4[%dma_wait3A_2339, %dma_wait3A_2340] : memref<16x1000000xf32, #tpu.memory_space<hbm>> -> memref<16x128xf32, #tpu.memory_space<hbm>>
      %dma_wait3A_2342 = arith.constant 0 : i32
      %dma_wait3A_2343 = arith.constant 0 : i32
      %dma_wait3A_2344 = tpu.memref_slice %arg4[%dma_wait3A_2342, %dma_wait3A_2343] : memref<16x1000000xf32, #tpu.memory_space<hbm>> -> memref<16x128xf32, #tpu.memory_space<hbm>>
      tpu.wait_dma2 semaphore(%arg50 : memref<!tpu.dma_semaphore, #tpu.memory_space<semaphore_mem>>) src(%dma_wait3A_2344 : memref<16x128xf32, #tpu.memory_space<hbm>>) dst(%arg15 : memref<16x128xf32, #tpu.memory_space<vmem>>)
      %dma_wait3A_2345 = arith.constant 0 : i32
      %dma_wait3A_2346 = arith.constant 0 : i32
      %dma_wait3A_2347 = tpu.memref_slice %arg4[%dma_wait3A_2345, %dma_wait3A_2346] : memref<16x1000000xf32, #tpu.memory_space<hbm>> -> memref<16x128xf32, #tpu.memory_space<hbm>>
      %dma_wait3A_2348 = arith.constant 0 : i32
      %dma_wait3A_2349 = arith.constant 0 : i32
      %dma_wait3A_2350 = tpu.memref_slice %arg4[%dma_wait3A_2348, %dma_wait3A_2349] : memref<16x1000000xf32, #tpu.memory_space<hbm>> -> memref<16x128xf32, #tpu.memory_space<hbm>>
      tpu.wait_dma2 semaphore(%arg50 : memref<!tpu.dma_semaphore, #tpu.memory_space<semaphore_mem>>) src(%dma_wait3A_2350 : memref<16x128xf32, #tpu.memory_space<hbm>>) dst(%arg17 : memref<16x128xf32, #tpu.memory_space<vmem>>)
      %add3A_2351 = arith.constant 0 : i32
      %add3A_2352 = arith.addi %add3A_2326, %add3A_2351 : i32
      %broadcast_in_dim3A_2353 = vector.broadcast %add3A_2352 : i32 to vector<16xi32>
      %slice3A_2354 = vector.extract_strided_slice %rem3A_1564 {offsets = [0], sizes = [1], strides = [1]} : vector<16xi32> to vector<1xi32>
      %squeeze3A_2355 = vector.extract %slice3A_2354[0] : i32 from vector<1xi32>
      %add3A_2356 = arith.constant 0 : i32
      %add3A_2357 = arith.addi %squeeze3A_2355, %add3A_2356 : i32
      %broadcast_in_dim3A_2358 = vector.broadcast %add3A_2357 : i32 to vector<16xi32>
      %gather3A_2359 = tpu.vector_load_idx %arg14[%iota3A, %broadcast_in_dim3A_2358] : memref<16x128xf32, #tpu.memory_space<vmem>>[vector<16xi32>, vector<16xi32>], vector<16xf32>,
      tpu.vector_store_idx %arg46[%iota3A, %broadcast_in_dim3A_2353], %gather3A_2359 : memref<16x512xf32, #tpu.memory_space<vmem>>[vector<16xi32>, vector<16xi32>], vector<16xf32>,
      %slice3A_2360 = vector.extract_strided_slice %rem3A_1564 {offsets = [0], sizes = [1], strides = [1]} : vector<16xi32> to vector<1xi32>
      %squeeze3A_2361 = vector.extract %slice3A_2360[0] : i32 from vector<1xi32>
      %add3A_2362 = arith.constant 0 : i32
      %add3A_2363 = arith.addi %squeeze3A_2361, %add3A_2362 : i32
      %broadcast_in_dim3A_2364 = vector.broadcast %add3A_2363 : i32 to vector<16xi32>
      %gather3A_2365 = tpu.vector_load_idx %arg16[%iota3A, %broadcast_in_dim3A_2364] : memref<16x128xf32, #tpu.memory_space<vmem>>[vector<16xi32>, vector<16xi32>], vector<16xf32>,
      tpu.vector_store_idx %arg48[%iota3A, %broadcast_in_dim3A_2353], %gather3A_2365 : memref<16x512xf32, #tpu.memory_space<vmem>>[vector<16xi32>, vector<16xi32>], vector<16xf32>,
      %slice3A_2366 = vector.extract_strided_slice %rem3A_1567 {offsets = [0], sizes = [1], strides = [1]} : vector<16xi32> to vector<1xi32>
      %squeeze3A_2367 = vector.extract %slice3A_2366[0] : i32 from vector<1xi32>
      %add3A_2368 = arith.constant 0 : i32
      %add3A_2369 = arith.addi %squeeze3A_2367, %add3A_2368 : i32
      %broadcast_in_dim3A_2370 = vector.broadcast %add3A_2369 : i32 to vector<16xi32>
      %gather3A_2371 = tpu.vector_load_idx %arg15[%iota3A, %broadcast_in_dim3A_2370] : memref<16x128xf32, #tpu.memory_space<vmem>>[vector<16xi32>, vector<16xi32>], vector<16xf32>,
      tpu.vector_store_idx %arg47[%iota3A, %broadcast_in_dim3A_2353], %gather3A_2371 : memref<16x512xf32, #tpu.memory_space<vmem>>[vector<16xi32>, vector<16xi32>], vector<16xf32>,
      %slice3A_2372 = vector.extract_strided_slice %rem3A_1567 {offsets = [0], sizes = [1], strides = [1]} : vector<16xi32> to vector<1xi32>
      %squeeze3A_2373 = vector.extract %slice3A_2372[0] : i32 from vector<1xi32>
      %add3A_2374 = arith.constant 0 : i32
      %add3A_2375 = arith.addi %squeeze3A_2373, %add3A_2374 : i32
      %broadcast_in_dim3A_2376 = vector.broadcast %add3A_2375 : i32 to vector<16xi32>
      %gather3A_2377 = tpu.vector_load_idx %arg17[%iota3A, %broadcast_in_dim3A_2376] : memref<16x128xf32, #tpu.memory_space<vmem>>[vector<16xi32>, vector<16xi32>], vector<16xf32>,
      tpu.vector_store_idx %arg49[%iota3A, %broadcast_in_dim3A_2353], %gather3A_2377 : memref<16x512xf32, #tpu.memory_space<vmem>>[vector<16xi32>, vector<16xi32>], vector<16xf32>,
      %slice3A_2378 = vector.extract_strided_slice %sub3A_1568 {offsets = [8], sizes = [1], strides = [1]} : vector<16xi32> to vector<1xi32>
      %squeeze3A_2379 = vector.extract %slice3A_2378[0] : i32 from vector<1xi32>
      %multiple_of3A_2380 = tpu.assume_multiple %squeeze3A_2379, 128 : i32
      %slice3A_2381 = vector.extract_strided_slice %sub3A_1569 {offsets = [8], sizes = [1], strides = [1]} : vector<16xi32> to vector<1xi32>
      %squeeze3A_2382 = vector.extract %slice3A_2381[0] : i32 from vector<1xi32>
      %multiple_of3A_2383 = tpu.assume_multiple %squeeze3A_2382, 128 : i32
      %dma_start3A_2384 = arith.constant 0 : i32
      %dma_start3A_2385 = arith.constant 0 : i32
      %dma_start3A_2386 = tpu.memref_slice %arg14[%dma_start3A_2384, %dma_start3A_2385] : memref<16x128xf32, #tpu.memory_space<vmem>> -> memref<16x128xf32, #tpu.memory_space<vmem>>
      %dma_start3A_2387 = arith.constant 0 : i32
      %dma_start3A_2388 = tpu.memref_slice %arg4[%dma_start3A_2387, %multiple_of3A_2380] : memref<16x1000000xf32, #tpu.memory_space<hbm>> -> memref<16x128xf32, #tpu.memory_space<hbm>>
      %dma_start3A_2389 = arith.constant 0 : i32
      %dma_start3A_2390 = arith.constant 0 : i32
      %dma_start3A_2391 = tpu.memref_slice %arg14[%dma_start3A_2389, %dma_start3A_2390] : memref<16x128xf32, #tpu.memory_space<vmem>> -> memref<16x128xf32, #tpu.memory_space<vmem>>
      %dma_start3A_2392 = arith.constant 0 : i32
      %dma_start3A_2393 = tpu.memref_slice %arg4[%dma_start3A_2392, %multiple_of3A_2380] : memref<16x1000000xf32, #tpu.memory_space<hbm>> -> memref<16x128xf32, #tpu.memory_space<hbm>>
      tpu.enqueue_dma source(%dma_start3A_2393 : memref<16x128xf32, #tpu.memory_space<hbm>>) target(%dma_start3A_2391 : memref<16x128xf32, #tpu.memory_space<vmem>>) target_semaphore(%arg50 : memref<!tpu.dma_semaphore, #tpu.memory_space<semaphore_mem>>)
      %dma_start3A_2394 = arith.constant 0 : i32
      %dma_start3A_2395 = arith.constant 0 : i32
      %dma_start3A_2396 = tpu.memref_slice %arg16[%dma_start3A_2394, %dma_start3A_2395] : memref<16x128xf32, #tpu.memory_space<vmem>> -> memref<16x128xf32, #tpu.memory_space<vmem>>
      %dma_start3A_2397 = arith.constant 0 : i32
      %dma_start3A_2398 = tpu.memref_slice %arg6[%dma_start3A_2397, %multiple_of3A_2380] : memref<16x1000000xf32, #tpu.memory_space<hbm>> -> memref<16x128xf32, #tpu.memory_space<hbm>>
      %dma_start3A_2399 = arith.constant 0 : i32
      %dma_start3A_2400 = arith.constant 0 : i32
      %dma_start3A_2401 = tpu.memref_slice %arg16[%dma_start3A_2399, %dma_start3A_2400] : memref<16x128xf32, #tpu.memory_space<vmem>> -> memref<16x128xf32, #tpu.memory_space<vmem>>
      %dma_start3A_2402 = arith.constant 0 : i32
      %dma_start3A_2403 = tpu.memref_slice %arg6[%dma_start3A_2402, %multiple_of3A_2380] : memref<16x1000000xf32, #tpu.memory_space<hbm>> -> memref<16x128xf32, #tpu.memory_space<hbm>>
      tpu.enqueue_dma source(%dma_start3A_2403 : memref<16x128xf32, #tpu.memory_space<hbm>>) target(%dma_start3A_2401 : memref<16x128xf32, #tpu.memory_space<vmem>>) target_semaphore(%arg50 : memref<!tpu.dma_semaphore, #tpu.memory_space<semaphore_mem>>)
      %dma_start3A_2404 = arith.constant 0 : i32
      %dma_start3A_2405 = arith.constant 0 : i32
      %dma_start3A_2406 = tpu.memref_slice %arg15[%dma_start3A_2404, %dma_start3A_2405] : memref<16x128xf32, #tpu.memory_space<vmem>> -> memref<16x128xf32, #tpu.memory_space<vmem>>
      %dma_start3A_2407 = arith.constant 0 : i32
      %dma_start3A_2408 = tpu.memref_slice %arg5[%dma_start3A_2407, %multiple_of3A_2383] : memref<16x1000000xf32, #tpu.memory_space<hbm>> -> memref<16x128xf32, #tpu.memory_space<hbm>>
      %dma_start3A_2409 = arith.constant 0 : i32
      %dma_start3A_2410 = arith.constant 0 : i32
      %dma_start3A_2411 = tpu.memref_slice %arg15[%dma_start3A_2409, %dma_start3A_2410] : memref<16x128xf32, #tpu.memory_space<vmem>> -> memref<16x128xf32, #tpu.memory_space<vmem>>
      %dma_start3A_2412 = arith.constant 0 : i32
      %dma_start3A_2413 = tpu.memref_slice %arg5[%dma_start3A_2412, %multiple_of3A_2383] : memref<16x1000000xf32, #tpu.memory_space<hbm>> -> memref<16x128xf32, #tpu.memory_space<hbm>>
      tpu.enqueue_dma source(%dma_start3A_2413 : memref<16x128xf32, #tpu.memory_space<hbm>>) target(%dma_start3A_2411 : memref<16x128xf32, #tpu.memory_space<vmem>>) target_semaphore(%arg50 : memref<!tpu.dma_semaphore, #tpu.memory_space<semaphore_mem>>)
      %dma_start3A_2414 = arith.constant 0 : i32
      %dma_start3A_2415 = arith.constant 0 : i32
      %dma_start3A_2416 = tpu.memref_slice %arg17[%dma_start3A_2414, %dma_start3A_2415] : memref<16x128xf32, #tpu.memory_space<vmem>> -> memref<16x128xf32, #tpu.memory_space<vmem>>
      %dma_start3A_2417 = arith.constant 0 : i32
      %dma_start3A_2418 = tpu.memref_slice %arg7[%dma_start3A_2417, %multiple_of3A_2383] : memref<16x1000000xf32, #tpu.memory_space<hbm>> -> memref<16x128xf32, #tpu.memory_space<hbm>>
      %dma_start3A_2419 = arith.constant 0 : i32
      %dma_start3A_2420 = arith.constant 0 : i32
      %dma_start3A_2421 = tpu.memref_slice %arg17[%dma_start3A_2419, %dma_start3A_2420] : memref<16x128xf32, #tpu.memory_space<vmem>> -> memref<16x128xf32, #tpu.memory_space<vmem>>
      %dma_start3A_2422 = arith.constant 0 : i32
      %dma_start3A_2423 = tpu.memref_slice %arg7[%dma_start3A_2422, %multiple_of3A_2383] : memref<16x1000000xf32, #tpu.memory_space<hbm>> -> memref<16x128xf32, #tpu.memory_space<hbm>>
      tpu.enqueue_dma source(%dma_start3A_2423 : memref<16x128xf32, #tpu.memory_space<hbm>>) target(%dma_start3A_2421 : memref<16x128xf32, #tpu.memory_space<vmem>>) target_semaphore(%arg50 : memref<!tpu.dma_semaphore, #tpu.memory_space<semaphore_mem>>)
      %add3A_2424 = arith.constant 1 : i32
      %add3A_2425 = arith.addi %mul3A_1571, %add3A_2424 : i32
      %dma_wait3A_2426 = arith.constant 0 : i32
      %dma_wait3A_2427 = arith.constant 0 : i32
      %dma_wait3A_2428 = tpu.memref_slice %arg4[%dma_wait3A_2426, %dma_wait3A_2427] : memref<16x1000000xf32, #tpu.memory_space<hbm>> -> memref<16x128xf32, #tpu.memory_space<hbm>>
      %dma_wait3A_2429 = arith.constant 0 : i32
      %dma_wait3A_2430 = arith.constant 0 : i32
      %dma_wait3A_2431 = tpu.memref_slice %arg4[%dma_wait3A_2429, %dma_wait3A_2430] : memref<16x1000000xf32, #tpu.memory_space<hbm>> -> memref<16x128xf32, #tpu.memory_space<hbm>>
      tpu.wait_dma2 semaphore(%arg51 : memref<!tpu.dma_semaphore, #tpu.memory_space<semaphore_mem>>) src(%dma_wait3A_2431 : memref<16x128xf32, #tpu.memory_space<hbm>>) dst(%arg18 : memref<16x128xf32, #tpu.memory_space<vmem>>)
      %dma_wait3A_2432 = arith.constant 0 : i32
      %dma_wait3A_2433 = arith.constant 0 : i32
      %dma_wait3A_2434 = tpu.memref_slice %arg4[%dma_wait3A_2432, %dma_wait3A_2433] : memref<16x1000000xf32, #tpu.memory_space<hbm>> -> memref<16x128xf32, #tpu.memory_space<hbm>>
      %dma_wait3A_2435 = arith.constant 0 : i32
      %dma_wait3A_2436 = arith.constant 0 : i32
      %dma_wait3A_2437 = tpu.memref_slice %arg4[%dma_wait3A_2435, %dma_wait3A_2436] : memref<16x1000000xf32, #tpu.memory_space<hbm>> -> memref<16x128xf32, #tpu.memory_space<hbm>>
      tpu.wait_dma2 semaphore(%arg51 : memref<!tpu.dma_semaphore, #tpu.memory_space<semaphore_mem>>) src(%dma_wait3A_2437 : memref<16x128xf32, #tpu.memory_space<hbm>>) dst(%arg20 : memref<16x128xf32, #tpu.memory_space<vmem>>)
      %dma_wait3A_2438 = arith.constant 0 : i32
      %dma_wait3A_2439 = arith.constant 0 : i32
      %dma_wait3A_2440 = tpu.memref_slice %arg4[%dma_wait3A_2438, %dma_wait3A_2439] : memref<16x1000000xf32, #tpu.memory_space<hbm>> -> memref<16x128xf32, #tpu.memory_space<hbm>>
      %dma_wait3A_2441 = arith.constant 0 : i32
      %dma_wait3A_2442 = arith.constant 0 : i32
      %dma_wait3A_2443 = tpu.memref_slice %arg4[%dma_wait3A_2441, %dma_wait3A_2442] : memref<16x1000000xf32, #tpu.memory_space<hbm>> -> memref<16x128xf32, #tpu.memory_space<hbm>>
      tpu.wait_dma2 semaphore(%arg51 : memref<!tpu.dma_semaphore, #tpu.memory_space<semaphore_mem>>) src(%dma_wait3A_2443 : memref<16x128xf32, #tpu.memory_space<hbm>>) dst(%arg19 : memref<16x128xf32, #tpu.memory_space<vmem>>)
      %dma_wait3A_2444 = arith.constant 0 : i32
      %dma_wait3A_2445 = arith.constant 0 : i32
      %dma_wait3A_2446 = tpu.memref_slice %arg4[%dma_wait3A_2444, %dma_wait3A_2445] : memref<16x1000000xf32, #tpu.memory_space<hbm>> -> memref<16x128xf32, #tpu.memory_space<hbm>>
      %dma_wait3A_2447 = arith.constant 0 : i32
      %dma_wait3A_2448 = arith.constant 0 : i32
      %dma_wait3A_2449 = tpu.memref_slice %arg4[%dma_wait3A_2447, %dma_wait3A_2448] : memref<16x1000000xf32, #tpu.memory_space<hbm>> -> memref<16x128xf32, #tpu.memory_space<hbm>>
      tpu.wait_dma2 semaphore(%arg51 : memref<!tpu.dma_semaphore, #tpu.memory_space<semaphore_mem>>) src(%dma_wait3A_2449 : memref<16x128xf32, #tpu.memory_space<hbm>>) dst(%arg21 : memref<16x128xf32, #tpu.memory_space<vmem>>)
      %add3A_2450 = arith.constant 0 : i32
      %add3A_2451 = arith.addi %add3A_2425, %add3A_2450 : i32
      %broadcast_in_dim3A_2452 = vector.broadcast %add3A_2451 : i32 to vector<16xi32>
      %slice3A_2453 = vector.extract_strided_slice %rem3A_1564 {offsets = [1], sizes = [1], strides = [1]} : vector<16xi32> to vector<1xi32>
      %squeeze3A_2454 = vector.extract %slice3A_2453[0] : i32 from vector<1xi32>
      %add3A_2455 = arith.constant 0 : i32
      %add3A_2456 = arith.addi %squeeze3A_2454, %add3A_2455 : i32
      %broadcast_in_dim3A_2457 = vector.broadcast %add3A_2456 : i32 to vector<16xi32>
      %gather3A_2458 = tpu.vector_load_idx %arg18[%iota3A, %broadcast_in_dim3A_2457] : memref<16x128xf32, #tpu.memory_space<vmem>>[vector<16xi32>, vector<16xi32>], vector<16xf32>,
      tpu.vector_store_idx %arg46[%iota3A, %broadcast_in_dim3A_2452], %gather3A_2458 : memref<16x512xf32, #tpu.memory_space<vmem>>[vector<16xi32>, vector<16xi32>], vector<16xf32>,
      %slice3A_2459 = vector.extract_strided_slice %rem3A_1564 {offsets = [1], sizes = [1], strides = [1]} : vector<16xi32> to vector<1xi32>
      %squeeze3A_2460 = vector.extract %slice3A_2459[0] : i32 from vector<1xi32>
      %add3A_2461 = arith.constant 0 : i32
      %add3A_2462 = arith.addi %squeeze3A_2460, %add3A_2461 : i32
      %broadcast_in_dim3A_2463 = vector.broadcast %add3A_2462 : i32 to vector<16xi32>
      %gather3A_2464 = tpu.vector_load_idx %arg20[%iota3A, %broadcast_in_dim3A_2463] : memref<16x128xf32, #tpu.memory_space<vmem>>[vector<16xi32>, vector<16xi32>], vector<16xf32>,
      tpu.vector_store_idx %arg48[%iota3A, %broadcast_in_dim3A_2452], %gather3A_2464 : memref<16x512xf32, #tpu.memory_space<vmem>>[vector<16xi32>, vector<16xi32>], vector<16xf32>,
      %slice3A_2465 = vector.extract_strided_slice %rem3A_1567 {offsets = [1], sizes = [1], strides = [1]} : vector<16xi32> to vector<1xi32>
      %squeeze3A_2466 = vector.extract %slice3A_2465[0] : i32 from vector<1xi32>
      %add3A_2467 = arith.constant 0 : i32
      %add3A_2468 = arith.addi %squeeze3A_2466, %add3A_2467 : i32
      %broadcast_in_dim3A_2469 = vector.broadcast %add3A_2468 : i32 to vector<16xi32>
      %gather3A_2470 = tpu.vector_load_idx %arg19[%iota3A, %broadcast_in_dim3A_2469] : memref<16x128xf32, #tpu.memory_space<vmem>>[vector<16xi32>, vector<16xi32>], vector<16xf32>,
      tpu.vector_store_idx %arg47[%iota3A, %broadcast_in_dim3A_2452], %gather3A_2470 : memref<16x512xf32, #tpu.memory_space<vmem>>[vector<16xi32>, vector<16xi32>], vector<16xf32>,
      %slice3A_2471 = vector.extract_strided_slice %rem3A_1567 {offsets = [1], sizes = [1], strides = [1]} : vector<16xi32> to vector<1xi32>
      %squeeze3A_2472 = vector.extract %slice3A_2471[0] : i32 from vector<1xi32>
      %add3A_2473 = arith.constant 0 : i32
      %add3A_2474 = arith.addi %squeeze3A_2472, %add3A_2473 : i32
      %broadcast_in_dim3A_2475 = vector.broadcast %add3A_2474 : i32 to vector<16xi32>
      %gather3A_2476 = tpu.vector_load_idx %arg21[%iota3A, %broadcast_in_dim3A_2475] : memref<16x128xf32, #tpu.memory_space<vmem>>[vector<16xi32>, vector<16xi32>], vector<16xf32>,
      tpu.vector_store_idx %arg49[%iota3A, %broadcast_in_dim3A_2452], %gather3A_2476 : memref<16x512xf32, #tpu.memory_space<vmem>>[vector<16xi32>, vector<16xi32>], vector<16xf32>,
      %slice3A_2477 = vector.extract_strided_slice %sub3A_1568 {offsets = [9], sizes = [1], strides = [1]} : vector<16xi32> to vector<1xi32>
      %squeeze3A_2478 = vector.extract %slice3A_2477[0] : i32 from vector<1xi32>
      %multiple_of3A_2479 = tpu.assume_multiple %squeeze3A_2478, 128 : i32
      %slice3A_2480 = vector.extract_strided_slice %sub3A_1569 {offsets = [9], sizes = [1], strides = [1]} : vector<16xi32> to vector<1xi32>
      %squeeze3A_2481 = vector.extract %slice3A_2480[0] : i32 from vector<1xi32>
      %multiple_of3A_2482 = tpu.assume_multiple %squeeze3A_2481, 128 : i32
      %dma_start3A_2483 = arith.constant 0 : i32
      %dma_start3A_2484 = arith.constant 0 : i32
      %dma_start3A_2485 = tpu.memref_slice %arg18[%dma_start3A_2483, %dma_start3A_2484] : memref<16x128xf32, #tpu.memory_space<vmem>> -> memref<16x128xf32, #tpu.memory_space<vmem>>
      %dma_start3A_2486 = arith.constant 0 : i32
      %dma_start3A_2487 = tpu.memref_slice %arg4[%dma_start3A_2486, %multiple_of3A_2479] : memref<16x1000000xf32, #tpu.memory_space<hbm>> -> memref<16x128xf32, #tpu.memory_space<hbm>>
      %dma_start3A_2488 = arith.constant 0 : i32
      %dma_start3A_2489 = arith.constant 0 : i32
      %dma_start3A_2490 = tpu.memref_slice %arg18[%dma_start3A_2488, %dma_start3A_2489] : memref<16x128xf32, #tpu.memory_space<vmem>> -> memref<16x128xf32, #tpu.memory_space<vmem>>
      %dma_start3A_2491 = arith.constant 0 : i32
      %dma_start3A_2492 = tpu.memref_slice %arg4[%dma_start3A_2491, %multiple_of3A_2479] : memref<16x1000000xf32, #tpu.memory_space<hbm>> -> memref<16x128xf32, #tpu.memory_space<hbm>>
      tpu.enqueue_dma source(%dma_start3A_2492 : memref<16x128xf32, #tpu.memory_space<hbm>>) target(%dma_start3A_2490 : memref<16x128xf32, #tpu.memory_space<vmem>>) target_semaphore(%arg51 : memref<!tpu.dma_semaphore, #tpu.memory_space<semaphore_mem>>)
      %dma_start3A_2493 = arith.constant 0 : i32
      %dma_start3A_2494 = arith.constant 0 : i32
      %dma_start3A_2495 = tpu.memref_slice %arg20[%dma_start3A_2493, %dma_start3A_2494] : memref<16x128xf32, #tpu.memory_space<vmem>> -> memref<16x128xf32, #tpu.memory_space<vmem>>
      %dma_start3A_2496 = arith.constant 0 : i32
      %dma_start3A_2497 = tpu.memref_slice %arg6[%dma_start3A_2496, %multiple_of3A_2479] : memref<16x1000000xf32, #tpu.memory_space<hbm>> -> memref<16x128xf32, #tpu.memory_space<hbm>>
      %dma_start3A_2498 = arith.constant 0 : i32
      %dma_start3A_2499 = arith.constant 0 : i32
      %dma_start3A_2500 = tpu.memref_slice %arg20[%dma_start3A_2498, %dma_start3A_2499] : memref<16x128xf32, #tpu.memory_space<vmem>> -> memref<16x128xf32, #tpu.memory_space<vmem>>
      %dma_start3A_2501 = arith.constant 0 : i32
      %dma_start3A_2502 = tpu.memref_slice %arg6[%dma_start3A_2501, %multiple_of3A_2479] : memref<16x1000000xf32, #tpu.memory_space<hbm>> -> memref<16x128xf32, #tpu.memory_space<hbm>>
      tpu.enqueue_dma source(%dma_start3A_2502 : memref<16x128xf32, #tpu.memory_space<hbm>>) target(%dma_start3A_2500 : memref<16x128xf32, #tpu.memory_space<vmem>>) target_semaphore(%arg51 : memref<!tpu.dma_semaphore, #tpu.memory_space<semaphore_mem>>)
      %dma_start3A_2503 = arith.constant 0 : i32
      %dma_start3A_2504 = arith.constant 0 : i32
      %dma_start3A_2505 = tpu.memref_slice %arg19[%dma_start3A_2503, %dma_start3A_2504] : memref<16x128xf32, #tpu.memory_space<vmem>> -> memref<16x128xf32, #tpu.memory_space<vmem>>
      %dma_start3A_2506 = arith.constant 0 : i32
      %dma_start3A_2507 = tpu.memref_slice %arg5[%dma_start3A_2506, %multiple_of3A_2482] : memref<16x1000000xf32, #tpu.memory_space<hbm>> -> memref<16x128xf32, #tpu.memory_space<hbm>>
      %dma_start3A_2508 = arith.constant 0 : i32
      %dma_start3A_2509 = arith.constant 0 : i32
      %dma_start3A_2510 = tpu.memref_slice %arg19[%dma_start3A_2508, %dma_start3A_2509] : memref<16x128xf32, #tpu.memory_space<vmem>> -> memref<16x128xf32, #tpu.memory_space<vmem>>
      %dma_start3A_2511 = arith.constant 0 : i32
      %dma_start3A_2512 = tpu.memref_slice %arg5[%dma_start3A_2511, %multiple_of3A_2482] : memref<16x1000000xf32, #tpu.memory_space<hbm>> -> memref<16x128xf32, #tpu.memory_space<hbm>>
      tpu.enqueue_dma source(%dma_start3A_2512 : memref<16x128xf32, #tpu.memory_space<hbm>>) target(%dma_start3A_2510 : memref<16x128xf32, #tpu.memory_space<vmem>>) target_semaphore(%arg51 : memref<!tpu.dma_semaphore, #tpu.memory_space<semaphore_mem>>)
      %dma_start3A_2513 = arith.constant 0 : i32
      %dma_start3A_2514 = arith.constant 0 : i32
      %dma_start3A_2515 = tpu.memref_slice %arg21[%dma_start3A_2513, %dma_start3A_2514] : memref<16x128xf32, #tpu.memory_space<vmem>> -> memref<16x128xf32, #tpu.memory_space<vmem>>
      %dma_start3A_2516 = arith.constant 0 : i32
      %dma_start3A_2517 = tpu.memref_slice %arg7[%dma_start3A_2516, %multiple_of3A_2482] : memref<16x1000000xf32, #tpu.memory_space<hbm>> -> memref<16x128xf32, #tpu.memory_space<hbm>>
      %dma_start3A_2518 = arith.constant 0 : i32
      %dma_start3A_2519 = arith.constant 0 : i32
      %dma_start3A_2520 = tpu.memref_slice %arg21[%dma_start3A_2518, %dma_start3A_2519] : memref<16x128xf32, #tpu.memory_space<vmem>> -> memref<16x128xf32, #tpu.memory_space<vmem>>
      %dma_start3A_2521 = arith.constant 0 : i32
      %dma_start3A_2522 = tpu.memref_slice %arg7[%dma_start3A_2521, %multiple_of3A_2482] : memref<16x1000000xf32, #tpu.memory_space<hbm>> -> memref<16x128xf32, #tpu.memory_space<hbm>>
      tpu.enqueue_dma source(%dma_start3A_2522 : memref<16x128xf32, #tpu.memory_space<hbm>>) target(%dma_start3A_2520 : memref<16x128xf32, #tpu.memory_space<vmem>>) target_semaphore(%arg51 : memref<!tpu.dma_semaphore, #tpu.memory_space<semaphore_mem>>)
      %add3A_2523 = arith.constant 2 : i32
      %add3A_2524 = arith.addi %mul3A_1571, %add3A_2523 : i32
      %dma_wait3A_2525 = arith.constant 0 : i32
      %dma_wait3A_2526 = arith.constant 0 : i32
      %dma_wait3A_2527 = tpu.memref_slice %arg4[%dma_wait3A_2525, %dma_wait3A_2526] : memref<16x1000000xf32, #tpu.memory_space<hbm>> -> memref<16x128xf32, #tpu.memory_space<hbm>>
      %dma_wait3A_2528 = arith.constant 0 : i32
      %dma_wait3A_2529 = arith.constant 0 : i32
      %dma_wait3A_2530 = tpu.memref_slice %arg4[%dma_wait3A_2528, %dma_wait3A_2529] : memref<16x1000000xf32, #tpu.memory_space<hbm>> -> memref<16x128xf32, #tpu.memory_space<hbm>>
      tpu.wait_dma2 semaphore(%arg52 : memref<!tpu.dma_semaphore, #tpu.memory_space<semaphore_mem>>) src(%dma_wait3A_2530 : memref<16x128xf32, #tpu.memory_space<hbm>>) dst(%arg22 : memref<16x128xf32, #tpu.memory_space<vmem>>)
      %dma_wait3A_2531 = arith.constant 0 : i32
      %dma_wait3A_2532 = arith.constant 0 : i32
      %dma_wait3A_2533 = tpu.memref_slice %arg4[%dma_wait3A_2531, %dma_wait3A_2532] : memref<16x1000000xf32, #tpu.memory_space<hbm>> -> memref<16x128xf32, #tpu.memory_space<hbm>>
      %dma_wait3A_2534 = arith.constant 0 : i32
      %dma_wait3A_2535 = arith.constant 0 : i32
      %dma_wait3A_2536 = tpu.memref_slice %arg4[%dma_wait3A_2534, %dma_wait3A_2535] : memref<16x1000000xf32, #tpu.memory_space<hbm>> -> memref<16x128xf32, #tpu.memory_space<hbm>>
      tpu.wait_dma2 semaphore(%arg52 : memref<!tpu.dma_semaphore, #tpu.memory_space<semaphore_mem>>) src(%dma_wait3A_2536 : memref<16x128xf32, #tpu.memory_space<hbm>>) dst(%arg24 : memref<16x128xf32, #tpu.memory_space<vmem>>)
      %dma_wait3A_2537 = arith.constant 0 : i32
      %dma_wait3A_2538 = arith.constant 0 : i32
      %dma_wait3A_2539 = tpu.memref_slice %arg4[%dma_wait3A_2537, %dma_wait3A_2538] : memref<16x1000000xf32, #tpu.memory_space<hbm>> -> memref<16x128xf32, #tpu.memory_space<hbm>>
      %dma_wait3A_2540 = arith.constant 0 : i32
      %dma_wait3A_2541 = arith.constant 0 : i32
      %dma_wait3A_2542 = tpu.memref_slice %arg4[%dma_wait3A_2540, %dma_wait3A_2541] : memref<16x1000000xf32, #tpu.memory_space<hbm>> -> memref<16x128xf32, #tpu.memory_space<hbm>>
      tpu.wait_dma2 semaphore(%arg52 : memref<!tpu.dma_semaphore, #tpu.memory_space<semaphore_mem>>) src(%dma_wait3A_2542 : memref<16x128xf32, #tpu.memory_space<hbm>>) dst(%arg23 : memref<16x128xf32, #tpu.memory_space<vmem>>)
      %dma_wait3A_2543 = arith.constant 0 : i32
      %dma_wait3A_2544 = arith.constant 0 : i32
      %dma_wait3A_2545 = tpu.memref_slice %arg4[%dma_wait3A_2543, %dma_wait3A_2544] : memref<16x1000000xf32, #tpu.memory_space<hbm>> -> memref<16x128xf32, #tpu.memory_space<hbm>>
      %dma_wait3A_2546 = arith.constant 0 : i32
      %dma_wait3A_2547 = arith.constant 0 : i32
      %dma_wait3A_2548 = tpu.memref_slice %arg4[%dma_wait3A_2546, %dma_wait3A_2547] : memref<16x1000000xf32, #tpu.memory_space<hbm>> -> memref<16x128xf32, #tpu.memory_space<hbm>>
      tpu.wait_dma2 semaphore(%arg52 : memref<!tpu.dma_semaphore, #tpu.memory_space<semaphore_mem>>) src(%dma_wait3A_2548 : memref<16x128xf32, #tpu.memory_space<hbm>>) dst(%arg25 : memref<16x128xf32, #tpu.memory_space<vmem>>)
      %add3A_2549 = arith.constant 0 : i32
      %add3A_2550 = arith.addi %add3A_2524, %add3A_2549 : i32
      %broadcast_in_dim3A_2551 = vector.broadcast %add3A_2550 : i32 to vector<16xi32>
      %slice3A_2552 = vector.extract_strided_slice %rem3A_1564 {offsets = [2], sizes = [1], strides = [1]} : vector<16xi32> to vector<1xi32>
      %squeeze3A_2553 = vector.extract %slice3A_2552[0] : i32 from vector<1xi32>
      %add3A_2554 = arith.constant 0 : i32
      %add3A_2555 = arith.addi %squeeze3A_2553, %add3A_2554 : i32
      %broadcast_in_dim3A_2556 = vector.broadcast %add3A_2555 : i32 to vector<16xi32>
      %gather3A_2557 = tpu.vector_load_idx %arg22[%iota3A, %broadcast_in_dim3A_2556] : memref<16x128xf32, #tpu.memory_space<vmem>>[vector<16xi32>, vector<16xi32>], vector<16xf32>,
      tpu.vector_store_idx %arg46[%iota3A, %broadcast_in_dim3A_2551], %gather3A_2557 : memref<16x512xf32, #tpu.memory_space<vmem>>[vector<16xi32>, vector<16xi32>], vector<16xf32>,
      %slice3A_2558 = vector.extract_strided_slice %rem3A_1564 {offsets = [2], sizes = [1], strides = [1]} : vector<16xi32> to vector<1xi32>
      %squeeze3A_2559 = vector.extract %slice3A_2558[0] : i32 from vector<1xi32>
      %add3A_2560 = arith.constant 0 : i32
      %add3A_2561 = arith.addi %squeeze3A_2559, %add3A_2560 : i32
      %broadcast_in_dim3A_2562 = vector.broadcast %add3A_2561 : i32 to vector<16xi32>
      %gather3A_2563 = tpu.vector_load_idx %arg24[%iota3A, %broadcast_in_dim3A_2562] : memref<16x128xf32, #tpu.memory_space<vmem>>[vector<16xi32>, vector<16xi32>], vector<16xf32>,
      tpu.vector_store_idx %arg48[%iota3A, %broadcast_in_dim3A_2551], %gather3A_2563 : memref<16x512xf32, #tpu.memory_space<vmem>>[vector<16xi32>, vector<16xi32>], vector<16xf32>,
      %slice3A_2564 = vector.extract_strided_slice %rem3A_1567 {offsets = [2], sizes = [1], strides = [1]} : vector<16xi32> to vector<1xi32>
      %squeeze3A_2565 = vector.extract %slice3A_2564[0] : i32 from vector<1xi32>
      %add3A_2566 = arith.constant 0 : i32
      %add3A_2567 = arith.addi %squeeze3A_2565, %add3A_2566 : i32
      %broadcast_in_dim3A_2568 = vector.broadcast %add3A_2567 : i32 to vector<16xi32>
      %gather3A_2569 = tpu.vector_load_idx %arg23[%iota3A, %broadcast_in_dim3A_2568] : memref<16x128xf32, #tpu.memory_space<vmem>>[vector<16xi32>, vector<16xi32>], vector<16xf32>,
      tpu.vector_store_idx %arg47[%iota3A, %broadcast_in_dim3A_2551], %gather3A_2569 : memref<16x512xf32, #tpu.memory_space<vmem>>[vector<16xi32>, vector<16xi32>], vector<16xf32>,
      %slice3A_2570 = vector.extract_strided_slice %rem3A_1567 {offsets = [2], sizes = [1], strides = [1]} : vector<16xi32> to vector<1xi32>
      %squeeze3A_2571 = vector.extract %slice3A_2570[0] : i32 from vector<1xi32>
      %add3A_2572 = arith.constant 0 : i32
      %add3A_2573 = arith.addi %squeeze3A_2571, %add3A_2572 : i32
      %broadcast_in_dim3A_2574 = vector.broadcast %add3A_2573 : i32 to vector<16xi32>
      %gather3A_2575 = tpu.vector_load_idx %arg25[%iota3A, %broadcast_in_dim3A_2574] : memref<16x128xf32, #tpu.memory_space<vmem>>[vector<16xi32>, vector<16xi32>], vector<16xf32>,
      tpu.vector_store_idx %arg49[%iota3A, %broadcast_in_dim3A_2551], %gather3A_2575 : memref<16x512xf32, #tpu.memory_space<vmem>>[vector<16xi32>, vector<16xi32>], vector<16xf32>,
      %slice3A_2576 = vector.extract_strided_slice %sub3A_1568 {offsets = [10], sizes = [1], strides = [1]} : vector<16xi32> to vector<1xi32>
      %squeeze3A_2577 = vector.extract %slice3A_2576[0] : i32 from vector<1xi32>
      %multiple_of3A_2578 = tpu.assume_multiple %squeeze3A_2577, 128 : i32
      %slice3A_2579 = vector.extract_strided_slice %sub3A_1569 {offsets = [10], sizes = [1], strides = [1]} : vector<16xi32> to vector<1xi32>
      %squeeze3A_2580 = vector.extract %slice3A_2579[0] : i32 from vector<1xi32>
      %multiple_of3A_2581 = tpu.assume_multiple %squeeze3A_2580, 128 : i32
      %dma_start3A_2582 = arith.constant 0 : i32
      %dma_start3A_2583 = arith.constant 0 : i32
      %dma_start3A_2584 = tpu.memref_slice %arg22[%dma_start3A_2582, %dma_start3A_2583] : memref<16x128xf32, #tpu.memory_space<vmem>> -> memref<16x128xf32, #tpu.memory_space<vmem>>
      %dma_start3A_2585 = arith.constant 0 : i32
      %dma_start3A_2586 = tpu.memref_slice %arg4[%dma_start3A_2585, %multiple_of3A_2578] : memref<16x1000000xf32, #tpu.memory_space<hbm>> -> memref<16x128xf32, #tpu.memory_space<hbm>>
      %dma_start3A_2587 = arith.constant 0 : i32
      %dma_start3A_2588 = arith.constant 0 : i32
      %dma_start3A_2589 = tpu.memref_slice %arg22[%dma_start3A_2587, %dma_start3A_2588] : memref<16x128xf32, #tpu.memory_space<vmem>> -> memref<16x128xf32, #tpu.memory_space<vmem>>
      %dma_start3A_2590 = arith.constant 0 : i32
      %dma_start3A_2591 = tpu.memref_slice %arg4[%dma_start3A_2590, %multiple_of3A_2578] : memref<16x1000000xf32, #tpu.memory_space<hbm>> -> memref<16x128xf32, #tpu.memory_space<hbm>>
      tpu.enqueue_dma source(%dma_start3A_2591 : memref<16x128xf32, #tpu.memory_space<hbm>>) target(%dma_start3A_2589 : memref<16x128xf32, #tpu.memory_space<vmem>>) target_semaphore(%arg52 : memref<!tpu.dma_semaphore, #tpu.memory_space<semaphore_mem>>)
      %dma_start3A_2592 = arith.constant 0 : i32
      %dma_start3A_2593 = arith.constant 0 : i32
      %dma_start3A_2594 = tpu.memref_slice %arg24[%dma_start3A_2592, %dma_start3A_2593] : memref<16x128xf32, #tpu.memory_space<vmem>> -> memref<16x128xf32, #tpu.memory_space<vmem>>
      %dma_start3A_2595 = arith.constant 0 : i32
      %dma_start3A_2596 = tpu.memref_slice %arg6[%dma_start3A_2595, %multiple_of3A_2578] : memref<16x1000000xf32, #tpu.memory_space<hbm>> -> memref<16x128xf32, #tpu.memory_space<hbm>>
      %dma_start3A_2597 = arith.constant 0 : i32
      %dma_start3A_2598 = arith.constant 0 : i32
      %dma_start3A_2599 = tpu.memref_slice %arg24[%dma_start3A_2597, %dma_start3A_2598] : memref<16x128xf32, #tpu.memory_space<vmem>> -> memref<16x128xf32, #tpu.memory_space<vmem>>
      %dma_start3A_2600 = arith.constant 0 : i32
      %dma_start3A_2601 = tpu.memref_slice %arg6[%dma_start3A_2600, %multiple_of3A_2578] : memref<16x1000000xf32, #tpu.memory_space<hbm>> -> memref<16x128xf32, #tpu.memory_space<hbm>>
      tpu.enqueue_dma source(%dma_start3A_2601 : memref<16x128xf32, #tpu.memory_space<hbm>>) target(%dma_start3A_2599 : memref<16x128xf32, #tpu.memory_space<vmem>>) target_semaphore(%arg52 : memref<!tpu.dma_semaphore, #tpu.memory_space<semaphore_mem>>)
      %dma_start3A_2602 = arith.constant 0 : i32
      %dma_start3A_2603 = arith.constant 0 : i32
      %dma_start3A_2604 = tpu.memref_slice %arg23[%dma_start3A_2602, %dma_start3A_2603] : memref<16x128xf32, #tpu.memory_space<vmem>> -> memref<16x128xf32, #tpu.memory_space<vmem>>
      %dma_start3A_2605 = arith.constant 0 : i32
      %dma_start3A_2606 = tpu.memref_slice %arg5[%dma_start3A_2605, %multiple_of3A_2581] : memref<16x1000000xf32, #tpu.memory_space<hbm>> -> memref<16x128xf32, #tpu.memory_space<hbm>>
      %dma_start3A_2607 = arith.constant 0 : i32
      %dma_start3A_2608 = arith.constant 0 : i32
      %dma_start3A_2609 = tpu.memref_slice %arg23[%dma_start3A_2607, %dma_start3A_2608] : memref<16x128xf32, #tpu.memory_space<vmem>> -> memref<16x128xf32, #tpu.memory_space<vmem>>
      %dma_start3A_2610 = arith.constant 0 : i32
      %dma_start3A_2611 = tpu.memref_slice %arg5[%dma_start3A_2610, %multiple_of3A_2581] : memref<16x1000000xf32, #tpu.memory_space<hbm>> -> memref<16x128xf32, #tpu.memory_space<hbm>>
      tpu.enqueue_dma source(%dma_start3A_2611 : memref<16x128xf32, #tpu.memory_space<hbm>>) target(%dma_start3A_2609 : memref<16x128xf32, #tpu.memory_space<vmem>>) target_semaphore(%arg52 : memref<!tpu.dma_semaphore, #tpu.memory_space<semaphore_mem>>)
      %dma_start3A_2612 = arith.constant 0 : i32
      %dma_start3A_2613 = arith.constant 0 : i32
      %dma_start3A_2614 = tpu.memref_slice %arg25[%dma_start3A_2612, %dma_start3A_2613] : memref<16x128xf32, #tpu.memory_space<vmem>> -> memref<16x128xf32, #tpu.memory_space<vmem>>
      %dma_start3A_2615 = arith.constant 0 : i32
      %dma_start3A_2616 = tpu.memref_slice %arg7[%dma_start3A_2615, %multiple_of3A_2581] : memref<16x1000000xf32, #tpu.memory_space<hbm>> -> memref<16x128xf32, #tpu.memory_space<hbm>>
      %dma_start3A_2617 = arith.constant 0 : i32
      %dma_start3A_2618 = arith.constant 0 : i32
      %dma_start3A_2619 = tpu.memref_slice %arg25[%dma_start3A_2617, %dma_start3A_2618] : memref<16x128xf32, #tpu.memory_space<vmem>> -> memref<16x128xf32, #tpu.memory_space<vmem>>
      %dma_start3A_2620 = arith.constant 0 : i32
      %dma_start3A_2621 = tpu.memref_slice %arg7[%dma_start3A_2620, %multiple_of3A_2581] : memref<16x1000000xf32, #tpu.memory_space<hbm>> -> memref<16x128xf32, #tpu.memory_space<hbm>>
      tpu.enqueue_dma source(%dma_start3A_2621 : memref<16x128xf32, #tpu.memory_space<hbm>>) target(%dma_start3A_2619 : memref<16x128xf32, #tpu.memory_space<vmem>>) target_semaphore(%arg52 : memref<!tpu.dma_semaphore, #tpu.memory_space<semaphore_mem>>)
      %add3A_2622 = arith.constant 3 : i32
      %add3A_2623 = arith.addi %mul3A_1571, %add3A_2622 : i32
      %dma_wait3A_2624 = arith.constant 0 : i32
      %dma_wait3A_2625 = arith.constant 0 : i32
      %dma_wait3A_2626 = tpu.memref_slice %arg4[%dma_wait3A_2624, %dma_wait3A_2625] : memref<16x1000000xf32, #tpu.memory_space<hbm>> -> memref<16x128xf32, #tpu.memory_space<hbm>>
      %dma_wait3A_2627 = arith.constant 0 : i32
      %dma_wait3A_2628 = arith.constant 0 : i32
      %dma_wait3A_2629 = tpu.memref_slice %arg4[%dma_wait3A_2627, %dma_wait3A_2628] : memref<16x1000000xf32, #tpu.memory_space<hbm>> -> memref<16x128xf32, #tpu.memory_space<hbm>>
      tpu.wait_dma2 semaphore(%arg53 : memref<!tpu.dma_semaphore, #tpu.memory_space<semaphore_mem>>) src(%dma_wait3A_2629 : memref<16x128xf32, #tpu.memory_space<hbm>>) dst(%arg26 : memref<16x128xf32, #tpu.memory_space<vmem>>)
      %dma_wait3A_2630 = arith.constant 0 : i32
      %dma_wait3A_2631 = arith.constant 0 : i32
      %dma_wait3A_2632 = tpu.memref_slice %arg4[%dma_wait3A_2630, %dma_wait3A_2631] : memref<16x1000000xf32, #tpu.memory_space<hbm>> -> memref<16x128xf32, #tpu.memory_space<hbm>>
      %dma_wait3A_2633 = arith.constant 0 : i32
      %dma_wait3A_2634 = arith.constant 0 : i32
      %dma_wait3A_2635 = tpu.memref_slice %arg4[%dma_wait3A_2633, %dma_wait3A_2634] : memref<16x1000000xf32, #tpu.memory_space<hbm>> -> memref<16x128xf32, #tpu.memory_space<hbm>>
      tpu.wait_dma2 semaphore(%arg53 : memref<!tpu.dma_semaphore, #tpu.memory_space<semaphore_mem>>) src(%dma_wait3A_2635 : memref<16x128xf32, #tpu.memory_space<hbm>>) dst(%arg28 : memref<16x128xf32, #tpu.memory_space<vmem>>)
      %dma_wait3A_2636 = arith.constant 0 : i32
      %dma_wait3A_2637 = arith.constant 0 : i32
      %dma_wait3A_2638 = tpu.memref_slice %arg4[%dma_wait3A_2636, %dma_wait3A_2637] : memref<16x1000000xf32, #tpu.memory_space<hbm>> -> memref<16x128xf32, #tpu.memory_space<hbm>>
      %dma_wait3A_2639 = arith.constant 0 : i32
      %dma_wait3A_2640 = arith.constant 0 : i32
      %dma_wait3A_2641 = tpu.memref_slice %arg4[%dma_wait3A_2639, %dma_wait3A_2640] : memref<16x1000000xf32, #tpu.memory_space<hbm>> -> memref<16x128xf32, #tpu.memory_space<hbm>>
      tpu.wait_dma2 semaphore(%arg53 : memref<!tpu.dma_semaphore, #tpu.memory_space<semaphore_mem>>) src(%dma_wait3A_2641 : memref<16x128xf32, #tpu.memory_space<hbm>>) dst(%arg27 : memref<16x128xf32, #tpu.memory_space<vmem>>)
      %dma_wait3A_2642 = arith.constant 0 : i32
      %dma_wait3A_2643 = arith.constant 0 : i32
      %dma_wait3A_2644 = tpu.memref_slice %arg4[%dma_wait3A_2642, %dma_wait3A_2643] : memref<16x1000000xf32, #tpu.memory_space<hbm>> -> memref<16x128xf32, #tpu.memory_space<hbm>>
      %dma_wait3A_2645 = arith.constant 0 : i32
      %dma_wait3A_2646 = arith.constant 0 : i32
      %dma_wait3A_2647 = tpu.memref_slice %arg4[%dma_wait3A_2645, %dma_wait3A_2646] : memref<16x1000000xf32, #tpu.memory_space<hbm>> -> memref<16x128xf32, #tpu.memory_space<hbm>>
      tpu.wait_dma2 semaphore(%arg53 : memref<!tpu.dma_semaphore, #tpu.memory_space<semaphore_mem>>) src(%dma_wait3A_2647 : memref<16x128xf32, #tpu.memory_space<hbm>>) dst(%arg29 : memref<16x128xf32, #tpu.memory_space<vmem>>)
      %add3A_2648 = arith.constant 0 : i32
      %add3A_2649 = arith.addi %add3A_2623, %add3A_2648 : i32
      %broadcast_in_dim3A_2650 = vector.broadcast %add3A_2649 : i32 to vector<16xi32>
      %slice3A_2651 = vector.extract_strided_slice %rem3A_1564 {offsets = [3], sizes = [1], strides = [1]} : vector<16xi32> to vector<1xi32>
      %squeeze3A_2652 = vector.extract %slice3A_2651[0] : i32 from vector<1xi32>
      %add3A_2653 = arith.constant 0 : i32
      %add3A_2654 = arith.addi %squeeze3A_2652, %add3A_2653 : i32
      %broadcast_in_dim3A_2655 = vector.broadcast %add3A_2654 : i32 to vector<16xi32>
      %gather3A_2656 = tpu.vector_load_idx %arg26[%iota3A, %broadcast_in_dim3A_2655] : memref<16x128xf32, #tpu.memory_space<vmem>>[vector<16xi32>, vector<16xi32>], vector<16xf32>,
      tpu.vector_store_idx %arg46[%iota3A, %broadcast_in_dim3A_2650], %gather3A_2656 : memref<16x512xf32, #tpu.memory_space<vmem>>[vector<16xi32>, vector<16xi32>], vector<16xf32>,
      %slice3A_2657 = vector.extract_strided_slice %rem3A_1564 {offsets = [3], sizes = [1], strides = [1]} : vector<16xi32> to vector<1xi32>
      %squeeze3A_2658 = vector.extract %slice3A_2657[0] : i32 from vector<1xi32>
      %add3A_2659 = arith.constant 0 : i32
      %add3A_2660 = arith.addi %squeeze3A_2658, %add3A_2659 : i32
      %broadcast_in_dim3A_2661 = vector.broadcast %add3A_2660 : i32 to vector<16xi32>
      %gather3A_2662 = tpu.vector_load_idx %arg28[%iota3A, %broadcast_in_dim3A_2661] : memref<16x128xf32, #tpu.memory_space<vmem>>[vector<16xi32>, vector<16xi32>], vector<16xf32>,
      tpu.vector_store_idx %arg48[%iota3A, %broadcast_in_dim3A_2650], %gather3A_2662 : memref<16x512xf32, #tpu.memory_space<vmem>>[vector<16xi32>, vector<16xi32>], vector<16xf32>,
      %slice3A_2663 = vector.extract_strided_slice %rem3A_1567 {offsets = [3], sizes = [1], strides = [1]} : vector<16xi32> to vector<1xi32>
      %squeeze3A_2664 = vector.extract %slice3A_2663[0] : i32 from vector<1xi32>
      %add3A_2665 = arith.constant 0 : i32
      %add3A_2666 = arith.addi %squeeze3A_2664, %add3A_2665 : i32
      %broadcast_in_dim3A_2667 = vector.broadcast %add3A_2666 : i32 to vector<16xi32>
      %gather3A_2668 = tpu.vector_load_idx %arg27[%iota3A, %broadcast_in_dim3A_2667] : memref<16x128xf32, #tpu.memory_space<vmem>>[vector<16xi32>, vector<16xi32>], vector<16xf32>,
      tpu.vector_store_idx %arg47[%iota3A, %broadcast_in_dim3A_2650], %gather3A_2668 : memref<16x512xf32, #tpu.memory_space<vmem>>[vector<16xi32>, vector<16xi32>], vector<16xf32>,
      %slice3A_2669 = vector.extract_strided_slice %rem3A_1567 {offsets = [3], sizes = [1], strides = [1]} : vector<16xi32> to vector<1xi32>
      %squeeze3A_2670 = vector.extract %slice3A_2669[0] : i32 from vector<1xi32>
      %add3A_2671 = arith.constant 0 : i32
      %add3A_2672 = arith.addi %squeeze3A_2670, %add3A_2671 : i32
      %broadcast_in_dim3A_2673 = vector.broadcast %add3A_2672 : i32 to vector<16xi32>
      %gather3A_2674 = tpu.vector_load_idx %arg29[%iota3A, %broadcast_in_dim3A_2673] : memref<16x128xf32, #tpu.memory_space<vmem>>[vector<16xi32>, vector<16xi32>], vector<16xf32>,
      tpu.vector_store_idx %arg49[%iota3A, %broadcast_in_dim3A_2650], %gather3A_2674 : memref<16x512xf32, #tpu.memory_space<vmem>>[vector<16xi32>, vector<16xi32>], vector<16xf32>,
      %slice3A_2675 = vector.extract_strided_slice %sub3A_1568 {offsets = [11], sizes = [1], strides = [1]} : vector<16xi32> to vector<1xi32>
      %squeeze3A_2676 = vector.extract %slice3A_2675[0] : i32 from vector<1xi32>
      %multiple_of3A_2677 = tpu.assume_multiple %squeeze3A_2676, 128 : i32
      %slice3A_2678 = vector.extract_strided_slice %sub3A_1569 {offsets = [11], sizes = [1], strides = [1]} : vector<16xi32> to vector<1xi32>
      %squeeze3A_2679 = vector.extract %slice3A_2678[0] : i32 from vector<1xi32>
      %multiple_of3A_2680 = tpu.assume_multiple %squeeze3A_2679, 128 : i32
      %dma_start3A_2681 = arith.constant 0 : i32
      %dma_start3A_2682 = arith.constant 0 : i32
      %dma_start3A_2683 = tpu.memref_slice %arg26[%dma_start3A_2681, %dma_start3A_2682] : memref<16x128xf32, #tpu.memory_space<vmem>> -> memref<16x128xf32, #tpu.memory_space<vmem>>
      %dma_start3A_2684 = arith.constant 0 : i32
      %dma_start3A_2685 = tpu.memref_slice %arg4[%dma_start3A_2684, %multiple_of3A_2677] : memref<16x1000000xf32, #tpu.memory_space<hbm>> -> memref<16x128xf32, #tpu.memory_space<hbm>>
      %dma_start3A_2686 = arith.constant 0 : i32
      %dma_start3A_2687 = arith.constant 0 : i32
      %dma_start3A_2688 = tpu.memref_slice %arg26[%dma_start3A_2686, %dma_start3A_2687] : memref<16x128xf32, #tpu.memory_space<vmem>> -> memref<16x128xf32, #tpu.memory_space<vmem>>
      %dma_start3A_2689 = arith.constant 0 : i32
      %dma_start3A_2690 = tpu.memref_slice %arg4[%dma_start3A_2689, %multiple_of3A_2677] : memref<16x1000000xf32, #tpu.memory_space<hbm>> -> memref<16x128xf32, #tpu.memory_space<hbm>>
      tpu.enqueue_dma source(%dma_start3A_2690 : memref<16x128xf32, #tpu.memory_space<hbm>>) target(%dma_start3A_2688 : memref<16x128xf32, #tpu.memory_space<vmem>>) target_semaphore(%arg53 : memref<!tpu.dma_semaphore, #tpu.memory_space<semaphore_mem>>)
      %dma_start3A_2691 = arith.constant 0 : i32
      %dma_start3A_2692 = arith.constant 0 : i32
      %dma_start3A_2693 = tpu.memref_slice %arg28[%dma_start3A_2691, %dma_start3A_2692] : memref<16x128xf32, #tpu.memory_space<vmem>> -> memref<16x128xf32, #tpu.memory_space<vmem>>
      %dma_start3A_2694 = arith.constant 0 : i32
      %dma_start3A_2695 = tpu.memref_slice %arg6[%dma_start3A_2694, %multiple_of3A_2677] : memref<16x1000000xf32, #tpu.memory_space<hbm>> -> memref<16x128xf32, #tpu.memory_space<hbm>>
      %dma_start3A_2696 = arith.constant 0 : i32
      %dma_start3A_2697 = arith.constant 0 : i32
      %dma_start3A_2698 = tpu.memref_slice %arg28[%dma_start3A_2696, %dma_start3A_2697] : memref<16x128xf32, #tpu.memory_space<vmem>> -> memref<16x128xf32, #tpu.memory_space<vmem>>
      %dma_start3A_2699 = arith.constant 0 : i32
      %dma_start3A_2700 = tpu.memref_slice %arg6[%dma_start3A_2699, %multiple_of3A_2677] : memref<16x1000000xf32, #tpu.memory_space<hbm>> -> memref<16x128xf32, #tpu.memory_space<hbm>>
      tpu.enqueue_dma source(%dma_start3A_2700 : memref<16x128xf32, #tpu.memory_space<hbm>>) target(%dma_start3A_2698 : memref<16x128xf32, #tpu.memory_space<vmem>>) target_semaphore(%arg53 : memref<!tpu.dma_semaphore, #tpu.memory_space<semaphore_mem>>)
      %dma_start3A_2701 = arith.constant 0 : i32
      %dma_start3A_2702 = arith.constant 0 : i32
      %dma_start3A_2703 = tpu.memref_slice %arg27[%dma_start3A_2701, %dma_start3A_2702] : memref<16x128xf32, #tpu.memory_space<vmem>> -> memref<16x128xf32, #tpu.memory_space<vmem>>
      %dma_start3A_2704 = arith.constant 0 : i32
      %dma_start3A_2705 = tpu.memref_slice %arg5[%dma_start3A_2704, %multiple_of3A_2680] : memref<16x1000000xf32, #tpu.memory_space<hbm>> -> memref<16x128xf32, #tpu.memory_space<hbm>>
      %dma_start3A_2706 = arith.constant 0 : i32
      %dma_start3A_2707 = arith.constant 0 : i32
      %dma_start3A_2708 = tpu.memref_slice %arg27[%dma_start3A_2706, %dma_start3A_2707] : memref<16x128xf32, #tpu.memory_space<vmem>> -> memref<16x128xf32, #tpu.memory_space<vmem>>
      %dma_start3A_2709 = arith.constant 0 : i32
      %dma_start3A_2710 = tpu.memref_slice %arg5[%dma_start3A_2709, %multiple_of3A_2680] : memref<16x1000000xf32, #tpu.memory_space<hbm>> -> memref<16x128xf32, #tpu.memory_space<hbm>>
      tpu.enqueue_dma source(%dma_start3A_2710 : memref<16x128xf32, #tpu.memory_space<hbm>>) target(%dma_start3A_2708 : memref<16x128xf32, #tpu.memory_space<vmem>>) target_semaphore(%arg53 : memref<!tpu.dma_semaphore, #tpu.memory_space<semaphore_mem>>)
      %dma_start3A_2711 = arith.constant 0 : i32
      %dma_start3A_2712 = arith.constant 0 : i32
      %dma_start3A_2713 = tpu.memref_slice %arg29[%dma_start3A_2711, %dma_start3A_2712] : memref<16x128xf32, #tpu.memory_space<vmem>> -> memref<16x128xf32, #tpu.memory_space<vmem>>
      %dma_start3A_2714 = arith.constant 0 : i32
      %dma_start3A_2715 = tpu.memref_slice %arg7[%dma_start3A_2714, %multiple_of3A_2680] : memref<16x1000000xf32, #tpu.memory_space<hbm>> -> memref<16x128xf32, #tpu.memory_space<hbm>>
      %dma_start3A_2716 = arith.constant 0 : i32
      %dma_start3A_2717 = arith.constant 0 : i32
      %dma_start3A_2718 = tpu.memref_slice %arg29[%dma_start3A_2716, %dma_start3A_2717] : memref<16x128xf32, #tpu.memory_space<vmem>> -> memref<16x128xf32, #tpu.memory_space<vmem>>
      %dma_start3A_2719 = arith.constant 0 : i32
      %dma_start3A_2720 = tpu.memref_slice %arg7[%dma_start3A_2719, %multiple_of3A_2680] : memref<16x1000000xf32, #tpu.memory_space<hbm>> -> memref<16x128xf32, #tpu.memory_space<hbm>>
      tpu.enqueue_dma source(%dma_start3A_2720 : memref<16x128xf32, #tpu.memory_space<hbm>>) target(%dma_start3A_2718 : memref<16x128xf32, #tpu.memory_space<vmem>>) target_semaphore(%arg53 : memref<!tpu.dma_semaphore, #tpu.memory_space<semaphore_mem>>)
      %add3A_2721 = arith.constant 4 : i32
      %add3A_2722 = arith.addi %mul3A_1571, %add3A_2721 : i32
      %dma_wait3A_2723 = arith.constant 0 : i32
      %dma_wait3A_2724 = arith.constant 0 : i32
      %dma_wait3A_2725 = tpu.memref_slice %arg4[%dma_wait3A_2723, %dma_wait3A_2724] : memref<16x1000000xf32, #tpu.memory_space<hbm>> -> memref<16x128xf32, #tpu.memory_space<hbm>>
      %dma_wait3A_2726 = arith.constant 0 : i32
      %dma_wait3A_2727 = arith.constant 0 : i32
      %dma_wait3A_2728 = tpu.memref_slice %arg4[%dma_wait3A_2726, %dma_wait3A_2727] : memref<16x1000000xf32, #tpu.memory_space<hbm>> -> memref<16x128xf32, #tpu.memory_space<hbm>>
      tpu.wait_dma2 semaphore(%arg54 : memref<!tpu.dma_semaphore, #tpu.memory_space<semaphore_mem>>) src(%dma_wait3A_2728 : memref<16x128xf32, #tpu.memory_space<hbm>>) dst(%arg30 : memref<16x128xf32, #tpu.memory_space<vmem>>)
      %dma_wait3A_2729 = arith.constant 0 : i32
      %dma_wait3A_2730 = arith.constant 0 : i32
      %dma_wait3A_2731 = tpu.memref_slice %arg4[%dma_wait3A_2729, %dma_wait3A_2730] : memref<16x1000000xf32, #tpu.memory_space<hbm>> -> memref<16x128xf32, #tpu.memory_space<hbm>>
      %dma_wait3A_2732 = arith.constant 0 : i32
      %dma_wait3A_2733 = arith.constant 0 : i32
      %dma_wait3A_2734 = tpu.memref_slice %arg4[%dma_wait3A_2732, %dma_wait3A_2733] : memref<16x1000000xf32, #tpu.memory_space<hbm>> -> memref<16x128xf32, #tpu.memory_space<hbm>>
      tpu.wait_dma2 semaphore(%arg54 : memref<!tpu.dma_semaphore, #tpu.memory_space<semaphore_mem>>) src(%dma_wait3A_2734 : memref<16x128xf32, #tpu.memory_space<hbm>>) dst(%arg32 : memref<16x128xf32, #tpu.memory_space<vmem>>)
      %dma_wait3A_2735 = arith.constant 0 : i32
      %dma_wait3A_2736 = arith.constant 0 : i32
      %dma_wait3A_2737 = tpu.memref_slice %arg4[%dma_wait3A_2735, %dma_wait3A_2736] : memref<16x1000000xf32, #tpu.memory_space<hbm>> -> memref<16x128xf32, #tpu.memory_space<hbm>>
      %dma_wait3A_2738 = arith.constant 0 : i32
      %dma_wait3A_2739 = arith.constant 0 : i32
      %dma_wait3A_2740 = tpu.memref_slice %arg4[%dma_wait3A_2738, %dma_wait3A_2739] : memref<16x1000000xf32, #tpu.memory_space<hbm>> -> memref<16x128xf32, #tpu.memory_space<hbm>>
      tpu.wait_dma2 semaphore(%arg54 : memref<!tpu.dma_semaphore, #tpu.memory_space<semaphore_mem>>) src(%dma_wait3A_2740 : memref<16x128xf32, #tpu.memory_space<hbm>>) dst(%arg31 : memref<16x128xf32, #tpu.memory_space<vmem>>)
      %dma_wait3A_2741 = arith.constant 0 : i32
      %dma_wait3A_2742 = arith.constant 0 : i32
      %dma_wait3A_2743 = tpu.memref_slice %arg4[%dma_wait3A_2741, %dma_wait3A_2742] : memref<16x1000000xf32, #tpu.memory_space<hbm>> -> memref<16x128xf32, #tpu.memory_space<hbm>>
      %dma_wait3A_2744 = arith.constant 0 : i32
      %dma_wait3A_2745 = arith.constant 0 : i32
      %dma_wait3A_2746 = tpu.memref_slice %arg4[%dma_wait3A_2744, %dma_wait3A_2745] : memref<16x1000000xf32, #tpu.memory_space<hbm>> -> memref<16x128xf32, #tpu.memory_space<hbm>>
      tpu.wait_dma2 semaphore(%arg54 : memref<!tpu.dma_semaphore, #tpu.memory_space<semaphore_mem>>) src(%dma_wait3A_2746 : memref<16x128xf32, #tpu.memory_space<hbm>>) dst(%arg33 : memref<16x128xf32, #tpu.memory_space<vmem>>)
      %add3A_2747 = arith.constant 0 : i32
      %add3A_2748 = arith.addi %add3A_2722, %add3A_2747 : i32
      %broadcast_in_dim3A_2749 = vector.broadcast %add3A_2748 : i32 to vector<16xi32>
      %slice3A_2750 = vector.extract_strided_slice %rem3A_1564 {offsets = [4], sizes = [1], strides = [1]} : vector<16xi32> to vector<1xi32>
      %squeeze3A_2751 = vector.extract %slice3A_2750[0] : i32 from vector<1xi32>
      %add3A_2752 = arith.constant 0 : i32
      %add3A_2753 = arith.addi %squeeze3A_2751, %add3A_2752 : i32
      %broadcast_in_dim3A_2754 = vector.broadcast %add3A_2753 : i32 to vector<16xi32>
      %gather3A_2755 = tpu.vector_load_idx %arg30[%iota3A, %broadcast_in_dim3A_2754] : memref<16x128xf32, #tpu.memory_space<vmem>>[vector<16xi32>, vector<16xi32>], vector<16xf32>,
      tpu.vector_store_idx %arg46[%iota3A, %broadcast_in_dim3A_2749], %gather3A_2755 : memref<16x512xf32, #tpu.memory_space<vmem>>[vector<16xi32>, vector<16xi32>], vector<16xf32>,
      %slice3A_2756 = vector.extract_strided_slice %rem3A_1564 {offsets = [4], sizes = [1], strides = [1]} : vector<16xi32> to vector<1xi32>
      %squeeze3A_2757 = vector.extract %slice3A_2756[0] : i32 from vector<1xi32>
      %add3A_2758 = arith.constant 0 : i32
      %add3A_2759 = arith.addi %squeeze3A_2757, %add3A_2758 : i32
      %broadcast_in_dim3A_2760 = vector.broadcast %add3A_2759 : i32 to vector<16xi32>
      %gather3A_2761 = tpu.vector_load_idx %arg32[%iota3A, %broadcast_in_dim3A_2760] : memref<16x128xf32, #tpu.memory_space<vmem>>[vector<16xi32>, vector<16xi32>], vector<16xf32>,
      tpu.vector_store_idx %arg48[%iota3A, %broadcast_in_dim3A_2749], %gather3A_2761 : memref<16x512xf32, #tpu.memory_space<vmem>>[vector<16xi32>, vector<16xi32>], vector<16xf32>,
      %slice3A_2762 = vector.extract_strided_slice %rem3A_1567 {offsets = [4], sizes = [1], strides = [1]} : vector<16xi32> to vector<1xi32>
      %squeeze3A_2763 = vector.extract %slice3A_2762[0] : i32 from vector<1xi32>
      %add3A_2764 = arith.constant 0 : i32
      %add3A_2765 = arith.addi %squeeze3A_2763, %add3A_2764 : i32
      %broadcast_in_dim3A_2766 = vector.broadcast %add3A_2765 : i32 to vector<16xi32>
      %gather3A_2767 = tpu.vector_load_idx %arg31[%iota3A, %broadcast_in_dim3A_2766] : memref<16x128xf32, #tpu.memory_space<vmem>>[vector<16xi32>, vector<16xi32>], vector<16xf32>,
      tpu.vector_store_idx %arg47[%iota3A, %broadcast_in_dim3A_2749], %gather3A_2767 : memref<16x512xf32, #tpu.memory_space<vmem>>[vector<16xi32>, vector<16xi32>], vector<16xf32>,
      %slice3A_2768 = vector.extract_strided_slice %rem3A_1567 {offsets = [4], sizes = [1], strides = [1]} : vector<16xi32> to vector<1xi32>
      %squeeze3A_2769 = vector.extract %slice3A_2768[0] : i32 from vector<1xi32>
      %add3A_2770 = arith.constant 0 : i32
      %add3A_2771 = arith.addi %squeeze3A_2769, %add3A_2770 : i32
      %broadcast_in_dim3A_2772 = vector.broadcast %add3A_2771 : i32 to vector<16xi32>
      %gather3A_2773 = tpu.vector_load_idx %arg33[%iota3A, %broadcast_in_dim3A_2772] : memref<16x128xf32, #tpu.memory_space<vmem>>[vector<16xi32>, vector<16xi32>], vector<16xf32>,
      tpu.vector_store_idx %arg49[%iota3A, %broadcast_in_dim3A_2749], %gather3A_2773 : memref<16x512xf32, #tpu.memory_space<vmem>>[vector<16xi32>, vector<16xi32>], vector<16xf32>,
      %slice3A_2774 = vector.extract_strided_slice %sub3A_1568 {offsets = [12], sizes = [1], strides = [1]} : vector<16xi32> to vector<1xi32>
      %squeeze3A_2775 = vector.extract %slice3A_2774[0] : i32 from vector<1xi32>
      %multiple_of3A_2776 = tpu.assume_multiple %squeeze3A_2775, 128 : i32
      %slice3A_2777 = vector.extract_strided_slice %sub3A_1569 {offsets = [12], sizes = [1], strides = [1]} : vector<16xi32> to vector<1xi32>
      %squeeze3A_2778 = vector.extract %slice3A_2777[0] : i32 from vector<1xi32>
      %multiple_of3A_2779 = tpu.assume_multiple %squeeze3A_2778, 128 : i32
      %dma_start3A_2780 = arith.constant 0 : i32
      %dma_start3A_2781 = arith.constant 0 : i32
      %dma_start3A_2782 = tpu.memref_slice %arg30[%dma_start3A_2780, %dma_start3A_2781] : memref<16x128xf32, #tpu.memory_space<vmem>> -> memref<16x128xf32, #tpu.memory_space<vmem>>
      %dma_start3A_2783 = arith.constant 0 : i32
      %dma_start3A_2784 = tpu.memref_slice %arg4[%dma_start3A_2783, %multiple_of3A_2776] : memref<16x1000000xf32, #tpu.memory_space<hbm>> -> memref<16x128xf32, #tpu.memory_space<hbm>>
      %dma_start3A_2785 = arith.constant 0 : i32
      %dma_start3A_2786 = arith.constant 0 : i32
      %dma_start3A_2787 = tpu.memref_slice %arg30[%dma_start3A_2785, %dma_start3A_2786] : memref<16x128xf32, #tpu.memory_space<vmem>> -> memref<16x128xf32, #tpu.memory_space<vmem>>
      %dma_start3A_2788 = arith.constant 0 : i32
      %dma_start3A_2789 = tpu.memref_slice %arg4[%dma_start3A_2788, %multiple_of3A_2776] : memref<16x1000000xf32, #tpu.memory_space<hbm>> -> memref<16x128xf32, #tpu.memory_space<hbm>>
      tpu.enqueue_dma source(%dma_start3A_2789 : memref<16x128xf32, #tpu.memory_space<hbm>>) target(%dma_start3A_2787 : memref<16x128xf32, #tpu.memory_space<vmem>>) target_semaphore(%arg54 : memref<!tpu.dma_semaphore, #tpu.memory_space<semaphore_mem>>)
      %dma_start3A_2790 = arith.constant 0 : i32
      %dma_start3A_2791 = arith.constant 0 : i32
      %dma_start3A_2792 = tpu.memref_slice %arg32[%dma_start3A_2790, %dma_start3A_2791] : memref<16x128xf32, #tpu.memory_space<vmem>> -> memref<16x128xf32, #tpu.memory_space<vmem>>
      %dma_start3A_2793 = arith.constant 0 : i32
      %dma_start3A_2794 = tpu.memref_slice %arg6[%dma_start3A_2793, %multiple_of3A_2776] : memref<16x1000000xf32, #tpu.memory_space<hbm>> -> memref<16x128xf32, #tpu.memory_space<hbm>>
      %dma_start3A_2795 = arith.constant 0 : i32
      %dma_start3A_2796 = arith.constant 0 : i32
      %dma_start3A_2797 = tpu.memref_slice %arg32[%dma_start3A_2795, %dma_start3A_2796] : memref<16x128xf32, #tpu.memory_space<vmem>> -> memref<16x128xf32, #tpu.memory_space<vmem>>
      %dma_start3A_2798 = arith.constant 0 : i32
      %dma_start3A_2799 = tpu.memref_slice %arg6[%dma_start3A_2798, %multiple_of3A_2776] : memref<16x1000000xf32, #tpu.memory_space<hbm>> -> memref<16x128xf32, #tpu.memory_space<hbm>>
      tpu.enqueue_dma source(%dma_start3A_2799 : memref<16x128xf32, #tpu.memory_space<hbm>>) target(%dma_start3A_2797 : memref<16x128xf32, #tpu.memory_space<vmem>>) target_semaphore(%arg54 : memref<!tpu.dma_semaphore, #tpu.memory_space<semaphore_mem>>)
      %dma_start3A_2800 = arith.constant 0 : i32
      %dma_start3A_2801 = arith.constant 0 : i32
      %dma_start3A_2802 = tpu.memref_slice %arg31[%dma_start3A_2800, %dma_start3A_2801] : memref<16x128xf32, #tpu.memory_space<vmem>> -> memref<16x128xf32, #tpu.memory_space<vmem>>
      %dma_start3A_2803 = arith.constant 0 : i32
      %dma_start3A_2804 = tpu.memref_slice %arg5[%dma_start3A_2803, %multiple_of3A_2779] : memref<16x1000000xf32, #tpu.memory_space<hbm>> -> memref<16x128xf32, #tpu.memory_space<hbm>>
      %dma_start3A_2805 = arith.constant 0 : i32
      %dma_start3A_2806 = arith.constant 0 : i32
      %dma_start3A_2807 = tpu.memref_slice %arg31[%dma_start3A_2805, %dma_start3A_2806] : memref<16x128xf32, #tpu.memory_space<vmem>> -> memref<16x128xf32, #tpu.memory_space<vmem>>
      %dma_start3A_2808 = arith.constant 0 : i32
      %dma_start3A_2809 = tpu.memref_slice %arg5[%dma_start3A_2808, %multiple_of3A_2779] : memref<16x1000000xf32, #tpu.memory_space<hbm>> -> memref<16x128xf32, #tpu.memory_space<hbm>>
      tpu.enqueue_dma source(%dma_start3A_2809 : memref<16x128xf32, #tpu.memory_space<hbm>>) target(%dma_start3A_2807 : memref<16x128xf32, #tpu.memory_space<vmem>>) target_semaphore(%arg54 : memref<!tpu.dma_semaphore, #tpu.memory_space<semaphore_mem>>)
      %dma_start3A_2810 = arith.constant 0 : i32
      %dma_start3A_2811 = arith.constant 0 : i32
      %dma_start3A_2812 = tpu.memref_slice %arg33[%dma_start3A_2810, %dma_start3A_2811] : memref<16x128xf32, #tpu.memory_space<vmem>> -> memref<16x128xf32, #tpu.memory_space<vmem>>
      %dma_start3A_2813 = arith.constant 0 : i32
      %dma_start3A_2814 = tpu.memref_slice %arg7[%dma_start3A_2813, %multiple_of3A_2779] : memref<16x1000000xf32, #tpu.memory_space<hbm>> -> memref<16x128xf32, #tpu.memory_space<hbm>>
      %dma_start3A_2815 = arith.constant 0 : i32
      %dma_start3A_2816 = arith.constant 0 : i32
      %dma_start3A_2817 = tpu.memref_slice %arg33[%dma_start3A_2815, %dma_start3A_2816] : memref<16x128xf32, #tpu.memory_space<vmem>> -> memref<16x128xf32, #tpu.memory_space<vmem>>
      %dma_start3A_2818 = arith.constant 0 : i32
      %dma_start3A_2819 = tpu.memref_slice %arg7[%dma_start3A_2818, %multiple_of3A_2779] : memref<16x1000000xf32, #tpu.memory_space<hbm>> -> memref<16x128xf32, #tpu.memory_space<hbm>>
      tpu.enqueue_dma source(%dma_start3A_2819 : memref<16x128xf32, #tpu.memory_space<hbm>>) target(%dma_start3A_2817 : memref<16x128xf32, #tpu.memory_space<vmem>>) target_semaphore(%arg54 : memref<!tpu.dma_semaphore, #tpu.memory_space<semaphore_mem>>)
      %add3A_2820 = arith.constant 5 : i32
      %add3A_2821 = arith.addi %mul3A_1571, %add3A_2820 : i32
      %dma_wait3A_2822 = arith.constant 0 : i32
      %dma_wait3A_2823 = arith.constant 0 : i32
      %dma_wait3A_2824 = tpu.memref_slice %arg4[%dma_wait3A_2822, %dma_wait3A_2823] : memref<16x1000000xf32, #tpu.memory_space<hbm>> -> memref<16x128xf32, #tpu.memory_space<hbm>>
      %dma_wait3A_2825 = arith.constant 0 : i32
      %dma_wait3A_2826 = arith.constant 0 : i32
      %dma_wait3A_2827 = tpu.memref_slice %arg4[%dma_wait3A_2825, %dma_wait3A_2826] : memref<16x1000000xf32, #tpu.memory_space<hbm>> -> memref<16x128xf32, #tpu.memory_space<hbm>>
      tpu.wait_dma2 semaphore(%arg55 : memref<!tpu.dma_semaphore, #tpu.memory_space<semaphore_mem>>) src(%dma_wait3A_2827 : memref<16x128xf32, #tpu.memory_space<hbm>>) dst(%arg34 : memref<16x128xf32, #tpu.memory_space<vmem>>)
      %dma_wait3A_2828 = arith.constant 0 : i32
      %dma_wait3A_2829 = arith.constant 0 : i32
      %dma_wait3A_2830 = tpu.memref_slice %arg4[%dma_wait3A_2828, %dma_wait3A_2829] : memref<16x1000000xf32, #tpu.memory_space<hbm>> -> memref<16x128xf32, #tpu.memory_space<hbm>>
      %dma_wait3A_2831 = arith.constant 0 : i32
      %dma_wait3A_2832 = arith.constant 0 : i32
      %dma_wait3A_2833 = tpu.memref_slice %arg4[%dma_wait3A_2831, %dma_wait3A_2832] : memref<16x1000000xf32, #tpu.memory_space<hbm>> -> memref<16x128xf32, #tpu.memory_space<hbm>>
      tpu.wait_dma2 semaphore(%arg55 : memref<!tpu.dma_semaphore, #tpu.memory_space<semaphore_mem>>) src(%dma_wait3A_2833 : memref<16x128xf32, #tpu.memory_space<hbm>>) dst(%arg36 : memref<16x128xf32, #tpu.memory_space<vmem>>)
      %dma_wait3A_2834 = arith.constant 0 : i32
      %dma_wait3A_2835 = arith.constant 0 : i32
      %dma_wait3A_2836 = tpu.memref_slice %arg4[%dma_wait3A_2834, %dma_wait3A_2835] : memref<16x1000000xf32, #tpu.memory_space<hbm>> -> memref<16x128xf32, #tpu.memory_space<hbm>>
      %dma_wait3A_2837 = arith.constant 0 : i32
      %dma_wait3A_2838 = arith.constant 0 : i32
      %dma_wait3A_2839 = tpu.memref_slice %arg4[%dma_wait3A_2837, %dma_wait3A_2838] : memref<16x1000000xf32, #tpu.memory_space<hbm>> -> memref<16x128xf32, #tpu.memory_space<hbm>>
      tpu.wait_dma2 semaphore(%arg55 : memref<!tpu.dma_semaphore, #tpu.memory_space<semaphore_mem>>) src(%dma_wait3A_2839 : memref<16x128xf32, #tpu.memory_space<hbm>>) dst(%arg35 : memref<16x128xf32, #tpu.memory_space<vmem>>)
      %dma_wait3A_2840 = arith.constant 0 : i32
      %dma_wait3A_2841 = arith.constant 0 : i32
      %dma_wait3A_2842 = tpu.memref_slice %arg4[%dma_wait3A_2840, %dma_wait3A_2841] : memref<16x1000000xf32, #tpu.memory_space<hbm>> -> memref<16x128xf32, #tpu.memory_space<hbm>>
      %dma_wait3A_2843 = arith.constant 0 : i32
      %dma_wait3A_2844 = arith.constant 0 : i32
      %dma_wait3A_2845 = tpu.memref_slice %arg4[%dma_wait3A_2843, %dma_wait3A_2844] : memref<16x1000000xf32, #tpu.memory_space<hbm>> -> memref<16x128xf32, #tpu.memory_space<hbm>>
      tpu.wait_dma2 semaphore(%arg55 : memref<!tpu.dma_semaphore, #tpu.memory_space<semaphore_mem>>) src(%dma_wait3A_2845 : memref<16x128xf32, #tpu.memory_space<hbm>>) dst(%arg37 : memref<16x128xf32, #tpu.memory_space<vmem>>)
      %add3A_2846 = arith.constant 0 : i32
      %add3A_2847 = arith.addi %add3A_2821, %add3A_2846 : i32
      %broadcast_in_dim3A_2848 = vector.broadcast %add3A_2847 : i32 to vector<16xi32>
      %slice3A_2849 = vector.extract_strided_slice %rem3A_1564 {offsets = [5], sizes = [1], strides = [1]} : vector<16xi32> to vector<1xi32>
      %squeeze3A_2850 = vector.extract %slice3A_2849[0] : i32 from vector<1xi32>
      %add3A_2851 = arith.constant 0 : i32
      %add3A_2852 = arith.addi %squeeze3A_2850, %add3A_2851 : i32
      %broadcast_in_dim3A_2853 = vector.broadcast %add3A_2852 : i32 to vector<16xi32>
      %gather3A_2854 = tpu.vector_load_idx %arg34[%iota3A, %broadcast_in_dim3A_2853] : memref<16x128xf32, #tpu.memory_space<vmem>>[vector<16xi32>, vector<16xi32>], vector<16xf32>,
      tpu.vector_store_idx %arg46[%iota3A, %broadcast_in_dim3A_2848], %gather3A_2854 : memref<16x512xf32, #tpu.memory_space<vmem>>[vector<16xi32>, vector<16xi32>], vector<16xf32>,
      %slice3A_2855 = vector.extract_strided_slice %rem3A_1564 {offsets = [5], sizes = [1], strides = [1]} : vector<16xi32> to vector<1xi32>
      %squeeze3A_2856 = vector.extract %slice3A_2855[0] : i32 from vector<1xi32>
      %add3A_2857 = arith.constant 0 : i32
      %add3A_2858 = arith.addi %squeeze3A_2856, %add3A_2857 : i32
      %broadcast_in_dim3A_2859 = vector.broadcast %add3A_2858 : i32 to vector<16xi32>
      %gather3A_2860 = tpu.vector_load_idx %arg36[%iota3A, %broadcast_in_dim3A_2859] : memref<16x128xf32, #tpu.memory_space<vmem>>[vector<16xi32>, vector<16xi32>], vector<16xf32>,
      tpu.vector_store_idx %arg48[%iota3A, %broadcast_in_dim3A_2848], %gather3A_2860 : memref<16x512xf32, #tpu.memory_space<vmem>>[vector<16xi32>, vector<16xi32>], vector<16xf32>,
      %slice3A_2861 = vector.extract_strided_slice %rem3A_1567 {offsets = [5], sizes = [1], strides = [1]} : vector<16xi32> to vector<1xi32>
      %squeeze3A_2862 = vector.extract %slice3A_2861[0] : i32 from vector<1xi32>
      %add3A_2863 = arith.constant 0 : i32
      %add3A_2864 = arith.addi %squeeze3A_2862, %add3A_2863 : i32
      %broadcast_in_dim3A_2865 = vector.broadcast %add3A_2864 : i32 to vector<16xi32>
      %gather3A_2866 = tpu.vector_load_idx %arg35[%iota3A, %broadcast_in_dim3A_2865] : memref<16x128xf32, #tpu.memory_space<vmem>>[vector<16xi32>, vector<16xi32>], vector<16xf32>,
      tpu.vector_store_idx %arg47[%iota3A, %broadcast_in_dim3A_2848], %gather3A_2866 : memref<16x512xf32, #tpu.memory_space<vmem>>[vector<16xi32>, vector<16xi32>], vector<16xf32>,
      %slice3A_2867 = vector.extract_strided_slice %rem3A_1567 {offsets = [5], sizes = [1], strides = [1]} : vector<16xi32> to vector<1xi32>
      %squeeze3A_2868 = vector.extract %slice3A_2867[0] : i32 from vector<1xi32>
      %add3A_2869 = arith.constant 0 : i32
      %add3A_2870 = arith.addi %squeeze3A_2868, %add3A_2869 : i32
      %broadcast_in_dim3A_2871 = vector.broadcast %add3A_2870 : i32 to vector<16xi32>
      %gather3A_2872 = tpu.vector_load_idx %arg37[%iota3A, %broadcast_in_dim3A_2871] : memref<16x128xf32, #tpu.memory_space<vmem>>[vector<16xi32>, vector<16xi32>], vector<16xf32>,
      tpu.vector_store_idx %arg49[%iota3A, %broadcast_in_dim3A_2848], %gather3A_2872 : memref<16x512xf32, #tpu.memory_space<vmem>>[vector<16xi32>, vector<16xi32>], vector<16xf32>,
      %slice3A_2873 = vector.extract_strided_slice %sub3A_1568 {offsets = [13], sizes = [1], strides = [1]} : vector<16xi32> to vector<1xi32>
      %squeeze3A_2874 = vector.extract %slice3A_2873[0] : i32 from vector<1xi32>
      %multiple_of3A_2875 = tpu.assume_multiple %squeeze3A_2874, 128 : i32
      %slice3A_2876 = vector.extract_strided_slice %sub3A_1569 {offsets = [13], sizes = [1], strides = [1]} : vector<16xi32> to vector<1xi32>
      %squeeze3A_2877 = vector.extract %slice3A_2876[0] : i32 from vector<1xi32>
      %multiple_of3A_2878 = tpu.assume_multiple %squeeze3A_2877, 128 : i32
      %dma_start3A_2879 = arith.constant 0 : i32
      %dma_start3A_2880 = arith.constant 0 : i32
      %dma_start3A_2881 = tpu.memref_slice %arg34[%dma_start3A_2879, %dma_start3A_2880] : memref<16x128xf32, #tpu.memory_space<vmem>> -> memref<16x128xf32, #tpu.memory_space<vmem>>
      %dma_start3A_2882 = arith.constant 0 : i32
      %dma_start3A_2883 = tpu.memref_slice %arg4[%dma_start3A_2882, %multiple_of3A_2875] : memref<16x1000000xf32, #tpu.memory_space<hbm>> -> memref<16x128xf32, #tpu.memory_space<hbm>>
      %dma_start3A_2884 = arith.constant 0 : i32
      %dma_start3A_2885 = arith.constant 0 : i32
      %dma_start3A_2886 = tpu.memref_slice %arg34[%dma_start3A_2884, %dma_start3A_2885] : memref<16x128xf32, #tpu.memory_space<vmem>> -> memref<16x128xf32, #tpu.memory_space<vmem>>
      %dma_start3A_2887 = arith.constant 0 : i32
      %dma_start3A_2888 = tpu.memref_slice %arg4[%dma_start3A_2887, %multiple_of3A_2875] : memref<16x1000000xf32, #tpu.memory_space<hbm>> -> memref<16x128xf32, #tpu.memory_space<hbm>>
      tpu.enqueue_dma source(%dma_start3A_2888 : memref<16x128xf32, #tpu.memory_space<hbm>>) target(%dma_start3A_2886 : memref<16x128xf32, #tpu.memory_space<vmem>>) target_semaphore(%arg55 : memref<!tpu.dma_semaphore, #tpu.memory_space<semaphore_mem>>)
      %dma_start3A_2889 = arith.constant 0 : i32
      %dma_start3A_2890 = arith.constant 0 : i32
      %dma_start3A_2891 = tpu.memref_slice %arg36[%dma_start3A_2889, %dma_start3A_2890] : memref<16x128xf32, #tpu.memory_space<vmem>> -> memref<16x128xf32, #tpu.memory_space<vmem>>
      %dma_start3A_2892 = arith.constant 0 : i32
      %dma_start3A_2893 = tpu.memref_slice %arg6[%dma_start3A_2892, %multiple_of3A_2875] : memref<16x1000000xf32, #tpu.memory_space<hbm>> -> memref<16x128xf32, #tpu.memory_space<hbm>>
      %dma_start3A_2894 = arith.constant 0 : i32
      %dma_start3A_2895 = arith.constant 0 : i32
      %dma_start3A_2896 = tpu.memref_slice %arg36[%dma_start3A_2894, %dma_start3A_2895] : memref<16x128xf32, #tpu.memory_space<vmem>> -> memref<16x128xf32, #tpu.memory_space<vmem>>
      %dma_start3A_2897 = arith.constant 0 : i32
      %dma_start3A_2898 = tpu.memref_slice %arg6[%dma_start3A_2897, %multiple_of3A_2875] : memref<16x1000000xf32, #tpu.memory_space<hbm>> -> memref<16x128xf32, #tpu.memory_space<hbm>>
      tpu.enqueue_dma source(%dma_start3A_2898 : memref<16x128xf32, #tpu.memory_space<hbm>>) target(%dma_start3A_2896 : memref<16x128xf32, #tpu.memory_space<vmem>>) target_semaphore(%arg55 : memref<!tpu.dma_semaphore, #tpu.memory_space<semaphore_mem>>)
      %dma_start3A_2899 = arith.constant 0 : i32
      %dma_start3A_2900 = arith.constant 0 : i32
      %dma_start3A_2901 = tpu.memref_slice %arg35[%dma_start3A_2899, %dma_start3A_2900] : memref<16x128xf32, #tpu.memory_space<vmem>> -> memref<16x128xf32, #tpu.memory_space<vmem>>
      %dma_start3A_2902 = arith.constant 0 : i32
      %dma_start3A_2903 = tpu.memref_slice %arg5[%dma_start3A_2902, %multiple_of3A_2878] : memref<16x1000000xf32, #tpu.memory_space<hbm>> -> memref<16x128xf32, #tpu.memory_space<hbm>>
      %dma_start3A_2904 = arith.constant 0 : i32
      %dma_start3A_2905 = arith.constant 0 : i32
      %dma_start3A_2906 = tpu.memref_slice %arg35[%dma_start3A_2904, %dma_start3A_2905] : memref<16x128xf32, #tpu.memory_space<vmem>> -> memref<16x128xf32, #tpu.memory_space<vmem>>
      %dma_start3A_2907 = arith.constant 0 : i32
      %dma_start3A_2908 = tpu.memref_slice %arg5[%dma_start3A_2907, %multiple_of3A_2878] : memref<16x1000000xf32, #tpu.memory_space<hbm>> -> memref<16x128xf32, #tpu.memory_space<hbm>>
      tpu.enqueue_dma source(%dma_start3A_2908 : memref<16x128xf32, #tpu.memory_space<hbm>>) target(%dma_start3A_2906 : memref<16x128xf32, #tpu.memory_space<vmem>>) target_semaphore(%arg55 : memref<!tpu.dma_semaphore, #tpu.memory_space<semaphore_mem>>)
      %dma_start3A_2909 = arith.constant 0 : i32
      %dma_start3A_2910 = arith.constant 0 : i32
      %dma_start3A_2911 = tpu.memref_slice %arg37[%dma_start3A_2909, %dma_start3A_2910] : memref<16x128xf32, #tpu.memory_space<vmem>> -> memref<16x128xf32, #tpu.memory_space<vmem>>
      %dma_start3A_2912 = arith.constant 0 : i32
      %dma_start3A_2913 = tpu.memref_slice %arg7[%dma_start3A_2912, %multiple_of3A_2878] : memref<16x1000000xf32, #tpu.memory_space<hbm>> -> memref<16x128xf32, #tpu.memory_space<hbm>>
      %dma_start3A_2914 = arith.constant 0 : i32
      %dma_start3A_2915 = arith.constant 0 : i32
      %dma_start3A_2916 = tpu.memref_slice %arg37[%dma_start3A_2914, %dma_start3A_2915] : memref<16x128xf32, #tpu.memory_space<vmem>> -> memref<16x128xf32, #tpu.memory_space<vmem>>
      %dma_start3A_2917 = arith.constant 0 : i32
      %dma_start3A_2918 = tpu.memref_slice %arg7[%dma_start3A_2917, %multiple_of3A_2878] : memref<16x1000000xf32, #tpu.memory_space<hbm>> -> memref<16x128xf32, #tpu.memory_space<hbm>>
      tpu.enqueue_dma source(%dma_start3A_2918 : memref<16x128xf32, #tpu.memory_space<hbm>>) target(%dma_start3A_2916 : memref<16x128xf32, #tpu.memory_space<vmem>>) target_semaphore(%arg55 : memref<!tpu.dma_semaphore, #tpu.memory_space<semaphore_mem>>)
      %add3A_2919 = arith.constant 6 : i32
      %add3A_2920 = arith.addi %mul3A_1571, %add3A_2919 : i32
      %dma_wait3A_2921 = arith.constant 0 : i32
      %dma_wait3A_2922 = arith.constant 0 : i32
      %dma_wait3A_2923 = tpu.memref_slice %arg4[%dma_wait3A_2921, %dma_wait3A_2922] : memref<16x1000000xf32, #tpu.memory_space<hbm>> -> memref<16x128xf32, #tpu.memory_space<hbm>>
      %dma_wait3A_2924 = arith.constant 0 : i32
      %dma_wait3A_2925 = arith.constant 0 : i32
      %dma_wait3A_2926 = tpu.memref_slice %arg4[%dma_wait3A_2924, %dma_wait3A_2925] : memref<16x1000000xf32, #tpu.memory_space<hbm>> -> memref<16x128xf32, #tpu.memory_space<hbm>>
      tpu.wait_dma2 semaphore(%arg56 : memref<!tpu.dma_semaphore, #tpu.memory_space<semaphore_mem>>) src(%dma_wait3A_2926 : memref<16x128xf32, #tpu.memory_space<hbm>>) dst(%arg38 : memref<16x128xf32, #tpu.memory_space<vmem>>)
      %dma_wait3A_2927 = arith.constant 0 : i32
      %dma_wait3A_2928 = arith.constant 0 : i32
      %dma_wait3A_2929 = tpu.memref_slice %arg4[%dma_wait3A_2927, %dma_wait3A_2928] : memref<16x1000000xf32, #tpu.memory_space<hbm>> -> memref<16x128xf32, #tpu.memory_space<hbm>>
      %dma_wait3A_2930 = arith.constant 0 : i32
      %dma_wait3A_2931 = arith.constant 0 : i32
      %dma_wait3A_2932 = tpu.memref_slice %arg4[%dma_wait3A_2930, %dma_wait3A_2931] : memref<16x1000000xf32, #tpu.memory_space<hbm>> -> memref<16x128xf32, #tpu.memory_space<hbm>>
      tpu.wait_dma2 semaphore(%arg56 : memref<!tpu.dma_semaphore, #tpu.memory_space<semaphore_mem>>) src(%dma_wait3A_2932 : memref<16x128xf32, #tpu.memory_space<hbm>>) dst(%arg40 : memref<16x128xf32, #tpu.memory_space<vmem>>)
      %dma_wait3A_2933 = arith.constant 0 : i32
      %dma_wait3A_2934 = arith.constant 0 : i32
      %dma_wait3A_2935 = tpu.memref_slice %arg4[%dma_wait3A_2933, %dma_wait3A_2934] : memref<16x1000000xf32, #tpu.memory_space<hbm>> -> memref<16x128xf32, #tpu.memory_space<hbm>>
      %dma_wait3A_2936 = arith.constant 0 : i32
      %dma_wait3A_2937 = arith.constant 0 : i32
      %dma_wait3A_2938 = tpu.memref_slice %arg4[%dma_wait3A_2936, %dma_wait3A_2937] : memref<16x1000000xf32, #tpu.memory_space<hbm>> -> memref<16x128xf32, #tpu.memory_space<hbm>>
      tpu.wait_dma2 semaphore(%arg56 : memref<!tpu.dma_semaphore, #tpu.memory_space<semaphore_mem>>) src(%dma_wait3A_2938 : memref<16x128xf32, #tpu.memory_space<hbm>>) dst(%arg39 : memref<16x128xf32, #tpu.memory_space<vmem>>)
      %dma_wait3A_2939 = arith.constant 0 : i32
      %dma_wait3A_2940 = arith.constant 0 : i32
      %dma_wait3A_2941 = tpu.memref_slice %arg4[%dma_wait3A_2939, %dma_wait3A_2940] : memref<16x1000000xf32, #tpu.memory_space<hbm>> -> memref<16x128xf32, #tpu.memory_space<hbm>>
      %dma_wait3A_2942 = arith.constant 0 : i32
      %dma_wait3A_2943 = arith.constant 0 : i32
      %dma_wait3A_2944 = tpu.memref_slice %arg4[%dma_wait3A_2942, %dma_wait3A_2943] : memref<16x1000000xf32, #tpu.memory_space<hbm>> -> memref<16x128xf32, #tpu.memory_space<hbm>>
      tpu.wait_dma2 semaphore(%arg56 : memref<!tpu.dma_semaphore, #tpu.memory_space<semaphore_mem>>) src(%dma_wait3A_2944 : memref<16x128xf32, #tpu.memory_space<hbm>>) dst(%arg41 : memref<16x128xf32, #tpu.memory_space<vmem>>)
      %add3A_2945 = arith.constant 0 : i32
      %add3A_2946 = arith.addi %add3A_2920, %add3A_2945 : i32
      %broadcast_in_dim3A_2947 = vector.broadcast %add3A_2946 : i32 to vector<16xi32>
      %slice3A_2948 = vector.extract_strided_slice %rem3A_1564 {offsets = [6], sizes = [1], strides = [1]} : vector<16xi32> to vector<1xi32>
      %squeeze3A_2949 = vector.extract %slice3A_2948[0] : i32 from vector<1xi32>
      %add3A_2950 = arith.constant 0 : i32
      %add3A_2951 = arith.addi %squeeze3A_2949, %add3A_2950 : i32
      %broadcast_in_dim3A_2952 = vector.broadcast %add3A_2951 : i32 to vector<16xi32>
      %gather3A_2953 = tpu.vector_load_idx %arg38[%iota3A, %broadcast_in_dim3A_2952] : memref<16x128xf32, #tpu.memory_space<vmem>>[vector<16xi32>, vector<16xi32>], vector<16xf32>,
      tpu.vector_store_idx %arg46[%iota3A, %broadcast_in_dim3A_2947], %gather3A_2953 : memref<16x512xf32, #tpu.memory_space<vmem>>[vector<16xi32>, vector<16xi32>], vector<16xf32>,
      %slice3A_2954 = vector.extract_strided_slice %rem3A_1564 {offsets = [6], sizes = [1], strides = [1]} : vector<16xi32> to vector<1xi32>
      %squeeze3A_2955 = vector.extract %slice3A_2954[0] : i32 from vector<1xi32>
      %add3A_2956 = arith.constant 0 : i32
      %add3A_2957 = arith.addi %squeeze3A_2955, %add3A_2956 : i32
      %broadcast_in_dim3A_2958 = vector.broadcast %add3A_2957 : i32 to vector<16xi32>
      %gather3A_2959 = tpu.vector_load_idx %arg40[%iota3A, %broadcast_in_dim3A_2958] : memref<16x128xf32, #tpu.memory_space<vmem>>[vector<16xi32>, vector<16xi32>], vector<16xf32>,
      tpu.vector_store_idx %arg48[%iota3A, %broadcast_in_dim3A_2947], %gather3A_2959 : memref<16x512xf32, #tpu.memory_space<vmem>>[vector<16xi32>, vector<16xi32>], vector<16xf32>,
      %slice3A_2960 = vector.extract_strided_slice %rem3A_1567 {offsets = [6], sizes = [1], strides = [1]} : vector<16xi32> to vector<1xi32>
      %squeeze3A_2961 = vector.extract %slice3A_2960[0] : i32 from vector<1xi32>
      %add3A_2962 = arith.constant 0 : i32
      %add3A_2963 = arith.addi %squeeze3A_2961, %add3A_2962 : i32
      %broadcast_in_dim3A_2964 = vector.broadcast %add3A_2963 : i32 to vector<16xi32>
      %gather3A_2965 = tpu.vector_load_idx %arg39[%iota3A, %broadcast_in_dim3A_2964] : memref<16x128xf32, #tpu.memory_space<vmem>>[vector<16xi32>, vector<16xi32>], vector<16xf32>,
      tpu.vector_store_idx %arg47[%iota3A, %broadcast_in_dim3A_2947], %gather3A_2965 : memref<16x512xf32, #tpu.memory_space<vmem>>[vector<16xi32>, vector<16xi32>], vector<16xf32>,
      %slice3A_2966 = vector.extract_strided_slice %rem3A_1567 {offsets = [6], sizes = [1], strides = [1]} : vector<16xi32> to vector<1xi32>
      %squeeze3A_2967 = vector.extract %slice3A_2966[0] : i32 from vector<1xi32>
      %add3A_2968 = arith.constant 0 : i32
      %add3A_2969 = arith.addi %squeeze3A_2967, %add3A_2968 : i32
      %broadcast_in_dim3A_2970 = vector.broadcast %add3A_2969 : i32 to vector<16xi32>
      %gather3A_2971 = tpu.vector_load_idx %arg41[%iota3A, %broadcast_in_dim3A_2970] : memref<16x128xf32, #tpu.memory_space<vmem>>[vector<16xi32>, vector<16xi32>], vector<16xf32>,
      tpu.vector_store_idx %arg49[%iota3A, %broadcast_in_dim3A_2947], %gather3A_2971 : memref<16x512xf32, #tpu.memory_space<vmem>>[vector<16xi32>, vector<16xi32>], vector<16xf32>,
      %slice3A_2972 = vector.extract_strided_slice %sub3A_1568 {offsets = [14], sizes = [1], strides = [1]} : vector<16xi32> to vector<1xi32>
      %squeeze3A_2973 = vector.extract %slice3A_2972[0] : i32 from vector<1xi32>
      %multiple_of3A_2974 = tpu.assume_multiple %squeeze3A_2973, 128 : i32
      %slice3A_2975 = vector.extract_strided_slice %sub3A_1569 {offsets = [14], sizes = [1], strides = [1]} : vector<16xi32> to vector<1xi32>
      %squeeze3A_2976 = vector.extract %slice3A_2975[0] : i32 from vector<1xi32>
      %multiple_of3A_2977 = tpu.assume_multiple %squeeze3A_2976, 128 : i32
      %dma_start3A_2978 = arith.constant 0 : i32
      %dma_start3A_2979 = arith.constant 0 : i32
      %dma_start3A_2980 = tpu.memref_slice %arg38[%dma_start3A_2978, %dma_start3A_2979] : memref<16x128xf32, #tpu.memory_space<vmem>> -> memref<16x128xf32, #tpu.memory_space<vmem>>
      %dma_start3A_2981 = arith.constant 0 : i32
      %dma_start3A_2982 = tpu.memref_slice %arg4[%dma_start3A_2981, %multiple_of3A_2974] : memref<16x1000000xf32, #tpu.memory_space<hbm>> -> memref<16x128xf32, #tpu.memory_space<hbm>>
      %dma_start3A_2983 = arith.constant 0 : i32
      %dma_start3A_2984 = arith.constant 0 : i32
      %dma_start3A_2985 = tpu.memref_slice %arg38[%dma_start3A_2983, %dma_start3A_2984] : memref<16x128xf32, #tpu.memory_space<vmem>> -> memref<16x128xf32, #tpu.memory_space<vmem>>
      %dma_start3A_2986 = arith.constant 0 : i32
      %dma_start3A_2987 = tpu.memref_slice %arg4[%dma_start3A_2986, %multiple_of3A_2974] : memref<16x1000000xf32, #tpu.memory_space<hbm>> -> memref<16x128xf32, #tpu.memory_space<hbm>>
      tpu.enqueue_dma source(%dma_start3A_2987 : memref<16x128xf32, #tpu.memory_space<hbm>>) target(%dma_start3A_2985 : memref<16x128xf32, #tpu.memory_space<vmem>>) target_semaphore(%arg56 : memref<!tpu.dma_semaphore, #tpu.memory_space<semaphore_mem>>)
      %dma_start3A_2988 = arith.constant 0 : i32
      %dma_start3A_2989 = arith.constant 0 : i32
      %dma_start3A_2990 = tpu.memref_slice %arg40[%dma_start3A_2988, %dma_start3A_2989] : memref<16x128xf32, #tpu.memory_space<vmem>> -> memref<16x128xf32, #tpu.memory_space<vmem>>
      %dma_start3A_2991 = arith.constant 0 : i32
      %dma_start3A_2992 = tpu.memref_slice %arg6[%dma_start3A_2991, %multiple_of3A_2974] : memref<16x1000000xf32, #tpu.memory_space<hbm>> -> memref<16x128xf32, #tpu.memory_space<hbm>>
      %dma_start3A_2993 = arith.constant 0 : i32
      %dma_start3A_2994 = arith.constant 0 : i32
      %dma_start3A_2995 = tpu.memref_slice %arg40[%dma_start3A_2993, %dma_start3A_2994] : memref<16x128xf32, #tpu.memory_space<vmem>> -> memref<16x128xf32, #tpu.memory_space<vmem>>
      %dma_start3A_2996 = arith.constant 0 : i32
      %dma_start3A_2997 = tpu.memref_slice %arg6[%dma_start3A_2996, %multiple_of3A_2974] : memref<16x1000000xf32, #tpu.memory_space<hbm>> -> memref<16x128xf32, #tpu.memory_space<hbm>>
      tpu.enqueue_dma source(%dma_start3A_2997 : memref<16x128xf32, #tpu.memory_space<hbm>>) target(%dma_start3A_2995 : memref<16x128xf32, #tpu.memory_space<vmem>>) target_semaphore(%arg56 : memref<!tpu.dma_semaphore, #tpu.memory_space<semaphore_mem>>)
      %dma_start3A_2998 = arith.constant 0 : i32
      %dma_start3A_2999 = arith.constant 0 : i32
      %dma_start3A_3000 = tpu.memref_slice %arg39[%dma_start3A_2998, %dma_start3A_2999] : memref<16x128xf32, #tpu.memory_space<vmem>> -> memref<16x128xf32, #tpu.memory_space<vmem>>
      %dma_start3A_3001 = arith.constant 0 : i32
      %dma_start3A_3002 = tpu.memref_slice %arg5[%dma_start3A_3001, %multiple_of3A_2977] : memref<16x1000000xf32, #tpu.memory_space<hbm>> -> memref<16x128xf32, #tpu.memory_space<hbm>>
      %dma_start3A_3003 = arith.constant 0 : i32
      %dma_start3A_3004 = arith.constant 0 : i32
      %dma_start3A_3005 = tpu.memref_slice %arg39[%dma_start3A_3003, %dma_start3A_3004] : memref<16x128xf32, #tpu.memory_space<vmem>> -> memref<16x128xf32, #tpu.memory_space<vmem>>
      %dma_start3A_3006 = arith.constant 0 : i32
      %dma_start3A_3007 = tpu.memref_slice %arg5[%dma_start3A_3006, %multiple_of3A_2977] : memref<16x1000000xf32, #tpu.memory_space<hbm>> -> memref<16x128xf32, #tpu.memory_space<hbm>>
      tpu.enqueue_dma source(%dma_start3A_3007 : memref<16x128xf32, #tpu.memory_space<hbm>>) target(%dma_start3A_3005 : memref<16x128xf32, #tpu.memory_space<vmem>>) target_semaphore(%arg56 : memref<!tpu.dma_semaphore, #tpu.memory_space<semaphore_mem>>)
      %dma_start3A_3008 = arith.constant 0 : i32
      %dma_start3A_3009 = arith.constant 0 : i32
      %dma_start3A_3010 = tpu.memref_slice %arg41[%dma_start3A_3008, %dma_start3A_3009] : memref<16x128xf32, #tpu.memory_space<vmem>> -> memref<16x128xf32, #tpu.memory_space<vmem>>
      %dma_start3A_3011 = arith.constant 0 : i32
      %dma_start3A_3012 = tpu.memref_slice %arg7[%dma_start3A_3011, %multiple_of3A_2977] : memref<16x1000000xf32, #tpu.memory_space<hbm>> -> memref<16x128xf32, #tpu.memory_space<hbm>>
      %dma_start3A_3013 = arith.constant 0 : i32
      %dma_start3A_3014 = arith.constant 0 : i32
      %dma_start3A_3015 = tpu.memref_slice %arg41[%dma_start3A_3013, %dma_start3A_3014] : memref<16x128xf32, #tpu.memory_space<vmem>> -> memref<16x128xf32, #tpu.memory_space<vmem>>
      %dma_start3A_3016 = arith.constant 0 : i32
      %dma_start3A_3017 = tpu.memref_slice %arg7[%dma_start3A_3016, %multiple_of3A_2977] : memref<16x1000000xf32, #tpu.memory_space<hbm>> -> memref<16x128xf32, #tpu.memory_space<hbm>>
      tpu.enqueue_dma source(%dma_start3A_3017 : memref<16x128xf32, #tpu.memory_space<hbm>>) target(%dma_start3A_3015 : memref<16x128xf32, #tpu.memory_space<vmem>>) target_semaphore(%arg56 : memref<!tpu.dma_semaphore, #tpu.memory_space<semaphore_mem>>)
      %add3A_3018 = arith.constant 7 : i32
      %add3A_3019 = arith.addi %mul3A_1571, %add3A_3018 : i32
      %dma_wait3A_3020 = arith.constant 0 : i32
      %dma_wait3A_3021 = arith.constant 0 : i32
      %dma_wait3A_3022 = tpu.memref_slice %arg4[%dma_wait3A_3020, %dma_wait3A_3021] : memref<16x1000000xf32, #tpu.memory_space<hbm>> -> memref<16x128xf32, #tpu.memory_space<hbm>>
      %dma_wait3A_3023 = arith.constant 0 : i32
      %dma_wait3A_3024 = arith.constant 0 : i32
      %dma_wait3A_3025 = tpu.memref_slice %arg4[%dma_wait3A_3023, %dma_wait3A_3024] : memref<16x1000000xf32, #tpu.memory_space<hbm>> -> memref<16x128xf32, #tpu.memory_space<hbm>>
      tpu.wait_dma2 semaphore(%arg57 : memref<!tpu.dma_semaphore, #tpu.memory_space<semaphore_mem>>) src(%dma_wait3A_3025 : memref<16x128xf32, #tpu.memory_space<hbm>>) dst(%arg42 : memref<16x128xf32, #tpu.memory_space<vmem>>)
      %dma_wait3A_3026 = arith.constant 0 : i32
      %dma_wait3A_3027 = arith.constant 0 : i32
      %dma_wait3A_3028 = tpu.memref_slice %arg4[%dma_wait3A_3026, %dma_wait3A_3027] : memref<16x1000000xf32, #tpu.memory_space<hbm>> -> memref<16x128xf32, #tpu.memory_space<hbm>>
      %dma_wait3A_3029 = arith.constant 0 : i32
      %dma_wait3A_3030 = arith.constant 0 : i32
      %dma_wait3A_3031 = tpu.memref_slice %arg4[%dma_wait3A_3029, %dma_wait3A_3030] : memref<16x1000000xf32, #tpu.memory_space<hbm>> -> memref<16x128xf32, #tpu.memory_space<hbm>>
      tpu.wait_dma2 semaphore(%arg57 : memref<!tpu.dma_semaphore, #tpu.memory_space<semaphore_mem>>) src(%dma_wait3A_3031 : memref<16x128xf32, #tpu.memory_space<hbm>>) dst(%arg44 : memref<16x128xf32, #tpu.memory_space<vmem>>)
      %dma_wait3A_3032 = arith.constant 0 : i32
      %dma_wait3A_3033 = arith.constant 0 : i32
      %dma_wait3A_3034 = tpu.memref_slice %arg4[%dma_wait3A_3032, %dma_wait3A_3033] : memref<16x1000000xf32, #tpu.memory_space<hbm>> -> memref<16x128xf32, #tpu.memory_space<hbm>>
      %dma_wait3A_3035 = arith.constant 0 : i32
      %dma_wait3A_3036 = arith.constant 0 : i32
      %dma_wait3A_3037 = tpu.memref_slice %arg4[%dma_wait3A_3035, %dma_wait3A_3036] : memref<16x1000000xf32, #tpu.memory_space<hbm>> -> memref<16x128xf32, #tpu.memory_space<hbm>>
      tpu.wait_dma2 semaphore(%arg57 : memref<!tpu.dma_semaphore, #tpu.memory_space<semaphore_mem>>) src(%dma_wait3A_3037 : memref<16x128xf32, #tpu.memory_space<hbm>>) dst(%arg43 : memref<16x128xf32, #tpu.memory_space<vmem>>)
      %dma_wait3A_3038 = arith.constant 0 : i32
      %dma_wait3A_3039 = arith.constant 0 : i32
      %dma_wait3A_3040 = tpu.memref_slice %arg4[%dma_wait3A_3038, %dma_wait3A_3039] : memref<16x1000000xf32, #tpu.memory_space<hbm>> -> memref<16x128xf32, #tpu.memory_space<hbm>>
      %dma_wait3A_3041 = arith.constant 0 : i32
      %dma_wait3A_3042 = arith.constant 0 : i32
      %dma_wait3A_3043 = tpu.memref_slice %arg4[%dma_wait3A_3041, %dma_wait3A_3042] : memref<16x1000000xf32, #tpu.memory_space<hbm>> -> memref<16x128xf32, #tpu.memory_space<hbm>>
      tpu.wait_dma2 semaphore(%arg57 : memref<!tpu.dma_semaphore, #tpu.memory_space<semaphore_mem>>) src(%dma_wait3A_3043 : memref<16x128xf32, #tpu.memory_space<hbm>>) dst(%arg45 : memref<16x128xf32, #tpu.memory_space<vmem>>)
      %add3A_3044 = arith.constant 0 : i32
      %add3A_3045 = arith.addi %add3A_3019, %add3A_3044 : i32
      %broadcast_in_dim3A_3046 = vector.broadcast %add3A_3045 : i32 to vector<16xi32>
      %slice3A_3047 = vector.extract_strided_slice %rem3A_1564 {offsets = [7], sizes = [1], strides = [1]} : vector<16xi32> to vector<1xi32>
      %squeeze3A_3048 = vector.extract %slice3A_3047[0] : i32 from vector<1xi32>
      %add3A_3049 = arith.constant 0 : i32
      %add3A_3050 = arith.addi %squeeze3A_3048, %add3A_3049 : i32
      %broadcast_in_dim3A_3051 = vector.broadcast %add3A_3050 : i32 to vector<16xi32>
      %gather3A_3052 = tpu.vector_load_idx %arg42[%iota3A, %broadcast_in_dim3A_3051] : memref<16x128xf32, #tpu.memory_space<vmem>>[vector<16xi32>, vector<16xi32>], vector<16xf32>,
      tpu.vector_store_idx %arg46[%iota3A, %broadcast_in_dim3A_3046], %gather3A_3052 : memref<16x512xf32, #tpu.memory_space<vmem>>[vector<16xi32>, vector<16xi32>], vector<16xf32>,
      %slice3A_3053 = vector.extract_strided_slice %rem3A_1564 {offsets = [7], sizes = [1], strides = [1]} : vector<16xi32> to vector<1xi32>
      %squeeze3A_3054 = vector.extract %slice3A_3053[0] : i32 from vector<1xi32>
      %add3A_3055 = arith.constant 0 : i32
      %add3A_3056 = arith.addi %squeeze3A_3054, %add3A_3055 : i32
      %broadcast_in_dim3A_3057 = vector.broadcast %add3A_3056 : i32 to vector<16xi32>
      %gather3A_3058 = tpu.vector_load_idx %arg44[%iota3A, %broadcast_in_dim3A_3057] : memref<16x128xf32, #tpu.memory_space<vmem>>[vector<16xi32>, vector<16xi32>], vector<16xf32>,
      tpu.vector_store_idx %arg48[%iota3A, %broadcast_in_dim3A_3046], %gather3A_3058 : memref<16x512xf32, #tpu.memory_space<vmem>>[vector<16xi32>, vector<16xi32>], vector<16xf32>,
      %slice3A_3059 = vector.extract_strided_slice %rem3A_1567 {offsets = [7], sizes = [1], strides = [1]} : vector<16xi32> to vector<1xi32>
      %squeeze3A_3060 = vector.extract %slice3A_3059[0] : i32 from vector<1xi32>
      %add3A_3061 = arith.constant 0 : i32
      %add3A_3062 = arith.addi %squeeze3A_3060, %add3A_3061 : i32
      %broadcast_in_dim3A_3063 = vector.broadcast %add3A_3062 : i32 to vector<16xi32>
      %gather3A_3064 = tpu.vector_load_idx %arg43[%iota3A, %broadcast_in_dim3A_3063] : memref<16x128xf32, #tpu.memory_space<vmem>>[vector<16xi32>, vector<16xi32>], vector<16xf32>,
      tpu.vector_store_idx %arg47[%iota3A, %broadcast_in_dim3A_3046], %gather3A_3064 : memref<16x512xf32, #tpu.memory_space<vmem>>[vector<16xi32>, vector<16xi32>], vector<16xf32>,
      %slice3A_3065 = vector.extract_strided_slice %rem3A_1567 {offsets = [7], sizes = [1], strides = [1]} : vector<16xi32> to vector<1xi32>
      %squeeze3A_3066 = vector.extract %slice3A_3065[0] : i32 from vector<1xi32>
      %add3A_3067 = arith.constant 0 : i32
      %add3A_3068 = arith.addi %squeeze3A_3066, %add3A_3067 : i32
      %broadcast_in_dim3A_3069 = vector.broadcast %add3A_3068 : i32 to vector<16xi32>
      %gather3A_3070 = tpu.vector_load_idx %arg45[%iota3A, %broadcast_in_dim3A_3069] : memref<16x128xf32, #tpu.memory_space<vmem>>[vector<16xi32>, vector<16xi32>], vector<16xf32>,
      tpu.vector_store_idx %arg49[%iota3A, %broadcast_in_dim3A_3046], %gather3A_3070 : memref<16x512xf32, #tpu.memory_space<vmem>>[vector<16xi32>, vector<16xi32>], vector<16xf32>,
      %slice3A_3071 = vector.extract_strided_slice %sub3A_1568 {offsets = [15], sizes = [1], strides = [1]} : vector<16xi32> to vector<1xi32>
      %squeeze3A_3072 = vector.extract %slice3A_3071[0] : i32 from vector<1xi32>
      %multiple_of3A_3073 = tpu.assume_multiple %squeeze3A_3072, 128 : i32
      %slice3A_3074 = vector.extract_strided_slice %sub3A_1569 {offsets = [15], sizes = [1], strides = [1]} : vector<16xi32> to vector<1xi32>
      %squeeze3A_3075 = vector.extract %slice3A_3074[0] : i32 from vector<1xi32>
      %multiple_of3A_3076 = tpu.assume_multiple %squeeze3A_3075, 128 : i32
      %dma_start3A_3077 = arith.constant 0 : i32
      %dma_start3A_3078 = arith.constant 0 : i32
      %dma_start3A_3079 = tpu.memref_slice %arg42[%dma_start3A_3077, %dma_start3A_3078] : memref<16x128xf32, #tpu.memory_space<vmem>> -> memref<16x128xf32, #tpu.memory_space<vmem>>
      %dma_start3A_3080 = arith.constant 0 : i32
      %dma_start3A_3081 = tpu.memref_slice %arg4[%dma_start3A_3080, %multiple_of3A_3073] : memref<16x1000000xf32, #tpu.memory_space<hbm>> -> memref<16x128xf32, #tpu.memory_space<hbm>>
      %dma_start3A_3082 = arith.constant 0 : i32
      %dma_start3A_3083 = arith.constant 0 : i32
      %dma_start3A_3084 = tpu.memref_slice %arg42[%dma_start3A_3082, %dma_start3A_3083] : memref<16x128xf32, #tpu.memory_space<vmem>> -> memref<16x128xf32, #tpu.memory_space<vmem>>
      %dma_start3A_3085 = arith.constant 0 : i32
      %dma_start3A_3086 = tpu.memref_slice %arg4[%dma_start3A_3085, %multiple_of3A_3073] : memref<16x1000000xf32, #tpu.memory_space<hbm>> -> memref<16x128xf32, #tpu.memory_space<hbm>>
      tpu.enqueue_dma source(%dma_start3A_3086 : memref<16x128xf32, #tpu.memory_space<hbm>>) target(%dma_start3A_3084 : memref<16x128xf32, #tpu.memory_space<vmem>>) target_semaphore(%arg57 : memref<!tpu.dma_semaphore, #tpu.memory_space<semaphore_mem>>)
      %dma_start3A_3087 = arith.constant 0 : i32
      %dma_start3A_3088 = arith.constant 0 : i32
      %dma_start3A_3089 = tpu.memref_slice %arg44[%dma_start3A_3087, %dma_start3A_3088] : memref<16x128xf32, #tpu.memory_space<vmem>> -> memref<16x128xf32, #tpu.memory_space<vmem>>
      %dma_start3A_3090 = arith.constant 0 : i32
      %dma_start3A_3091 = tpu.memref_slice %arg6[%dma_start3A_3090, %multiple_of3A_3073] : memref<16x1000000xf32, #tpu.memory_space<hbm>> -> memref<16x128xf32, #tpu.memory_space<hbm>>
      %dma_start3A_3092 = arith.constant 0 : i32
      %dma_start3A_3093 = arith.constant 0 : i32
      %dma_start3A_3094 = tpu.memref_slice %arg44[%dma_start3A_3092, %dma_start3A_3093] : memref<16x128xf32, #tpu.memory_space<vmem>> -> memref<16x128xf32, #tpu.memory_space<vmem>>
      %dma_start3A_3095 = arith.constant 0 : i32
      %dma_start3A_3096 = tpu.memref_slice %arg6[%dma_start3A_3095, %multiple_of3A_3073] : memref<16x1000000xf32, #tpu.memory_space<hbm>> -> memref<16x128xf32, #tpu.memory_space<hbm>>
      tpu.enqueue_dma source(%dma_start3A_3096 : memref<16x128xf32, #tpu.memory_space<hbm>>) target(%dma_start3A_3094 : memref<16x128xf32, #tpu.memory_space<vmem>>) target_semaphore(%arg57 : memref<!tpu.dma_semaphore, #tpu.memory_space<semaphore_mem>>)
      %dma_start3A_3097 = arith.constant 0 : i32
      %dma_start3A_3098 = arith.constant 0 : i32
      %dma_start3A_3099 = tpu.memref_slice %arg43[%dma_start3A_3097, %dma_start3A_3098] : memref<16x128xf32, #tpu.memory_space<vmem>> -> memref<16x128xf32, #tpu.memory_space<vmem>>
      %dma_start3A_3100 = arith.constant 0 : i32
      %dma_start3A_3101 = tpu.memref_slice %arg5[%dma_start3A_3100, %multiple_of3A_3076] : memref<16x1000000xf32, #tpu.memory_space<hbm>> -> memref<16x128xf32, #tpu.memory_space<hbm>>
      %dma_start3A_3102 = arith.constant 0 : i32
      %dma_start3A_3103 = arith.constant 0 : i32
      %dma_start3A_3104 = tpu.memref_slice %arg43[%dma_start3A_3102, %dma_start3A_3103] : memref<16x128xf32, #tpu.memory_space<vmem>> -> memref<16x128xf32, #tpu.memory_space<vmem>>
      %dma_start3A_3105 = arith.constant 0 : i32
      %dma_start3A_3106 = tpu.memref_slice %arg5[%dma_start3A_3105, %multiple_of3A_3076] : memref<16x1000000xf32, #tpu.memory_space<hbm>> -> memref<16x128xf32, #tpu.memory_space<hbm>>
      tpu.enqueue_dma source(%dma_start3A_3106 : memref<16x128xf32, #tpu.memory_space<hbm>>) target(%dma_start3A_3104 : memref<16x128xf32, #tpu.memory_space<vmem>>) target_semaphore(%arg57 : memref<!tpu.dma_semaphore, #tpu.memory_space<semaphore_mem>>)
      %dma_start3A_3107 = arith.constant 0 : i32
      %dma_start3A_3108 = arith.constant 0 : i32
      %dma_start3A_3109 = tpu.memref_slice %arg45[%dma_start3A_3107, %dma_start3A_3108] : memref<16x128xf32, #tpu.memory_space<vmem>> -> memref<16x128xf32, #tpu.memory_space<vmem>>
      %dma_start3A_3110 = arith.constant 0 : i32
      %dma_start3A_3111 = tpu.memref_slice %arg7[%dma_start3A_3110, %multiple_of3A_3076] : memref<16x1000000xf32, #tpu.memory_space<hbm>> -> memref<16x128xf32, #tpu.memory_space<hbm>>
      %dma_start3A_3112 = arith.constant 0 : i32
      %dma_start3A_3113 = arith.constant 0 : i32
      %dma_start3A_3114 = tpu.memref_slice %arg45[%dma_start3A_3112, %dma_start3A_3113] : memref<16x128xf32, #tpu.memory_space<vmem>> -> memref<16x128xf32, #tpu.memory_space<vmem>>
      %dma_start3A_3115 = arith.constant 0 : i32
      %dma_start3A_3116 = tpu.memref_slice %arg7[%dma_start3A_3115, %multiple_of3A_3076] : memref<16x1000000xf32, #tpu.memory_space<hbm>> -> memref<16x128xf32, #tpu.memory_space<hbm>>
      tpu.enqueue_dma source(%dma_start3A_3116 : memref<16x128xf32, #tpu.memory_space<hbm>>) target(%dma_start3A_3114 : memref<16x128xf32, #tpu.memory_space<vmem>>) target_semaphore(%arg57 : memref<!tpu.dma_semaphore, #tpu.memory_space<semaphore_mem>>)
      %add3A_3117 = arith.constant 8 : i32
      %add3A_3118 = arith.addi %mul3A_1571, %add3A_3117 : i32
      %dma_wait3A_3119 = arith.constant 0 : i32
      %dma_wait3A_3120 = arith.constant 0 : i32
      %dma_wait3A_3121 = tpu.memref_slice %arg4[%dma_wait3A_3119, %dma_wait3A_3120] : memref<16x1000000xf32, #tpu.memory_space<hbm>> -> memref<16x128xf32, #tpu.memory_space<hbm>>
      %dma_wait3A_3122 = arith.constant 0 : i32
      %dma_wait3A_3123 = arith.constant 0 : i32
      %dma_wait3A_3124 = tpu.memref_slice %arg4[%dma_wait3A_3122, %dma_wait3A_3123] : memref<16x1000000xf32, #tpu.memory_space<hbm>> -> memref<16x128xf32, #tpu.memory_space<hbm>>
      tpu.wait_dma2 semaphore(%arg50 : memref<!tpu.dma_semaphore, #tpu.memory_space<semaphore_mem>>) src(%dma_wait3A_3124 : memref<16x128xf32, #tpu.memory_space<hbm>>) dst(%arg14 : memref<16x128xf32, #tpu.memory_space<vmem>>)
      %dma_wait3A_3125 = arith.constant 0 : i32
      %dma_wait3A_3126 = arith.constant 0 : i32
      %dma_wait3A_3127 = tpu.memref_slice %arg4[%dma_wait3A_3125, %dma_wait3A_3126] : memref<16x1000000xf32, #tpu.memory_space<hbm>> -> memref<16x128xf32, #tpu.memory_space<hbm>>
      %dma_wait3A_3128 = arith.constant 0 : i32
      %dma_wait3A_3129 = arith.constant 0 : i32
      %dma_wait3A_3130 = tpu.memref_slice %arg4[%dma_wait3A_3128, %dma_wait3A_3129] : memref<16x1000000xf32, #tpu.memory_space<hbm>> -> memref<16x128xf32, #tpu.memory_space<hbm>>
      tpu.wait_dma2 semaphore(%arg50 : memref<!tpu.dma_semaphore, #tpu.memory_space<semaphore_mem>>) src(%dma_wait3A_3130 : memref<16x128xf32, #tpu.memory_space<hbm>>) dst(%arg16 : memref<16x128xf32, #tpu.memory_space<vmem>>)
      %dma_wait3A_3131 = arith.constant 0 : i32
      %dma_wait3A_3132 = arith.constant 0 : i32
      %dma_wait3A_3133 = tpu.memref_slice %arg4[%dma_wait3A_3131, %dma_wait3A_3132] : memref<16x1000000xf32, #tpu.memory_space<hbm>> -> memref<16x128xf32, #tpu.memory_space<hbm>>
      %dma_wait3A_3134 = arith.constant 0 : i32
      %dma_wait3A_3135 = arith.constant 0 : i32
      %dma_wait3A_3136 = tpu.memref_slice %arg4[%dma_wait3A_3134, %dma_wait3A_3135] : memref<16x1000000xf32, #tpu.memory_space<hbm>> -> memref<16x128xf32, #tpu.memory_space<hbm>>
      tpu.wait_dma2 semaphore(%arg50 : memref<!tpu.dma_semaphore, #tpu.memory_space<semaphore_mem>>) src(%dma_wait3A_3136 : memref<16x128xf32, #tpu.memory_space<hbm>>) dst(%arg15 : memref<16x128xf32, #tpu.memory_space<vmem>>)
      %dma_wait3A_3137 = arith.constant 0 : i32
      %dma_wait3A_3138 = arith.constant 0 : i32
      %dma_wait3A_3139 = tpu.memref_slice %arg4[%dma_wait3A_3137, %dma_wait3A_3138] : memref<16x1000000xf32, #tpu.memory_space<hbm>> -> memref<16x128xf32, #tpu.memory_space<hbm>>
      %dma_wait3A_3140 = arith.constant 0 : i32
      %dma_wait3A_3141 = arith.constant 0 : i32
      %dma_wait3A_3142 = tpu.memref_slice %arg4[%dma_wait3A_3140, %dma_wait3A_3141] : memref<16x1000000xf32, #tpu.memory_space<hbm>> -> memref<16x128xf32, #tpu.memory_space<hbm>>
      tpu.wait_dma2 semaphore(%arg50 : memref<!tpu.dma_semaphore, #tpu.memory_space<semaphore_mem>>) src(%dma_wait3A_3142 : memref<16x128xf32, #tpu.memory_space<hbm>>) dst(%arg17 : memref<16x128xf32, #tpu.memory_space<vmem>>)
      %add3A_3143 = arith.constant 0 : i32
      %add3A_3144 = arith.addi %add3A_3118, %add3A_3143 : i32
      %broadcast_in_dim3A_3145 = vector.broadcast %add3A_3144 : i32 to vector<16xi32>
      %slice3A_3146 = vector.extract_strided_slice %rem3A_1564 {offsets = [8], sizes = [1], strides = [1]} : vector<16xi32> to vector<1xi32>
      %squeeze3A_3147 = vector.extract %slice3A_3146[0] : i32 from vector<1xi32>
      %add3A_3148 = arith.constant 0 : i32
      %add3A_3149 = arith.addi %squeeze3A_3147, %add3A_3148 : i32
      %broadcast_in_dim3A_3150 = vector.broadcast %add3A_3149 : i32 to vector<16xi32>
      %gather3A_3151 = tpu.vector_load_idx %arg14[%iota3A, %broadcast_in_dim3A_3150] : memref<16x128xf32, #tpu.memory_space<vmem>>[vector<16xi32>, vector<16xi32>], vector<16xf32>,
      tpu.vector_store_idx %arg46[%iota3A, %broadcast_in_dim3A_3145], %gather3A_3151 : memref<16x512xf32, #tpu.memory_space<vmem>>[vector<16xi32>, vector<16xi32>], vector<16xf32>,
      %slice3A_3152 = vector.extract_strided_slice %rem3A_1564 {offsets = [8], sizes = [1], strides = [1]} : vector<16xi32> to vector<1xi32>
      %squeeze3A_3153 = vector.extract %slice3A_3152[0] : i32 from vector<1xi32>
      %add3A_3154 = arith.constant 0 : i32
      %add3A_3155 = arith.addi %squeeze3A_3153, %add3A_3154 : i32
      %broadcast_in_dim3A_3156 = vector.broadcast %add3A_3155 : i32 to vector<16xi32>
      %gather3A_3157 = tpu.vector_load_idx %arg16[%iota3A, %broadcast_in_dim3A_3156] : memref<16x128xf32, #tpu.memory_space<vmem>>[vector<16xi32>, vector<16xi32>], vector<16xf32>,
      tpu.vector_store_idx %arg48[%iota3A, %broadcast_in_dim3A_3145], %gather3A_3157 : memref<16x512xf32, #tpu.memory_space<vmem>>[vector<16xi32>, vector<16xi32>], vector<16xf32>,
      %slice3A_3158 = vector.extract_strided_slice %rem3A_1567 {offsets = [8], sizes = [1], strides = [1]} : vector<16xi32> to vector<1xi32>
      %squeeze3A_3159 = vector.extract %slice3A_3158[0] : i32 from vector<1xi32>
      %add3A_3160 = arith.constant 0 : i32
      %add3A_3161 = arith.addi %squeeze3A_3159, %add3A_3160 : i32
      %broadcast_in_dim3A_3162 = vector.broadcast %add3A_3161 : i32 to vector<16xi32>
      %gather3A_3163 = tpu.vector_load_idx %arg15[%iota3A, %broadcast_in_dim3A_3162] : memref<16x128xf32, #tpu.memory_space<vmem>>[vector<16xi32>, vector<16xi32>], vector<16xf32>,
      tpu.vector_store_idx %arg47[%iota3A, %broadcast_in_dim3A_3145], %gather3A_3163 : memref<16x512xf32, #tpu.memory_space<vmem>>[vector<16xi32>, vector<16xi32>], vector<16xf32>,
      %slice3A_3164 = vector.extract_strided_slice %rem3A_1567 {offsets = [8], sizes = [1], strides = [1]} : vector<16xi32> to vector<1xi32>
      %squeeze3A_3165 = vector.extract %slice3A_3164[0] : i32 from vector<1xi32>
      %add3A_3166 = arith.constant 0 : i32
      %add3A_3167 = arith.addi %squeeze3A_3165, %add3A_3166 : i32
      %broadcast_in_dim3A_3168 = vector.broadcast %add3A_3167 : i32 to vector<16xi32>
      %gather3A_3169 = tpu.vector_load_idx %arg17[%iota3A, %broadcast_in_dim3A_3168] : memref<16x128xf32, #tpu.memory_space<vmem>>[vector<16xi32>, vector<16xi32>], vector<16xf32>,
      tpu.vector_store_idx %arg49[%iota3A, %broadcast_in_dim3A_3145], %gather3A_3169 : memref<16x512xf32, #tpu.memory_space<vmem>>[vector<16xi32>, vector<16xi32>], vector<16xf32>,
      scf.yield %rem3A_1564, %rem3A_1567 : vector<16xi32>, vector<16xi32>
    }
    %scan3A_1197 = arith.constant 31 : i32
    %dma_wait3A_1198 = arith.constant 0 : i32
    %dma_wait3A_1199 = arith.constant 0 : i32
    %dma_wait3A_1200 = tpu.memref_slice %arg4[%dma_wait3A_1198, %dma_wait3A_1199] : memref<16x1000000xf32, #tpu.memory_space<hbm>> -> memref<16x128xf32, #tpu.memory_space<hbm>>
    %dma_wait3A_1201 = arith.constant 0 : i32
    %dma_wait3A_1202 = arith.constant 0 : i32
    %dma_wait3A_1203 = tpu.memref_slice %arg4[%dma_wait3A_1201, %dma_wait3A_1202] : memref<16x1000000xf32, #tpu.memory_space<hbm>> -> memref<16x128xf32, #tpu.memory_space<hbm>>
    tpu.wait_dma2 semaphore(%arg51 : memref<!tpu.dma_semaphore, #tpu.memory_space<semaphore_mem>>) src(%dma_wait3A_1203 : memref<16x128xf32, #tpu.memory_space<hbm>>) dst(%arg18 : memref<16x128xf32, #tpu.memory_space<vmem>>)
    %dma_wait3A_1204 = arith.constant 0 : i32
    %dma_wait3A_1205 = arith.constant 0 : i32
    %dma_wait3A_1206 = tpu.memref_slice %arg4[%dma_wait3A_1204, %dma_wait3A_1205] : memref<16x1000000xf32, #tpu.memory_space<hbm>> -> memref<16x128xf32, #tpu.memory_space<hbm>>
    %dma_wait3A_1207 = arith.constant 0 : i32
    %dma_wait3A_1208 = arith.constant 0 : i32
    %dma_wait3A_1209 = tpu.memref_slice %arg4[%dma_wait3A_1207, %dma_wait3A_1208] : memref<16x1000000xf32, #tpu.memory_space<hbm>> -> memref<16x128xf32, #tpu.memory_space<hbm>>
    tpu.wait_dma2 semaphore(%arg51 : memref<!tpu.dma_semaphore, #tpu.memory_space<semaphore_mem>>) src(%dma_wait3A_1209 : memref<16x128xf32, #tpu.memory_space<hbm>>) dst(%arg20 : memref<16x128xf32, #tpu.memory_space<vmem>>)
    %dma_wait3A_1210 = arith.constant 0 : i32
    %dma_wait3A_1211 = arith.constant 0 : i32
    %dma_wait3A_1212 = tpu.memref_slice %arg4[%dma_wait3A_1210, %dma_wait3A_1211] : memref<16x1000000xf32, #tpu.memory_space<hbm>> -> memref<16x128xf32, #tpu.memory_space<hbm>>
    %dma_wait3A_1213 = arith.constant 0 : i32
    %dma_wait3A_1214 = arith.constant 0 : i32
    %dma_wait3A_1215 = tpu.memref_slice %arg4[%dma_wait3A_1213, %dma_wait3A_1214] : memref<16x1000000xf32, #tpu.memory_space<hbm>> -> memref<16x128xf32, #tpu.memory_space<hbm>>
    tpu.wait_dma2 semaphore(%arg51 : memref<!tpu.dma_semaphore, #tpu.memory_space<semaphore_mem>>) src(%dma_wait3A_1215 : memref<16x128xf32, #tpu.memory_space<hbm>>) dst(%arg19 : memref<16x128xf32, #tpu.memory_space<vmem>>)
    %dma_wait3A_1216 = arith.constant 0 : i32
    %dma_wait3A_1217 = arith.constant 0 : i32
    %dma_wait3A_1218 = tpu.memref_slice %arg4[%dma_wait3A_1216, %dma_wait3A_1217] : memref<16x1000000xf32, #tpu.memory_space<hbm>> -> memref<16x128xf32, #tpu.memory_space<hbm>>
    %dma_wait3A_1219 = arith.constant 0 : i32
    %dma_wait3A_1220 = arith.constant 0 : i32
    %dma_wait3A_1221 = tpu.memref_slice %arg4[%dma_wait3A_1219, %dma_wait3A_1220] : memref<16x1000000xf32, #tpu.memory_space<hbm>> -> memref<16x128xf32, #tpu.memory_space<hbm>>
    tpu.wait_dma2 semaphore(%arg51 : memref<!tpu.dma_semaphore, #tpu.memory_space<semaphore_mem>>) src(%dma_wait3A_1221 : memref<16x128xf32, #tpu.memory_space<hbm>>) dst(%arg21 : memref<16x128xf32, #tpu.memory_space<vmem>>)
    %broadcast_in_dim3A_1222 = arith.constant 505 : i32
    %broadcast_in_dim3A_1223 = vector.broadcast %broadcast_in_dim3A_1222 : i32 to vector<16xi32>
    %slice3A_1224 = vector.extract_strided_slice %scan3A_1196#0 {offsets = [9], sizes = [1], strides = [1]} : vector<16xi32> to vector<1xi32>
    %squeeze3A_1225 = vector.extract %slice3A_1224[0] : i32 from vector<1xi32>
    %add3A_1226 = arith.constant 0 : i32
    %add3A_1227 = arith.addi %squeeze3A_1225, %add3A_1226 : i32
    %broadcast_in_dim3A_1228 = vector.broadcast %add3A_1227 : i32 to vector<16xi32>
    %gather3A_1229 = tpu.vector_load_idx %arg18[%iota3A, %broadcast_in_dim3A_1228] : memref<16x128xf32, #tpu.memory_space<vmem>>[vector<16xi32>, vector<16xi32>], vector<16xf32>,
    tpu.vector_store_idx %arg46[%iota3A, %broadcast_in_dim3A_1223], %gather3A_1229 : memref<16x512xf32, #tpu.memory_space<vmem>>[vector<16xi32>, vector<16xi32>], vector<16xf32>,
    %slice3A_1230 = vector.extract_strided_slice %scan3A_1196#0 {offsets = [9], sizes = [1], strides = [1]} : vector<16xi32> to vector<1xi32>
    %squeeze3A_1231 = vector.extract %slice3A_1230[0] : i32 from vector<1xi32>
    %add3A_1232 = arith.constant 0 : i32
    %add3A_1233 = arith.addi %squeeze3A_1231, %add3A_1232 : i32
    %broadcast_in_dim3A_1234 = vector.broadcast %add3A_1233 : i32 to vector<16xi32>
    %gather3A_1235 = tpu.vector_load_idx %arg20[%iota3A, %broadcast_in_dim3A_1234] : memref<16x128xf32, #tpu.memory_space<vmem>>[vector<16xi32>, vector<16xi32>], vector<16xf32>,
    tpu.vector_store_idx %arg48[%iota3A, %broadcast_in_dim3A_1223], %gather3A_1235 : memref<16x512xf32, #tpu.memory_space<vmem>>[vector<16xi32>, vector<16xi32>], vector<16xf32>,
    %slice3A_1236 = vector.extract_strided_slice %scan3A_1196#1 {offsets = [9], sizes = [1], strides = [1]} : vector<16xi32> to vector<1xi32>
    %squeeze3A_1237 = vector.extract %slice3A_1236[0] : i32 from vector<1xi32>
    %add3A_1238 = arith.constant 0 : i32
    %add3A_1239 = arith.addi %squeeze3A_1237, %add3A_1238 : i32
    %broadcast_in_dim3A_1240 = vector.broadcast %add3A_1239 : i32 to vector<16xi32>
    %gather3A_1241 = tpu.vector_load_idx %arg19[%iota3A, %broadcast_in_dim3A_1240] : memref<16x128xf32, #tpu.memory_space<vmem>>[vector<16xi32>, vector<16xi32>], vector<16xf32>,
    tpu.vector_store_idx %arg47[%iota3A, %broadcast_in_dim3A_1223], %gather3A_1241 : memref<16x512xf32, #tpu.memory_space<vmem>>[vector<16xi32>, vector<16xi32>], vector<16xf32>,
    %slice3A_1242 = vector.extract_strided_slice %scan3A_1196#1 {offsets = [9], sizes = [1], strides = [1]} : vector<16xi32> to vector<1xi32>
    %squeeze3A_1243 = vector.extract %slice3A_1242[0] : i32 from vector<1xi32>
    %add3A_1244 = arith.constant 0 : i32
    %add3A_1245 = arith.addi %squeeze3A_1243, %add3A_1244 : i32
    %broadcast_in_dim3A_1246 = vector.broadcast %add3A_1245 : i32 to vector<16xi32>
    %gather3A_1247 = tpu.vector_load_idx %arg21[%iota3A, %broadcast_in_dim3A_1246] : memref<16x128xf32, #tpu.memory_space<vmem>>[vector<16xi32>, vector<16xi32>], vector<16xf32>,
    tpu.vector_store_idx %arg49[%iota3A, %broadcast_in_dim3A_1223], %gather3A_1247 : memref<16x512xf32, #tpu.memory_space<vmem>>[vector<16xi32>, vector<16xi32>], vector<16xf32>,
    %dma_wait3A_1248 = arith.constant 0 : i32
    %dma_wait3A_1249 = arith.constant 0 : i32
    %dma_wait3A_1250 = tpu.memref_slice %arg4[%dma_wait3A_1248, %dma_wait3A_1249] : memref<16x1000000xf32, #tpu.memory_space<hbm>> -> memref<16x128xf32, #tpu.memory_space<hbm>>
    %dma_wait3A_1251 = arith.constant 0 : i32
    %dma_wait3A_1252 = arith.constant 0 : i32
    %dma_wait3A_1253 = tpu.memref_slice %arg4[%dma_wait3A_1251, %dma_wait3A_1252] : memref<16x1000000xf32, #tpu.memory_space<hbm>> -> memref<16x128xf32, #tpu.memory_space<hbm>>
    tpu.wait_dma2 semaphore(%arg52 : memref<!tpu.dma_semaphore, #tpu.memory_space<semaphore_mem>>) src(%dma_wait3A_1253 : memref<16x128xf32, #tpu.memory_space<hbm>>) dst(%arg22 : memref<16x128xf32, #tpu.memory_space<vmem>>)
    %dma_wait3A_1254 = arith.constant 0 : i32
    %dma_wait3A_1255 = arith.constant 0 : i32
    %dma_wait3A_1256 = tpu.memref_slice %arg4[%dma_wait3A_1254, %dma_wait3A_1255] : memref<16x1000000xf32, #tpu.memory_space<hbm>> -> memref<16x128xf32, #tpu.memory_space<hbm>>
    %dma_wait3A_1257 = arith.constant 0 : i32
    %dma_wait3A_1258 = arith.constant 0 : i32
    %dma_wait3A_1259 = tpu.memref_slice %arg4[%dma_wait3A_1257, %dma_wait3A_1258] : memref<16x1000000xf32, #tpu.memory_space<hbm>> -> memref<16x128xf32, #tpu.memory_space<hbm>>
    tpu.wait_dma2 semaphore(%arg52 : memref<!tpu.dma_semaphore, #tpu.memory_space<semaphore_mem>>) src(%dma_wait3A_1259 : memref<16x128xf32, #tpu.memory_space<hbm>>) dst(%arg24 : memref<16x128xf32, #tpu.memory_space<vmem>>)
    %dma_wait3A_1260 = arith.constant 0 : i32
    %dma_wait3A_1261 = arith.constant 0 : i32
    %dma_wait3A_1262 = tpu.memref_slice %arg4[%dma_wait3A_1260, %dma_wait3A_1261] : memref<16x1000000xf32, #tpu.memory_space<hbm>> -> memref<16x128xf32, #tpu.memory_space<hbm>>
    %dma_wait3A_1263 = arith.constant 0 : i32
    %dma_wait3A_1264 = arith.constant 0 : i32
    %dma_wait3A_1265 = tpu.memref_slice %arg4[%dma_wait3A_1263, %dma_wait3A_1264] : memref<16x1000000xf32, #tpu.memory_space<hbm>> -> memref<16x128xf32, #tpu.memory_space<hbm>>
    tpu.wait_dma2 semaphore(%arg52 : memref<!tpu.dma_semaphore, #tpu.memory_space<semaphore_mem>>) src(%dma_wait3A_1265 : memref<16x128xf32, #tpu.memory_space<hbm>>) dst(%arg23 : memref<16x128xf32, #tpu.memory_space<vmem>>)
    %dma_wait3A_1266 = arith.constant 0 : i32
    %dma_wait3A_1267 = arith.constant 0 : i32
    %dma_wait3A_1268 = tpu.memref_slice %arg4[%dma_wait3A_1266, %dma_wait3A_1267] : memref<16x1000000xf32, #tpu.memory_space<hbm>> -> memref<16x128xf32, #tpu.memory_space<hbm>>
    %dma_wait3A_1269 = arith.constant 0 : i32
    %dma_wait3A_1270 = arith.constant 0 : i32
    %dma_wait3A_1271 = tpu.memref_slice %arg4[%dma_wait3A_1269, %dma_wait3A_1270] : memref<16x1000000xf32, #tpu.memory_space<hbm>> -> memref<16x128xf32, #tpu.memory_space<hbm>>
    tpu.wait_dma2 semaphore(%arg52 : memref<!tpu.dma_semaphore, #tpu.memory_space<semaphore_mem>>) src(%dma_wait3A_1271 : memref<16x128xf32, #tpu.memory_space<hbm>>) dst(%arg25 : memref<16x128xf32, #tpu.memory_space<vmem>>)
    %broadcast_in_dim3A_1272 = arith.constant 506 : i32
    %broadcast_in_dim3A_1273 = vector.broadcast %broadcast_in_dim3A_1272 : i32 to vector<16xi32>
    %slice3A_1274 = vector.extract_strided_slice %scan3A_1196#0 {offsets = [10], sizes = [1], strides = [1]} : vector<16xi32> to vector<1xi32>
    %squeeze3A_1275 = vector.extract %slice3A_1274[0] : i32 from vector<1xi32>
    %add3A_1276 = arith.constant 0 : i32
    %add3A_1277 = arith.addi %squeeze3A_1275, %add3A_1276 : i32
    %broadcast_in_dim3A_1278 = vector.broadcast %add3A_1277 : i32 to vector<16xi32>
    %gather3A_1279 = tpu.vector_load_idx %arg22[%iota3A, %broadcast_in_dim3A_1278] : memref<16x128xf32, #tpu.memory_space<vmem>>[vector<16xi32>, vector<16xi32>], vector<16xf32>,
    tpu.vector_store_idx %arg46[%iota3A, %broadcast_in_dim3A_1273], %gather3A_1279 : memref<16x512xf32, #tpu.memory_space<vmem>>[vector<16xi32>, vector<16xi32>], vector<16xf32>,
    %slice3A_1280 = vector.extract_strided_slice %scan3A_1196#0 {offsets = [10], sizes = [1], strides = [1]} : vector<16xi32> to vector<1xi32>
    %squeeze3A_1281 = vector.extract %slice3A_1280[0] : i32 from vector<1xi32>
    %add3A_1282 = arith.constant 0 : i32
    %add3A_1283 = arith.addi %squeeze3A_1281, %add3A_1282 : i32
    %broadcast_in_dim3A_1284 = vector.broadcast %add3A_1283 : i32 to vector<16xi32>
    %gather3A_1285 = tpu.vector_load_idx %arg24[%iota3A, %broadcast_in_dim3A_1284] : memref<16x128xf32, #tpu.memory_space<vmem>>[vector<16xi32>, vector<16xi32>], vector<16xf32>,
    tpu.vector_store_idx %arg48[%iota3A, %broadcast_in_dim3A_1273], %gather3A_1285 : memref<16x512xf32, #tpu.memory_space<vmem>>[vector<16xi32>, vector<16xi32>], vector<16xf32>,
    %slice3A_1286 = vector.extract_strided_slice %scan3A_1196#1 {offsets = [10], sizes = [1], strides = [1]} : vector<16xi32> to vector<1xi32>
    %squeeze3A_1287 = vector.extract %slice3A_1286[0] : i32 from vector<1xi32>
    %add3A_1288 = arith.constant 0 : i32
    %add3A_1289 = arith.addi %squeeze3A_1287, %add3A_1288 : i32
    %broadcast_in_dim3A_1290 = vector.broadcast %add3A_1289 : i32 to vector<16xi32>
    %gather3A_1291 = tpu.vector_load_idx %arg23[%iota3A, %broadcast_in_dim3A_1290] : memref<16x128xf32, #tpu.memory_space<vmem>>[vector<16xi32>, vector<16xi32>], vector<16xf32>,
    tpu.vector_store_idx %arg47[%iota3A, %broadcast_in_dim3A_1273], %gather3A_1291 : memref<16x512xf32, #tpu.memory_space<vmem>>[vector<16xi32>, vector<16xi32>], vector<16xf32>,
    %slice3A_1292 = vector.extract_strided_slice %scan3A_1196#1 {offsets = [10], sizes = [1], strides = [1]} : vector<16xi32> to vector<1xi32>
    %squeeze3A_1293 = vector.extract %slice3A_1292[0] : i32 from vector<1xi32>
    %add3A_1294 = arith.constant 0 : i32
    %add3A_1295 = arith.addi %squeeze3A_1293, %add3A_1294 : i32
    %broadcast_in_dim3A_1296 = vector.broadcast %add3A_1295 : i32 to vector<16xi32>
    %gather3A_1297 = tpu.vector_load_idx %arg25[%iota3A, %broadcast_in_dim3A_1296] : memref<16x128xf32, #tpu.memory_space<vmem>>[vector<16xi32>, vector<16xi32>], vector<16xf32>,
    tpu.vector_store_idx %arg49[%iota3A, %broadcast_in_dim3A_1273], %gather3A_1297 : memref<16x512xf32, #tpu.memory_space<vmem>>[vector<16xi32>, vector<16xi32>], vector<16xf32>,
    %dma_wait3A_1298 = arith.constant 0 : i32
    %dma_wait3A_1299 = arith.constant 0 : i32
    %dma_wait3A_1300 = tpu.memref_slice %arg4[%dma_wait3A_1298, %dma_wait3A_1299] : memref<16x1000000xf32, #tpu.memory_space<hbm>> -> memref<16x128xf32, #tpu.memory_space<hbm>>
    %dma_wait3A_1301 = arith.constant 0 : i32
    %dma_wait3A_1302 = arith.constant 0 : i32
    %dma_wait3A_1303 = tpu.memref_slice %arg4[%dma_wait3A_1301, %dma_wait3A_1302] : memref<16x1000000xf32, #tpu.memory_space<hbm>> -> memref<16x128xf32, #tpu.memory_space<hbm>>
    tpu.wait_dma2 semaphore(%arg53 : memref<!tpu.dma_semaphore, #tpu.memory_space<semaphore_mem>>) src(%dma_wait3A_1303 : memref<16x128xf32, #tpu.memory_space<hbm>>) dst(%arg26 : memref<16x128xf32, #tpu.memory_space<vmem>>)
    %dma_wait3A_1304 = arith.constant 0 : i32
    %dma_wait3A_1305 = arith.constant 0 : i32
    %dma_wait3A_1306 = tpu.memref_slice %arg4[%dma_wait3A_1304, %dma_wait3A_1305] : memref<16x1000000xf32, #tpu.memory_space<hbm>> -> memref<16x128xf32, #tpu.memory_space<hbm>>
    %dma_wait3A_1307 = arith.constant 0 : i32
    %dma_wait3A_1308 = arith.constant 0 : i32
    %dma_wait3A_1309 = tpu.memref_slice %arg4[%dma_wait3A_1307, %dma_wait3A_1308] : memref<16x1000000xf32, #tpu.memory_space<hbm>> -> memref<16x128xf32, #tpu.memory_space<hbm>>
    tpu.wait_dma2 semaphore(%arg53 : memref<!tpu.dma_semaphore, #tpu.memory_space<semaphore_mem>>) src(%dma_wait3A_1309 : memref<16x128xf32, #tpu.memory_space<hbm>>) dst(%arg28 : memref<16x128xf32, #tpu.memory_space<vmem>>)
    %dma_wait3A_1310 = arith.constant 0 : i32
    %dma_wait3A_1311 = arith.constant 0 : i32
    %dma_wait3A_1312 = tpu.memref_slice %arg4[%dma_wait3A_1310, %dma_wait3A_1311] : memref<16x1000000xf32, #tpu.memory_space<hbm>> -> memref<16x128xf32, #tpu.memory_space<hbm>>
    %dma_wait3A_1313 = arith.constant 0 : i32
    %dma_wait3A_1314 = arith.constant 0 : i32
    %dma_wait3A_1315 = tpu.memref_slice %arg4[%dma_wait3A_1313, %dma_wait3A_1314] : memref<16x1000000xf32, #tpu.memory_space<hbm>> -> memref<16x128xf32, #tpu.memory_space<hbm>>
    tpu.wait_dma2 semaphore(%arg53 : memref<!tpu.dma_semaphore, #tpu.memory_space<semaphore_mem>>) src(%dma_wait3A_1315 : memref<16x128xf32, #tpu.memory_space<hbm>>) dst(%arg27 : memref<16x128xf32, #tpu.memory_space<vmem>>)
    %dma_wait3A_1316 = arith.constant 0 : i32
    %dma_wait3A_1317 = arith.constant 0 : i32
    %dma_wait3A_1318 = tpu.memref_slice %arg4[%dma_wait3A_1316, %dma_wait3A_1317] : memref<16x1000000xf32, #tpu.memory_space<hbm>> -> memref<16x128xf32, #tpu.memory_space<hbm>>
    %dma_wait3A_1319 = arith.constant 0 : i32
    %dma_wait3A_1320 = arith.constant 0 : i32
    %dma_wait3A_1321 = tpu.memref_slice %arg4[%dma_wait3A_1319, %dma_wait3A_1320] : memref<16x1000000xf32, #tpu.memory_space<hbm>> -> memref<16x128xf32, #tpu.memory_space<hbm>>
    tpu.wait_dma2 semaphore(%arg53 : memref<!tpu.dma_semaphore, #tpu.memory_space<semaphore_mem>>) src(%dma_wait3A_1321 : memref<16x128xf32, #tpu.memory_space<hbm>>) dst(%arg29 : memref<16x128xf32, #tpu.memory_space<vmem>>)
    %broadcast_in_dim3A_1322 = arith.constant 507 : i32
    %broadcast_in_dim3A_1323 = vector.broadcast %broadcast_in_dim3A_1322 : i32 to vector<16xi32>
    %slice3A_1324 = vector.extract_strided_slice %scan3A_1196#0 {offsets = [11], sizes = [1], strides = [1]} : vector<16xi32> to vector<1xi32>
    %squeeze3A_1325 = vector.extract %slice3A_1324[0] : i32 from vector<1xi32>
    %add3A_1326 = arith.constant 0 : i32
    %add3A_1327 = arith.addi %squeeze3A_1325, %add3A_1326 : i32
    %broadcast_in_dim3A_1328 = vector.broadcast %add3A_1327 : i32 to vector<16xi32>
    %gather3A_1329 = tpu.vector_load_idx %arg26[%iota3A, %broadcast_in_dim3A_1328] : memref<16x128xf32, #tpu.memory_space<vmem>>[vector<16xi32>, vector<16xi32>], vector<16xf32>,
    tpu.vector_store_idx %arg46[%iota3A, %broadcast_in_dim3A_1323], %gather3A_1329 : memref<16x512xf32, #tpu.memory_space<vmem>>[vector<16xi32>, vector<16xi32>], vector<16xf32>,
    %slice3A_1330 = vector.extract_strided_slice %scan3A_1196#0 {offsets = [11], sizes = [1], strides = [1]} : vector<16xi32> to vector<1xi32>
    %squeeze3A_1331 = vector.extract %slice3A_1330[0] : i32 from vector<1xi32>
    %add3A_1332 = arith.constant 0 : i32
    %add3A_1333 = arith.addi %squeeze3A_1331, %add3A_1332 : i32
    %broadcast_in_dim3A_1334 = vector.broadcast %add3A_1333 : i32 to vector<16xi32>
    %gather3A_1335 = tpu.vector_load_idx %arg28[%iota3A, %broadcast_in_dim3A_1334] : memref<16x128xf32, #tpu.memory_space<vmem>>[vector<16xi32>, vector<16xi32>], vector<16xf32>,
    tpu.vector_store_idx %arg48[%iota3A, %broadcast_in_dim3A_1323], %gather3A_1335 : memref<16x512xf32, #tpu.memory_space<vmem>>[vector<16xi32>, vector<16xi32>], vector<16xf32>,
    %slice3A_1336 = vector.extract_strided_slice %scan3A_1196#1 {offsets = [11], sizes = [1], strides = [1]} : vector<16xi32> to vector<1xi32>
    %squeeze3A_1337 = vector.extract %slice3A_1336[0] : i32 from vector<1xi32>
    %add3A_1338 = arith.constant 0 : i32
    %add3A_1339 = arith.addi %squeeze3A_1337, %add3A_1338 : i32
    %broadcast_in_dim3A_1340 = vector.broadcast %add3A_1339 : i32 to vector<16xi32>
    %gather3A_1341 = tpu.vector_load_idx %arg27[%iota3A, %broadcast_in_dim3A_1340] : memref<16x128xf32, #tpu.memory_space<vmem>>[vector<16xi32>, vector<16xi32>], vector<16xf32>,
    tpu.vector_store_idx %arg47[%iota3A, %broadcast_in_dim3A_1323], %gather3A_1341 : memref<16x512xf32, #tpu.memory_space<vmem>>[vector<16xi32>, vector<16xi32>], vector<16xf32>,
    %slice3A_1342 = vector.extract_strided_slice %scan3A_1196#1 {offsets = [11], sizes = [1], strides = [1]} : vector<16xi32> to vector<1xi32>
    %squeeze3A_1343 = vector.extract %slice3A_1342[0] : i32 from vector<1xi32>
    %add3A_1344 = arith.constant 0 : i32
    %add3A_1345 = arith.addi %squeeze3A_1343, %add3A_1344 : i32
    %broadcast_in_dim3A_1346 = vector.broadcast %add3A_1345 : i32 to vector<16xi32>
    %gather3A_1347 = tpu.vector_load_idx %arg29[%iota3A, %broadcast_in_dim3A_1346] : memref<16x128xf32, #tpu.memory_space<vmem>>[vector<16xi32>, vector<16xi32>], vector<16xf32>,
    tpu.vector_store_idx %arg49[%iota3A, %broadcast_in_dim3A_1323], %gather3A_1347 : memref<16x512xf32, #tpu.memory_space<vmem>>[vector<16xi32>, vector<16xi32>], vector<16xf32>,
    %dma_wait3A_1348 = arith.constant 0 : i32
    %dma_wait3A_1349 = arith.constant 0 : i32
    %dma_wait3A_1350 = tpu.memref_slice %arg4[%dma_wait3A_1348, %dma_wait3A_1349] : memref<16x1000000xf32, #tpu.memory_space<hbm>> -> memref<16x128xf32, #tpu.memory_space<hbm>>
    %dma_wait3A_1351 = arith.constant 0 : i32
    %dma_wait3A_1352 = arith.constant 0 : i32
    %dma_wait3A_1353 = tpu.memref_slice %arg4[%dma_wait3A_1351, %dma_wait3A_1352] : memref<16x1000000xf32, #tpu.memory_space<hbm>> -> memref<16x128xf32, #tpu.memory_space<hbm>>
    tpu.wait_dma2 semaphore(%arg54 : memref<!tpu.dma_semaphore, #tpu.memory_space<semaphore_mem>>) src(%dma_wait3A_1353 : memref<16x128xf32, #tpu.memory_space<hbm>>) dst(%arg30 : memref<16x128xf32, #tpu.memory_space<vmem>>)
    %dma_wait3A_1354 = arith.constant 0 : i32
    %dma_wait3A_1355 = arith.constant 0 : i32
    %dma_wait3A_1356 = tpu.memref_slice %arg4[%dma_wait3A_1354, %dma_wait3A_1355] : memref<16x1000000xf32, #tpu.memory_space<hbm>> -> memref<16x128xf32, #tpu.memory_space<hbm>>
    %dma_wait3A_1357 = arith.constant 0 : i32
    %dma_wait3A_1358 = arith.constant 0 : i32
    %dma_wait3A_1359 = tpu.memref_slice %arg4[%dma_wait3A_1357, %dma_wait3A_1358] : memref<16x1000000xf32, #tpu.memory_space<hbm>> -> memref<16x128xf32, #tpu.memory_space<hbm>>
    tpu.wait_dma2 semaphore(%arg54 : memref<!tpu.dma_semaphore, #tpu.memory_space<semaphore_mem>>) src(%dma_wait3A_1359 : memref<16x128xf32, #tpu.memory_space<hbm>>) dst(%arg32 : memref<16x128xf32, #tpu.memory_space<vmem>>)
    %dma_wait3A_1360 = arith.constant 0 : i32
    %dma_wait3A_1361 = arith.constant 0 : i32
    %dma_wait3A_1362 = tpu.memref_slice %arg4[%dma_wait3A_1360, %dma_wait3A_1361] : memref<16x1000000xf32, #tpu.memory_space<hbm>> -> memref<16x128xf32, #tpu.memory_space<hbm>>
    %dma_wait3A_1363 = arith.constant 0 : i32
    %dma_wait3A_1364 = arith.constant 0 : i32
    %dma_wait3A_1365 = tpu.memref_slice %arg4[%dma_wait3A_1363, %dma_wait3A_1364] : memref<16x1000000xf32, #tpu.memory_space<hbm>> -> memref<16x128xf32, #tpu.memory_space<hbm>>
    tpu.wait_dma2 semaphore(%arg54 : memref<!tpu.dma_semaphore, #tpu.memory_space<semaphore_mem>>) src(%dma_wait3A_1365 : memref<16x128xf32, #tpu.memory_space<hbm>>) dst(%arg31 : memref<16x128xf32, #tpu.memory_space<vmem>>)
    %dma_wait3A_1366 = arith.constant 0 : i32
    %dma_wait3A_1367 = arith.constant 0 : i32
    %dma_wait3A_1368 = tpu.memref_slice %arg4[%dma_wait3A_1366, %dma_wait3A_1367] : memref<16x1000000xf32, #tpu.memory_space<hbm>> -> memref<16x128xf32, #tpu.memory_space<hbm>>
    %dma_wait3A_1369 = arith.constant 0 : i32
    %dma_wait3A_1370 = arith.constant 0 : i32
    %dma_wait3A_1371 = tpu.memref_slice %arg4[%dma_wait3A_1369, %dma_wait3A_1370] : memref<16x1000000xf32, #tpu.memory_space<hbm>> -> memref<16x128xf32, #tpu.memory_space<hbm>>
    tpu.wait_dma2 semaphore(%arg54 : memref<!tpu.dma_semaphore, #tpu.memory_space<semaphore_mem>>) src(%dma_wait3A_1371 : memref<16x128xf32, #tpu.memory_space<hbm>>) dst(%arg33 : memref<16x128xf32, #tpu.memory_space<vmem>>)
    %broadcast_in_dim3A_1372 = arith.constant 508 : i32
    %broadcast_in_dim3A_1373 = vector.broadcast %broadcast_in_dim3A_1372 : i32 to vector<16xi32>
    %slice3A_1374 = vector.extract_strided_slice %scan3A_1196#0 {offsets = [12], sizes = [1], strides = [1]} : vector<16xi32> to vector<1xi32>
    %squeeze3A_1375 = vector.extract %slice3A_1374[0] : i32 from vector<1xi32>
    %add3A_1376 = arith.constant 0 : i32
    %add3A_1377 = arith.addi %squeeze3A_1375, %add3A_1376 : i32
    %broadcast_in_dim3A_1378 = vector.broadcast %add3A_1377 : i32 to vector<16xi32>
    %gather3A_1379 = tpu.vector_load_idx %arg30[%iota3A, %broadcast_in_dim3A_1378] : memref<16x128xf32, #tpu.memory_space<vmem>>[vector<16xi32>, vector<16xi32>], vector<16xf32>,
    tpu.vector_store_idx %arg46[%iota3A, %broadcast_in_dim3A_1373], %gather3A_1379 : memref<16x512xf32, #tpu.memory_space<vmem>>[vector<16xi32>, vector<16xi32>], vector<16xf32>,
    %slice3A_1380 = vector.extract_strided_slice %scan3A_1196#0 {offsets = [12], sizes = [1], strides = [1]} : vector<16xi32> to vector<1xi32>
    %squeeze3A_1381 = vector.extract %slice3A_1380[0] : i32 from vector<1xi32>
    %add3A_1382 = arith.constant 0 : i32
    %add3A_1383 = arith.addi %squeeze3A_1381, %add3A_1382 : i32
    %broadcast_in_dim3A_1384 = vector.broadcast %add3A_1383 : i32 to vector<16xi32>
    %gather3A_1385 = tpu.vector_load_idx %arg32[%iota3A, %broadcast_in_dim3A_1384] : memref<16x128xf32, #tpu.memory_space<vmem>>[vector<16xi32>, vector<16xi32>], vector<16xf32>,
    tpu.vector_store_idx %arg48[%iota3A, %broadcast_in_dim3A_1373], %gather3A_1385 : memref<16x512xf32, #tpu.memory_space<vmem>>[vector<16xi32>, vector<16xi32>], vector<16xf32>,
    %slice3A_1386 = vector.extract_strided_slice %scan3A_1196#1 {offsets = [12], sizes = [1], strides = [1]} : vector<16xi32> to vector<1xi32>
    %squeeze3A_1387 = vector.extract %slice3A_1386[0] : i32 from vector<1xi32>
    %add3A_1388 = arith.constant 0 : i32
    %add3A_1389 = arith.addi %squeeze3A_1387, %add3A_1388 : i32
    %broadcast_in_dim3A_1390 = vector.broadcast %add3A_1389 : i32 to vector<16xi32>
    %gather3A_1391 = tpu.vector_load_idx %arg31[%iota3A, %broadcast_in_dim3A_1390] : memref<16x128xf32, #tpu.memory_space<vmem>>[vector<16xi32>, vector<16xi32>], vector<16xf32>,
    tpu.vector_store_idx %arg47[%iota3A, %broadcast_in_dim3A_1373], %gather3A_1391 : memref<16x512xf32, #tpu.memory_space<vmem>>[vector<16xi32>, vector<16xi32>], vector<16xf32>,
    %slice3A_1392 = vector.extract_strided_slice %scan3A_1196#1 {offsets = [12], sizes = [1], strides = [1]} : vector<16xi32> to vector<1xi32>
    %squeeze3A_1393 = vector.extract %slice3A_1392[0] : i32 from vector<1xi32>
    %add3A_1394 = arith.constant 0 : i32
    %add3A_1395 = arith.addi %squeeze3A_1393, %add3A_1394 : i32
    %broadcast_in_dim3A_1396 = vector.broadcast %add3A_1395 : i32 to vector<16xi32>
    %gather3A_1397 = tpu.vector_load_idx %arg33[%iota3A, %broadcast_in_dim3A_1396] : memref<16x128xf32, #tpu.memory_space<vmem>>[vector<16xi32>, vector<16xi32>], vector<16xf32>,
    tpu.vector_store_idx %arg49[%iota3A, %broadcast_in_dim3A_1373], %gather3A_1397 : memref<16x512xf32, #tpu.memory_space<vmem>>[vector<16xi32>, vector<16xi32>], vector<16xf32>,
    %dma_wait3A_1398 = arith.constant 0 : i32
    %dma_wait3A_1399 = arith.constant 0 : i32
    %dma_wait3A_1400 = tpu.memref_slice %arg4[%dma_wait3A_1398, %dma_wait3A_1399] : memref<16x1000000xf32, #tpu.memory_space<hbm>> -> memref<16x128xf32, #tpu.memory_space<hbm>>
    %dma_wait3A_1401 = arith.constant 0 : i32
    %dma_wait3A_1402 = arith.constant 0 : i32
    %dma_wait3A_1403 = tpu.memref_slice %arg4[%dma_wait3A_1401, %dma_wait3A_1402] : memref<16x1000000xf32, #tpu.memory_space<hbm>> -> memref<16x128xf32, #tpu.memory_space<hbm>>
    tpu.wait_dma2 semaphore(%arg55 : memref<!tpu.dma_semaphore, #tpu.memory_space<semaphore_mem>>) src(%dma_wait3A_1403 : memref<16x128xf32, #tpu.memory_space<hbm>>) dst(%arg34 : memref<16x128xf32, #tpu.memory_space<vmem>>)
    %dma_wait3A_1404 = arith.constant 0 : i32
    %dma_wait3A_1405 = arith.constant 0 : i32
    %dma_wait3A_1406 = tpu.memref_slice %arg4[%dma_wait3A_1404, %dma_wait3A_1405] : memref<16x1000000xf32, #tpu.memory_space<hbm>> -> memref<16x128xf32, #tpu.memory_space<hbm>>
    %dma_wait3A_1407 = arith.constant 0 : i32
    %dma_wait3A_1408 = arith.constant 0 : i32
    %dma_wait3A_1409 = tpu.memref_slice %arg4[%dma_wait3A_1407, %dma_wait3A_1408] : memref<16x1000000xf32, #tpu.memory_space<hbm>> -> memref<16x128xf32, #tpu.memory_space<hbm>>
    tpu.wait_dma2 semaphore(%arg55 : memref<!tpu.dma_semaphore, #tpu.memory_space<semaphore_mem>>) src(%dma_wait3A_1409 : memref<16x128xf32, #tpu.memory_space<hbm>>) dst(%arg36 : memref<16x128xf32, #tpu.memory_space<vmem>>)
    %dma_wait3A_1410 = arith.constant 0 : i32
    %dma_wait3A_1411 = arith.constant 0 : i32
    %dma_wait3A_1412 = tpu.memref_slice %arg4[%dma_wait3A_1410, %dma_wait3A_1411] : memref<16x1000000xf32, #tpu.memory_space<hbm>> -> memref<16x128xf32, #tpu.memory_space<hbm>>
    %dma_wait3A_1413 = arith.constant 0 : i32
    %dma_wait3A_1414 = arith.constant 0 : i32
    %dma_wait3A_1415 = tpu.memref_slice %arg4[%dma_wait3A_1413, %dma_wait3A_1414] : memref<16x1000000xf32, #tpu.memory_space<hbm>> -> memref<16x128xf32, #tpu.memory_space<hbm>>
    tpu.wait_dma2 semaphore(%arg55 : memref<!tpu.dma_semaphore, #tpu.memory_space<semaphore_mem>>) src(%dma_wait3A_1415 : memref<16x128xf32, #tpu.memory_space<hbm>>) dst(%arg35 : memref<16x128xf32, #tpu.memory_space<vmem>>)
    %dma_wait3A_1416 = arith.constant 0 : i32
    %dma_wait3A_1417 = arith.constant 0 : i32
    %dma_wait3A_1418 = tpu.memref_slice %arg4[%dma_wait3A_1416, %dma_wait3A_1417] : memref<16x1000000xf32, #tpu.memory_space<hbm>> -> memref<16x128xf32, #tpu.memory_space<hbm>>
    %dma_wait3A_1419 = arith.constant 0 : i32
    %dma_wait3A_1420 = arith.constant 0 : i32
    %dma_wait3A_1421 = tpu.memref_slice %arg4[%dma_wait3A_1419, %dma_wait3A_1420] : memref<16x1000000xf32, #tpu.memory_space<hbm>> -> memref<16x128xf32, #tpu.memory_space<hbm>>
    tpu.wait_dma2 semaphore(%arg55 : memref<!tpu.dma_semaphore, #tpu.memory_space<semaphore_mem>>) src(%dma_wait3A_1421 : memref<16x128xf32, #tpu.memory_space<hbm>>) dst(%arg37 : memref<16x128xf32, #tpu.memory_space<vmem>>)
    %broadcast_in_dim3A_1422 = arith.constant 509 : i32
    %broadcast_in_dim3A_1423 = vector.broadcast %broadcast_in_dim3A_1422 : i32 to vector<16xi32>
    %slice3A_1424 = vector.extract_strided_slice %scan3A_1196#0 {offsets = [13], sizes = [1], strides = [1]} : vector<16xi32> to vector<1xi32>
    %squeeze3A_1425 = vector.extract %slice3A_1424[0] : i32 from vector<1xi32>
    %add3A_1426 = arith.constant 0 : i32
    %add3A_1427 = arith.addi %squeeze3A_1425, %add3A_1426 : i32
    %broadcast_in_dim3A_1428 = vector.broadcast %add3A_1427 : i32 to vector<16xi32>
    %gather3A_1429 = tpu.vector_load_idx %arg34[%iota3A, %broadcast_in_dim3A_1428] : memref<16x128xf32, #tpu.memory_space<vmem>>[vector<16xi32>, vector<16xi32>], vector<16xf32>,
    tpu.vector_store_idx %arg46[%iota3A, %broadcast_in_dim3A_1423], %gather3A_1429 : memref<16x512xf32, #tpu.memory_space<vmem>>[vector<16xi32>, vector<16xi32>], vector<16xf32>,
    %slice3A_1430 = vector.extract_strided_slice %scan3A_1196#0 {offsets = [13], sizes = [1], strides = [1]} : vector<16xi32> to vector<1xi32>
    %squeeze3A_1431 = vector.extract %slice3A_1430[0] : i32 from vector<1xi32>
    %add3A_1432 = arith.constant 0 : i32
    %add3A_1433 = arith.addi %squeeze3A_1431, %add3A_1432 : i32
    %broadcast_in_dim3A_1434 = vector.broadcast %add3A_1433 : i32 to vector<16xi32>
    %gather3A_1435 = tpu.vector_load_idx %arg36[%iota3A, %broadcast_in_dim3A_1434] : memref<16x128xf32, #tpu.memory_space<vmem>>[vector<16xi32>, vector<16xi32>], vector<16xf32>,
    tpu.vector_store_idx %arg48[%iota3A, %broadcast_in_dim3A_1423], %gather3A_1435 : memref<16x512xf32, #tpu.memory_space<vmem>>[vector<16xi32>, vector<16xi32>], vector<16xf32>,
    %slice3A_1436 = vector.extract_strided_slice %scan3A_1196#1 {offsets = [13], sizes = [1], strides = [1]} : vector<16xi32> to vector<1xi32>
    %squeeze3A_1437 = vector.extract %slice3A_1436[0] : i32 from vector<1xi32>
    %add3A_1438 = arith.constant 0 : i32
    %add3A_1439 = arith.addi %squeeze3A_1437, %add3A_1438 : i32
    %broadcast_in_dim3A_1440 = vector.broadcast %add3A_1439 : i32 to vector<16xi32>
    %gather3A_1441 = tpu.vector_load_idx %arg35[%iota3A, %broadcast_in_dim3A_1440] : memref<16x128xf32, #tpu.memory_space<vmem>>[vector<16xi32>, vector<16xi32>], vector<16xf32>,
    tpu.vector_store_idx %arg47[%iota3A, %broadcast_in_dim3A_1423], %gather3A_1441 : memref<16x512xf32, #tpu.memory_space<vmem>>[vector<16xi32>, vector<16xi32>], vector<16xf32>,
    %slice3A_1442 = vector.extract_strided_slice %scan3A_1196#1 {offsets = [13], sizes = [1], strides = [1]} : vector<16xi32> to vector<1xi32>
    %squeeze3A_1443 = vector.extract %slice3A_1442[0] : i32 from vector<1xi32>
    %add3A_1444 = arith.constant 0 : i32
    %add3A_1445 = arith.addi %squeeze3A_1443, %add3A_1444 : i32
    %broadcast_in_dim3A_1446 = vector.broadcast %add3A_1445 : i32 to vector<16xi32>
    %gather3A_1447 = tpu.vector_load_idx %arg37[%iota3A, %broadcast_in_dim3A_1446] : memref<16x128xf32, #tpu.memory_space<vmem>>[vector<16xi32>, vector<16xi32>], vector<16xf32>,
    tpu.vector_store_idx %arg49[%iota3A, %broadcast_in_dim3A_1423], %gather3A_1447 : memref<16x512xf32, #tpu.memory_space<vmem>>[vector<16xi32>, vector<16xi32>], vector<16xf32>,
    %dma_wait3A_1448 = arith.constant 0 : i32
    %dma_wait3A_1449 = arith.constant 0 : i32
    %dma_wait3A_1450 = tpu.memref_slice %arg4[%dma_wait3A_1448, %dma_wait3A_1449] : memref<16x1000000xf32, #tpu.memory_space<hbm>> -> memref<16x128xf32, #tpu.memory_space<hbm>>
    %dma_wait3A_1451 = arith.constant 0 : i32
    %dma_wait3A_1452 = arith.constant 0 : i32
    %dma_wait3A_1453 = tpu.memref_slice %arg4[%dma_wait3A_1451, %dma_wait3A_1452] : memref<16x1000000xf32, #tpu.memory_space<hbm>> -> memref<16x128xf32, #tpu.memory_space<hbm>>
    tpu.wait_dma2 semaphore(%arg56 : memref<!tpu.dma_semaphore, #tpu.memory_space<semaphore_mem>>) src(%dma_wait3A_1453 : memref<16x128xf32, #tpu.memory_space<hbm>>) dst(%arg38 : memref<16x128xf32, #tpu.memory_space<vmem>>)
    %dma_wait3A_1454 = arith.constant 0 : i32
    %dma_wait3A_1455 = arith.constant 0 : i32
    %dma_wait3A_1456 = tpu.memref_slice %arg4[%dma_wait3A_1454, %dma_wait3A_1455] : memref<16x1000000xf32, #tpu.memory_space<hbm>> -> memref<16x128xf32, #tpu.memory_space<hbm>>
    %dma_wait3A_1457 = arith.constant 0 : i32
    %dma_wait3A_1458 = arith.constant 0 : i32
    %dma_wait3A_1459 = tpu.memref_slice %arg4[%dma_wait3A_1457, %dma_wait3A_1458] : memref<16x1000000xf32, #tpu.memory_space<hbm>> -> memref<16x128xf32, #tpu.memory_space<hbm>>
    tpu.wait_dma2 semaphore(%arg56 : memref<!tpu.dma_semaphore, #tpu.memory_space<semaphore_mem>>) src(%dma_wait3A_1459 : memref<16x128xf32, #tpu.memory_space<hbm>>) dst(%arg40 : memref<16x128xf32, #tpu.memory_space<vmem>>)
    %dma_wait3A_1460 = arith.constant 0 : i32
    %dma_wait3A_1461 = arith.constant 0 : i32
    %dma_wait3A_1462 = tpu.memref_slice %arg4[%dma_wait3A_1460, %dma_wait3A_1461] : memref<16x1000000xf32, #tpu.memory_space<hbm>> -> memref<16x128xf32, #tpu.memory_space<hbm>>
    %dma_wait3A_1463 = arith.constant 0 : i32
    %dma_wait3A_1464 = arith.constant 0 : i32
    %dma_wait3A_1465 = tpu.memref_slice %arg4[%dma_wait3A_1463, %dma_wait3A_1464] : memref<16x1000000xf32, #tpu.memory_space<hbm>> -> memref<16x128xf32, #tpu.memory_space<hbm>>
    tpu.wait_dma2 semaphore(%arg56 : memref<!tpu.dma_semaphore, #tpu.memory_space<semaphore_mem>>) src(%dma_wait3A_1465 : memref<16x128xf32, #tpu.memory_space<hbm>>) dst(%arg39 : memref<16x128xf32, #tpu.memory_space<vmem>>)
    %dma_wait3A_1466 = arith.constant 0 : i32
    %dma_wait3A_1467 = arith.constant 0 : i32
    %dma_wait3A_1468 = tpu.memref_slice %arg4[%dma_wait3A_1466, %dma_wait3A_1467] : memref<16x1000000xf32, #tpu.memory_space<hbm>> -> memref<16x128xf32, #tpu.memory_space<hbm>>
    %dma_wait3A_1469 = arith.constant 0 : i32
    %dma_wait3A_1470 = arith.constant 0 : i32
    %dma_wait3A_1471 = tpu.memref_slice %arg4[%dma_wait3A_1469, %dma_wait3A_1470] : memref<16x1000000xf32, #tpu.memory_space<hbm>> -> memref<16x128xf32, #tpu.memory_space<hbm>>
    tpu.wait_dma2 semaphore(%arg56 : memref<!tpu.dma_semaphore, #tpu.memory_space<semaphore_mem>>) src(%dma_wait3A_1471 : memref<16x128xf32, #tpu.memory_space<hbm>>) dst(%arg41 : memref<16x128xf32, #tpu.memory_space<vmem>>)
    %broadcast_in_dim3A_1472 = arith.constant 510 : i32
    %broadcast_in_dim3A_1473 = vector.broadcast %broadcast_in_dim3A_1472 : i32 to vector<16xi32>
    %slice3A_1474 = vector.extract_strided_slice %scan3A_1196#0 {offsets = [14], sizes = [1], strides = [1]} : vector<16xi32> to vector<1xi32>
    %squeeze3A_1475 = vector.extract %slice3A_1474[0] : i32 from vector<1xi32>
    %add3A_1476 = arith.constant 0 : i32
    %add3A_1477 = arith.addi %squeeze3A_1475, %add3A_1476 : i32
    %broadcast_in_dim3A_1478 = vector.broadcast %add3A_1477 : i32 to vector<16xi32>
    %gather3A_1479 = tpu.vector_load_idx %arg38[%iota3A, %broadcast_in_dim3A_1478] : memref<16x128xf32, #tpu.memory_space<vmem>>[vector<16xi32>, vector<16xi32>], vector<16xf32>,
    tpu.vector_store_idx %arg46[%iota3A, %broadcast_in_dim3A_1473], %gather3A_1479 : memref<16x512xf32, #tpu.memory_space<vmem>>[vector<16xi32>, vector<16xi32>], vector<16xf32>,
    %slice3A_1480 = vector.extract_strided_slice %scan3A_1196#0 {offsets = [14], sizes = [1], strides = [1]} : vector<16xi32> to vector<1xi32>
    %squeeze3A_1481 = vector.extract %slice3A_1480[0] : i32 from vector<1xi32>
    %add3A_1482 = arith.constant 0 : i32
    %add3A_1483 = arith.addi %squeeze3A_1481, %add3A_1482 : i32
    %broadcast_in_dim3A_1484 = vector.broadcast %add3A_1483 : i32 to vector<16xi32>
    %gather3A_1485 = tpu.vector_load_idx %arg40[%iota3A, %broadcast_in_dim3A_1484] : memref<16x128xf32, #tpu.memory_space<vmem>>[vector<16xi32>, vector<16xi32>], vector<16xf32>,
    tpu.vector_store_idx %arg48[%iota3A, %broadcast_in_dim3A_1473], %gather3A_1485 : memref<16x512xf32, #tpu.memory_space<vmem>>[vector<16xi32>, vector<16xi32>], vector<16xf32>,
    %slice3A_1486 = vector.extract_strided_slice %scan3A_1196#1 {offsets = [14], sizes = [1], strides = [1]} : vector<16xi32> to vector<1xi32>
    %squeeze3A_1487 = vector.extract %slice3A_1486[0] : i32 from vector<1xi32>
    %add3A_1488 = arith.constant 0 : i32
    %add3A_1489 = arith.addi %squeeze3A_1487, %add3A_1488 : i32
    %broadcast_in_dim3A_1490 = vector.broadcast %add3A_1489 : i32 to vector<16xi32>
    %gather3A_1491 = tpu.vector_load_idx %arg39[%iota3A, %broadcast_in_dim3A_1490] : memref<16x128xf32, #tpu.memory_space<vmem>>[vector<16xi32>, vector<16xi32>], vector<16xf32>,
    tpu.vector_store_idx %arg47[%iota3A, %broadcast_in_dim3A_1473], %gather3A_1491 : memref<16x512xf32, #tpu.memory_space<vmem>>[vector<16xi32>, vector<16xi32>], vector<16xf32>,
    %slice3A_1492 = vector.extract_strided_slice %scan3A_1196#1 {offsets = [14], sizes = [1], strides = [1]} : vector<16xi32> to vector<1xi32>
    %squeeze3A_1493 = vector.extract %slice3A_1492[0] : i32 from vector<1xi32>
    %add3A_1494 = arith.constant 0 : i32
    %add3A_1495 = arith.addi %squeeze3A_1493, %add3A_1494 : i32
    %broadcast_in_dim3A_1496 = vector.broadcast %add3A_1495 : i32 to vector<16xi32>
    %gather3A_1497 = tpu.vector_load_idx %arg41[%iota3A, %broadcast_in_dim3A_1496] : memref<16x128xf32, #tpu.memory_space<vmem>>[vector<16xi32>, vector<16xi32>], vector<16xf32>,
    tpu.vector_store_idx %arg49[%iota3A, %broadcast_in_dim3A_1473], %gather3A_1497 : memref<16x512xf32, #tpu.memory_space<vmem>>[vector<16xi32>, vector<16xi32>], vector<16xf32>,
    %dma_wait3A_1498 = arith.constant 0 : i32
    %dma_wait3A_1499 = arith.constant 0 : i32
    %dma_wait3A_1500 = tpu.memref_slice %arg4[%dma_wait3A_1498, %dma_wait3A_1499] : memref<16x1000000xf32, #tpu.memory_space<hbm>> -> memref<16x128xf32, #tpu.memory_space<hbm>>
    %dma_wait3A_1501 = arith.constant 0 : i32
    %dma_wait3A_1502 = arith.constant 0 : i32
    %dma_wait3A_1503 = tpu.memref_slice %arg4[%dma_wait3A_1501, %dma_wait3A_1502] : memref<16x1000000xf32, #tpu.memory_space<hbm>> -> memref<16x128xf32, #tpu.memory_space<hbm>>
    tpu.wait_dma2 semaphore(%arg57 : memref<!tpu.dma_semaphore, #tpu.memory_space<semaphore_mem>>) src(%dma_wait3A_1503 : memref<16x128xf32, #tpu.memory_space<hbm>>) dst(%arg42 : memref<16x128xf32, #tpu.memory_space<vmem>>)
    %dma_wait3A_1504 = arith.constant 0 : i32
    %dma_wait3A_1505 = arith.constant 0 : i32
    %dma_wait3A_1506 = tpu.memref_slice %arg4[%dma_wait3A_1504, %dma_wait3A_1505] : memref<16x1000000xf32, #tpu.memory_space<hbm>> -> memref<16x128xf32, #tpu.memory_space<hbm>>
    %dma_wait3A_1507 = arith.constant 0 : i32
    %dma_wait3A_1508 = arith.constant 0 : i32
    %dma_wait3A_1509 = tpu.memref_slice %arg4[%dma_wait3A_1507, %dma_wait3A_1508] : memref<16x1000000xf32, #tpu.memory_space<hbm>> -> memref<16x128xf32, #tpu.memory_space<hbm>>
    tpu.wait_dma2 semaphore(%arg57 : memref<!tpu.dma_semaphore, #tpu.memory_space<semaphore_mem>>) src(%dma_wait3A_1509 : memref<16x128xf32, #tpu.memory_space<hbm>>) dst(%arg44 : memref<16x128xf32, #tpu.memory_space<vmem>>)
    %dma_wait3A_1510 = arith.constant 0 : i32
    %dma_wait3A_1511 = arith.constant 0 : i32
    %dma_wait3A_1512 = tpu.memref_slice %arg4[%dma_wait3A_1510, %dma_wait3A_1511] : memref<16x1000000xf32, #tpu.memory_space<hbm>> -> memref<16x128xf32, #tpu.memory_space<hbm>>
    %dma_wait3A_1513 = arith.constant 0 : i32
    %dma_wait3A_1514 = arith.constant 0 : i32
    %dma_wait3A_1515 = tpu.memref_slice %arg4[%dma_wait3A_1513, %dma_wait3A_1514] : memref<16x1000000xf32, #tpu.memory_space<hbm>> -> memref<16x128xf32, #tpu.memory_space<hbm>>
    tpu.wait_dma2 semaphore(%arg57 : memref<!tpu.dma_semaphore, #tpu.memory_space<semaphore_mem>>) src(%dma_wait3A_1515 : memref<16x128xf32, #tpu.memory_space<hbm>>) dst(%arg43 : memref<16x128xf32, #tpu.memory_space<vmem>>)
    %dma_wait3A_1516 = arith.constant 0 : i32
    %dma_wait3A_1517 = arith.constant 0 : i32
    %dma_wait3A_1518 = tpu.memref_slice %arg4[%dma_wait3A_1516, %dma_wait3A_1517] : memref<16x1000000xf32, #tpu.memory_space<hbm>> -> memref<16x128xf32, #tpu.memory_space<hbm>>
    %dma_wait3A_1519 = arith.constant 0 : i32
    %dma_wait3A_1520 = arith.constant 0 : i32
    %dma_wait3A_1521 = tpu.memref_slice %arg4[%dma_wait3A_1519, %dma_wait3A_1520] : memref<16x1000000xf32, #tpu.memory_space<hbm>> -> memref<16x128xf32, #tpu.memory_space<hbm>>
    tpu.wait_dma2 semaphore(%arg57 : memref<!tpu.dma_semaphore, #tpu.memory_space<semaphore_mem>>) src(%dma_wait3A_1521 : memref<16x128xf32, #tpu.memory_space<hbm>>) dst(%arg45 : memref<16x128xf32, #tpu.memory_space<vmem>>)
    %broadcast_in_dim3A_1522 = arith.constant 511 : i32
    %broadcast_in_dim3A_1523 = vector.broadcast %broadcast_in_dim3A_1522 : i32 to vector<16xi32>
    %slice3A_1524 = vector.extract_strided_slice %scan3A_1196#0 {offsets = [15], sizes = [1], strides = [1]} : vector<16xi32> to vector<1xi32>
    %squeeze3A_1525 = vector.extract %slice3A_1524[0] : i32 from vector<1xi32>
    %add3A_1526 = arith.constant 0 : i32
    %add3A_1527 = arith.addi %squeeze3A_1525, %add3A_1526 : i32
    %broadcast_in_dim3A_1528 = vector.broadcast %add3A_1527 : i32 to vector<16xi32>
    %gather3A_1529 = tpu.vector_load_idx %arg42[%iota3A, %broadcast_in_dim3A_1528] : memref<16x128xf32, #tpu.memory_space<vmem>>[vector<16xi32>, vector<16xi32>], vector<16xf32>,
    tpu.vector_store_idx %arg46[%iota3A, %broadcast_in_dim3A_1523], %gather3A_1529 : memref<16x512xf32, #tpu.memory_space<vmem>>[vector<16xi32>, vector<16xi32>], vector<16xf32>,
    %slice3A_1530 = vector.extract_strided_slice %scan3A_1196#0 {offsets = [15], sizes = [1], strides = [1]} : vector<16xi32> to vector<1xi32>
    %squeeze3A_1531 = vector.extract %slice3A_1530[0] : i32 from vector<1xi32>
    %add3A_1532 = arith.constant 0 : i32
    %add3A_1533 = arith.addi %squeeze3A_1531, %add3A_1532 : i32
    %broadcast_in_dim3A_1534 = vector.broadcast %add3A_1533 : i32 to vector<16xi32>
    %gather3A_1535 = tpu.vector_load_idx %arg44[%iota3A, %broadcast_in_dim3A_1534] : memref<16x128xf32, #tpu.memory_space<vmem>>[vector<16xi32>, vector<16xi32>], vector<16xf32>,
    tpu.vector_store_idx %arg48[%iota3A, %broadcast_in_dim3A_1523], %gather3A_1535 : memref<16x512xf32, #tpu.memory_space<vmem>>[vector<16xi32>, vector<16xi32>], vector<16xf32>,
    %slice3A_1536 = vector.extract_strided_slice %scan3A_1196#1 {offsets = [15], sizes = [1], strides = [1]} : vector<16xi32> to vector<1xi32>
    %squeeze3A_1537 = vector.extract %slice3A_1536[0] : i32 from vector<1xi32>
    %add3A_1538 = arith.constant 0 : i32
    %add3A_1539 = arith.addi %squeeze3A_1537, %add3A_1538 : i32
    %broadcast_in_dim3A_1540 = vector.broadcast %add3A_1539 : i32 to vector<16xi32>
    %gather3A_1541 = tpu.vector_load_idx %arg43[%iota3A, %broadcast_in_dim3A_1540] : memref<16x128xf32, #tpu.memory_space<vmem>>[vector<16xi32>, vector<16xi32>], vector<16xf32>,
    tpu.vector_store_idx %arg47[%iota3A, %broadcast_in_dim3A_1523], %gather3A_1541 : memref<16x512xf32, #tpu.memory_space<vmem>>[vector<16xi32>, vector<16xi32>], vector<16xf32>,
    %slice3A_1542 = vector.extract_strided_slice %scan3A_1196#1 {offsets = [15], sizes = [1], strides = [1]} : vector<16xi32> to vector<1xi32>
    %squeeze3A_1543 = vector.extract %slice3A_1542[0] : i32 from vector<1xi32>
    %add3A_1544 = arith.constant 0 : i32
    %add3A_1545 = arith.addi %squeeze3A_1543, %add3A_1544 : i32
    %broadcast_in_dim3A_1546 = vector.broadcast %add3A_1545 : i32 to vector<16xi32>
    %gather3A_1547 = tpu.vector_load_idx %arg45[%iota3A, %broadcast_in_dim3A_1546] : memref<16x128xf32, #tpu.memory_space<vmem>>[vector<16xi32>, vector<16xi32>], vector<16xf32>,
    tpu.vector_store_idx %arg49[%iota3A, %broadcast_in_dim3A_1523], %gather3A_1547 : memref<16x512xf32, #tpu.memory_space<vmem>>[vector<16xi32>, vector<16xi32>], vector<16xf32>,
    %mul3A_1548 = arith.constant 512 : i32
    %mul3A_1549 = arith.muli %add3A, %mul3A_1548 : i32
    %multiple_of3A_1550 = tpu.assume_multiple %mul3A_1549, 128 : i32
    "tpu.region"() ({
      %run_scoped3A = tpu.sem_alloc : memref<!tpu.dma_semaphore, #tpu.memory_space<semaphore_mem>>
      %dma_start3A_1551 = arith.constant 0 : i32
      %dma_start3A_1552 = tpu.memref_slice %arg8[%dma_start3A_1551, %multiple_of3A_1550] : memref<16x16384xf32, #tpu.memory_space<hbm>> -> memref<16x512xf32, #tpu.memory_space<hbm>>
      %dma_start3A_1553 = arith.constant 0 : i32
      %dma_start3A_1554 = tpu.memref_slice %arg8[%dma_start3A_1553, %multiple_of3A_1550] : memref<16x16384xf32, #tpu.memory_space<hbm>> -> memref<16x512xf32, #tpu.memory_space<hbm>>
      tpu.enqueue_dma source(%arg46 : memref<16x512xf32, #tpu.memory_space<vmem>>) target(%dma_start3A_1554 : memref<16x512xf32, #tpu.memory_space<hbm>>) target_semaphore(%run_scoped3A : memref<!tpu.dma_semaphore, #tpu.memory_space<semaphore_mem>>)
      %dma_wait3A_1555 = arith.constant 0 : i32
      %dma_wait3A_1556 = tpu.memref_slice %arg8[%dma_wait3A_1555, %multiple_of3A_1550] : memref<16x16384xf32, #tpu.memory_space<hbm>> -> memref<16x512xf32, #tpu.memory_space<hbm>>
      %dma_wait3A_1557 = arith.constant 0 : i32
      %dma_wait3A_1558 = tpu.memref_slice %arg8[%dma_wait3A_1557, %multiple_of3A_1550] : memref<16x16384xf32, #tpu.memory_space<hbm>> -> memref<16x512xf32, #tpu.memory_space<hbm>>
      tpu.wait_dma2 semaphore(%run_scoped3A : memref<!tpu.dma_semaphore, #tpu.memory_space<semaphore_mem>>) src(%arg46 : memref<16x512xf32, #tpu.memory_space<vmem>>) dst(%dma_wait3A_1558 : memref<16x512xf32, #tpu.memory_space<hbm>>)
      tpu.yield
    }) : () -> ()
    "tpu.region"() ({
      %run_scoped3A = tpu.sem_alloc : memref<!tpu.dma_semaphore, #tpu.memory_space<semaphore_mem>>
      %dma_start3A_1551 = arith.constant 0 : i32
      %dma_start3A_1552 = tpu.memref_slice %arg9[%dma_start3A_1551, %multiple_of3A_1550] : memref<16x16384xf32, #tpu.memory_space<hbm>> -> memref<16x512xf32, #tpu.memory_space<hbm>>
      %dma_start3A_1553 = arith.constant 0 : i32
      %dma_start3A_1554 = tpu.memref_slice %arg9[%dma_start3A_1553, %multiple_of3A_1550] : memref<16x16384xf32, #tpu.memory_space<hbm>> -> memref<16x512xf32, #tpu.memory_space<hbm>>
      tpu.enqueue_dma source(%arg47 : memref<16x512xf32, #tpu.memory_space<vmem>>) target(%dma_start3A_1554 : memref<16x512xf32, #tpu.memory_space<hbm>>) target_semaphore(%run_scoped3A : memref<!tpu.dma_semaphore, #tpu.memory_space<semaphore_mem>>)
      %dma_wait3A_1555 = arith.constant 0 : i32
      %dma_wait3A_1556 = tpu.memref_slice %arg9[%dma_wait3A_1555, %multiple_of3A_1550] : memref<16x16384xf32, #tpu.memory_space<hbm>> -> memref<16x512xf32, #tpu.memory_space<hbm>>
      %dma_wait3A_1557 = arith.constant 0 : i32
      %dma_wait3A_1558 = tpu.memref_slice %arg9[%dma_wait3A_1557, %multiple_of3A_1550] : memref<16x16384xf32, #tpu.memory_space<hbm>> -> memref<16x512xf32, #tpu.memory_space<hbm>>
      tpu.wait_dma2 semaphore(%run_scoped3A : memref<!tpu.dma_semaphore, #tpu.memory_space<semaphore_mem>>) src(%arg47 : memref<16x512xf32, #tpu.memory_space<vmem>>) dst(%dma_wait3A_1558 : memref<16x512xf32, #tpu.memory_space<hbm>>)
      tpu.yield
    }) : () -> ()
    "tpu.region"() ({
      %run_scoped3A = tpu.sem_alloc : memref<!tpu.dma_semaphore, #tpu.memory_space<semaphore_mem>>
      %dma_start3A_1551 = arith.constant 0 : i32
      %dma_start3A_1552 = tpu.memref_slice %arg10[%dma_start3A_1551, %multiple_of3A_1550] : memref<16x16384xf32, #tpu.memory_space<hbm>> -> memref<16x512xf32, #tpu.memory_space<hbm>>
      %dma_start3A_1553 = arith.constant 0 : i32
      %dma_start3A_1554 = tpu.memref_slice %arg10[%dma_start3A_1553, %multiple_of3A_1550] : memref<16x16384xf32, #tpu.memory_space<hbm>> -> memref<16x512xf32, #tpu.memory_space<hbm>>
      tpu.enqueue_dma source(%arg48 : memref<16x512xf32, #tpu.memory_space<vmem>>) target(%dma_start3A_1554 : memref<16x512xf32, #tpu.memory_space<hbm>>) target_semaphore(%run_scoped3A : memref<!tpu.dma_semaphore, #tpu.memory_space<semaphore_mem>>)
      %dma_wait3A_1555 = arith.constant 0 : i32
      %dma_wait3A_1556 = tpu.memref_slice %arg10[%dma_wait3A_1555, %multiple_of3A_1550] : memref<16x16384xf32, #tpu.memory_space<hbm>> -> memref<16x512xf32, #tpu.memory_space<hbm>>
      %dma_wait3A_1557 = arith.constant 0 : i32
      %dma_wait3A_1558 = tpu.memref_slice %arg10[%dma_wait3A_1557, %multiple_of3A_1550] : memref<16x16384xf32, #tpu.memory_space<hbm>> -> memref<16x512xf32, #tpu.memory_space<hbm>>
      tpu.wait_dma2 semaphore(%run_scoped3A : memref<!tpu.dma_semaphore, #tpu.memory_space<semaphore_mem>>) src(%arg48 : memref<16x512xf32, #tpu.memory_space<vmem>>) dst(%dma_wait3A_1558 : memref<16x512xf32, #tpu.memory_space<hbm>>)
      tpu.yield
    }) : () -> ()
    "tpu.region"() ({
      %run_scoped3A = tpu.sem_alloc : memref<!tpu.dma_semaphore, #tpu.memory_space<semaphore_mem>>
      %dma_start3A_1551 = arith.constant 0 : i32
      %dma_start3A_1552 = tpu.memref_slice %arg11[%dma_start3A_1551, %multiple_of3A_1550] : memref<16x16384xf32, #tpu.memory_space<hbm>> -> memref<16x512xf32, #tpu.memory_space<hbm>>
      %dma_start3A_1553 = arith.constant 0 : i32
      %dma_start3A_1554 = tpu.memref_slice %arg11[%dma_start3A_1553, %multiple_of3A_1550] : memref<16x16384xf32, #tpu.memory_space<hbm>> -> memref<16x512xf32, #tpu.memory_space<hbm>>
      tpu.enqueue_dma source(%arg49 : memref<16x512xf32, #tpu.memory_space<vmem>>) target(%dma_start3A_1554 : memref<16x512xf32, #tpu.memory_space<hbm>>) target_semaphore(%run_scoped3A : memref<!tpu.dma_semaphore, #tpu.memory_space<semaphore_mem>>)
      %dma_wait3A_1555 = arith.constant 0 : i32
      %dma_wait3A_1556 = tpu.memref_slice %arg11[%dma_wait3A_1555, %multiple_of3A_1550] : memref<16x16384xf32, #tpu.memory_space<hbm>> -> memref<16x512xf32, #tpu.memory_space<hbm>>
      %dma_wait3A_1557 = arith.constant 0 : i32
      %dma_wait3A_1558 = tpu.memref_slice %arg11[%dma_wait3A_1557, %multiple_of3A_1550] : memref<16x16384xf32, #tpu.memory_space<hbm>> -> memref<16x512xf32, #tpu.memory_space<hbm>>
      tpu.wait_dma2 semaphore(%run_scoped3A : memref<!tpu.dma_semaphore, #tpu.memory_space<semaphore_mem>>) src(%arg49 : memref<16x512xf32, #tpu.memory_space<vmem>>) dst(%dma_wait3A_1558 : memref<16x512xf32, #tpu.memory_space<hbm>>)
      tpu.yield
    }) : () -> ()
    return
  }
}

module attributes {stable_mosaic.version = 14 : i64} {
  func.func @_mlp_body(%arg0: i32, %arg1: memref<16x4096xf32, #tpu.memory_space<vmem>>, %arg2: memref<16x4096xf32, #tpu.memory_space<vmem>>, %arg3: memref<16x4096xf32, #tpu.memory_space<vmem>>, %arg4: memref<16x4096xf32, #tpu.memory_space<vmem>>, %arg5: memref<256x16xf32, #tpu.memory_space<vmem>>, %arg6: memref<256x16xf32, #tpu.memory_space<vmem>>, %arg7: memref<256x1xf32, #tpu.memory_space<vmem>>, %arg8: memref<128x256xf32, #tpu.memory_space<vmem>>, %arg9: memref<128x1xf32, #tpu.memory_space<vmem>>, %arg10: memref<64x128xf32, #tpu.memory_space<vmem>>, %arg11: memref<64x1xf32, #tpu.memory_space<vmem>>, %arg12: memref<1x16xf32, #tpu.memory_space<vmem>>, %arg13: memref<1x64xf32, #tpu.memory_space<vmem>>, %arg14: memref<1x1xf32, #tpu.memory_space<vmem>>, %arg15: memref<1x4096xf32, #tpu.memory_space<vmem>>) attributes {dimension_semantics = [#tpu.dimension_semantics<arbitrary>], iteration_bounds = array<i64: 4>, scalar_prefetch = 0 : i64, scratch_operands = 0 : i64, tpu.core_type = #tpu.core_type<tc>, window_params = [{transform_indices = @transform_0, window_bounds = array<i64: 16, 4096>}, {transform_indices = @transform_1, window_bounds = array<i64: 16, 4096>}, {transform_indices = @transform_2, window_bounds = array<i64: 16, 4096>}, {transform_indices = @transform_3, window_bounds = array<i64: 16, 4096>}, {pipeline_mode = #tpu.pipeline_mode<synchronous>, transform_indices = @transform_4, window_bounds = array<i64: 256, 16>}, {pipeline_mode = #tpu.pipeline_mode<synchronous>, transform_indices = @transform_5, window_bounds = array<i64: 256, 16>}, {pipeline_mode = #tpu.pipeline_mode<synchronous>, transform_indices = @transform_6, window_bounds = array<i64: 256, 1>}, {pipeline_mode = #tpu.pipeline_mode<synchronous>, transform_indices = @transform_7, window_bounds = array<i64: 128, 256>}, {pipeline_mode = #tpu.pipeline_mode<synchronous>, transform_indices = @transform_8, window_bounds = array<i64: 128, 1>}, {pipeline_mode = #tpu.pipeline_mode<synchronous>, transform_indices = @transform_9, window_bounds = array<i64: 64, 128>}, {pipeline_mode = #tpu.pipeline_mode<synchronous>, transform_indices = @transform_10, window_bounds = array<i64: 64, 1>}, {pipeline_mode = #tpu.pipeline_mode<synchronous>, transform_indices = @transform_11, window_bounds = array<i64: 1, 16>}, {pipeline_mode = #tpu.pipeline_mode<synchronous>, transform_indices = @transform_12, window_bounds = array<i64: 1, 64>}, {pipeline_mode = #tpu.pipeline_mode<synchronous>, transform_indices = @transform_13, window_bounds = array<i64: 1, 1>}, {transform_indices = @transform_14, window_bounds = array<i64: 1, 4096>}]} {
    %get3A = arith.constant 0 : index
    %get3A_0 = arith.constant 0 : index
    %get3A_1 = vector.load %arg5[%get3A, %get3A_0] : memref<256x16xf32, #tpu.memory_space<vmem>>, vector<256x16xf32>
    %get3A_2 = arith.constant 0 : index
    %get3A_3 = arith.constant 0 : index
    %get3A_4 = vector.load %arg3[%get3A_2, %get3A_3] : memref<16x4096xf32, #tpu.memory_space<vmem>>, vector<16x4096xf32>
    %dot_general3A = arith.constant dense<0.000000e+00> : vector<256x4096xf32>
    %dot_general3A_5 = tpu.matmul %get3A_1, %get3A_4, %dot_general3A {dimension_numbers = #tpu.dot_dimension_numbers<[1], [0], [0], [1], [0, 0, 1, 1], [], []>, transpose_lhs_hint = false} : vector<256x16xf32>, vector<16x4096xf32>, vector<256x4096xf32> -> vector<256x4096xf32>
    %get3A_6 = arith.constant 0 : index
    %get3A_7 = arith.constant 0 : index
    %get3A_8 = vector.load %arg6[%get3A_6, %get3A_7] : memref<256x16xf32, #tpu.memory_space<vmem>>, vector<256x16xf32>
    %get3A_9 = arith.constant 0 : index
    %get3A_10 = arith.constant 0 : index
    %get3A_11 = vector.load %arg4[%get3A_9, %get3A_10] : memref<16x4096xf32, #tpu.memory_space<vmem>>, vector<16x4096xf32>
    %dot_general3A_12 = arith.constant dense<0.000000e+00> : vector<256x4096xf32>
    %dot_general3A_13 = tpu.matmul %get3A_8, %get3A_11, %dot_general3A_12 {dimension_numbers = #tpu.dot_dimension_numbers<[1], [0], [0], [1], [0, 0, 1, 1], [], []>, transpose_lhs_hint = false} : vector<256x16xf32>, vector<16x4096xf32>, vector<256x4096xf32> -> vector<256x4096xf32>
    %add3A = arith.addf %dot_general3A_5, %dot_general3A_13 : vector<256x4096xf32>
    %get3A_14 = arith.constant 0 : index
    %get3A_15 = arith.constant 0 : index
    %get3A_16 = vector.load %arg7[%get3A_14, %get3A_15] : memref<256x1xf32, #tpu.memory_space<vmem>>, vector<256x1xf32>
    %add3A_17 = vector.broadcast %get3A_16 : vector<256x1xf32> to vector<256x4096xf32>
    %add3A_18 = arith.addf %add3A, %add3A_17 : vector<256x4096xf32>
    %max3A = arith.constant 0.000000e+00 : f32
    %max3A_19 = vector.broadcast %max3A : f32 to vector<256x4096xf32>
    %max3A_20 = arith.maximumf %add3A_18, %max3A_19 : vector<256x4096xf32>
    %get3A_21 = arith.constant 0 : index
    %get3A_22 = arith.constant 0 : index
    %get3A_23 = vector.load %arg8[%get3A_21, %get3A_22] : memref<128x256xf32, #tpu.memory_space<vmem>>, vector<128x256xf32>
    %dot_general3A_24 = arith.constant dense<0.000000e+00> : vector<128x4096xf32>
    %dot_general3A_25 = tpu.matmul %get3A_23, %max3A_20, %dot_general3A_24 {dimension_numbers = #tpu.dot_dimension_numbers<[1], [0], [0], [1], [0, 0, 1, 1], [], []>, transpose_lhs_hint = false} : vector<128x256xf32>, vector<256x4096xf32>, vector<128x4096xf32> -> vector<128x4096xf32>
    %get3A_26 = arith.constant 0 : index
    %get3A_27 = arith.constant 0 : index
    %get3A_28 = vector.load %arg9[%get3A_26, %get3A_27] : memref<128x1xf32, #tpu.memory_space<vmem>>, vector<128x1xf32>
    %add3A_29 = vector.broadcast %get3A_28 : vector<128x1xf32> to vector<128x4096xf32>
    %add3A_30 = arith.addf %dot_general3A_25, %add3A_29 : vector<128x4096xf32>
    %max3A_31 = arith.constant 0.000000e+00 : f32
    %max3A_32 = vector.broadcast %max3A_31 : f32 to vector<128x4096xf32>
    %max3A_33 = arith.maximumf %add3A_30, %max3A_32 : vector<128x4096xf32>
    %get3A_34 = arith.constant 0 : index
    %get3A_35 = arith.constant 0 : index
    %get3A_36 = vector.load %arg10[%get3A_34, %get3A_35] : memref<64x128xf32, #tpu.memory_space<vmem>>, vector<64x128xf32>
    %dot_general3A_37 = arith.constant dense<0.000000e+00> : vector<64x4096xf32>
    %dot_general3A_38 = tpu.matmul %get3A_36, %max3A_33, %dot_general3A_37 {dimension_numbers = #tpu.dot_dimension_numbers<[1], [0], [0], [1], [0, 0, 1, 1], [], []>, transpose_lhs_hint = false} : vector<64x128xf32>, vector<128x4096xf32>, vector<64x4096xf32> -> vector<64x4096xf32>
    %get3A_39 = arith.constant 0 : index
    %get3A_40 = arith.constant 0 : index
    %get3A_41 = vector.load %arg11[%get3A_39, %get3A_40] : memref<64x1xf32, #tpu.memory_space<vmem>>, vector<64x1xf32>
    %add3A_42 = vector.broadcast %get3A_41 : vector<64x1xf32> to vector<64x4096xf32>
    %add3A_43 = arith.addf %dot_general3A_38, %add3A_42 : vector<64x4096xf32>
    %max3A_44 = arith.constant 0.000000e+00 : f32
    %max3A_45 = vector.broadcast %max3A_44 : f32 to vector<64x4096xf32>
    %max3A_46 = arith.maximumf %add3A_43, %max3A_45 : vector<64x4096xf32>
    %get3A_47 = arith.constant 0 : index
    %get3A_48 = arith.constant 0 : index
    %get3A_49 = vector.load %arg12[%get3A_47, %get3A_48] : memref<1x16xf32, #tpu.memory_space<vmem>>, vector<1x16xf32>
    %get3A_50 = arith.constant 0 : index
    %get3A_51 = arith.constant 0 : index
    %get3A_52 = vector.load %arg1[%get3A_50, %get3A_51] : memref<16x4096xf32, #tpu.memory_space<vmem>>, vector<16x4096xf32>
    %get3A_53 = arith.constant 0 : index
    %get3A_54 = arith.constant 0 : index
    %get3A_55 = vector.load %arg2[%get3A_53, %get3A_54] : memref<16x4096xf32, #tpu.memory_space<vmem>>, vector<16x4096xf32>
    %mul3A = arith.mulf %get3A_52, %get3A_55 : vector<16x4096xf32>
    %dot_general3A_56 = arith.constant dense<0.000000e+00> : vector<1x4096xf32>
    %dot_general3A_57 = tpu.matmul %get3A_49, %mul3A, %dot_general3A_56 {dimension_numbers = #tpu.dot_dimension_numbers<[1], [0], [0], [1], [0, 0, 1, 1], [], []>, transpose_lhs_hint = false} : vector<1x16xf32>, vector<16x4096xf32>, vector<1x4096xf32> -> vector<1x4096xf32>
    %get3A_58 = arith.constant 0 : index
    %get3A_59 = arith.constant 0 : index
    %get3A_60 = vector.load %arg13[%get3A_58, %get3A_59] : memref<1x64xf32, #tpu.memory_space<vmem>>, vector<1x64xf32>
    %dot_general3A_61 = arith.constant dense<0.000000e+00> : vector<1x4096xf32>
    %dot_general3A_62 = tpu.matmul %get3A_60, %max3A_46, %dot_general3A_61 {dimension_numbers = #tpu.dot_dimension_numbers<[1], [0], [0], [1], [0, 0, 1, 1], [], []>, transpose_lhs_hint = false} : vector<1x64xf32>, vector<64x4096xf32>, vector<1x4096xf32> -> vector<1x4096xf32>
    %get3A_63 = arith.constant 0 : index
    %get3A_64 = arith.constant 0 : index
    %get3A_65 = vector.load %arg14[%get3A_63, %get3A_64] : memref<1x1xf32, #tpu.memory_space<vmem>>, vector<1x1xf32>
    %add3A_66 = vector.broadcast %get3A_65 : vector<1x1xf32> to vector<1x4096xf32>
    %add3A_67 = arith.addf %dot_general3A_62, %add3A_66 : vector<1x4096xf32>
    %add3A_68 = arith.addf %dot_general3A_57, %add3A_67 : vector<1x4096xf32>
    %logistic3A = arith.negf %add3A_68 : vector<1x4096xf32>
    %logistic3A_69 = math.exp %logistic3A : vector<1x4096xf32>
    %logistic3A_70 = arith.constant 1.000000e+00 : f32
    %logistic3A_71 = vector.broadcast %logistic3A_70 : f32 to vector<1x4096xf32>
    %logistic3A_72 = arith.addf %logistic3A_71, %logistic3A_69 : vector<1x4096xf32>
    %logistic3A_73 = arith.divf %logistic3A_71, %logistic3A_72 : vector<1x4096xf32>
    %swap3A = arith.constant 0 : index
    %swap3A_74 = arith.constant 0 : index
    %swap3A_75 = vector.load %arg15[%swap3A, %swap3A_74] : memref<1x4096xf32, #tpu.memory_space<vmem>>, vector<1x4096xf32>
    tpu.vector_store %arg15[%swap3A, %swap3A_74], %logistic3A_73 {strides = array<i32>} : memref<1x4096xf32, #tpu.memory_space<vmem>>, vector<1x4096xf32>,
    return
  }
  func.func @transform_0(%arg0: i32) -> (i32, i32) {
    %c0_i32 = arith.constant 0 : i32
    %c0_i32_0 = arith.constant 0 : i32
    return %c0_i32, %arg0 : i32, i32
  }
  func.func @transform_1(%arg0: i32) -> (i32, i32) {
    %c0_i32 = arith.constant 0 : i32
    %c0_i32_0 = arith.constant 0 : i32
    return %c0_i32, %arg0 : i32, i32
  }
  func.func @transform_2(%arg0: i32) -> (i32, i32) {
    %c0_i32 = arith.constant 0 : i32
    %c0_i32_0 = arith.constant 0 : i32
    return %c0_i32, %arg0 : i32, i32
  }
  func.func @transform_3(%arg0: i32) -> (i32, i32) {
    %c0_i32 = arith.constant 0 : i32
    %c0_i32_0 = arith.constant 0 : i32
    return %c0_i32, %arg0 : i32, i32
  }
  func.func @transform_4(%arg0: i32) -> (i32, i32) {
    %c0_i32 = arith.constant 0 : i32
    %c0_i32_0 = arith.constant 0 : i32
    %c0_i32_1 = arith.constant 0 : i32
    return %c0_i32, %c0_i32_0 : i32, i32
  }
  func.func @transform_5(%arg0: i32) -> (i32, i32) {
    %c0_i32 = arith.constant 0 : i32
    %c0_i32_0 = arith.constant 0 : i32
    %c0_i32_1 = arith.constant 0 : i32
    return %c0_i32, %c0_i32_0 : i32, i32
  }
  func.func @transform_6(%arg0: i32) -> (i32, i32) {
    %c0_i32 = arith.constant 0 : i32
    %c0_i32_0 = arith.constant 0 : i32
    %c0_i32_1 = arith.constant 0 : i32
    return %c0_i32, %c0_i32_0 : i32, i32
  }
  func.func @transform_7(%arg0: i32) -> (i32, i32) {
    %c0_i32 = arith.constant 0 : i32
    %c0_i32_0 = arith.constant 0 : i32
    %c0_i32_1 = arith.constant 0 : i32
    return %c0_i32, %c0_i32_0 : i32, i32
  }
  func.func @transform_8(%arg0: i32) -> (i32, i32) {
    %c0_i32 = arith.constant 0 : i32
    %c0_i32_0 = arith.constant 0 : i32
    %c0_i32_1 = arith.constant 0 : i32
    return %c0_i32, %c0_i32_0 : i32, i32
  }
  func.func @transform_9(%arg0: i32) -> (i32, i32) {
    %c0_i32 = arith.constant 0 : i32
    %c0_i32_0 = arith.constant 0 : i32
    %c0_i32_1 = arith.constant 0 : i32
    return %c0_i32, %c0_i32_0 : i32, i32
  }
  func.func @transform_10(%arg0: i32) -> (i32, i32) {
    %c0_i32 = arith.constant 0 : i32
    %c0_i32_0 = arith.constant 0 : i32
    %c0_i32_1 = arith.constant 0 : i32
    return %c0_i32, %c0_i32_0 : i32, i32
  }
  func.func @transform_11(%arg0: i32) -> (i32, i32) {
    %c0_i32 = arith.constant 0 : i32
    %c0_i32_0 = arith.constant 0 : i32
    %c0_i32_1 = arith.constant 0 : i32
    return %c0_i32, %c0_i32_0 : i32, i32
  }
  func.func @transform_12(%arg0: i32) -> (i32, i32) {
    %c0_i32 = arith.constant 0 : i32
    %c0_i32_0 = arith.constant 0 : i32
    %c0_i32_1 = arith.constant 0 : i32
    return %c0_i32, %c0_i32_0 : i32, i32
  }
  func.func @transform_13(%arg0: i32) -> (i32, i32) {
    %c0_i32 = arith.constant 0 : i32
    %c0_i32_0 = arith.constant 0 : i32
    %c0_i32_1 = arith.constant 0 : i32
    return %c0_i32, %c0_i32_0 : i32, i32
  }
  func.func @transform_14(%arg0: i32) -> (i32, i32) {
    %c0_i32 = arith.constant 0 : i32
    %c0_i32_0 = arith.constant 0 : i32
    return %c0_i32, %arg0 : i32, i32
  }
}

</mosaic_0001>

<sc_bundles>
// kernel: kernel.4.cloned.1.call-start
scs
__scs_entry_jumppad:
0x0: {  	(pc) =	sbr.rel $0x88, $3  }
0x1: {  	(tag) =	ssettag $0x0;
	lr =	simm.s32 $0x1  }
0x2: {  	[smem:$0x3F93] =	sst lr;
	_ =	strace $0xD0000000  }
0x3: {  	_ = 	snop  }
0x4: {  	_ = 	snop  }
0x5: {  	_ = 	snop  }
0x6: {  	_ = 	snop  }
0x7: {  	_ = 	snop  }
__scs_overlays_trampoline_lowered:
0x8: {  	[smem:$0x3FA2] =	sst s0  }
0x9: {  	[smem:$0x3FA3] =	sst s1  }
0xa: {  	[smem:$0x3FA4] =	sst s2  }
0xb: {  	[smem:$0x3FA5] =	sst s3  }
0xc: {  	[smem:$0x3FA6] =	sst s4  }
0xd: {  	[smem:$0x3FA7] =	sst s5  }
0xe: {  	[smem:$0x3FA8] =	sst s6  }
0xf: {  	[smem:$0x3FA9] =	sst s7  }
0x10: {  	[smem:$0x3FAA] =	sst s8  }
0x11: {  	[smem:$0x3FAB] =	sst s9;
	s0 =	simm.s32 @!p0 $0x0  }
0x12: {  	s1 =	sld [smem:$0x3F91];
	s0 =	simm.s32 @p0 $0x1  }
0x13: {  	[smem:$0x3FAC] =	sst s0;
	s0 =	simm.s32 @!p1 $0x0  }
0x14: {  	s2 =	sld [smem:$0x3F90];
	s0 =	simm.s32 @p1 $0x1  }
0x15: {  	[smem:$0x3FAD] =	sst s0;
	s0 =	simm.s32 @!p2 $0x0  }
0x16: {  	s3 =	sld [smem:$0x3FDB];
	s0 =	simm.s32 @p2 $0x1  }
0x17: {  	s4 =	simm.s32 $0x1BF5;
	[smem:$0x3FAF] =	sst s0  }
0x18: {  	s0 =	sld [smem:$0x3F92];
	_ =	swait.ge [sflag:s4], $0x0  }
0x19: {  	s7 =	sld [smem:$0x3F93]  }
0x1a: {  	s8 =	sadd.s32 $0xFFFFE003, lr  }
0x1b: {  	s9 =	sadd.s32 $0xFFFFFEF7, lr;
	s5 =	simm.s32 $0xFFFFFFFF;
	p2 =	slt.u32 s8, $0xFFFFF086  }
0x1c: {  	p1 =	slt.u32 s9, $0xF7A;
	s5 =	simm.s32 @!p2 $0x0  }
0x1d: {  	s5 =	simm.s32 @p1 $0x1;
	p0 =	seq.s32 s7, s2  }
0x1e: {  	s7 =	smul.u32 @!p0 $0xF7A, s2;
	p2 =	seq.s32 @!p0 s5, $0x0  }
0x1f: {  	s9 =	smul.u32 $0xF7A, s1;
	s8 =	simm.s32 @!p0 $0x1BF5;
	p2 =	por !p2, p0  }
0x20: {  	[sflag:s8] =	ssyncset.s32 @!p0 $0xFFFFF086;
	s6 =	sadd.s32 @!p0 s3, s7;
	s7 =	simm.s32 @!p0 $0x108  }
0x21: {  	s3 =	sadd.s32 s3, s9;
	s6 =	sadd.s32 @!p0 $0x88, s6;
	s7 =	simm.s32 @p2 $0x1082  }
0x22: {  	[simem:s7], [sflag:s8] =	dma.local @!p0 [hbm:s6], $0xF7A  }
0x23: {  	s9 =	sor.u32 $0xD0000000, s2;
	s6 =	simm.s32 $0x108;
	_ =	swait.ge @!p0 [sflag:s8], $0x0  }
0x24: {  	s3 =	sadd.s32 $0x88, s3;
	s6 =	simm.s32 @!p1 $0x1082;
	[sflag:s4] =	ssyncset.s32 $0xFFFFF086  }
0x25: {  	[simem:s6], [sflag:s4] =	dma.local [hbm:s3], $0xF7A  }
0x26: {  	[smem:$0x3F93] =	sst s1;
	(tag) =	ssettag s2;
	_ =	strace s9  }
0x27: {  	s1 =	sld [smem:$0x3FA3]  }
0x28: {  	s2 =	sld [smem:$0x3FA4]  }
0x29: {  	s4 =	sld [smem:$0x3FA6]  }
0x2a: {  	p0 =	seq.s32 s5, $0x0;
	s5 =	sld [smem:$0x3FA7]  }
0x2b: {  	s6 =	sld [smem:$0x3FA8]  }
0x2c: {  	s7 =	sld [smem:$0x3FA9]  }
0x2d: {  	s3 =	simm.s32 $0x108;
	s8 =	sld [smem:$0x3FAA]  }
0x2e: {  	s3 =	simm.s32 @!p0 $0x1082;
	s9 =	sld [smem:$0x3FAB]  }
0x2f: {  	lr =	sadd.s32 s0, s3;
	s0 =	sld [smem:$0x3FA2]  }
0x30: {  	s3 =	sld [smem:$0x3FA5]  }
0x31: {  	[smem:$0x3FAE] =	sst s10  }
0x32: {  	s10 =	sld [smem:$0x3FAC];
	_ =	sdelay $0x3  }
0x33: {  	p0 =	seq.s32 s10, $0x1;
	s10 =	sld [smem:$0x3FAE];
	_ =	sdelay $0x3  }
0x34: {  	[smem:$0x3FAE] =	sst s10  }
0x35: {  	s10 =	sld [smem:$0x3FAD];
	_ =	sdelay $0x3  }
0x36: {  	p1 =	seq.s32 s10, $0x1;
	s10 =	sld [smem:$0x3FAE];
	_ =	sdelay $0x3  }
0x37: {  	[smem:$0x3FAE] =	sst s10  }
0x38: {  	s10 =	sld [smem:$0x3FAF]  }
0x39: {  	_ = 	snop;
	(pc) =	sbr.ind lr, $3  }
0x3a: {  	_ = 	snop  }
0x3b: {  	_ = 	snop  }
0x3c: {  	p2 =	seq.s32 s10, $0x1;
	s10 =	sld [smem:$0x3FAE]  }
0x3d: {  	_ =	shalt  }
0x3e: {  	_ =	shalt  }
0x3f: {  	_ =	shalt  }
0x40: {  	_ =	shalt  }
0x41: {  	_ =	shalt  }
0x42: {  	_ =	shalt  }
0x43: {  	_ =	shalt  }
0x44: {  	_ =	shalt  }
0x45: {  	_ =	shalt  }
0x46: {  	_ =	shalt  }
0x47: {  	_ =	shalt  }
0x48: {  	_ =	shalt  }
0x49: {  	_ =	shalt  }
0x4a: {  	_ =	shalt  }
0x4b: {  	_ =	shalt  }
0x4c: {  	_ =	shalt  }
0x4d: {  	_ =	shalt  }
0x4e: {  	_ =	shalt  }
0x4f: {  	_ =	shalt  }
0x50: {  	_ =	shalt  }
0x51: {  	_ =	shalt  }
0x52: {  	_ =	shalt  }
0x53: {  	_ =	shalt  }
0x54: {  	_ =	shalt  }
0x55: {  	_ =	shalt  }
0x56: {  	_ =	shalt  }
0x57: {  	_ =	shalt  }
0x58: {  	_ =	shalt  }
0x59: {  	_ =	shalt  }
0x5a: {  	_ =	shalt  }
0x5b: {  	_ =	shalt  }
0x5c: {  	_ =	shalt  }
0x5d: {  	_ =	shalt  }
0x5e: {  	_ =	shalt  }
0x5f: {  	_ =	shalt  }
0x60: {  	_ =	shalt  }
0x61: {  	_ =	shalt  }
0x62: {  	_ =	shalt  }
0x63: {  	_ =	shalt  }
0x64: {  	_ =	shalt  }
0x65: {  	_ =	shalt  }
0x66: {  	_ =	shalt  }
0x67: {  	_ =	shalt  }
0x68: {  	_ =	shalt  }
0x69: {  	_ =	shalt  }
0x6a: {  	_ =	shalt  }
0x6b: {  	_ =	shalt  }
0x6c: {  	_ =	shalt  }
0x6d: {  	_ =	shalt  }
0x6e: {  	_ =	shalt  }
0x6f: {  	_ =	shalt  }
0x70: {  	_ =	shalt  }
0x71: {  	_ =	shalt  }
0x72: {  	_ =	shalt  }
0x73: {  	_ =	shalt  }
0x74: {  	_ =	shalt  }
0x75: {  	_ =	shalt  }
0x76: {  	_ =	shalt  }
0x77: {  	_ =	shalt  }
0x78: {  	_ =	shalt  }
0x79: {  	_ =	shalt  }
0x7a: {  	_ =	shalt  }
0x7b: {  	_ =	shalt  }
0x7c: {  	_ =	shalt  }
0x7d: {  	_ =	shalt  }
0x7e: {  	_ =	shalt  }
0x7f: {  	_ =	shalt  }
0x80: {  	_ =	shalt  }
0x81: {  	_ =	shalt  }
0x82: {  	_ =	shalt  }
0x83: {  	_ =	shalt  }
0x84: {  	_ =	shalt  }
0x85: {  	_ =	shalt  }
0x86: {  	_ =	shalt  }
0x87: {  	_ =	shalt  }
.Lfunc_end0:
.L_simem_size_0:
called_computation_lowered:
.L_overlay_start_0:
0x88: {  	s2 =	sld [smem:$0x3FD9]  }
0x89: {  	s3 =	sld [smem:$0x3FFE];
	_ =	sdelay $0x1  }
0x8a: {  	s1 =	srdreg.scid  }
0x8b: {  	s0 =	sand.u32 $0x1, s1  }
0x8c: {  	s17 =	sshll.u32 s0, $0xA;
	s2 =	sadd.s32 s3, s2  }
0x8d: {  	s2 =	sadd.s32 s2, s17  }
0x8e: {  	[smem:$0x3FBA] =	sst s2  }
0x8f: {  	_ = 	snop  }
0x90: {  	s2 =	sld [smem:$0x3FC9]  }
0x91: {  	s18 =	sld [smem:$0x3FC8]  }
0x92: {  	s4 =	sld [smem:$0x3FC7]  }
0x93: {  	s5 =	sld [smem:$0x3FC6]  }
0x94: {  	s6 =	sld [smem:$0x3FC5]  }
0x95: {  	s7 =	sld [smem:$0x3FC4];
	(tm) =	ssettm $0x1  }
0x96: {  	s8 =	sld [smem:$0x3FFB];
	_ =	sdelay $0x3  }
0x97: {  	_ =	strace s8  }
0x98: {  	s8 =	sld [smem:$0x3FFC];
	_ =	sdelay $0x3  }
0x99: {  	_ =	strace s8  }
0x9a: {  	s8 =	sld [smem:$0x3FFD];
	_ =	sdelay $0x3  }
0x9b: {  	_ =	strace s8  }
0x9c: {  	_ =	strace $0x8FFFFFFF  }
0x9d: {  	s19 =	sld [smem:$0x3FDB];
	_ =	sdelay $0x1  }
0x9e: {  	s9 =	simm.s32 $_scs_section_size  }
0x9f: {  	s10 =	simm.s32 $_size__tile_overlayer_lowered;
	s11 =	simm.s32 $_tile_overlayer_lowered  }
0xa0: {  	s22 =	simm.s32 $0x1BFF;
	s21 =	sshll.u32 s11, $0x1;
	s8 =	sadd.s32 s9, s19  }
0xa1: {  	s12 =	simm.s32 $0x0;
	s20 =	sshll.u32 s10, $0x1;
	s10 =	sadd.s32 s21, s8  }
0xa2: {  	[timem:s12], [sflag:s22] =	dma.local [hbm:s10], s20  }
0xa3: {  	_ =	swait.ge [sflag:s22], s20  }
0xa4: {  	s9 =	ssub.s32 $0x0, s20;
	[sflag:s22] =	ssyncset.done $0x0  }
0xa5: {  	[sflag:s22] =	ssyncadd.s32 s9;
	_ =	sdelay $0x1  }
0xa6: {  	s23 =	simm.s32 $0x1B8B  }
0xa7: {  	_ =	swait.ge [sflag:s23], $0x1  }
0xa8: {  	[sflag:s23] =	ssyncset.done $0x0  }
0xa9: {  	s25 =	simm.s32 $0x1B8E;
	s24 =	sld [smem:$0x3FFE];
	[sflag:s23] =	ssyncadd.s32 $0xFFFFFFFF  }
0xaa: {  	s26 =	simm.s32 $execute0_lowered;
	[smem:$0x3FD2] =	sst s25  }
0xab: {  	s10 =	sshll.u32 s26, $0x1;
	_ =	strace $0x80000046;
	[dreg:$0x1] =	wrdreg $0xFFFFFFFF  }
0xac: {  	s28 =	simm.s32 $_size_execute0_lowered;
	s8 =	sadd.s32 s8, s10;
	[dreg:$0x0] =	wrdreg $0x0  }
0xad: {  	s10 =	sshll.u32 s28, $0x1;
	[dreg:$0x2] =	wrdreg s8  }
0xae: {  	[dreg:$0x3] =	wrdreg s10  }
0xaf: {  	[dreg:$0x4] =	wrdreg $0xC0  }
0xb0: {  	_ =	task [dreg:s12], $0x5FFFF  }
0xb1: {  	[dreg:$0x1] =	wrdreg $0xFFFFFFFF  }
0xb2: {  	[dreg:$0x0] =	wrdreg $0x60  }
0xb3: {  	[dreg:$0x2] =	wrdreg s2  }
0xb4: {  	[dreg:$0x3] =	wrdreg s18  }
0xb5: {  	[dreg:$0x4] =	wrdreg s4  }
0xb6: {  	[dreg:$0x5] =	wrdreg s5  }
0xb7: {  	[dreg:$0x6] =	wrdreg s6  }
0xb8: {  	[dreg:$0x7] =	wrdreg s7  }
0xb9: {  	[dreg:$0x8] =	wrdreg s24  }
0xba: {  	[dreg:$0x9] =	wrdreg $0x9  }
0xbb: {  	_ =	task.clear_ibuf [dreg:s12], $0xAFFFF;
	_ =	strace $0x90000046  }
0xbc: {  	s29 =	simm.s32 $0x9;
	_ =	strace $0x80000048  }
0xbd: {  	_ =	swait.ge [sflag:s29], $0x1  }
0xbe: {  	[sflag:s29] =	ssyncadd.s32 $0xFFFFFFFF  }
0xbf: {  	_ =	strace $0x90000048  }
0xc0: {  	_ =	sfence  }
0xc1: {  	s30 =	sld [smem:$0x0];
	_ =	sdelay $0x2  }
0xc2: {  	s31 =	sshll.u32 s1, $0xD;
	s1 =	sshrl.u32 s1, $0x2  }
0xc3: {  	s3 =	sand.u32 $0x4000, s31;
	s1 =	sadd.s32 s1, s30  }
0xc4: {  	s0 =	sor.u32 s3, s0;
	s1 =	sshll.u32 s1, $0x11  }
0xc5: {  	s0 =	sor.u32 s1, s0  }
0xc6: {  	s0 =	sadd.s32 $0x8F2B, s0  }
0xc7: {  	[sflag:s0] =	ssyncadd.remote.s32 $0x1  }
0xc8: {  	_ =	sfence.sel $0xFFFF  }
0xc9: {  	[dreg:$0x0] =	wrdreg $0xFFFFFFFF;
	(pc) =	sbr.abs _section_cstart, $3  }
0xca: {  	[dreg:$0x1] =	wrdreg $0xFFFFFFFF  }
0xcb: {  	_ =	task.clear_ibuf [dreg:s12], $0x2FFFF;
	_ =	strace $0x9FFFFFFF  }
0xcc: {  	(tm) =	ssettm $0x7FFFFFFF  }
0xcd: {  	_ =	shalt  }
tec
execute0_lowered:
.L_overlay_start_1:
0x0: {  	(tag) =	ssettag $0x1  }
0x1: {  	v0 =	vimm.s32 $0x1380;
	vm14 =	vcmask $0x300;
	vm13 =	vcmask $0x704  }
0x2: {  	vm12 =	vcmask $0xB08;
	vm11 =	vcmask $0xF0C;
	vm10 =	vcmask $0x1310  }
0x3: {  	vm9 =	vcmask $0x1714;
	vm8 =	vcmask $0x1B18;
	vm7 =	vcmask $0x1F1C  }
0x4: {  	vm6 =	vcmask $0x2320;
	vm5 =	vcmask $0x2724;
	vm4 =	vcmask $0x2B28  }
0x5: {  	vm3 =	vcmask $0x2F2C;
	vm2 =	vcmask $0x3330;
	vm1 =	vcmask $0x3734  }
0x6: {  	v1 =	vlaneseq.u32;
	vm0 =	vcmask $0x3B38;
	v3 =	vimm.s32 $0x1382  }
0x7: {  	v4 =	vimm.s32 $0x1383;
	v5 =	vimm.s32 $0x1384;
	v6 =	vimm.s32 $0x1385  }
0x8: {  	v7 =	vimm.s32 $0x1386;
	v8 =	vimm.s32 $0x1387;
	v9 =	vimm.s32 $0x1388  }
0x9: {  	v10 =	vimm.s32 $0x1FF9;
	v11 =	vimm.s32 $0x1FFA;
	v12 =	vimm.s32 $0x1FFB  }
0xa: {  	v13 =	vimm.s32 $0x1FFC;
	v14 =	vimm.s32 $0x1FFD;
	v15 =	vimm.s32 $0x1FFE  }
0xb: {  	v16 =	vimm.s32 $0x1FFF;
	v0 =	vsel vm14, $0x0, v0;
	v3 =	vsel vm14, $0x2, v3  }
0xc: {  	v4 =	vsel vm14, $0x3, v4;
	v5 =	vsel vm14, $0x4, v5;
	v6 =	vsel vm14, $0x5, v6  }
0xd: {  	v7 =	vsel vm14, $0x6, v7;
	v8 =	vsel vm14, $0x7, v8;
	v9 =	vsel vm14, $0x8, v9  }
0xe: {  	v10 =	vsel vm14, $0xC79, v10;
	v11 =	vsel vm14, $0xC7A, v11;
	v12 =	vsel vm14, $0xC7B, v12  }
0xf: {  	v13 =	vsel vm14, $0xC7C, v13;
	v14 =	vsel vm14, $0xC7D, v14;
	v15 =	vsel vm14, $0xC7E, v15  }
0x10: {  	v16 =	vsel vm14, $0xC7F, v16;
	v0 =	vsel vm13, $0x80, v0;
	v3 =	vsel vm13, $0x82, v3  }
0x11: {  	v4 =	vsel vm13, $0x83, v4;
	v5 =	vsel vm13, $0x84, v5;
	v6 =	vsel vm13, $0x85, v6  }
0x12: {  	v7 =	vsel vm13, $0x86, v7;
	v8 =	vsel vm13, $0x87, v8;
	v9 =	vsel vm13, $0x88, v9  }
0x13: {  	v10 =	vsel vm13, $0xCF9, v10;
	v11 =	vsel vm13, $0xCFA, v11;
	v12 =	vsel vm13, $0xCFB, v12  }
0x14: {  	v13 =	vsel vm13, $0xCFC, v13;
	v14 =	vsel vm13, $0xCFD, v14;
	v15 =	vsel vm13, $0xCFE, v15  }
0x15: {  	v16 =	vsel vm13, $0xCFF, v16;
	v0 =	vsel vm12, $0x100, v0;
	v3 =	vsel vm12, $0x102, v3  }
0x16: {  	v4 =	vsel vm12, $0x103, v4;
	v5 =	vsel vm12, $0x104, v5;
	v6 =	vsel vm12, $0x105, v6  }
0x17: {  	v7 =	vsel vm12, $0x106, v7;
	v8 =	vsel vm12, $0x107, v8;
	v9 =	vsel vm12, $0x108, v9  }
0x18: {  	v10 =	vsel vm12, $0xD79, v10;
	v11 =	vsel vm12, $0xD7A, v11;
	v12 =	vsel vm12, $0xD7B, v12  }
0x19: {  	v13 =	vsel vm12, $0xD7C, v13;
	v14 =	vsel vm12, $0xD7D, v14;
	v15 =	vsel vm12, $0xD7E, v15  }
0x1a: {  	v16 =	vsel vm12, $0xD7F, v16;
	v0 =	vsel vm11, $0x180, v0;
	v3 =	vsel vm11, $0x182, v3  }
0x1b: {  	v4 =	vsel vm11, $0x183, v4;
	v5 =	vsel vm11, $0x184, v5;
	v6 =	vsel vm11, $0x185, v6  }
0x1c: {  	v7 =	vsel vm11, $0x186, v7;
	v8 =	vsel vm11, $0x187, v8;
	v9 =	vsel vm11, $0x188, v9  }
0x1d: {  	v10 =	vsel vm11, $0xDF9, v10;
	v11 =	vsel vm11, $0xDFA, v11;
	v12 =	vsel vm11, $0xDFB, v12  }
0x1e: {  	v13 =	vsel vm11, $0xDFC, v13;
	v14 =	vsel vm11, $0xDFD, v14;
	v15 =	vsel vm11, $0xDFE, v15  }
0x1f: {  	v16 =	vsel vm11, $0xDFF, v16;
	v0 =	vsel vm10, $0x200, v0;
	v3 =	vsel vm10, $0x202, v3  }
0x20: {  	v4 =	vsel vm10, $0x203, v4;
	v5 =	vsel vm10, $0x204, v5;
	v6 =	vsel vm10, $0x205, v6  }
0x21: {  	v7 =	vsel vm10, $0x206, v7;
	v8 =	vsel vm10, $0x207, v8;
	v9 =	vsel vm10, $0x208, v9  }
0x22: {  	v10 =	vsel vm10, $0xE79, v10;
	v11 =	vsel vm10, $0xE7A, v11;
	v12 =	vsel vm10, $0xE7B, v12  }
0x23: {  	v13 =	vsel vm10, $0xE7C, v13;
	v14 =	vsel vm10, $0xE7D, v14;
	v15 =	vsel vm10, $0xE7E, v15  }
0x24: {  	v16 =	vsel vm10, $0xE7F, v16;
	v0 =	vsel vm9, $0x280, v0;
	v3 =	vsel vm9, $0x282, v3  }
0x25: {  	v4 =	vsel vm9, $0x283, v4;
	v5 =	vsel vm9, $0x284, v5;
	v6 =	vsel vm9, $0x285, v6  }
0x26: {  	v7 =	vsel vm9, $0x286, v7;
	v8 =	vsel vm9, $0x287, v8;
	v9 =	vsel vm9, $0x288, v9  }
0x27: {  	v10 =	vsel vm9, $0xEF9, v10;
	v11 =	vsel vm9, $0xEFA, v11;
	v12 =	vsel vm9, $0xEFB, v12  }
0x28: {  	v13 =	vsel vm9, $0xEFC, v13;
	v14 =	vsel vm9, $0xEFD, v14;
	v15 =	vsel vm9, $0xEFE, v15  }
0x29: {  	v16 =	vsel vm9, $0xEFF, v16;
	v0 =	vsel vm8, $0x300, v0;
	v3 =	vsel vm8, $0x302, v3  }
0x2a: {  	v4 =	vsel vm8, $0x303, v4;
	v5 =	vsel vm8, $0x304, v5;
	v6 =	vsel vm8, $0x305, v6  }
0x2b: {  	v7 =	vsel vm8, $0x306, v7;
	v8 =	vsel vm8, $0x307, v8;
	v9 =	vsel vm8, $0x308, v9  }
0x2c: {  	v10 =	vsel vm8, $0xF79, v10;
	v11 =	vsel vm8, $0xF7A, v11;
	v12 =	vsel vm8, $0xF7B, v12  }
0x2d: {  	v13 =	vsel vm8, $0xF7C, v13;
	v14 =	vsel vm8, $0xF7D, v14;
	v15 =	vsel vm8, $0xF7E, v15  }
0x2e: {  	v16 =	vsel vm8, $0xF7F, v16;
	v0 =	vsel vm7, $0x380, v0;
	v3 =	vsel vm7, $0x382, v3  }
0x2f: {  	v4 =	vsel vm7, $0x383, v4;
	v5 =	vsel vm7, $0x384, v5;
	v6 =	vsel vm7, $0x385, v6  }
0x30: {  	v7 =	vsel vm7, $0x386, v7;
	v8 =	vsel vm7, $0x387, v8;
	v9 =	vsel vm7, $0x388, v9  }
0x31: {  	v10 =	vsel vm7, $0xFF9, v10;
	v11 =	vsel vm7, $0xFFA, v11;
	v12 =	vsel vm7, $0xFFB, v12  }
0x32: {  	v13 =	vsel vm7, $0xFFC, v13;
	v14 =	vsel vm7, $0xFFD, v14;
	v15 =	vsel vm7, $0xFFE, v15  }
0x33: {  	v16 =	vsel vm7, $0xFFF, v16;
	v0 =	vsel vm6, $0x1000, v0;
	v3 =	vsel vm6, $0x1002, v3  }
0x34: {  	v4 =	vsel vm6, $0x1003, v4;
	v5 =	vsel vm6, $0x1004, v5;
	v6 =	vsel vm6, $0x1005, v6  }
0x35: {  	v7 =	vsel vm6, $0x1006, v7;
	v8 =	vsel vm6, $0x1007, v8;
	v9 =	vsel vm6, $0x1008, v9  }
0x36: {  	v10 =	vsel vm6, $0x1C79, v10;
	v11 =	vsel vm6, $0x1C7A, v11;
	v12 =	vsel vm6, $0x1C7B, v12  }
0x37: {  	v13 =	vsel vm6, $0x1C7C, v13;
	v14 =	vsel vm6, $0x1C7D, v14;
	v15 =	vsel vm6, $0x1C7E, v15  }
0x38: {  	v16 =	vsel vm6, $0x1C7F, v16;
	v0 =	vsel vm5, $0x1080, v0;
	v3 =	vsel vm5, $0x1082, v3  }
0x39: {  	v4 =	vsel vm5, $0x1083, v4;
	v5 =	vsel vm5, $0x1084, v5;
	v6 =	vsel vm5, $0x1085, v6  }
0x3a: {  	v7 =	vsel vm5, $0x1086, v7;
	v8 =	vsel vm5, $0x1087, v8;
	v9 =	vsel vm5, $0x1088, v9  }
0x3b: {  	v10 =	vsel vm5, $0x1CF9, v10;
	v11 =	vsel vm5, $0x1CFA, v11;
	v12 =	vsel vm5, $0x1CFB, v12  }
0x3c: {  	v13 =	vsel vm5, $0x1CFC, v13;
	v14 =	vsel vm5, $0x1CFD, v14;
	v15 =	vsel vm5, $0x1CFE, v15  }
0x3d: {  	v16 =	vsel vm5, $0x1CFF, v16;
	v0 =	vsel vm4, $0x1100, v0;
	v3 =	vsel vm4, $0x1102, v3  }
0x3e: {  	v4 =	vsel vm4, $0x1103, v4;
	v5 =	vsel vm4, $0x1104, v5;
	v6 =	vsel vm4, $0x1105, v6  }
0x3f: {  	v7 =	vsel vm4, $0x1106, v7;
	v8 =	vsel vm4, $0x1107, v8;
	v9 =	vsel vm4, $0x1108, v9  }
0x40: {  	v10 =	vsel vm4, $0x1D79, v10;
	v11 =	vsel vm4, $0x1D7A, v11;
	v12 =	vsel vm4, $0x1D7B, v12  }
0x41: {  	v13 =	vsel vm4, $0x1D7C, v13;
	v14 =	vsel vm4, $0x1D7D, v14;
	v15 =	vsel vm4, $0x1D7E, v15  }
0x42: {  	v16 =	vsel vm4, $0x1D7F, v16;
	v0 =	vsel vm3, $0x1180, v0;
	v3 =	vsel vm3, $0x1182, v3  }
0x43: {  	v4 =	vsel vm3, $0x1183, v4;
	v5 =	vsel vm3, $0x1184, v5;
	v6 =	vsel vm3, $0x1185, v6  }
0x44: {  	v7 =	vsel vm3, $0x1186, v7;
	v8 =	vsel vm3, $0x1187, v8;
	v9 =	vsel vm3, $0x1188, v9  }
0x45: {  	v10 =	vsel vm3, $0x1DF9, v10;
	v11 =	vsel vm3, $0x1DFA, v11;
	v12 =	vsel vm3, $0x1DFB, v12  }
0x46: {  	v13 =	vsel vm3, $0x1DFC, v13;
	v14 =	vsel vm3, $0x1DFD, v14;
	v15 =	vsel vm3, $0x1DFE, v15  }
0x47: {  	v16 =	vsel vm3, $0x1DFF, v16;
	v0 =	vsel vm2, $0x1200, v0;
	v3 =	vsel vm2, $0x1202, v3  }
0x48: {  	v4 =	vsel vm2, $0x1203, v4;
	v5 =	vsel vm2, $0x1204, v5;
	v6 =	vsel vm2, $0x1205, v6  }
0x49: {  	v7 =	vsel vm2, $0x1206, v7;
	v8 =	vsel vm2, $0x1207, v8;
	v9 =	vsel vm2, $0x1208, v9  }
0x4a: {  	v10 =	vsel vm2, $0x1E79, v10;
	v11 =	vsel vm2, $0x1E7A, v11;
	v12 =	vsel vm2, $0x1E7B, v12  }
0x4b: {  	v13 =	vsel vm2, $0x1E7C, v13;
	v14 =	vsel vm2, $0x1E7D, v14;
	v2 =	vsel vm1, $0x1280, v0  }
0x4c: {  	s4 =	rddreg [dreg:$0x0];
	v0 =	vmul.u32 $0x80, v1;
	v1 =	vsel vm0, $0x1300, v2;
	v2 =	vimm.s32 $0x1381  }
0x4d: {  	s5 =	rddreg [dreg:$0x1];
	v15 =	vsel vm2, $0x1E7E, v15;
	v16 =	vsel vm2, $0x1E7F, v16;
	v2 =	vsel vm14, $0x1, v2  }
0x4e: {  	s13 =	rddreg [dreg:$0x2];
	v3 =	vsel vm1, $0x1282, v3;
	v4 =	vsel vm1, $0x1283, v4;
	v2 =	vsel vm13, $0x81, v2  }
0x4f: {  	s1 =	rddreg [dreg:$0x3];
	s7 =	srdreg.scid;
	v5 =	vsel vm1, $0x1284, v5;
	v6 =	vsel vm1, $0x1285, v6;
	v2 =	vsel vm12, $0x101, v2  }
0x50: {  	s8 =	simm.s32 $0x0;
	s23 =	stileid.u32;
	s7 =	sand.u32 $0x1, s7;
	v7 =	vsel vm1, $0x1286, v7;
	v8 =	vsel vm1, $0x1287, v8;
	v2 =	vsel vm11, $0x181, v2  }
0x51: {  	[smem:$0x7FF] =	sst s8;
	s8 =	sshll.u32 s23, $0xA;
	s9 =	sshll.u32 s7, $0x9;
	v9 =	vsel vm1, $0x1288, v9;
	v10 =	vsel vm1, $0x1EF9, v10;
	v2 =	vsel vm10, $0x201, v2  }
0x52: {  	s6 =	rddreg [dreg:$0x6];
	s8 =	sor.u32 s9, s8;
	v11 =	vsel vm1, $0x1EFA, v11;
	v12 =	vsel vm1, $0x1EFB, v12;
	v2 =	vsel vm9, $0x281, v2  }
0x53: {  	s2 =	rddreg [dreg:$0x4];
	s6 =	sadd.s32 s8, s6;
	s8 =	sshrl.u32 s8, $0x3;
	v13 =	vsel vm1, $0x1EFC, v13;
	v14 =	vsel vm1, $0x1EFD, v14;
	v2 =	vsel vm8, $0x301, v2  }
0x54: {  	s3 =	rddreg [dreg:$0x5];
	s10 =	simm.s32 $0x9;
	s4 =	sadd.s32 s4, s8;
	v15 =	vsel vm1, $0x1EFE, v15;
	v16 =	vsel vm1, $0x1EFF, v16;
	v2 =	vsel vm7, $0x381, v2  }
0x55: {  	_ =	strace $0x80000047;
	s25 =	sadd.s32 s5, s8;
	[dreg:$0x8] =	wrdreg s4;
	v3 =	vsel vm0, $0x1302, v3;
	v4 =	vsel vm0, $0x1303, v4;
	v2 =	vsel vm6, $0x1001, v2  }
0x56: {  	s15 =	simm.s32 $0x7A1400;
	s26 =	sadd.s32 $0x2000, s6;
	[dreg:$0x9] =	wrdreg s25;
	v5 =	vsel vm0, $0x1304, v5;
	v6 =	vsel vm0, $0x1305, v6;
	v2 =	vsel vm5, $0x1081, v2  }
0x57: {  	s7 =	ssub.s32 $0x2, s7;
	s28 =	sadd.s32 $0xA000, s6;
	[dreg:$0xa] =	wrdreg s26;
	v7 =	vsel vm0, $0x1306, v7;
	v8 =	vsel vm0, $0x1307, v8;
	v2 =	vsel vm4, $0x1101, v2  }
0x58: {  	s24 =	sshrl.u32 s7, $0x1;
	s29 =	sadd.s32 $0x12000, s6;
	[dreg:$0xb] =	wrdreg s28;
	v9 =	vsel vm0, $0x1308, v9;
	v10 =	vsel vm0, $0x1F79, v10;
	v2 =	vsel vm3, $0x1181, v2  }
0x59: {  	s7 =	ssub.s32 s7, s24;
	s30 =	sadd.s32 $0x1A000, s6;
	[dreg:$0xc] =	wrdreg s29;
	v11 =	vsel vm0, $0x1F7A, v11;
	v12 =	vsel vm0, $0x1F7B, v12;
	v2 =	vsel vm2, $0x1201, v2  }
0x5a: {  	s17 =	simm.s32 $0x400;
	s31 =	smax.u32 s7, $0x1;
	[dreg:$0xd] =	wrdreg s30;
	v13 =	vsel vm0, $0x1F7C, v13;
	v14 =	vsel vm0, $0x1F7D, v14;
	v2 =	vsel vm1, $0x1281, v2  }
0x5b: {  	s21 =	simm.s32 $0x1;
	s0 =	simm.s32 $0x0;
	[dreg:$0xe] =	wrdreg s31;
	v15 =	vsel vm0, $0x1F7E, v15;
	v16 =	vsel vm0, $0x1F7F, v16;
	v2 =	vsel vm0, $0x1301, v2  }
.LBB2_1:
0x5c: {  	[dreg:$0xf] =	wrdreg s0  }
0x5d: {  	s8 =	simm.s32 $0x0;
	s9 =	rddreg [dreg:$0x8]  }
0x5e: {  	[tilespmem:s8], [sflag:$0x9] =	stream.linear.gather [hbm4b:s9+s8], $0x200, $0x38;
	[tilespmem:$0x18400] =	vst v63  }
0x5f: {  	_ =	swait.ge [sflag:s10], $0x200  }
0x60: {  	[sflag:s10] =	ssyncset.done $0x0  }
0x61: {  	s11 =	simm.s32 $0x200;
	s23 =	rddreg [dreg:$0x9];
	[sflag:s10] =	ssyncadd.s32 $0xFFFFFE00  }
0x62: {  	[tilespmem:s11], [sflag:$0x9] =	stream.linear.gather [hbm4b:s23+s8], $0x200, $0x38;
	[tilespmem:$0x18400] =	vst v63  }
0x63: {  	_ =	swait.ge [sflag:s10], $0x200  }
0x64: {  	[sflag:s10] =	ssyncset.done $0x0  }
0x65: {  	[sflag:s10] =	ssyncadd.s32 $0xFFFFFE00  }
0x66: {  	v17 =	vld [tilespmem:$0x0];
	_ =	sdelay $0x1  }
0x67: {  	v18 =	vld [tilespmem:$0x200];
	_ =	sdelay $0x2  }
0x68: {  	v19 =	vshra.s32 v17, $0x1F  }
0x69: {  	v19 =	vshrl.u32 v19, $0x19  }
0x6a: {  	v20 =	vshra.s32 v18, $0x1F;
	v19 =	vadd.s32 v19, v17  }
0x6b: {  	v20 =	vshrl.u32 v20, $0x19;
	(v2sf) =	vpush v19, $0x0  }
0x6c: {  	v20 =	vadd.s32 v20, v18  }
0x6d: {  	(v2sf) =	vpush v20, $0x0;
	_ =	sdelay $0x3  }
0x6e: {  	(v2sf) =	vpush v19, $0x1;
	_ =	sdelay $0x8  }
0x6f: {  	s24 =	spop (v2sf);
	(v2sf) =	vpush v20, $0x1  }
0x70: {  	s8 =	sand.u32 $0xFFFFF80, s24  }
0x71: {  	s26 =	spop (v2sf);
	(v2sf) =	vpush v19, $0x2;
	s25 =	sadd.s32 s13, s8  }
0x72: {  	[tilespmem:s17], [sflag:$0x1] =	stream.strided.gather [hbm4b:s25+s17], $0x800, s15, s17, $0x38;
	[tilespmem:$0x18400] =	vst v63  }
0x73: {  	s28 =	simm.s32 $0x1400;
	s8 =	sadd.s32 s2, s8;
	s29 =	sand.u32 $0xFFFFF80, s26  }
0x74: {  	[tilespmem:s28], [sflag:$0x1] =	stream.strided.gather [hbm4b:s8+s17], $0x800, s15, s17, $0x38;
	[tilespmem:$0x18400] =	vst v63  }
0x75: {  	s30 =	simm.s32 $0xC00;
	s4 =	spop (v2sf);
	(v2sf) =	vpush v20, $0x2;
	s9 =	sadd.s32 s1, s29  }
0x76: {  	[tilespmem:s30], [sflag:$0x1] =	stream.strided.gather [hbm4b:s9+s17], $0x800, s15, s17, $0x38;
	[tilespmem:$0x18400] =	vst v63  }
0x77: {  	s31 =	simm.s32 $0x1C00;
	s8 =	sadd.s32 s3, s29  }
0x78: {  	[tilespmem:s31], [sflag:$0x1] =	stream.strided.gather [hbm4b:s8+s17], $0x800, s15, s17, $0x38;
	[tilespmem:$0x18400] =	vst v63  }
0x79: {  	s8 =	sand.u32 $0xFFFFF80, s4  }
0x7a: {  	s25 =	simm.s32 $0x2400;
	s5 =	sadd.s32 s13, s8  }
0x7b: {  	[tilespmem:s25], [sflag:$0x2] =	stream.strided.gather [hbm4b:s5+s17], $0x800, s15, s17, $0x38;
	[tilespmem:$0x18400] =	vst v63  }
0x7c: {  	s14 =	simm.s32 $0x3400;
	s8 =	sadd.s32 s2, s8  }
0x7d: {  	[tilespmem:s14], [sflag:$0x2] =	stream.strided.gather [hbm4b:s8+s17], $0x800, s15, s17, $0x38;
	[tilespmem:$0x18400] =	vst v63  }
0x7e: {  	s6 =	spop (v2sf);
	(v2sf) =	vpush v19, $0x3  }
0x7f: {  	s7 =	sand.u32 $0xFFFFF80, s6  }
0x80: {  	s18 =	simm.s32 $0x2C00;
	s10 =	spop (v2sf);
	(v2sf) =	vpush v20, $0x3;
	s9 =	sadd.s32 s1, s7  }
0x81: {  	[tilespmem:s18], [sflag:$0x2] =	stream.strided.gather [hbm4b:s9+s17], $0x800, s15, s17, $0x38;
	[tilespmem:$0x18400] =	vst v63  }
0x82: {  	s19 =	simm.s32 $0x3C00;
	s8 =	sadd.s32 s3, s7  }
0x83: {  	[tilespmem:s19], [sflag:$0x2] =	stream.strided.gather [hbm4b:s8+s17], $0x800, s15, s17, $0x38;
	[tilespmem:$0x18400] =	vst v63  }
0x84: {  	s12 =	spop (v2sf);
	(v2sf) =	vpush v19, $0x4;
	s8 =	sand.u32 $0xFFFFF80, s10  }
0x85: {  	s28 =	simm.s32 $0x4400;
	s11 =	sadd.s32 s13, s8  }
0x86: {  	[tilespmem:s28], [sflag:$0x3] =	stream.strided.gather [hbm4b:s11+s17], $0x800, s15, s17, $0x38;
	[tilespmem:$0x18400] =	vst v63  }
0x87: {  	s29 =	simm.s32 $0x5400;
	s16 =	sand.u32 $0xFFFFF80, s12;
	s8 =	sadd.s32 s2, s8  }
0x88: {  	[tilespmem:s29], [sflag:$0x3] =	stream.strided.gather [hbm4b:s8+s17], $0x800, s15, s17, $0x38;
	[tilespmem:$0x18400] =	vst v63  }
0x89: {  	s26 =	simm.s32 $0x4C00;
	s9 =	sadd.s32 s1, s16  }
0x8a: {  	[tilespmem:s26], [sflag:$0x3] =	stream.strided.gather [hbm4b:s9+s17], $0x800, s15, s17, $0x38;
	[tilespmem:$0x18400] =	vst v63  }
0x8b: {  	s23 =	simm.s32 $0x5C00;
	s8 =	sadd.s32 s3, s16  }
0x8c: {  	[tilespmem:s23], [sflag:$0x3] =	stream.strided.gather [hbm4b:s8+s17], $0x800, s15, s17, $0x38;
	[tilespmem:$0x18400] =	vst v63  }
0x8d: {  	s20 =	spop (v2sf);
	(v2sf) =	vpush v20, $0x4  }
0x8e: {  	s8 =	sand.u32 $0xFFFFF80, s20  }
0x8f: {  	s24 =	simm.s32 $0x6400;
	s30 =	spop (v2sf);
	s22 =	sadd.s32 s13, s8  }
0x90: {  	[tilespmem:s24], [sflag:$0x4] =	stream.strided.gather [hbm4b:s22+s17], $0x800, s15, s17, $0x38;
	[tilespmem:$0x18400] =	vst v63  }
0x91: {  	s31 =	simm.s32 $0x7400;
	(v2sf) =	vpush v19, $0x5;
	s8 =	sadd.s32 s2, s8;
	s4 =	sand.u32 $0xFFFFF80, s30  }
0x92: {  	[tilespmem:s31], [sflag:$0x4] =	stream.strided.gather [hbm4b:s8+s17], $0x800, s15, s17, $0x38;
	[tilespmem:$0x18400] =	vst v63  }
0x93: {  	s6 =	simm.s32 $0x6C00;
	s11 =	spop (v2sf);
	s9 =	sadd.s32 s1, s4  }
0x94: {  	(v2sf) =	vpush v20, $0x5;
	[tilespmem:s6], [sflag:$0x4] =	stream.strided.gather [hbm4b:s9+s17], $0x800, s15, s17, $0x38;
	[tilespmem:$0x18400] =	vst v63  }
0x95: {  	s10 =	simm.s32 $0x7C00;
	s8 =	sadd.s32 s3, s4  }
0x96: {  	[tilespmem:s10], [sflag:$0x4] =	stream.strided.gather [hbm4b:s8+s17], $0x800, s15, s17, $0x38;
	[tilespmem:$0x18400] =	vst v63  }
0x97: {  	s8 =	sand.u32 $0xFFFFF80, s11  }
0x98: {  	s20 =	simm.s32 $0x8400;
	s12 =	sadd.s32 s13, s8  }
0x99: {  	[tilespmem:s20], [sflag:$0x5] =	stream.strided.gather [hbm4b:s12+s17], $0x800, s15, s17, $0x38;
	[tilespmem:$0x18400] =	vst v63  }
0x9a: {  	s24 =	simm.s32 $0x9400;
	s8 =	sadd.s32 s2, s8  }
0x9b: {  	[tilespmem:s24], [sflag:$0x5] =	stream.strided.gather [hbm4b:s8+s17], $0x800, s15, s17, $0x38;
	[tilespmem:$0x18400] =	vst v63  }
0x9c: {  	s22 =	spop (v2sf);
	(v2sf) =	vpush v19, $0x6  }
0x9d: {  	s30 =	sand.u32 $0xFFFFF80, s22  }
0x9e: {  	s31 =	simm.s32 $0x8C00;
	s9 =	sadd.s32 s1, s30  }
0x9f: {  	[tilespmem:s31], [sflag:$0x5] =	stream.strided.gather [hbm4b:s9+s17], $0x800, s15, s17, $0x38;
	[tilespmem:$0x18400] =	vst v63  }
0xa0: {  	s4 =	simm.s32 $0x9C00;
	s8 =	sadd.s32 s3, s30;
	s9 =	spop (v2sf);
	(v2sf) =	vpush v20, $0x6  }
0xa1: {  	[tilespmem:s4], [sflag:$0x5] =	stream.strided.gather [hbm4b:s8+s17], $0x800, s15, s17, $0x38;
	[tilespmem:$0x18400] =	vst v63  }
0xa2: {  	s8 =	sand.u32 $0xFFFFF80, s9  }
0xa3: {  	s11 =	simm.s32 $0xA400;
	s12 =	spop (v2sf);
	s10 =	sadd.s32 s13, s8  }
0xa4: {  	[tilespmem:s11], [sflag:$0x6] =	stream.strided.gather [hbm4b:s10+s17], $0x800, s15, s17, $0x38;
	[tilespmem:$0x18400] =	vst v63  }
0xa5: {  	s20 =	simm.s32 $0xB400;
	(v2sf) =	vpush v19, $0x7;
	s22 =	sand.u32 $0xFFFFF80, s12;
	s8 =	sadd.s32 s2, s8  }
0xa6: {  	[tilespmem:s20], [sflag:$0x6] =	stream.strided.gather [hbm4b:s8+s17], $0x800, s15, s17, $0x38;
	[tilespmem:$0x18400] =	vst v63  }
0xa7: {  	s24 =	simm.s32 $0xAC00;
	s9 =	sadd.s32 s1, s22  }
0xa8: {  	[tilespmem:s24], [sflag:$0x6] =	stream.strided.gather [hbm4b:s9+s17], $0x800, s15, s17, $0x38;
	[tilespmem:$0x18400] =	vst v63  }
0xa9: {  	s30 =	simm.s32 $0xBC00;
	s8 =	sadd.s32 s3, s22  }
0xaa: {  	[tilespmem:s30], [sflag:$0x6] =	stream.strided.gather [hbm4b:s8+s17], $0x800, s15, s17, $0x38;
	[tilespmem:$0x18400] =	vst v63  }
0xab: {  	s31 =	spop (v2sf)  }
0xac: {  	(v2sf) =	vpush v20, $0x7;
	s8 =	sand.u32 $0xFFFFF80, s31  }
0xad: {  	s30 =	simm.s32 $0xC400;
	s0 =	sadd.s32 s13, s8  }
0xae: {  	[tilespmem:s30], [sflag:$0x7] =	stream.strided.gather [hbm4b:s0+s17], $0x800, s15, s17, $0x38;
	[tilespmem:$0x18400] =	vst v63  }
0xaf: {  	s4 =	spop (v2sf)  }
0xb0: {  	s31 =	simm.s32 $0xD400;
	s8 =	sadd.s32 s2, s8;
	s10 =	sand.u32 $0xFFFFF80, s4  }
0xb1: {  	[tilespmem:s31], [sflag:$0x7] =	stream.strided.gather [hbm4b:s8+s17], $0x800, s15, s17, $0x38;
	[tilespmem:$0x18400] =	vst v63  }
0xb2: {  	s11 =	simm.s32 $0xCC00;
	s9 =	sadd.s32 s1, s10  }
0xb3: {  	[tilespmem:s11], [sflag:$0x7] =	stream.strided.gather [hbm4b:s9+s17], $0x800, s15, s17, $0x38;
	[tilespmem:$0x18400] =	vst v63  }
0xb4: {  	s12 =	simm.s32 $0xDC00;
	s20 =	spop (v2sf);
	s8 =	sadd.s32 s3, s10  }
0xb5: {  	[tilespmem:s12], [sflag:$0x7] =	stream.strided.gather [hbm4b:s8+s17], $0x800, s15, s17, $0x38;
	[tilespmem:$0x18400] =	vst v63  }
0xb6: {  	s8 =	sand.u32 $0xFFFFF80, s20  }
0xb7: {  	s24 =	simm.s32 $0xE400;
	s22 =	sadd.s32 s13, s8  }
0xb8: {  	[tilespmem:s24], [sflag:$0x8] =	stream.strided.gather [hbm4b:s22+s17], $0x800, s15, s17, $0x38;
	[tilespmem:$0x18400] =	vst v63  }
0xb9: {  	s10 =	simm.s32 $0xF400;
	s8 =	sadd.s32 s2, s8  }
0xba: {  	[tilespmem:s10], [sflag:$0x8] =	stream.strided.gather [hbm4b:s8+s17], $0x800, s15, s17, $0x38;
	[tilespmem:$0x18400] =	vst v63  }
0xbb: {  	s4 =	spop (v2sf)  }
0xbc: {  	s11 =	sand.u32 $0xFFFFF80, s4  }
0xbd: {  	s12 =	simm.s32 $0xEC00;
	s9 =	sadd.s32 s1, s11  }
0xbe: {  	[tilespmem:s12], [sflag:$0x8] =	stream.strided.gather [hbm4b:s9+s17], $0x800, s15, s17, $0x38;
	[tilespmem:$0x18400] =	vst v63  }
0xbf: {  	s20 =	simm.s32 $0xFC00;
	s8 =	sadd.s32 s3, s11  }
0xc0: {  	[tilespmem:s20], [sflag:$0x8] =	stream.strided.gather [hbm4b:s8+s17], $0x800, s15, s17, $0x38;
	[tilespmem:$0x18400] =	vst v63  }
0xc1: {  	_ =	swait.ge [sflag:s21], $0x800  }
0xc2: {  	[sflag:s21] =	ssyncset.done $0x0  }
0xc3: {  	[sflag:s21] =	ssyncadd.s32 $0xFFFFF800  }
0xc4: {  	v21 =	vand.u32 $0xFFFFFF80, v19;
	_ =	swait.ge [sflag:s21], $0x800  }
0xc5: {  	v17 =	vsub.s32 v17, v21;
	[sflag:s21] =	ssyncset.done $0x0  }
0xc6: {  	v21 =	vbroadcast v17, $0x0;
	[sflag:s21] =	ssyncadd.s32 $0xFFFFF800  }
0xc7: {  	_ =	swait.ge [sflag:s21], $0x800  }
0xc8: {  	v21 =	vadd.s32 v0, v21;
	[sflag:s21] =	ssyncset.done $0x0  }
0xc9: {  	[sflag:s21] =	ssyncadd.s32 $0xFFFFF800  }
0xca: {  	_ =	swait.ge [sflag:s21], $0x800  }
0xcb: {  	[sflag:s21] =	ssyncset.done $0x0  }
0xcc: {  	[sflag:s21] =	ssyncadd.s32 $0xFFFFF800  }
0xcd: {  	v22 =	vld.idx.msk [tilespmem:v21+s17+$0x0], $0xffff;
	_ =	sdelay $0x2  }
0xce: {  	v23 =	vand.u32 $0xFFFFFF80, v20  }
0xcf: {  	v18 =	vsub.s32 v18, v23;
	s12 =	simm.s32 $0x10400  }
0xd0: {  	v42 =	vbroadcast v18, $0x0;
	s11 =	simm.s32 $0x1400;
	[tilespmem:v1+s12+$0x0] =	vst.idx.msk $0xffff, v22  }
0xd1: {  	(v2sf) =	vpush v19, $0x8;
	v21 =	vld.idx.msk [tilespmem:v21+s11+$0x0], $0xffff  }
0xd2: {  	v22 =	vadd.s32 v0, v42;
	_ =	sdelay $0x2  }
0xd3: {  	s24 =	simm.s32 $0x14400;
	(v2sf) =	vpush v20, $0x8  }
0xd4: {  	s0 =	simm.s32 $0xC00;
	[tilespmem:v1+s24+$0x0] =	vst.idx.msk $0xffff, v21  }
0xd5: {  	v21 =	vld.idx.msk [tilespmem:v22+s0+$0x0], $0xffff;
	_ =	sdelay $0x3  }
0xd6: {  	s20 =	simm.s32 $0x12400  }
0xd7: {  	s10 =	simm.s32 $0x1C00;
	[tilespmem:v1+s20+$0x0] =	vst.idx.msk $0xffff, v21  }
0xd8: {  	v21 =	vld.idx.msk [tilespmem:v22+s10+$0x0], $0xffff;
	_ =	sdelay $0x2  }
0xd9: {  	s22 =	spop (v2sf)  }
0xda: {  	s8 =	sand.u32 $0xFFFFF80, s22;
	s22 =	simm.s32 $0x16400  }
0xdb: {  	s4 =	sadd.s32 s13, s8;
	[tilespmem:v1+s22+$0x0] =	vst.idx.msk $0xffff, v21  }
0xdc: {  	[tilespmem:s17], [sflag:$0x1] =	stream.strided.gather [hbm4b:s4+s17], $0x800, s15, s17, $0x38;
	[tilespmem:$0x18400] =	vst v63  }
0xdd: {  	s4 =	spop (v2sf)  }
0xde: {  	s8 =	sadd.s32 s2, s8;
	s4 =	sand.u32 $0xFFFFF80, s4  }
0xdf: {  	[tilespmem:s11], [sflag:$0x1] =	stream.strided.gather [hbm4b:s8+s17], $0x800, s15, s17, $0x38;
	[tilespmem:$0x18400] =	vst v63  }
0xe0: {  	s9 =	sadd.s32 s1, s4  }
0xe1: {  	[tilespmem:s0], [sflag:$0x1] =	stream.strided.gather [hbm4b:s9+s17], $0x800, s15, s17, $0x38;
	[tilespmem:$0x18400] =	vst v63  }
0xe2: {  	s8 =	sadd.s32 s3, s4;
	s4 =	simm.s32 $0x2  }
0xe3: {  	[tilespmem:s10], [sflag:$0x1] =	stream.strided.gather [hbm4b:s8+s17], $0x800, s15, s17, $0x38;
	[tilespmem:$0x18400] =	vst v63  }
0xe4: {  	_ =	swait.ge [sflag:s4], $0x800  }
0xe5: {  	[sflag:s4] =	ssyncset.done $0x0  }
0xe6: {  	[sflag:s4] =	ssyncadd.s32 $0xFFFFF800  }
0xe7: {  	_ =	swait.ge [sflag:s4], $0x800  }
0xe8: {  	[sflag:s4] =	ssyncset.done $0x0  }
0xe9: {  	v43 =	vbroadcast v17, $0x1;
	[sflag:s4] =	ssyncadd.s32 $0xFFFFF800  }
0xea: {  	_ =	swait.ge [sflag:s4], $0x800  }
0xeb: {  	v21 =	vadd.s32 v0, v43;
	[sflag:s4] =	ssyncset.done $0x0  }
0xec: {  	[sflag:s4] =	ssyncadd.s32 $0xFFFFF800  }
0xed: {  	_ =	swait.ge [sflag:s4], $0x800  }
0xee: {  	[sflag:s4] =	ssyncset.done $0x0  }
0xef: {  	[sflag:s4] =	ssyncadd.s32 $0xFFFFF800  }
0xf0: {  	v44 =	vld.idx.msk [tilespmem:v21+s25+$0x0], $0xffff;
	_ =	sdelay $0x4  }
0xf1: {  	v45 =	vbroadcast v18, $0x1;
	[tilespmem:v2+s12+$0x0] =	vst.idx.msk $0xffff, v44  }
0xf2: {  	(v2sf) =	vpush v19, $0x9;
	v21 =	vld.idx.msk [tilespmem:v21+s14+$0x0], $0xffff  }
0xf3: {  	v22 =	vadd.s32 v0, v45;
	_ =	sdelay $0x2  }
0xf4: {  	(v2sf) =	vpush v20, $0x9  }
0xf5: {  	[tilespmem:v2+s24+$0x0] =	vst.idx.msk $0xffff, v21  }
0xf6: {  	v21 =	vld.idx.msk [tilespmem:v22+s18+$0x0], $0xffff;
	_ =	sdelay $0x4  }
0xf7: {  	[tilespmem:v2+s20+$0x0] =	vst.idx.msk $0xffff, v21  }
0xf8: {  	v21 =	vld.idx.msk [tilespmem:v22+s19+$0x0], $0xffff;
	_ =	sdelay $0x2  }
0xf9: {  	s9 =	spop (v2sf)  }
0xfa: {  	s8 =	sand.u32 $0xFFFFF80, s9  }
0xfb: {  	s4 =	sadd.s32 s13, s8;
	[tilespmem:v2+s22+$0x0] =	vst.idx.msk $0xffff, v21  }
0xfc: {  	[tilespmem:s25], [sflag:$0x2] =	stream.strided.gather [hbm4b:s4+s17], $0x800, s15, s17, $0x38;
	[tilespmem:$0x18400] =	vst v63  }
0xfd: {  	s8 =	sadd.s32 s2, s8;
	s4 =	spop (v2sf)  }
0xfe: {  	[tilespmem:s14], [sflag:$0x2] =	stream.strided.gather [hbm4b:s8+s17], $0x800, s15, s17, $0x38;
	[tilespmem:$0x18400] =	vst v63  }
0xff: {  	s14 =	sand.u32 $0xFFFFF80, s4  }
0x100: {  	s9 =	sadd.s32 s1, s14  }
0x101: {  	[tilespmem:s18], [sflag:$0x2] =	stream.strided.gather [hbm4b:s9+s17], $0x800, s15, s17, $0x38;
	[tilespmem:$0x18400] =	vst v63  }
0x102: {  	s4 =	simm.s32 $0x3;
	s8 =	sadd.s32 s3, s14  }
0x103: {  	[tilespmem:s19], [sflag:$0x2] =	stream.strided.gather [hbm4b:s8+s17], $0x800, s15, s17, $0x38;
	[tilespmem:$0x18400] =	vst v63  }
0x104: {  	_ =	swait.ge [sflag:s4], $0x800  }
0x105: {  	[sflag:s4] =	ssyncset.done $0x0  }
0x106: {  	[sflag:s4] =	ssyncadd.s32 $0xFFFFF800  }
0x107: {  	_ =	swait.ge [sflag:s4], $0x800  }
0x108: {  	[sflag:s4] =	ssyncset.done $0x0  }
0x109: {  	v46 =	vbroadcast v17, $0x2;
	[sflag:s4] =	ssyncadd.s32 $0xFFFFF800  }
0x10a: {  	_ =	swait.ge [sflag:s4], $0x800  }
0x10b: {  	v21 =	vadd.s32 v0, v46;
	[sflag:s4] =	ssyncset.done $0x0  }
0x10c: {  	[sflag:s4] =	ssyncadd.s32 $0xFFFFF800  }
0x10d: {  	_ =	swait.ge [sflag:s4], $0x800  }
0x10e: {  	[sflag:s4] =	ssyncset.done $0x0  }
0x10f: {  	[sflag:s4] =	ssyncadd.s32 $0xFFFFF800  }
0x110: {  	v47 =	vld.idx.msk [tilespmem:v21+s28+$0x0], $0xffff;
	_ =	sdelay $0x4  }
0x111: {  	v48 =	vbroadcast v18, $0x2;
	[tilespmem:v3+s12+$0x0] =	vst.idx.msk $0xffff, v47  }
0x112: {  	(v2sf) =	vpush v19, $0xA;
	v21 =	vld.idx.msk [tilespmem:v21+s29+$0x0], $0xffff  }
0x113: {  	v22 =	vadd.s32 v0, v48  }
0x114: {  	(v2sf) =	vpush v20, $0xA;
	_ =	sdelay $0x2  }
0x115: {  	[tilespmem:v3+s24+$0x0] =	vst.idx.msk $0xffff, v21  }
0x116: {  	v21 =	vld.idx.msk [tilespmem:v22+s26+$0x0], $0xffff;
	_ =	sdelay $0x4  }
0x117: {  	[tilespmem:v3+s20+$0x0] =	vst.idx.msk $0xffff, v21  }
0x118: {  	v21 =	vld.idx.msk [tilespmem:v22+s23+$0x0], $0xffff;
	_ =	sdelay $0x2  }
0x119: {  	s19 =	spop (v2sf)  }
0x11a: {  	s8 =	sand.u32 $0xFFFFF80, s19  }
0x11b: {  	s4 =	spop (v2sf);
	s25 =	sadd.s32 s13, s8;
	[tilespmem:v3+s22+$0x0] =	vst.idx.msk $0xffff, v21  }
0x11c: {  	[tilespmem:s28], [sflag:$0x3] =	stream.strided.gather [hbm4b:s25+s17], $0x800, s15, s17, $0x38;
	[tilespmem:$0x18400] =	vst v63  }
0x11d: {  	s8 =	sadd.s32 s2, s8;
	s14 =	sand.u32 $0xFFFFF80, s4  }
0x11e: {  	[tilespmem:s29], [sflag:$0x3] =	stream.strided.gather [hbm4b:s8+s17], $0x800, s15, s17, $0x38;
	[tilespmem:$0x18400] =	vst v63  }
0x11f: {  	s9 =	sadd.s32 s1, s14  }
0x120: {  	[tilespmem:s26], [sflag:$0x3] =	stream.strided.gather [hbm4b:s9+s17], $0x800, s15, s17, $0x38;
	[tilespmem:$0x18400] =	vst v63  }
0x121: {  	s18 =	simm.s32 $0x4;
	s8 =	sadd.s32 s3, s14  }
0x122: {  	[tilespmem:s23], [sflag:$0x3] =	stream.strided.gather [hbm4b:s8+s17], $0x800, s15, s17, $0x38;
	[tilespmem:$0x18400] =	vst v63  }
0x123: {  	_ =	swait.ge [sflag:s18], $0x800  }
0x124: {  	[sflag:s18] =	ssyncset.done $0x0  }
0x125: {  	[sflag:s18] =	ssyncadd.s32 $0xFFFFF800  }
0x126: {  	_ =	swait.ge [sflag:s18], $0x800  }
0x127: {  	[sflag:s18] =	ssyncset.done $0x0  }
0x128: {  	v49 =	vbroadcast v17, $0x3;
	[sflag:s18] =	ssyncadd.s32 $0xFFFFF800  }
0x129: {  	_ =	swait.ge [sflag:s18], $0x800  }
0x12a: {  	v21 =	vadd.s32 v0, v49;
	[sflag:s18] =	ssyncset.done $0x0  }
0x12b: {  	[sflag:s18] =	ssyncadd.s32 $0xFFFFF800  }
0x12c: {  	_ =	swait.ge [sflag:s18], $0x800  }
0x12d: {  	[sflag:s18] =	ssyncset.done $0x0  }
0x12e: {  	s7 =	simm.s32 $0x6400;
	[sflag:s18] =	ssyncadd.s32 $0xFFFFF800  }
0x12f: {  	v50 =	vld.idx.msk [tilespmem:v21+s7+$0x0], $0xffff;
	_ =	sdelay $0x4  }
0x130: {  	v51 =	vbroadcast v18, $0x3;
	s16 =	simm.s32 $0x7400;
	[tilespmem:v4+s12+$0x0] =	vst.idx.msk $0xffff, v50  }
0x131: {  	(v2sf) =	vpush v19, $0xB;
	v21 =	vld.idx.msk [tilespmem:v21+s16+$0x0], $0xffff  }
0x132: {  	v22 =	vadd.s32 v0, v51  }
0x133: {  	(v2sf) =	vpush v20, $0xB;
	_ =	sdelay $0x2  }
0x134: {  	s5 =	simm.s32 $0x6C00;
	[tilespmem:v4+s24+$0x0] =	vst.idx.msk $0xffff, v21  }
0x135: {  	v21 =	vld.idx.msk [tilespmem:v22+s5+$0x0], $0xffff;
	_ =	sdelay $0x4  }
0x136: {  	s6 =	simm.s32 $0x7C00;
	[tilespmem:v4+s20+$0x0] =	vst.idx.msk $0xffff, v21  }
0x137: {  	v21 =	vld.idx.msk [tilespmem:v22+s6+$0x0], $0xffff;
	_ =	sdelay $0x2  }
0x138: {  	s19 =	spop (v2sf)  }
0x139: {  	s8 =	sand.u32 $0xFFFFF80, s19  }
0x13a: {  	s25 =	spop (v2sf);
	s23 =	sadd.s32 s13, s8;
	[tilespmem:v4+s22+$0x0] =	vst.idx.msk $0xffff, v21  }
0x13b: {  	[tilespmem:s7], [sflag:$0x4] =	stream.strided.gather [hbm4b:s23+s17], $0x800, s15, s17, $0x38;
	[tilespmem:$0x18400] =	vst v63  }
0x13c: {  	s8 =	sadd.s32 s2, s8;
	s26 =	sand.u32 $0xFFFFF80, s25  }
0x13d: {  	[tilespmem:s16], [sflag:$0x4] =	stream.strided.gather [hbm4b:s8+s17], $0x800, s15, s17, $0x38;
	[tilespmem:$0x18400] =	vst v63  }
0x13e: {  	s9 =	sadd.s32 s1, s26  }
0x13f: {  	[tilespmem:s5], [sflag:$0x4] =	stream.strided.gather [hbm4b:s9+s17], $0x800, s15, s17, $0x38;
	[tilespmem:$0x18400] =	vst v63  }
0x140: {  	s28 =	simm.s32 $0x5;
	s8 =	sadd.s32 s3, s26  }
0x141: {  	[tilespmem:s6], [sflag:$0x4] =	stream.strided.gather [hbm4b:s8+s17], $0x800, s15, s17, $0x38;
	[tilespmem:$0x18400] =	vst v63  }
0x142: {  	_ =	swait.ge [sflag:s28], $0x800  }
0x143: {  	[sflag:s28] =	ssyncset.done $0x0  }
0x144: {  	[sflag:s28] =	ssyncadd.s32 $0xFFFFF800  }
0x145: {  	_ =	swait.ge [sflag:s28], $0x800  }
0x146: {  	[sflag:s28] =	ssyncset.done $0x0  }
0x147: {  	v52 =	vbroadcast v17, $0x4;
	[sflag:s28] =	ssyncadd.s32 $0xFFFFF800  }
0x148: {  	_ =	swait.ge [sflag:s28], $0x800  }
0x149: {  	v21 =	vadd.s32 v0, v52;
	[sflag:s28] =	ssyncset.done $0x0  }
0x14a: {  	[sflag:s28] =	ssyncadd.s32 $0xFFFFF800  }
0x14b: {  	_ =	swait.ge [sflag:s28], $0x800  }
0x14c: {  	[sflag:s28] =	ssyncset.done $0x0  }
0x14d: {  	s29 =	simm.s32 $0x8400;
	[sflag:s28] =	ssyncadd.s32 $0xFFFFF800  }
0x14e: {  	v53 =	vld.idx.msk [tilespmem:v21+s29+$0x0], $0xffff;
	_ =	sdelay $0x4  }
0x14f: {  	v54 =	vbroadcast v18, $0x4;
	s5 =	simm.s32 $0x9400;
	[tilespmem:v5+s12+$0x0] =	vst.idx.msk $0xffff, v53  }
0x150: {  	(v2sf) =	vpush v19, $0xC;
	v21 =	vld.idx.msk [tilespmem:v21+s5+$0x0], $0xffff  }
0x151: {  	v22 =	vadd.s32 v0, v54  }
0x152: {  	(v2sf) =	vpush v20, $0xC;
	_ =	sdelay $0x2  }
0x153: {  	s6 =	simm.s32 $0x8C00;
	[tilespmem:v5+s24+$0x0] =	vst.idx.msk $0xffff, v21  }
0x154: {  	v21 =	vld.idx.msk [tilespmem:v22+s6+$0x0], $0xffff;
	_ =	sdelay $0x4  }
0x155: {  	s7 =	simm.s32 $0x9C00;
	[tilespmem:v5+s20+$0x0] =	vst.idx.msk $0xffff, v21  }
0x156: {  	v21 =	vld.idx.msk [tilespmem:v22+s7+$0x0], $0xffff;
	_ =	sdelay $0x2  }
0x157: {  	s16 =	spop (v2sf)  }
0x158: {  	s8 =	sand.u32 $0xFFFFF80, s16  }
0x159: {  	s25 =	spop (v2sf);
	s23 =	sadd.s32 s13, s8;
	[tilespmem:v5+s22+$0x0] =	vst.idx.msk $0xffff, v21  }
0x15a: {  	[tilespmem:s29], [sflag:$0x5] =	stream.strided.gather [hbm4b:s23+s17], $0x800, s15, s17, $0x38;
	[tilespmem:$0x18400] =	vst v63  }
0x15b: {  	s8 =	sadd.s32 s2, s8;
	s26 =	sand.u32 $0xFFFFF80, s25  }
0x15c: {  	[tilespmem:s5], [sflag:$0x5] =	stream.strided.gather [hbm4b:s8+s17], $0x800, s15, s17, $0x38;
	[tilespmem:$0x18400] =	vst v63  }
0x15d: {  	s9 =	sadd.s32 s1, s26  }
0x15e: {  	[tilespmem:s6], [sflag:$0x5] =	stream.strided.gather [hbm4b:s9+s17], $0x800, s15, s17, $0x38;
	[tilespmem:$0x18400] =	vst v63  }
0x15f: {  	s28 =	simm.s32 $0x6;
	s8 =	sadd.s32 s3, s26  }
0x160: {  	[tilespmem:s7], [sflag:$0x5] =	stream.strided.gather [hbm4b:s8+s17], $0x800, s15, s17, $0x38;
	[tilespmem:$0x18400] =	vst v63  }
0x161: {  	_ =	swait.ge [sflag:s28], $0x800  }
0x162: {  	[sflag:s28] =	ssyncset.done $0x0  }
0x163: {  	[sflag:s28] =	ssyncadd.s32 $0xFFFFF800  }
0x164: {  	_ =	swait.ge [sflag:s28], $0x800  }
0x165: {  	[sflag:s28] =	ssyncset.done $0x0  }
0x166: {  	v55 =	vbroadcast v17, $0x5;
	[sflag:s28] =	ssyncadd.s32 $0xFFFFF800  }
0x167: {  	_ =	swait.ge [sflag:s28], $0x800  }
0x168: {  	v21 =	vadd.s32 v0, v55;
	[sflag:s28] =	ssyncset.done $0x0  }
0x169: {  	[sflag:s28] =	ssyncadd.s32 $0xFFFFF800  }
0x16a: {  	_ =	swait.ge [sflag:s28], $0x800  }
0x16b: {  	[sflag:s28] =	ssyncset.done $0x0  }
0x16c: {  	s29 =	simm.s32 $0xA400;
	[sflag:s28] =	ssyncadd.s32 $0xFFFFF800  }
0x16d: {  	v56 =	vld.idx.msk [tilespmem:v21+s29+$0x0], $0xffff;
	_ =	sdelay $0x4  }
0x16e: {  	v57 =	vbroadcast v18, $0x5;
	s5 =	simm.s32 $0xB400;
	[tilespmem:v6+s12+$0x0] =	vst.idx.msk $0xffff, v56  }
0x16f: {  	(v2sf) =	vpush v19, $0xD;
	v21 =	vld.idx.msk [tilespmem:v21+s5+$0x0], $0xffff  }
0x170: {  	v22 =	vadd.s32 v0, v57  }
0x171: {  	(v2sf) =	vpush v20, $0xD;
	_ =	sdelay $0x2  }
0x172: {  	s6 =	simm.s32 $0xAC00;
	[tilespmem:v6+s24+$0x0] =	vst.idx.msk $0xffff, v21  }
0x173: {  	v21 =	vld.idx.msk [tilespmem:v22+s6+$0x0], $0xffff;
	_ =	sdelay $0x4  }
0x174: {  	s7 =	simm.s32 $0xBC00;
	[tilespmem:v6+s20+$0x0] =	vst.idx.msk $0xffff, v21  }
0x175: {  	v21 =	vld.idx.msk [tilespmem:v22+s7+$0x0], $0xffff;
	_ =	sdelay $0x2  }
0x176: {  	s9 =	spop (v2sf)  }
0x177: {  	s8 =	sand.u32 $0xFFFFF80, s9  }
0x178: {  	s23 =	spop (v2sf);
	s16 =	sadd.s32 s13, s8;
	[tilespmem:v6+s22+$0x0] =	vst.idx.msk $0xffff, v21  }
0x179: {  	[tilespmem:s29], [sflag:$0x6] =	stream.strided.gather [hbm4b:s16+s17], $0x800, s15, s17, $0x38;
	[tilespmem:$0x18400] =	vst v63  }
0x17a: {  	s8 =	sadd.s32 s2, s8;
	s25 =	sand.u32 $0xFFFFF80, s23  }
0x17b: {  	[tilespmem:s5], [sflag:$0x6] =	stream.strided.gather [hbm4b:s8+s17], $0x800, s15, s17, $0x38;
	[tilespmem:$0x18400] =	vst v63  }
0x17c: {  	s9 =	sadd.s32 s1, s25  }
0x17d: {  	[tilespmem:s6], [sflag:$0x6] =	stream.strided.gather [hbm4b:s9+s17], $0x800, s15, s17, $0x38;
	[tilespmem:$0x18400] =	vst v63  }
0x17e: {  	s26 =	simm.s32 $0x7;
	s8 =	sadd.s32 s3, s25  }
0x17f: {  	[tilespmem:s7], [sflag:$0x6] =	stream.strided.gather [hbm4b:s8+s17], $0x800, s15, s17, $0x38;
	[tilespmem:$0x18400] =	vst v63  }
0x180: {  	_ =	swait.ge [sflag:s26], $0x800  }
0x181: {  	[sflag:s26] =	ssyncset.done $0x0  }
0x182: {  	[sflag:s26] =	ssyncadd.s32 $0xFFFFF800  }
0x183: {  	_ =	swait.ge [sflag:s26], $0x800  }
0x184: {  	[sflag:s26] =	ssyncset.done $0x0  }
0x185: {  	v58 =	vbroadcast v17, $0x6;
	[sflag:s26] =	ssyncadd.s32 $0xFFFFF800  }
0x186: {  	_ =	swait.ge [sflag:s26], $0x800  }
0x187: {  	v21 =	vadd.s32 v0, v58;
	[sflag:s26] =	ssyncset.done $0x0  }
0x188: {  	[sflag:s26] =	ssyncadd.s32 $0xFFFFF800  }
0x189: {  	_ =	swait.ge [sflag:s26], $0x800  }
0x18a: {  	[sflag:s26] =	ssyncset.done $0x0  }
0x18b: {  	[sflag:s26] =	ssyncadd.s32 $0xFFFFF800  }
0x18c: {  	v59 =	vld.idx.msk [tilespmem:v21+s30+$0x0], $0xffff;
	_ =	sdelay $0x4  }
0x18d: {  	v60 =	vbroadcast v18, $0x6;
	[tilespmem:v7+s12+$0x0] =	vst.idx.msk $0xffff, v59  }
0x18e: {  	(v2sf) =	vpush v19, $0xE;
	v21 =	vld.idx.msk [tilespmem:v21+s31+$0x0], $0xffff  }
0x18f: {  	v22 =	vadd.s32 v0, v60  }
0x190: {  	(v2sf) =	vpush v20, $0xE;
	_ =	sdelay $0x2  }
0x191: {  	s28 =	simm.s32 $0xCC00;
	[tilespmem:v7+s24+$0x0] =	vst.idx.msk $0xffff, v21  }
0x192: {  	v21 =	vld.idx.msk [tilespmem:v22+s28+$0x0], $0xffff;
	_ =	sdelay $0x4  }
0x193: {  	s29 =	simm.s32 $0xDC00;
	[tilespmem:v7+s20+$0x0] =	vst.idx.msk $0xffff, v21  }
0x194: {  	v21 =	vld.idx.msk [tilespmem:v22+s29+$0x0], $0xffff;
	_ =	sdelay $0x2  }
0x195: {  	s5 =	spop (v2sf)  }
0x196: {  	s8 =	sand.u32 $0xFFFFF80, s5  }
0x197: {  	s7 =	spop (v2sf);
	s6 =	sadd.s32 s13, s8;
	[tilespmem:v7+s22+$0x0] =	vst.idx.msk $0xffff, v21  }
0x198: {  	[tilespmem:s30], [sflag:$0x7] =	stream.strided.gather [hbm4b:s6+s17], $0x800, s15, s17, $0x38;
	[tilespmem:$0x18400] =	vst v63  }
0x199: {  	s8 =	sadd.s32 s2, s8;
	s16 =	sand.u32 $0xFFFFF80, s7  }
0x19a: {  	[tilespmem:s31], [sflag:$0x7] =	stream.strided.gather [hbm4b:s8+s17], $0x800, s15, s17, $0x38;
	[tilespmem:$0x18400] =	vst v63  }
0x19b: {  	s9 =	sadd.s32 s1, s16  }
0x19c: {  	[tilespmem:s28], [sflag:$0x7] =	stream.strided.gather [hbm4b:s9+s17], $0x800, s15, s17, $0x38;
	[tilespmem:$0x18400] =	vst v63  }
0x19d: {  	s18 =	simm.s32 $0x8;
	s8 =	sadd.s32 s3, s16  }
0x19e: {  	[tilespmem:s29], [sflag:$0x7] =	stream.strided.gather [hbm4b:s8+s17], $0x800, s15, s17, $0x38;
	[tilespmem:$0x18400] =	vst v63  }
0x19f: {  	_ =	swait.ge [sflag:s18], $0x800  }
0x1a0: {  	[sflag:s18] =	ssyncset.done $0x0  }
0x1a1: {  	[sflag:s18] =	ssyncadd.s32 $0xFFFFF800  }
0x1a2: {  	_ =	swait.ge [sflag:s18], $0x800  }
0x1a3: {  	[sflag:s18] =	ssyncset.done $0x0  }
0x1a4: {  	v61 =	vbroadcast v17, $0x7;
	[sflag:s18] =	ssyncadd.s32 $0xFFFFF800  }
0x1a5: {  	_ =	swait.ge [sflag:s18], $0x800  }
0x1a6: {  	v21 =	vadd.s32 v0, v61;
	[sflag:s18] =	ssyncset.done $0x0  }
0x1a7: {  	[sflag:s18] =	ssyncadd.s32 $0xFFFFF800  }
0x1a8: {  	_ =	swait.ge [sflag:s18], $0x800  }
0x1a9: {  	[sflag:s18] =	ssyncset.done $0x0  }
0x1aa: {  	s19 =	simm.s32 $0xE400;
	[sflag:s18] =	ssyncadd.s32 $0xFFFFF800  }
0x1ab: {  	v62 =	vld.idx.msk [tilespmem:v21+s19+$0x0], $0xffff;
	_ =	sdelay $0x4  }
0x1ac: {  	v63 =	vbroadcast v18, $0x7;
	s23 =	simm.s32 $0xF400;
	[tilespmem:v8+s12+$0x0] =	vst.idx.msk $0xffff, v62  }
0x1ad: {  	(v2sf) =	vpush v19, $0xF;
	v21 =	vld.idx.msk [tilespmem:v21+s23+$0x0], $0xffff  }
0x1ae: {  	v19 =	vadd.s32 v0, v63  }
0x1af: {  	(v2sf) =	vpush v20, $0xF;
	_ =	sdelay $0x2  }
0x1b0: {  	s25 =	simm.s32 $0xEC00;
	[tilespmem:v8+s24+$0x0] =	vst.idx.msk $0xffff, v21  }
0x1b1: {  	v20 =	vld.idx.msk [tilespmem:v19+s25+$0x0], $0xffff;
	_ =	sdelay $0x4  }
0x1b2: {  	s26 =	simm.s32 $0xFC00;
	[tilespmem:v8+s20+$0x0] =	vst.idx.msk $0xffff, v20  }
0x1b3: {  	v19 =	vld.idx.msk [tilespmem:v19+s26+$0x0], $0xffff;
	_ =	sdelay $0x2  }
0x1b4: {  	s28 =	spop (v2sf)  }
0x1b5: {  	s8 =	sand.u32 $0xFFFFF80, s28  }
0x1b6: {  	s30 =	spop (v2sf);
	s29 =	sadd.s32 s13, s8;
	[tilespmem:v8+s22+$0x0] =	vst.idx.msk $0xffff, v19  }
0x1b7: {  	[tilespmem:s19], [sflag:$0x8] =	stream.strided.gather [hbm4b:s29+s17], $0x800, s15, s17, $0x38;
	[tilespmem:$0x18400] =	vst v63  }
0x1b8: {  	s8 =	sadd.s32 s2, s8;
	s31 =	sand.u32 $0xFFFFF80, s30  }
0x1b9: {  	[tilespmem:s23], [sflag:$0x8] =	stream.strided.gather [hbm4b:s8+s17], $0x800, s15, s17, $0x38;
	[tilespmem:$0x18400] =	vst v63  }
0x1ba: {  	s9 =	sadd.s32 s1, s31  }
0x1bb: {  	[tilespmem:s25], [sflag:$0x8] =	stream.strided.gather [hbm4b:s9+s17], $0x800, s15, s17, $0x38;
	[tilespmem:$0x18400] =	vst v63  }
0x1bc: {  	s8 =	sadd.s32 s3, s31  }
0x1bd: {  	[tilespmem:s26], [sflag:$0x8] =	stream.strided.gather [hbm4b:s8+s17], $0x800, s15, s17, $0x38;
	[tilespmem:$0x18400] =	vst v63  }
0x1be: {  	_ =	swait.ge [sflag:s21], $0x800  }
0x1bf: {  	[sflag:s21] =	ssyncset.done $0x0  }
0x1c0: {  	[sflag:s21] =	ssyncadd.s32 $0xFFFFF800  }
0x1c1: {  	_ =	swait.ge [sflag:s21], $0x800  }
0x1c2: {  	[sflag:s21] =	ssyncset.done $0x0  }
0x1c3: {  	v19 =	vbroadcast v17, $0x8;
	[sflag:s21] =	ssyncadd.s32 $0xFFFFF800  }
0x1c4: {  	_ =	swait.ge [sflag:s21], $0x800  }
0x1c5: {  	v19 =	vadd.s32 v0, v19;
	[sflag:s21] =	ssyncset.done $0x0  }
0x1c6: {  	[sflag:s21] =	ssyncadd.s32 $0xFFFFF800  }
0x1c7: {  	_ =	swait.ge [sflag:s21], $0x800  }
0x1c8: {  	[sflag:s21] =	ssyncset.done $0x0  }
0x1c9: {  	[sflag:s21] =	ssyncadd.s32 $0xFFFFF800  }
0x1ca: {  	v20 =	vld.idx.msk [tilespmem:v19+s17+$0x0], $0xffff;
	_ =	sdelay $0x4  }
0x1cb: {  	s11 =	simm.s32 $0x1400;
	[tilespmem:v9+s12+$0x0] =	vst.idx.msk $0xffff, v20;
	v20 =	vbroadcast v18, $0x8  }
0x1cc: {  	v19 =	vld.idx.msk [tilespmem:v19+s11+$0x0], $0xffff  }
0x1cd: {  	v20 =	vadd.s32 v0, v20;
	_ =	sdelay $0x3  }
0x1ce: {  	s0 =	simm.s32 $0xC00;
	[tilespmem:v9+s24+$0x0] =	vst.idx.msk $0xffff, v19  }
0x1cf: {  	v19 =	vld.idx.msk [tilespmem:v20+s0+$0x0], $0xffff;
	_ =	sdelay $0x4  }
0x1d0: {  	s10 =	simm.s32 $0x1C00;
	[tilespmem:v9+s20+$0x0] =	vst.idx.msk $0xffff, v19  }
0x1d1: {  	v19 =	vld.idx.msk [tilespmem:v20+s10+$0x0], $0xffff;
	_ =	sdelay $0x4  }
0x1d2: {  	s4 =	simm.s32 $0x210;
	s8 =	simm.s32 $0x18;
	s0 =	simm.s32 $0x10;
	[tilespmem:v9+s22+$0x0] =	vst.idx.msk $0xffff, v19  }
.LBB2_2:
0x1d3: {  	v22 =	vld [tilespmem:s0+$0x0];
	_ =	sdelay $0x1  }
0x1d4: {  	v21 =	vld [tilespmem:s4+$0x0];
	_ =	sdelay $0x2  }
0x1d5: {  	v19 =	vshra.s32 v22, $0x1F  }
0x1d6: {  	v19 =	vshrl.u32 v19, $0x19  }
0x1d7: {  	v20 =	vshra.s32 v21, $0x1F;
	v19 =	vadd.s32 v19, v22  }
0x1d8: {  	v20 =	vshrl.u32 v20, $0x19;
	(v2sf) =	vpush v19, $0x0  }
0x1d9: {  	v20 =	vadd.s32 v20, v21  }
0x1da: {  	(v2sf) =	vpush v20, $0x0;
	_ =	sdelay $0xc  }
0x1db: {  	s11 =	spop (v2sf)  }
0x1dc: {  	s11 =	sand.u32 $0xFFFFF80, s11  }
0x1dd: {  	[dreg:$0x10] =	wrdreg s0;
	s30 =	spop (v2sf);
	s12 =	sadd.s32 s13, s11  }
0x1de: {  	[tilespmem:s17], [sflag:$0x1] =	stream.strided.gather [hbm4b:s12+s17], $0x800, s15, s17, $0x38;
	[tilespmem:$0x18400] =	vst v63  }
0x1df: {  	s31 =	simm.s32 $0x1400;
	s11 =	sadd.s32 s2, s11;
	s0 =	sand.u32 $0xFFFFF80, s30  }
0x1e0: {  	[tilespmem:s31], [sflag:$0x1] =	stream.strided.gather [hbm4b:s11+s17], $0x800, s15, s17, $0x38;
	[tilespmem:$0x18400] =	vst v63  }
0x1e1: {  	[dreg:$0x11] =	wrdreg s4;
	s14 =	simm.s32 $0xC00;
	s12 =	sadd.s32 s1, s0  }
0x1e2: {  	[tilespmem:s14], [sflag:$0x1] =	stream.strided.gather [hbm4b:s12+s17], $0x800, s15, s17, $0x38;
	[tilespmem:$0x18400] =	vst v63  }
0x1e3: {  	s18 =	simm.s32 $0x1C00;
	s11 =	sadd.s32 s3, s0;
	s31 =	simm.s32 $0x2  }
0x1e4: {  	[tilespmem:s18], [sflag:$0x1] =	stream.strided.gather [hbm4b:s11+s17], $0x800, s15, s17, $0x38;
	[tilespmem:$0x18400] =	vst v63  }
0x1e5: {  	_ =	swait.ge [sflag:s31], $0x800  }
0x1e6: {  	[sflag:s31] =	ssyncset.done $0x0  }
0x1e7: {  	[sflag:s31] =	ssyncadd.s32 $0xFFFFF800  }
0x1e8: {  	_ =	swait.ge [sflag:s31], $0x800  }
0x1e9: {  	[sflag:s31] =	ssyncset.done $0x0  }
0x1ea: {  	v23 =	vbroadcast v17, $0x9;
	[sflag:s31] =	ssyncadd.s32 $0xFFFFF800  }
0x1eb: {  	_ =	swait.ge [sflag:s31], $0x800  }
0x1ec: {  	s4 =	sadd.s32 $0xFFFFFFF1, s8;
	v23 =	vadd.s32 v0, v23;
	[sflag:s31] =	ssyncset.done $0x0  }
0x1ed: {  	v24 =	vmov s4;
	[sflag:s31] =	ssyncadd.s32 $0xFFFFF800  }
0x1ee: {  	v25 =	vshll.u32 v24, $0x3;
	_ =	swait.ge [sflag:s31], $0x800  }
0x1ef: {  	v24 =	vand.u32 $0x79, v24;
	v25 =	vand.u32 $0xFFFFFC00, v25;
	[sflag:s31] =	ssyncset.done $0x0  }
0x1f0: {  	s5 =	simm.s32 $0x2400;
	v24 =	vor.u32 v24, v25;
	[sflag:s31] =	ssyncadd.s32 $0xFFFFF800  }
0x1f1: {  	v24 =	vadd.s32 v1, v24;
	v30 =	vld.idx.msk [tilespmem:v23+s5+$0x0], $0xffff;
	_ =	sdelay $0x3  }
0x1f2: {  	s0 =	simm.s32 $0x10400  }
0x1f3: {  	v31 =	vbroadcast v18, $0x9;
	s7 =	simm.s32 $0x3400;
	[tilespmem:v24+s0+$0x0] =	vst.idx.msk $0xffff, v30  }
0x1f4: {  	(v2sf) =	vpush v19, $0x1;
	v23 =	vld.idx.msk [tilespmem:v23+s7+$0x0], $0xffff  }
0x1f5: {  	v25 =	vadd.s32 v0, v31;
	_ =	sdelay $0x2  }
0x1f6: {  	s24 =	simm.s32 $0x14400;
	(v2sf) =	vpush v20, $0x1  }
0x1f7: {  	s9 =	simm.s32 $0x2C00;
	[tilespmem:v24+s24+$0x0] =	vst.idx.msk $0xffff, v23  }
0x1f8: {  	v23 =	vld.idx.msk [tilespmem:v25+s9+$0x0], $0xffff;
	_ =	sdelay $0x3  }
0x1f9: {  	s20 =	simm.s32 $0x12400  }
0x1fa: {  	s10 =	simm.s32 $0x3C00;
	[tilespmem:v24+s20+$0x0] =	vst.idx.msk $0xffff, v23  }
0x1fb: {  	v23 =	vld.idx.msk [tilespmem:v25+s10+$0x0], $0xffff;
	_ =	sdelay $0x2  }
0x1fc: {  	s12 =	spop (v2sf)  }
0x1fd: {  	s22 =	simm.s32 $0x16400;
	s11 =	sand.u32 $0xFFFFF80, s12  }
0x1fe: {  	s6 =	simm.s32 $0x2400;
	s16 =	sadd.s32 s13, s11;
	[tilespmem:v24+s22+$0x0] =	vst.idx.msk $0xffff, v23  }
0x1ff: {  	[tilespmem:s6], [sflag:$0x2] =	stream.strided.gather [hbm4b:s16+s17], $0x800, s15, s17, $0x38;
	[tilespmem:$0x18400] =	vst v63  }
0x200: {  	s19 =	simm.s32 $0x3400;
	s18 =	spop (v2sf);
	s11 =	sadd.s32 s2, s11  }
0x201: {  	[tilespmem:s19], [sflag:$0x2] =	stream.strided.gather [hbm4b:s11+s17], $0x800, s15, s17, $0x38;
	[tilespmem:$0x18400] =	vst v63  }
0x202: {  	s19 =	sand.u32 $0xFFFFF80, s18  }
0x203: {  	s23 =	simm.s32 $0x2C00;
	s12 =	sadd.s32 s1, s19  }
0x204: {  	[tilespmem:s23], [sflag:$0x2] =	stream.strided.gather [hbm4b:s12+s17], $0x800, s15, s17, $0x38;
	[tilespmem:$0x18400] =	vst v63  }
0x205: {  	s25 =	simm.s32 $0x3C00;
	s4 =	simm.s32 $0x3;
	s11 =	sadd.s32 s3, s19  }
0x206: {  	[tilespmem:s25], [sflag:$0x2] =	stream.strided.gather [hbm4b:s11+s17], $0x800, s15, s17, $0x38;
	[tilespmem:$0x18400] =	vst v63  }
0x207: {  	_ =	swait.ge [sflag:s4], $0x800  }
0x208: {  	[sflag:s4] =	ssyncset.done $0x0  }
0x209: {  	[sflag:s4] =	ssyncadd.s32 $0xFFFFF800  }
0x20a: {  	_ =	swait.ge [sflag:s4], $0x800  }
0x20b: {  	[sflag:s4] =	ssyncset.done $0x0  }
0x20c: {  	v32 =	vbroadcast v17, $0xA;
	[sflag:s4] =	ssyncadd.s32 $0xFFFFF800  }
0x20d: {  	_ =	swait.ge [sflag:s4], $0x800  }
0x20e: {  	s21 =	sadd.s32 $0xFFFFFFF2, s8;
	v23 =	vadd.s32 v0, v32;
	[sflag:s4] =	ssyncset.done $0x0  }
0x20f: {  	v33 =	vmov s21;
	[sflag:s4] =	ssyncadd.s32 $0xFFFFF800  }
0x210: {  	v34 =	vshll.u32 v33, $0x3;
	_ =	swait.ge [sflag:s4], $0x800  }
0x211: {  	v25 =	vand.u32 $0xFFFFFC00, v34;
	v24 =	vand.u32 $0x7A, v33;
	[sflag:s4] =	ssyncset.done $0x0  }
0x212: {  	v24 =	vor.u32 v24, v25;
	s23 =	simm.s32 $0x4400;
	[sflag:s4] =	ssyncadd.s32 $0xFFFFF800  }
0x213: {  	v24 =	vadd.s32 v1, v24;
	v35 =	vld.idx.msk [tilespmem:v23+s23+$0x0], $0xffff;
	_ =	sdelay $0x4  }
0x214: {  	v36 =	vbroadcast v18, $0xA;
	s26 =	simm.s32 $0x5400;
	[tilespmem:v24+s0+$0x0] =	vst.idx.msk $0xffff, v35  }
0x215: {  	(v2sf) =	vpush v19, $0x2;
	v23 =	vld.idx.msk [tilespmem:v23+s26+$0x0], $0xffff  }
0x216: {  	v25 =	vadd.s32 v0, v36  }
0x217: {  	(v2sf) =	vpush v20, $0x2;
	_ =	sdelay $0x2  }
0x218: {  	s30 =	simm.s32 $0x4C00;
	[tilespmem:v24+s24+$0x0] =	vst.idx.msk $0xffff, v23  }
0x219: {  	v23 =	vld.idx.msk [tilespmem:v25+s30+$0x0], $0xffff;
	_ =	sdelay $0x4  }
0x21a: {  	s6 =	simm.s32 $0x5C00;
	[tilespmem:v24+s20+$0x0] =	vst.idx.msk $0xffff, v23  }
0x21b: {  	v23 =	vld.idx.msk [tilespmem:v25+s6+$0x0], $0xffff;
	_ =	sdelay $0x2  }
0x21c: {  	s9 =	spop (v2sf)  }
0x21d: {  	s11 =	sand.u32 $0xFFFFF80, s9  }
0x21e: {  	s25 =	simm.s32 $0x4400;
	s16 =	spop (v2sf);
	s10 =	sadd.s32 s13, s11;
	[tilespmem:v24+s22+$0x0] =	vst.idx.msk $0xffff, v23  }
0x21f: {  	[tilespmem:s25], [sflag:$0x3] =	stream.strided.gather [hbm4b:s10+s17], $0x800, s15, s17, $0x38;
	[tilespmem:$0x18400] =	vst v63  }
0x220: {  	s29 =	simm.s32 $0x5400;
	s11 =	sadd.s32 s2, s11;
	s18 =	sand.u32 $0xFFFFF80, s16  }
0x221: {  	[tilespmem:s29], [sflag:$0x3] =	stream.strided.gather [hbm4b:s11+s17], $0x800, s15, s17, $0x38;
	[tilespmem:$0x18400] =	vst v63  }
0x222: {  	s5 =	simm.s32 $0x4C00;
	s12 =	sadd.s32 s1, s18  }
0x223: {  	[tilespmem:s5], [sflag:$0x3] =	stream.strided.gather [hbm4b:s12+s17], $0x800, s15, s17, $0x38;
	[tilespmem:$0x18400] =	vst v63  }
0x224: {  	s7 =	simm.s32 $0x5C00;
	s6 =	simm.s32 $0x4;
	s11 =	sadd.s32 s3, s18  }
0x225: {  	[tilespmem:s7], [sflag:$0x3] =	stream.strided.gather [hbm4b:s11+s17], $0x800, s15, s17, $0x38;
	[tilespmem:$0x18400] =	vst v63  }
0x226: {  	_ =	swait.ge [sflag:s6], $0x800  }
0x227: {  	[sflag:s6] =	ssyncset.done $0x0  }
0x228: {  	[sflag:s6] =	ssyncadd.s32 $0xFFFFF800  }
0x229: {  	_ =	swait.ge [sflag:s6], $0x800  }
0x22a: {  	[sflag:s6] =	ssyncset.done $0x0  }
0x22b: {  	v37 =	vbroadcast v17, $0xB;
	[sflag:s6] =	ssyncadd.s32 $0xFFFFF800  }
0x22c: {  	_ =	swait.ge [sflag:s6], $0x800  }
0x22d: {  	s19 =	sadd.s32 $0xFFFFFFF3, s8;
	v23 =	vadd.s32 v0, v37;
	[sflag:s6] =	ssyncset.done $0x0  }
0x22e: {  	v38 =	vmov s19;
	[sflag:s6] =	ssyncadd.s32 $0xFFFFF800  }
0x22f: {  	v39 =	vshll.u32 v38, $0x3;
	_ =	swait.ge [sflag:s6], $0x800  }
0x230: {  	v25 =	vand.u32 $0xFFFFFC00, v39;
	v24 =	vand.u32 $0x7B, v38;
	[sflag:s6] =	ssyncset.done $0x0  }
0x231: {  	s21 =	simm.s32 $0x6400;
	v24 =	vor.u32 v24, v25;
	[sflag:s6] =	ssyncadd.s32 $0xFFFFF800  }
0x232: {  	v24 =	vadd.s32 v1, v24;
	v40 =	vld.idx.msk [tilespmem:v23+s21+$0x0], $0xffff;
	_ =	sdelay $0x4  }
0x233: {  	v41 =	vbroadcast v18, $0xB;
	s25 =	simm.s32 $0x7400;
	[tilespmem:v24+s0+$0x0] =	vst.idx.msk $0xffff, v40  }
0x234: {  	(v2sf) =	vpush v19, $0x3;
	v23 =	vld.idx.msk [tilespmem:v23+s25+$0x0], $0xffff  }
0x235: {  	v25 =	vadd.s32 v0, v41  }
0x236: {  	(v2sf) =	vpush v20, $0x3;
	_ =	sdelay $0x2  }
0x237: {  	s29 =	simm.s32 $0x6C00;
	[tilespmem:v24+s24+$0x0] =	vst.idx.msk $0xffff, v23  }
0x238: {  	v23 =	vld.idx.msk [tilespmem:v25+s29+$0x0], $0xffff;
	_ =	sdelay $0x4  }
0x239: {  	s18 =	simm.s32 $0x7C00;
	[tilespmem:v24+s20+$0x0] =	vst.idx.msk $0xffff, v23  }
0x23a: {  	v23 =	vld.idx.msk [tilespmem:v25+s18+$0x0], $0xffff;
	_ =	sdelay $0x2  }
0x23b: {  	s30 =	spop (v2sf)  }
0x23c: {  	s11 =	sand.u32 $0xFFFFF80, s30  }
0x23d: {  	s23 =	simm.s32 $0x6400;
	s7 =	spop (v2sf);
	s5 =	sadd.s32 s13, s11;
	[tilespmem:v24+s22+$0x0] =	vst.idx.msk $0xffff, v23  }
0x23e: {  	[tilespmem:s23], [sflag:$0x4] =	stream.strided.gather [hbm4b:s5+s17], $0x800, s15, s17, $0x38;
	[tilespmem:$0x18400] =	vst v63  }
0x23f: {  	s26 =	simm.s32 $0x7400;
	s11 =	sadd.s32 s2, s11;
	s9 =	sand.u32 $0xFFFFF80, s7  }
0x240: {  	[tilespmem:s26], [sflag:$0x4] =	stream.strided.gather [hbm4b:s11+s17], $0x800, s15, s17, $0x38;
	[tilespmem:$0x18400] =	vst v63  }
0x241: {  	s12 =	sadd.s32 s1, s9  }
0x242: {  	[tilespmem:s29], [sflag:$0x4] =	stream.strided.gather [hbm4b:s12+s17], $0x800, s15, s17, $0x38;
	[tilespmem:$0x18400] =	vst v63  }
0x243: {  	s16 =	simm.s32 $0x5;
	s11 =	sadd.s32 s3, s9  }
0x244: {  	[tilespmem:s18], [sflag:$0x4] =	stream.strided.gather [hbm4b:s11+s17], $0x800, s15, s17, $0x38;
	[tilespmem:$0x18400] =	vst v63  }
0x245: {  	_ =	swait.ge [sflag:s16], $0x800  }
0x246: {  	[sflag:s16] =	ssyncset.done $0x0  }
0x247: {  	[sflag:s16] =	ssyncadd.s32 $0xFFFFF800  }
0x248: {  	_ =	swait.ge [sflag:s16], $0x800  }
0x249: {  	[sflag:s16] =	ssyncset.done $0x0  }
0x24a: {  	v42 =	vbroadcast v17, $0xC;
	[sflag:s16] =	ssyncadd.s32 $0xFFFFF800  }
0x24b: {  	_ =	swait.ge [sflag:s16], $0x800  }
0x24c: {  	s10 =	sadd.s32 $0xFFFFFFF4, s8;
	v23 =	vadd.s32 v0, v42;
	[sflag:s16] =	ssyncset.done $0x0  }
0x24d: {  	v43 =	vmov s10;
	[sflag:s16] =	ssyncadd.s32 $0xFFFFF800  }
0x24e: {  	v44 =	vshll.u32 v43, $0x3;
	_ =	swait.ge [sflag:s16], $0x800  }
0x24f: {  	v25 =	vand.u32 $0xFFFFFC00, v44;
	v24 =	vand.u32 $0x7C, v43;
	[sflag:s16] =	ssyncset.done $0x0  }
0x250: {  	v24 =	vor.u32 v24, v25;
	s12 =	simm.s32 $0x8400;
	[sflag:s16] =	ssyncadd.s32 $0xFFFFF800  }
0x251: {  	v24 =	vadd.s32 v1, v24;
	v45 =	vld.idx.msk [tilespmem:v23+s12+$0x0], $0xffff;
	_ =	sdelay $0x4  }
0x252: {  	v46 =	vbroadcast v18, $0xC;
	s19 =	simm.s32 $0x9400;
	[tilespmem:v24+s0+$0x0] =	vst.idx.msk $0xffff, v45  }
0x253: {  	(v2sf) =	vpush v19, $0x4;
	v23 =	vld.idx.msk [tilespmem:v23+s19+$0x0], $0xffff  }
0x254: {  	v25 =	vadd.s32 v0, v46  }
0x255: {  	(v2sf) =	vpush v20, $0x4;
	_ =	sdelay $0x2  }
0x256: {  	s19 =	simm.s32 $0x8C00;
	[tilespmem:v24+s24+$0x0] =	vst.idx.msk $0xffff, v23  }
0x257: {  	v23 =	vld.idx.msk [tilespmem:v25+s19+$0x0], $0xffff;
	_ =	sdelay $0x4  }
0x258: {  	s25 =	simm.s32 $0x9C00;
	[tilespmem:v24+s20+$0x0] =	vst.idx.msk $0xffff, v23  }
0x259: {  	v23 =	vld.idx.msk [tilespmem:v25+s25+$0x0], $0xffff;
	_ =	sdelay $0x2  }
0x25a: {  	s5 =	spop (v2sf)  }
0x25b: {  	s11 =	sand.u32 $0xFFFFF80, s5  }
0x25c: {  	s26 =	simm.s32 $0x8400;
	s9 =	spop (v2sf);
	s7 =	sadd.s32 s13, s11;
	[tilespmem:v24+s22+$0x0] =	vst.idx.msk $0xffff, v23  }
0x25d: {  	[tilespmem:s26], [sflag:$0x5] =	stream.strided.gather [hbm4b:s7+s17], $0x800, s15, s17, $0x38;
	[tilespmem:$0x18400] =	vst v63  }
0x25e: {  	s21 =	simm.s32 $0x9400;
	s11 =	sadd.s32 s2, s11;
	s10 =	sand.u32 $0xFFFFF80, s9  }
0x25f: {  	[tilespmem:s21], [sflag:$0x5] =	stream.strided.gather [hbm4b:s11+s17], $0x800, s15, s17, $0x38;
	[tilespmem:$0x18400] =	vst v63  }
0x260: {  	s12 =	sadd.s32 s1, s10  }
0x261: {  	[tilespmem:s19], [sflag:$0x5] =	stream.strided.gather [hbm4b:s12+s17], $0x800, s15, s17, $0x38;
	[tilespmem:$0x18400] =	vst v63  }
0x262: {  	s30 =	simm.s32 $0x9C00;
	s5 =	simm.s32 $0x6;
	s11 =	sadd.s32 s3, s10  }
0x263: {  	[tilespmem:s30], [sflag:$0x5] =	stream.strided.gather [hbm4b:s11+s17], $0x800, s15, s17, $0x38;
	[tilespmem:$0x18400] =	vst v63  }
0x264: {  	_ =	swait.ge [sflag:s5], $0x800  }
0x265: {  	[sflag:s5] =	ssyncset.done $0x0  }
0x266: {  	[sflag:s5] =	ssyncadd.s32 $0xFFFFF800  }
0x267: {  	_ =	swait.ge [sflag:s5], $0x800  }
0x268: {  	[sflag:s5] =	ssyncset.done $0x0  }
0x269: {  	v47 =	vbroadcast v17, $0xD;
	[sflag:s5] =	ssyncadd.s32 $0xFFFFF800  }
0x26a: {  	_ =	swait.ge [sflag:s5], $0x800  }
0x26b: {  	v23 =	vadd.s32 v0, v47;
	s12 =	sadd.s32 $0xFFFFFFF5, s8;
	[sflag:s5] =	ssyncset.done $0x0  }
0x26c: {  	v48 =	vmov s12;
	[sflag:s5] =	ssyncadd.s32 $0xFFFFF800  }
0x26d: {  	v49 =	vshll.u32 v48, $0x3;
	_ =	swait.ge [sflag:s5], $0x800  }
0x26e: {  	v24 =	vand.u32 $0x7D, v48;
	v25 =	vand.u32 $0xFFFFFC00, v49;
	[sflag:s5] =	ssyncset.done $0x0  }
0x26f: {  	s21 =	simm.s32 $0xA400;
	v24 =	vor.u32 v24, v25;
	[sflag:s5] =	ssyncadd.s32 $0xFFFFF800  }
0x270: {  	v24 =	vadd.s32 v1, v24;
	v50 =	vld.idx.msk [tilespmem:v23+s21+$0x0], $0xffff;
	_ =	sdelay $0x4  }
0x271: {  	v51 =	vbroadcast v18, $0xD;
	s23 =	simm.s32 $0xB400;
	[tilespmem:v24+s0+$0x0] =	vst.idx.msk $0xffff, v50  }
0x272: {  	(v2sf) =	vpush v19, $0x5;
	v23 =	vld.idx.msk [tilespmem:v23+s23+$0x0], $0xffff  }
0x273: {  	v25 =	vadd.s32 v0, v51  }
0x274: {  	(v2sf) =	vpush v20, $0x5;
	_ =	sdelay $0x2  }
0x275: {  	s30 =	simm.s32 $0xAC00;
	[tilespmem:v24+s24+$0x0] =	vst.idx.msk $0xffff, v23  }
0x276: {  	v23 =	vld.idx.msk [tilespmem:v25+s30+$0x0], $0xffff;
	_ =	sdelay $0x4  }
0x277: {  	s26 =	simm.s32 $0xBC00;
	[tilespmem:v24+s20+$0x0] =	vst.idx.msk $0xffff, v23  }
0x278: {  	v23 =	vld.idx.msk [tilespmem:v25+s26+$0x0], $0xffff;
	_ =	sdelay $0x2  }
0x279: {  	s9 =	spop (v2sf)  }
0x27a: {  	s11 =	sand.u32 $0xFFFFF80, s9  }
0x27b: {  	s28 =	simm.s32 $0xA400;
	s21 =	spop (v2sf);
	s10 =	sadd.s32 s13, s11;
	[tilespmem:v24+s22+$0x0] =	vst.idx.msk $0xffff, v23  }
0x27c: {  	[tilespmem:s28], [sflag:$0x6] =	stream.strided.gather [hbm4b:s10+s17], $0x800, s15, s17, $0x38;
	[tilespmem:$0x18400] =	vst v63  }
0x27d: {  	s25 =	simm.s32 $0xB400;
	s11 =	sadd.s32 s2, s11;
	s23 =	sand.u32 $0xFFFFF80, s21  }
0x27e: {  	[tilespmem:s25], [sflag:$0x6] =	stream.strided.gather [hbm4b:s11+s17], $0x800, s15, s17, $0x38;
	[tilespmem:$0x18400] =	vst v63  }
0x27f: {  	s7 =	simm.s32 $0xAC00;
	s12 =	sadd.s32 s1, s23  }
0x280: {  	[tilespmem:s7], [sflag:$0x6] =	stream.strided.gather [hbm4b:s12+s17], $0x800, s15, s17, $0x38;
	[tilespmem:$0x18400] =	vst v63  }
0x281: {  	s11 =	sadd.s32 s3, s23;
	s7 =	simm.s32 $0x7  }
0x282: {  	[tilespmem:s26], [sflag:$0x6] =	stream.strided.gather [hbm4b:s11+s17], $0x800, s15, s17, $0x38;
	[tilespmem:$0x18400] =	vst v63  }
0x283: {  	_ =	swait.ge [sflag:s7], $0x800  }
0x284: {  	[sflag:s7] =	ssyncset.done $0x0  }
0x285: {  	[sflag:s7] =	ssyncadd.s32 $0xFFFFF800  }
0x286: {  	_ =	swait.ge [sflag:s7], $0x800  }
0x287: {  	[sflag:s7] =	ssyncset.done $0x0  }
0x288: {  	v52 =	vbroadcast v17, $0xE;
	[sflag:s7] =	ssyncadd.s32 $0xFFFFF800  }
0x289: {  	_ =	swait.ge [sflag:s7], $0x800  }
0x28a: {  	v23 =	vadd.s32 v0, v52;
	s25 =	sadd.s32 $0xFFFFFFF6, s8;
	[sflag:s7] =	ssyncset.done $0x0  }
0x28b: {  	v53 =	vmov s25;
	[sflag:s7] =	ssyncadd.s32 $0xFFFFF800  }
0x28c: {  	v54 =	vshll.u32 v53, $0x3;
	_ =	swait.ge [sflag:s7], $0x800  }
0x28d: {  	v24 =	vand.u32 $0x7E, v53;
	v25 =	vand.u32 $0xFFFFFC00, v54;
	[sflag:s7] =	ssyncset.done $0x0  }
0x28e: {  	s30 =	simm.s32 $0xC400;
	v24 =	vor.u32 v24, v25;
	[sflag:s7] =	ssyncadd.s32 $0xFFFFF800  }
0x28f: {  	v24 =	vadd.s32 v1, v24;
	v55 =	vld.idx.msk [tilespmem:v23+s30+$0x0], $0xffff;
	_ =	sdelay $0x4  }
0x290: {  	v56 =	vbroadcast v18, $0xE;
	s9 =	simm.s32 $0xD400;
	[tilespmem:v24+s0+$0x0] =	vst.idx.msk $0xffff, v55  }
0x291: {  	(v2sf) =	vpush v19, $0x6;
	v23 =	vld.idx.msk [tilespmem:v23+s9+$0x0], $0xffff  }
0x292: {  	v25 =	vadd.s32 v0, v56  }
0x293: {  	(v2sf) =	vpush v20, $0x6;
	_ =	sdelay $0x2  }
0x294: {  	s28 =	simm.s32 $0xCC00;
	[tilespmem:v24+s24+$0x0] =	vst.idx.msk $0xffff, v23  }
0x295: {  	v23 =	vld.idx.msk [tilespmem:v25+s28+$0x0], $0xffff;
	_ =	sdelay $0x4  }
0x296: {  	s10 =	simm.s32 $0xDC00;
	[tilespmem:v24+s20+$0x0] =	vst.idx.msk $0xffff, v23  }
0x297: {  	v23 =	vld.idx.msk [tilespmem:v25+s10+$0x0], $0xffff;
	_ =	sdelay $0x2  }
0x298: {  	s12 =	spop (v2sf)  }
0x299: {  	s11 =	sand.u32 $0xFFFFF80, s12  }
0x29a: {  	s23 =	simm.s32 $0xC400;
	s9 =	spop (v2sf);
	s30 =	sadd.s32 s13, s11;
	[tilespmem:v24+s22+$0x0] =	vst.idx.msk $0xffff, v23  }
0x29b: {  	[tilespmem:s23], [sflag:$0x7] =	stream.strided.gather [hbm4b:s30+s17], $0x800, s15, s17, $0x38;
	[tilespmem:$0x18400] =	vst v63  }
0x29c: {  	s25 =	simm.s32 $0xD400;
	s11 =	sadd.s32 s2, s11;
	s10 =	sand.u32 $0xFFFFF80, s9  }
0x29d: {  	[tilespmem:s25], [sflag:$0x7] =	stream.strided.gather [hbm4b:s11+s17], $0x800, s15, s17, $0x38;
	[tilespmem:$0x18400] =	vst v63  }
0x29e: {  	s12 =	sadd.s32 s1, s10  }
0x29f: {  	[tilespmem:s28], [sflag:$0x7] =	stream.strided.gather [hbm4b:s12+s17], $0x800, s15, s17, $0x38;
	[tilespmem:$0x18400] =	vst v63  }
0x2a0: {  	s21 =	simm.s32 $0xDC00;
	s9 =	simm.s32 $0x8;
	s11 =	sadd.s32 s3, s10  }
0x2a1: {  	[tilespmem:s21], [sflag:$0x7] =	stream.strided.gather [hbm4b:s11+s17], $0x800, s15, s17, $0x38;
	[tilespmem:$0x18400] =	vst v63  }
0x2a2: {  	_ =	swait.ge [sflag:s9], $0x800  }
0x2a3: {  	[sflag:s9] =	ssyncset.done $0x0  }
0x2a4: {  	[sflag:s9] =	ssyncadd.s32 $0xFFFFF800  }
0x2a5: {  	_ =	swait.ge [sflag:s9], $0x800  }
0x2a6: {  	[sflag:s9] =	ssyncset.done $0x0  }
0x2a7: {  	v17 =	vbroadcast v17, $0xF;
	[sflag:s9] =	ssyncadd.s32 $0xFFFFF800  }
0x2a8: {  	_ =	swait.ge [sflag:s9], $0x800  }
0x2a9: {  	v17 =	vadd.s32 v0, v17;
	s12 =	sadd.s32 $0xFFFFFFF7, s8;
	[sflag:s9] =	ssyncset.done $0x0  }
0x2aa: {  	v57 =	vmov s12;
	[sflag:s9] =	ssyncadd.s32 $0xFFFFF800  }
0x2ab: {  	v58 =	vshll.u32 v57, $0x3;
	_ =	swait.ge [sflag:s9], $0x800  }
0x2ac: {  	v23 =	vand.u32 $0x7F, v57;
	v24 =	vand.u32 $0xFFFFFC00, v58;
	[sflag:s9] =	ssyncset.done $0x0  }
0x2ad: {  	s23 =	simm.s32 $0xE400;
	v23 =	vor.u32 v23, v24;
	[sflag:s9] =	ssyncadd.s32 $0xFFFFF800  }
0x2ae: {  	v23 =	vadd.s32 v1, v23;
	v59 =	vld.idx.msk [tilespmem:v17+s23+$0x0], $0xffff;
	_ =	sdelay $0x4  }
0x2af: {  	v18 =	vbroadcast v18, $0xF;
	s25 =	simm.s32 $0xF400;
	[tilespmem:v23+s0+$0x0] =	vst.idx.msk $0xffff, v59  }
0x2b0: {  	(v2sf) =	vpush v19, $0x7;
	v17 =	vld.idx.msk [tilespmem:v17+s25+$0x0], $0xffff  }
0x2b1: {  	v18 =	vadd.s32 v0, v18;
	_ =	sdelay $0x2  }
0x2b2: {  	(v2sf) =	vpush v20, $0x7  }
0x2b3: {  	s30 =	simm.s32 $0xEC00;
	[tilespmem:v23+s24+$0x0] =	vst.idx.msk $0xffff, v17  }
0x2b4: {  	v17 =	vld.idx.msk [tilespmem:v18+s30+$0x0], $0xffff;
	_ =	sdelay $0x4  }
0x2b5: {  	s10 =	simm.s32 $0xFC00;
	[tilespmem:v23+s20+$0x0] =	vst.idx.msk $0xffff, v17  }
0x2b6: {  	v17 =	vld.idx.msk [tilespmem:v18+s10+$0x0], $0xffff;
	_ =	sdelay $0x2  }
0x2b7: {  	s12 =	spop (v2sf)  }
0x2b8: {  	s11 =	sand.u32 $0xFFFFF80, s12  }
0x2b9: {  	s23 =	simm.s32 $0xE400;
	s12 =	sadd.s32 s13, s11;
	[tilespmem:v23+s22+$0x0] =	vst.idx.msk $0xffff, v17  }
0x2ba: {  	[tilespmem:s23], [sflag:$0x8] =	stream.strided.gather [hbm4b:s12+s17], $0x800, s15, s17, $0x38;
	[tilespmem:$0x18400] =	vst v63  }
0x2bb: {  	s23 =	spop (v2sf)  }
0x2bc: {  	s25 =	simm.s32 $0xF400;
	s11 =	sadd.s32 s2, s11;
	s23 =	sand.u32 $0xFFFFF80, s23  }
0x2bd: {  	[tilespmem:s25], [sflag:$0x8] =	stream.strided.gather [hbm4b:s11+s17], $0x800, s15, s17, $0x38;
	[tilespmem:$0x18400] =	vst v63  }
0x2be: {  	s30 =	simm.s32 $0xEC00;
	s12 =	sadd.s32 s1, s23  }
0x2bf: {  	[tilespmem:s30], [sflag:$0x8] =	stream.strided.gather [hbm4b:s12+s17], $0x800, s15, s17, $0x38;
	[tilespmem:$0x18400] =	vst v63  }
0x2c0: {  	s21 =	simm.s32 $0x1;
	s10 =	simm.s32 $0xFC00;
	s11 =	sadd.s32 s3, s23  }
0x2c1: {  	[tilespmem:s10], [sflag:$0x8] =	stream.strided.gather [hbm4b:s11+s17], $0x800, s15, s17, $0x38;
	[tilespmem:$0x18400] =	vst v63  }
0x2c2: {  	_ =	swait.ge [sflag:s21], $0x800  }
0x2c3: {  	[sflag:s21] =	ssyncset.done $0x0  }
0x2c4: {  	[sflag:s21] =	ssyncadd.s32 $0xFFFFF800  }
0x2c5: {  	v17 =	vand.u32 $0xFFFFFF80, v19;
	_ =	swait.ge [sflag:s21], $0x800  }
0x2c6: {  	v17 =	vsub.s32 v22, v17;
	[sflag:s21] =	ssyncset.done $0x0  }
0x2c7: {  	v18 =	vbroadcast v17, $0x0;
	[sflag:s21] =	ssyncadd.s32 $0xFFFFF800  }
0x2c8: {  	_ =	swait.ge [sflag:s21], $0x800  }
0x2c9: {  	v60 =	vadd.s32 v0, v18;
	s30 =	sadd.s32 $0xFFFFFFF8, s8;
	[sflag:s21] =	ssyncset.done $0x0  }
0x2ca: {  	v18 =	vmov s30;
	[sflag:s21] =	ssyncadd.s32 $0xFFFFF800  }
0x2cb: {  	v61 =	vshll.u32 v18, $0x3;
	_ =	swait.ge [sflag:s21], $0x800  }
0x2cc: {  	v18 =	vand.u32 $0x70, v18;
	v23 =	vand.u32 $0xC00, v61;
	[sflag:s21] =	ssyncset.done $0x0  }
0x2cd: {  	v18 =	vor.u32 v23, v18;
	[sflag:s21] =	ssyncadd.s32 $0xFFFFF800  }
0x2ce: {  	v63 =	vor.u32 v1, v18;
	v62 =	vld.idx.msk [tilespmem:v60+s17+$0x0], $0xffff;
	_ =	sdelay $0x2  }
0x2cf: {  	v18 =	vand.u32 $0xFFFFFF80, v20  }
0x2d0: {  	v18 =	vsub.s32 v21, v18  }
0x2d1: {  	s10 =	simm.s32 $0x1400;
	v21 =	vbroadcast v18, $0x0;
	[tilespmem:v63+s0+$0x0] =	vst.idx.msk $0xffff, v62  }
0x2d2: {  	(v2sf) =	vpush v19, $0x8;
	v22 =	vld.idx.msk [tilespmem:v60+s10+$0x0], $0xffff  }
0x2d3: {  	v21 =	vadd.s32 v0, v21;
	(v2sf) =	vpush v20, $0x8;
	_ =	sdelay $0x3  }
0x2d4: {  	[tilespmem:v63+s24+$0x0] =	vst.idx.msk $0xffff, v22  }
0x2d5: {  	v22 =	vld.idx.msk [tilespmem:v21+s14+$0x0], $0xffff;
	_ =	sdelay $0x4  }
0x2d6: {  	s11 =	simm.s32 $0x1C00;
	[tilespmem:v63+s20+$0x0] =	vst.idx.msk $0xffff, v22  }
0x2d7: {  	v21 =	vld.idx.msk [tilespmem:v21+s11+$0x0], $0xffff;
	_ =	sdelay $0x2  }
0x2d8: {  	s23 =	smov.u32 s13;
	s12 =	spop (v2sf)  }
0x2d9: {  	s30 =	simm.s32 $0x1400;
	s11 =	sand.u32 $0xFFFFF80, s12;
	s12 =	spop (v2sf)  }
0x2da: {  	s14 =	sadd.s32 s13, s11;
	s11 =	sadd.s32 s2, s11;
	s13 =	smov.u32 s23;
	[tilespmem:v63+s22+$0x0] =	vst.idx.msk $0xffff, v21  }
0x2db: {  	[tilespmem:s17], [sflag:$0x1] =	stream.strided.gather [hbm4b:s14+s17], $0x800, s15, s17, $0x38;
	[tilespmem:$0x18400] =	vst v63  }
0x2dc: {  	s14 =	smov.u32 s3;
	s3 =	smov.u32 s2;
	s2 =	smov.u32 s1  }
0x2dd: {  	[tilespmem:s30], [sflag:$0x1] =	stream.strided.gather [hbm4b:s11+s17], $0x800, s15, s17, $0x38;
	[tilespmem:$0x18400] =	vst v63  }
0x2de: {  	s23 =	simm.s32 $0xC00;
	s1 =	smov.u32 s2;
	s30 =	sand.u32 $0xFFFFF80, s12  }
0x2df: {  	s2 =	smov.u32 s3;
	s3 =	smov.u32 s14;
	s12 =	sadd.s32 s1, s30  }
0x2e0: {  	[tilespmem:s23], [sflag:$0x1] =	stream.strided.gather [hbm4b:s12+s17], $0x800, s15, s17, $0x38;
	[tilespmem:$0x18400] =	vst v63  }
0x2e1: {  	s10 =	simm.s32 $0x1C00;
	s11 =	sadd.s32 s3, s30  }
0x2e2: {  	[tilespmem:s10], [sflag:$0x1] =	stream.strided.gather [hbm4b:s11+s17], $0x800, s15, s17, $0x38;
	[tilespmem:$0x18400] =	vst v63  }
0x2e3: {  	_ =	swait.ge [sflag:s31], $0x800  }
0x2e4: {  	[sflag:s31] =	ssyncset.done $0x0  }
0x2e5: {  	[sflag:s31] =	ssyncadd.s32 $0xFFFFF800  }
0x2e6: {  	_ =	swait.ge [sflag:s31], $0x800  }
0x2e7: {  	[sflag:s31] =	ssyncset.done $0x0  }
0x2e8: {  	v26 =	vbroadcast v17, $0x1;
	[sflag:s31] =	ssyncadd.s32 $0xFFFFF800  }
0x2e9: {  	_ =	swait.ge [sflag:s31], $0x800  }
0x2ea: {  	v21 =	vadd.s32 v0, v26;
	s10 =	sadd.s32 $0xFFFFFFF9, s8;
	[sflag:s31] =	ssyncset.done $0x0  }
0x2eb: {  	v27 =	vmov s10;
	[sflag:s31] =	ssyncadd.s32 $0xFFFFF800  }
0x2ec: {  	v28 =	vshll.u32 v27, $0x3;
	_ =	swait.ge [sflag:s31], $0x800  }
0x2ed: {  	v22 =	vand.u32 $0x71, v27;
	v23 =	vand.u32 $0xC00, v28;
	[sflag:s31] =	ssyncset.done $0x0  }
0x2ee: {  	s10 =	simm.s32 $0x2400;
	v22 =	vor.u32 v23, v22;
	[sflag:s31] =	ssyncadd.s32 $0xFFFFF800  }
0x2ef: {  	v22 =	vor.u32 v1, v22;
	v29 =	vld.idx.msk [tilespmem:v21+s10+$0x0], $0xffff;
	_ =	sdelay $0x4  }
0x2f0: {  	v30 =	vbroadcast v18, $0x1;
	s14 =	simm.s32 $0x3400;
	[tilespmem:v22+s0+$0x0] =	vst.idx.msk $0xffff, v29  }
0x2f1: {  	(v2sf) =	vpush v19, $0x9;
	v21 =	vld.idx.msk [tilespmem:v21+s14+$0x0], $0xffff  }
0x2f2: {  	v23 =	vadd.s32 v0, v30;
	_ =	sdelay $0x2  }
0x2f3: {  	(v2sf) =	vpush v20, $0x9  }
0x2f4: {  	s23 =	simm.s32 $0x2C00;
	[tilespmem:v22+s24+$0x0] =	vst.idx.msk $0xffff, v21  }
0x2f5: {  	v21 =	vld.idx.msk [tilespmem:v23+s23+$0x0], $0xffff;
	_ =	sdelay $0x4  }
0x2f6: {  	s30 =	simm.s32 $0x3C00;
	[tilespmem:v22+s20+$0x0] =	vst.idx.msk $0xffff, v21  }
0x2f7: {  	v21 =	vld.idx.msk [tilespmem:v23+s30+$0x0], $0xffff;
	_ =	sdelay $0x2  }
0x2f8: {  	s12 =	spop (v2sf)  }
0x2f9: {  	s11 =	sand.u32 $0xFFFFF80, s12  }
0x2fa: {  	s31 =	sadd.s32 s13, s11;
	[tilespmem:v22+s22+$0x0] =	vst.idx.msk $0xffff, v21  }
0x2fb: {  	[tilespmem:s10], [sflag:$0x2] =	stream.strided.gather [hbm4b:s31+s17], $0x800, s15, s17, $0x38;
	[tilespmem:$0x18400] =	vst v63  }
0x2fc: {  	s10 =	spop (v2sf)  }
0x2fd: {  	s11 =	sadd.s32 s2, s11;
	s31 =	sand.u32 $0xFFFFF80, s10  }
0x2fe: {  	[tilespmem:s14], [sflag:$0x2] =	stream.strided.gather [hbm4b:s11+s17], $0x800, s15, s17, $0x38;
	[tilespmem:$0x18400] =	vst v63  }
0x2ff: {  	s12 =	sadd.s32 s1, s31  }
0x300: {  	[tilespmem:s23], [sflag:$0x2] =	stream.strided.gather [hbm4b:s12+s17], $0x800, s15, s17, $0x38;
	[tilespmem:$0x18400] =	vst v63  }
0x301: {  	s11 =	sadd.s32 s3, s31  }
0x302: {  	[tilespmem:s30], [sflag:$0x2] =	stream.strided.gather [hbm4b:s11+s17], $0x800, s15, s17, $0x38;
	[tilespmem:$0x18400] =	vst v63  }
0x303: {  	_ =	swait.ge [sflag:s4], $0x800  }
0x304: {  	[sflag:s4] =	ssyncset.done $0x0  }
0x305: {  	[sflag:s4] =	ssyncadd.s32 $0xFFFFF800  }
0x306: {  	_ =	swait.ge [sflag:s4], $0x800  }
0x307: {  	[sflag:s4] =	ssyncset.done $0x0  }
0x308: {  	v31 =	vbroadcast v17, $0x2;
	[sflag:s4] =	ssyncadd.s32 $0xFFFFF800  }
0x309: {  	_ =	swait.ge [sflag:s4], $0x800  }
0x30a: {  	v21 =	vadd.s32 v0, v31;
	s10 =	sadd.s32 $0xFFFFFFFA, s8;
	[sflag:s4] =	ssyncset.done $0x0  }
0x30b: {  	v32 =	vmov s10;
	[sflag:s4] =	ssyncadd.s32 $0xFFFFF800  }
0x30c: {  	v33 =	vshll.u32 v32, $0x3;
	_ =	swait.ge [sflag:s4], $0x800  }
0x30d: {  	v22 =	vand.u32 $0x72, v32;
	v23 =	vand.u32 $0xC00, v33;
	[sflag:s4] =	ssyncset.done $0x0  }
0x30e: {  	s12 =	simm.s32 $0x4400;
	v22 =	vor.u32 v23, v22;
	[sflag:s4] =	ssyncadd.s32 $0xFFFFF800  }
0x30f: {  	v22 =	vor.u32 v1, v22;
	v34 =	vld.idx.msk [tilespmem:v21+s12+$0x0], $0xffff;
	_ =	sdelay $0x4  }
0x310: {  	v35 =	vbroadcast v18, $0x2;
	s10 =	simm.s32 $0x5400;
	[tilespmem:v22+s0+$0x0] =	vst.idx.msk $0xffff, v34  }
0x311: {  	(v2sf) =	vpush v19, $0xA;
	v21 =	vld.idx.msk [tilespmem:v21+s10+$0x0], $0xffff  }
0x312: {  	v23 =	vadd.s32 v0, v35;
	_ =	sdelay $0x2  }
0x313: {  	(v2sf) =	vpush v20, $0xA  }
0x314: {  	s14 =	simm.s32 $0x4C00;
	[tilespmem:v22+s24+$0x0] =	vst.idx.msk $0xffff, v21  }
0x315: {  	v21 =	vld.idx.msk [tilespmem:v23+s14+$0x0], $0xffff;
	_ =	sdelay $0x4  }
0x316: {  	s23 =	simm.s32 $0x5C00;
	[tilespmem:v22+s20+$0x0] =	vst.idx.msk $0xffff, v21  }
0x317: {  	v21 =	vld.idx.msk [tilespmem:v23+s23+$0x0], $0xffff;
	_ =	sdelay $0x2  }
0x318: {  	s30 =	spop (v2sf)  }
0x319: {  	s11 =	sand.u32 $0xFFFFF80, s30  }
0x31a: {  	s31 =	sadd.s32 s13, s11;
	[tilespmem:v22+s22+$0x0] =	vst.idx.msk $0xffff, v21  }
0x31b: {  	[tilespmem:s12], [sflag:$0x3] =	stream.strided.gather [hbm4b:s31+s17], $0x800, s15, s17, $0x38;
	[tilespmem:$0x18400] =	vst v63  }
0x31c: {  	s4 =	spop (v2sf);
	s11 =	sadd.s32 s2, s11  }
0x31d: {  	[tilespmem:s10], [sflag:$0x3] =	stream.strided.gather [hbm4b:s11+s17], $0x800, s15, s17, $0x38;
	[tilespmem:$0x18400] =	vst v63  }
0x31e: {  	s10 =	sand.u32 $0xFFFFF80, s4  }
0x31f: {  	s12 =	sadd.s32 s1, s10  }
0x320: {  	[tilespmem:s14], [sflag:$0x3] =	stream.strided.gather [hbm4b:s12+s17], $0x800, s15, s17, $0x38;
	[tilespmem:$0x18400] =	vst v63  }
0x321: {  	s11 =	sadd.s32 s3, s10  }
0x322: {  	[tilespmem:s23], [sflag:$0x3] =	stream.strided.gather [hbm4b:s11+s17], $0x800, s15, s17, $0x38;
	[tilespmem:$0x18400] =	vst v63  }
0x323: {  	_ =	swait.ge [sflag:s6], $0x800  }
0x324: {  	[sflag:s6] =	ssyncset.done $0x0  }
0x325: {  	[sflag:s6] =	ssyncadd.s32 $0xFFFFF800  }
0x326: {  	_ =	swait.ge [sflag:s6], $0x800  }
0x327: {  	[sflag:s6] =	ssyncset.done $0x0  }
0x328: {  	v36 =	vbroadcast v17, $0x3;
	[sflag:s6] =	ssyncadd.s32 $0xFFFFF800  }
0x329: {  	_ =	swait.ge [sflag:s6], $0x800  }
0x32a: {  	v21 =	vadd.s32 v0, v36;
	s12 =	sadd.s32 $0xFFFFFFFB, s8;
	[sflag:s6] =	ssyncset.done $0x0  }
0x32b: {  	v37 =	vmov s12;
	[sflag:s6] =	ssyncadd.s32 $0xFFFFF800  }
0x32c: {  	v38 =	vshll.u32 v37, $0x3;
	_ =	swait.ge [sflag:s6], $0x800  }
0x32d: {  	v22 =	vand.u32 $0x73, v37;
	v23 =	vand.u32 $0xC00, v38;
	[sflag:s6] =	ssyncset.done $0x0  }
0x32e: {  	s14 =	simm.s32 $0x6400;
	v22 =	vor.u32 v23, v22;
	[sflag:s6] =	ssyncadd.s32 $0xFFFFF800  }
0x32f: {  	v22 =	vor.u32 v1, v22;
	v39 =	vld.idx.msk [tilespmem:v21+s14+$0x0], $0xffff;
	_ =	sdelay $0x4  }
0x330: {  	v40 =	vbroadcast v18, $0x3;
	s23 =	simm.s32 $0x7400;
	[tilespmem:v22+s0+$0x0] =	vst.idx.msk $0xffff, v39  }
0x331: {  	(v2sf) =	vpush v19, $0xB;
	v21 =	vld.idx.msk [tilespmem:v21+s23+$0x0], $0xffff  }
0x332: {  	v23 =	vadd.s32 v0, v40  }
0x333: {  	(v2sf) =	vpush v20, $0xB;
	_ =	sdelay $0x2  }
0x334: {  	[tilespmem:v22+s24+$0x0] =	vst.idx.msk $0xffff, v21  }
0x335: {  	v21 =	vld.idx.msk [tilespmem:v23+s29+$0x0], $0xffff;
	_ =	sdelay $0x4  }
0x336: {  	[tilespmem:v22+s20+$0x0] =	vst.idx.msk $0xffff, v21  }
0x337: {  	v21 =	vld.idx.msk [tilespmem:v23+s18+$0x0], $0xffff;
	_ =	sdelay $0x2  }
0x338: {  	s30 =	spop (v2sf)  }
0x339: {  	s11 =	sand.u32 $0xFFFFF80, s30  }
0x33a: {  	s10 =	spop (v2sf);
	s31 =	sadd.s32 s13, s11;
	[tilespmem:v22+s22+$0x0] =	vst.idx.msk $0xffff, v21  }
0x33b: {  	[tilespmem:s14], [sflag:$0x4] =	stream.strided.gather [hbm4b:s31+s17], $0x800, s15, s17, $0x38;
	[tilespmem:$0x18400] =	vst v63  }
0x33c: {  	s11 =	sadd.s32 s2, s11;
	s14 =	sand.u32 $0xFFFFF80, s10  }
0x33d: {  	[tilespmem:s23], [sflag:$0x4] =	stream.strided.gather [hbm4b:s11+s17], $0x800, s15, s17, $0x38;
	[tilespmem:$0x18400] =	vst v63  }
0x33e: {  	s12 =	sadd.s32 s1, s14  }
0x33f: {  	[tilespmem:s29], [sflag:$0x4] =	stream.strided.gather [hbm4b:s12+s17], $0x800, s15, s17, $0x38;
	[tilespmem:$0x18400] =	vst v63  }
0x340: {  	s11 =	sadd.s32 s3, s14  }
0x341: {  	[tilespmem:s18], [sflag:$0x4] =	stream.strided.gather [hbm4b:s11+s17], $0x800, s15, s17, $0x38;
	[tilespmem:$0x18400] =	vst v63  }
0x342: {  	_ =	swait.ge [sflag:s16], $0x800  }
0x343: {  	[sflag:s16] =	ssyncset.done $0x0  }
0x344: {  	[sflag:s16] =	ssyncadd.s32 $0xFFFFF800  }
0x345: {  	_ =	swait.ge [sflag:s16], $0x800  }
0x346: {  	[sflag:s16] =	ssyncset.done $0x0  }
0x347: {  	v41 =	vbroadcast v17, $0x4;
	[sflag:s16] =	ssyncadd.s32 $0xFFFFF800  }
0x348: {  	_ =	swait.ge [sflag:s16], $0x800  }
0x349: {  	v21 =	vadd.s32 v0, v41;
	s23 =	sadd.s32 $0xFFFFFFFC, s8;
	[sflag:s16] =	ssyncset.done $0x0  }
0x34a: {  	v42 =	vmov s23;
	[sflag:s16] =	ssyncadd.s32 $0xFFFFF800  }
0x34b: {  	v43 =	vshll.u32 v42, $0x3;
	_ =	swait.ge [sflag:s16], $0x800  }
0x34c: {  	v22 =	vand.u32 $0x74, v42;
	v23 =	vand.u32 $0xC00, v43;
	[sflag:s16] =	ssyncset.done $0x0  }
0x34d: {  	s29 =	simm.s32 $0x8400;
	v22 =	vor.u32 v23, v22;
	[sflag:s16] =	ssyncadd.s32 $0xFFFFF800  }
0x34e: {  	v22 =	vor.u32 v1, v22;
	v44 =	vld.idx.msk [tilespmem:v21+s29+$0x0], $0xffff;
	_ =	sdelay $0x4  }
0x34f: {  	v45 =	vbroadcast v18, $0x4;
	s30 =	simm.s32 $0x9400;
	[tilespmem:v22+s0+$0x0] =	vst.idx.msk $0xffff, v44  }
0x350: {  	(v2sf) =	vpush v19, $0xC;
	v21 =	vld.idx.msk [tilespmem:v21+s30+$0x0], $0xffff  }
0x351: {  	v23 =	vadd.s32 v0, v45  }
0x352: {  	(v2sf) =	vpush v20, $0xC;
	_ =	sdelay $0x2  }
0x353: {  	[tilespmem:v22+s24+$0x0] =	vst.idx.msk $0xffff, v21  }
0x354: {  	v21 =	vld.idx.msk [tilespmem:v23+s19+$0x0], $0xffff;
	_ =	sdelay $0x4  }
0x355: {  	s31 =	simm.s32 $0x9C00;
	[tilespmem:v22+s20+$0x0] =	vst.idx.msk $0xffff, v21  }
0x356: {  	v21 =	vld.idx.msk [tilespmem:v23+s31+$0x0], $0xffff;
	_ =	sdelay $0x2  }
0x357: {  	s12 =	spop (v2sf)  }
0x358: {  	s11 =	sand.u32 $0xFFFFF80, s12  }
0x359: {  	s16 =	spop (v2sf);
	s14 =	sadd.s32 s13, s11;
	[tilespmem:v22+s22+$0x0] =	vst.idx.msk $0xffff, v21  }
0x35a: {  	[tilespmem:s29], [sflag:$0x5] =	stream.strided.gather [hbm4b:s14+s17], $0x800, s15, s17, $0x38;
	[tilespmem:$0x18400] =	vst v63  }
0x35b: {  	s11 =	sadd.s32 s2, s11;
	s18 =	sand.u32 $0xFFFFF80, s16  }
0x35c: {  	[tilespmem:s30], [sflag:$0x5] =	stream.strided.gather [hbm4b:s11+s17], $0x800, s15, s17, $0x38;
	[tilespmem:$0x18400] =	vst v63  }
0x35d: {  	s12 =	sadd.s32 s1, s18  }
0x35e: {  	[tilespmem:s19], [sflag:$0x5] =	stream.strided.gather [hbm4b:s12+s17], $0x800, s15, s17, $0x38;
	[tilespmem:$0x18400] =	vst v63  }
0x35f: {  	s11 =	sadd.s32 s3, s18  }
0x360: {  	[tilespmem:s31], [sflag:$0x5] =	stream.strided.gather [hbm4b:s11+s17], $0x800, s15, s17, $0x38;
	[tilespmem:$0x18400] =	vst v63  }
0x361: {  	_ =	swait.ge [sflag:s5], $0x800  }
0x362: {  	[sflag:s5] =	ssyncset.done $0x0  }
0x363: {  	[sflag:s5] =	ssyncadd.s32 $0xFFFFF800  }
0x364: {  	_ =	swait.ge [sflag:s5], $0x800  }
0x365: {  	[sflag:s5] =	ssyncset.done $0x0  }
0x366: {  	v46 =	vbroadcast v17, $0x5;
	[sflag:s5] =	ssyncadd.s32 $0xFFFFF800  }
0x367: {  	_ =	swait.ge [sflag:s5], $0x800  }
0x368: {  	v21 =	vadd.s32 v0, v46;
	s19 =	sadd.s32 $0xFFFFFFFD, s8;
	[sflag:s5] =	ssyncset.done $0x0  }
0x369: {  	v47 =	vmov s19;
	[sflag:s5] =	ssyncadd.s32 $0xFFFFF800  }
0x36a: {  	v48 =	vshll.u32 v47, $0x3;
	_ =	swait.ge [sflag:s5], $0x800  }
0x36b: {  	v22 =	vand.u32 $0x75, v47;
	v23 =	vand.u32 $0xC00, v48;
	[sflag:s5] =	ssyncset.done $0x0  }
0x36c: {  	s23 =	simm.s32 $0xA400;
	v22 =	vor.u32 v23, v22;
	[sflag:s5] =	ssyncadd.s32 $0xFFFFF800  }
0x36d: {  	v22 =	vor.u32 v1, v22;
	v49 =	vld.idx.msk [tilespmem:v21+s23+$0x0], $0xffff;
	_ =	sdelay $0x4  }
0x36e: {  	v50 =	vbroadcast v18, $0x5;
	s29 =	simm.s32 $0xB400;
	[tilespmem:v22+s0+$0x0] =	vst.idx.msk $0xffff, v49  }
0x36f: {  	(v2sf) =	vpush v19, $0xD;
	v21 =	vld.idx.msk [tilespmem:v21+s29+$0x0], $0xffff  }
0x370: {  	v23 =	vadd.s32 v0, v50  }
0x371: {  	(v2sf) =	vpush v20, $0xD;
	_ =	sdelay $0x2  }
0x372: {  	s30 =	simm.s32 $0xAC00;
	[tilespmem:v22+s24+$0x0] =	vst.idx.msk $0xffff, v21  }
0x373: {  	v21 =	vld.idx.msk [tilespmem:v23+s30+$0x0], $0xffff;
	_ =	sdelay $0x4  }
0x374: {  	[tilespmem:v22+s20+$0x0] =	vst.idx.msk $0xffff, v21  }
0x375: {  	v21 =	vld.idx.msk [tilespmem:v23+s26+$0x0], $0xffff;
	_ =	sdelay $0x2  }
0x376: {  	s31 =	spop (v2sf)  }
0x377: {  	s11 =	sand.u32 $0xFFFFF80, s31  }
0x378: {  	s10 =	spop (v2sf);
	s6 =	sadd.s32 s13, s11;
	[tilespmem:v22+s22+$0x0] =	vst.idx.msk $0xffff, v21  }
0x379: {  	[tilespmem:s23], [sflag:$0x6] =	stream.strided.gather [hbm4b:s6+s17], $0x800, s15, s17, $0x38;
	[tilespmem:$0x18400] =	vst v63  }
0x37a: {  	s11 =	sadd.s32 s2, s11;
	s16 =	sand.u32 $0xFFFFF80, s10  }
0x37b: {  	[tilespmem:s29], [sflag:$0x6] =	stream.strided.gather [hbm4b:s11+s17], $0x800, s15, s17, $0x38;
	[tilespmem:$0x18400] =	vst v63  }
0x37c: {  	s12 =	sadd.s32 s1, s16  }
0x37d: {  	[tilespmem:s30], [sflag:$0x6] =	stream.strided.gather [hbm4b:s12+s17], $0x800, s15, s17, $0x38;
	[tilespmem:$0x18400] =	vst v63  }
0x37e: {  	s11 =	sadd.s32 s3, s16  }
0x37f: {  	[tilespmem:s26], [sflag:$0x6] =	stream.strided.gather [hbm4b:s11+s17], $0x800, s15, s17, $0x38;
	[tilespmem:$0x18400] =	vst v63  }
0x380: {  	_ =	swait.ge [sflag:s7], $0x800  }
0x381: {  	[sflag:s7] =	ssyncset.done $0x0  }
0x382: {  	[sflag:s7] =	ssyncadd.s32 $0xFFFFF800  }
0x383: {  	_ =	swait.ge [sflag:s7], $0x800  }
0x384: {  	[sflag:s7] =	ssyncset.done $0x0  }
0x385: {  	v51 =	vbroadcast v17, $0x6;
	[sflag:s7] =	ssyncadd.s32 $0xFFFFF800  }
0x386: {  	_ =	swait.ge [sflag:s7], $0x800  }
0x387: {  	s18 =	sadd.s32 $0xFFFFFFFE, s8;
	v21 =	vadd.s32 v0, v51;
	[sflag:s7] =	ssyncset.done $0x0  }
0x388: {  	v52 =	vmov s18;
	[sflag:s7] =	ssyncadd.s32 $0xFFFFF800  }
0x389: {  	v53 =	vshll.u32 v52, $0x3;
	_ =	swait.ge [sflag:s7], $0x800  }
0x38a: {  	v23 =	vand.u32 $0xC00, v53;
	v22 =	vand.u32 $0x76, v52;
	[sflag:s7] =	ssyncset.done $0x0  }
0x38b: {  	s19 =	simm.s32 $0xC400;
	v22 =	vor.u32 v23, v22;
	[sflag:s7] =	ssyncadd.s32 $0xFFFFF800  }
0x38c: {  	v22 =	vor.u32 v1, v22;
	v54 =	vld.idx.msk [tilespmem:v21+s19+$0x0], $0xffff;
	_ =	sdelay $0x4  }
0x38d: {  	v55 =	vbroadcast v18, $0x6;
	s23 =	simm.s32 $0xD400;
	[tilespmem:v22+s0+$0x0] =	vst.idx.msk $0xffff, v54  }
0x38e: {  	(v2sf) =	vpush v19, $0xE;
	v21 =	vld.idx.msk [tilespmem:v21+s23+$0x0], $0xffff  }
0x38f: {  	v23 =	vadd.s32 v0, v55  }
0x390: {  	(v2sf) =	vpush v20, $0xE;
	_ =	sdelay $0x2  }
0x391: {  	[tilespmem:v22+s24+$0x0] =	vst.idx.msk $0xffff, v21  }
0x392: {  	v21 =	vld.idx.msk [tilespmem:v23+s28+$0x0], $0xffff;
	_ =	sdelay $0x4  }
0x393: {  	s29 =	simm.s32 $0xDC00;
	[tilespmem:v22+s20+$0x0] =	vst.idx.msk $0xffff, v21  }
0x394: {  	v21 =	vld.idx.msk [tilespmem:v23+s29+$0x0], $0xffff;
	_ =	sdelay $0x2  }
0x395: {  	s30 =	spop (v2sf)  }
0x396: {  	s11 =	sand.u32 $0xFFFFF80, s30  }
0x397: {  	s5 =	spop (v2sf);
	s31 =	sadd.s32 s13, s11;
	[tilespmem:v22+s22+$0x0] =	vst.idx.msk $0xffff, v21  }
0x398: {  	[tilespmem:s19], [sflag:$0x7] =	stream.strided.gather [hbm4b:s31+s17], $0x800, s15, s17, $0x38;
	[tilespmem:$0x18400] =	vst v63  }
0x399: {  	s11 =	sadd.s32 s2, s11;
	s6 =	sand.u32 $0xFFFFF80, s5  }
0x39a: {  	[tilespmem:s23], [sflag:$0x7] =	stream.strided.gather [hbm4b:s11+s17], $0x800, s15, s17, $0x38;
	[tilespmem:$0x18400] =	vst v63  }
0x39b: {  	s12 =	sadd.s32 s1, s6  }
0x39c: {  	[tilespmem:s28], [sflag:$0x7] =	stream.strided.gather [hbm4b:s12+s17], $0x800, s15, s17, $0x38;
	[tilespmem:$0x18400] =	vst v63  }
0x39d: {  	s11 =	sadd.s32 s3, s6  }
0x39e: {  	[tilespmem:s29], [sflag:$0x7] =	stream.strided.gather [hbm4b:s11+s17], $0x800, s15, s17, $0x38;
	[tilespmem:$0x18400] =	vst v63  }
0x39f: {  	_ =	swait.ge [sflag:s9], $0x800  }
0x3a0: {  	[sflag:s9] =	ssyncset.done $0x0  }
0x3a1: {  	[sflag:s9] =	ssyncadd.s32 $0xFFFFF800  }
0x3a2: {  	_ =	swait.ge [sflag:s9], $0x800  }
0x3a3: {  	[sflag:s9] =	ssyncset.done $0x0  }
0x3a4: {  	v56 =	vbroadcast v17, $0x7;
	[sflag:s9] =	ssyncadd.s32 $0xFFFFF800  }
0x3a5: {  	_ =	swait.ge [sflag:s9], $0x800  }
0x3a6: {  	s7 =	sadd.s32 $0xFFFFFFFF, s8;
	v21 =	vadd.s32 v0, v56;
	[sflag:s9] =	ssyncset.done $0x0  }
0x3a7: {  	v57 =	vmov s7;
	[sflag:s9] =	ssyncadd.s32 $0xFFFFF800  }
0x3a8: {  	v58 =	vshll.u32 v57, $0x3;
	_ =	swait.ge [sflag:s9], $0x800  }
0x3a9: {  	v23 =	vand.u32 $0xC00, v58;
	v22 =	vand.u32 $0x77, v57;
	[sflag:s9] =	ssyncset.done $0x0  }
0x3aa: {  	v22 =	vor.u32 v23, v22;
	[sflag:s9] =	ssyncadd.s32 $0xFFFFF800;
	s9 =	simm.s32 $0xE400  }
0x3ab: {  	v22 =	vor.u32 v1, v22;
	v59 =	vld.idx.msk [tilespmem:v21+s9+$0x0], $0xffff;
	_ =	sdelay $0x4  }
0x3ac: {  	v60 =	vbroadcast v18, $0x7;
	[tilespmem:v22+s0+$0x0] =	vst.idx.msk $0xffff, v59  }
0x3ad: {  	(v2sf) =	vpush v19, $0xF;
	v21 =	vld.idx.msk [tilespmem:v21+s25+$0x0], $0xffff  }
0x3ae: {  	v19 =	vadd.s32 v0, v60  }
0x3af: {  	(v2sf) =	vpush v20, $0xF;
	_ =	sdelay $0x2  }
0x3b0: {  	s10 =	simm.s32 $0xEC00;
	[tilespmem:v22+s24+$0x0] =	vst.idx.msk $0xffff, v21  }
0x3b1: {  	v20 =	vld.idx.msk [tilespmem:v19+s10+$0x0], $0xffff;
	_ =	sdelay $0x4  }
0x3b2: {  	s16 =	simm.s32 $0xFC00;
	[tilespmem:v22+s20+$0x0] =	vst.idx.msk $0xffff, v20  }
0x3b3: {  	v19 =	vld.idx.msk [tilespmem:v19+s16+$0x0], $0xffff;
	_ =	sdelay $0x2  }
0x3b4: {  	s30 =	spop (v2sf)  }
0x3b5: {  	s11 =	sand.u32 $0xFFFFF80, s30  }
0x3b6: {  	s7 =	spop (v2sf);
	s31 =	sadd.s32 s13, s11;
	[tilespmem:v22+s22+$0x0] =	vst.idx.msk $0xffff, v19  }
0x3b7: {  	[tilespmem:s9], [sflag:$0x8] =	stream.strided.gather [hbm4b:s31+s17], $0x800, s15, s17, $0x38;
	[tilespmem:$0x18400] =	vst v63  }
0x3b8: {  	s11 =	sadd.s32 s2, s11;
	s9 =	sand.u32 $0xFFFFF80, s7  }
0x3b9: {  	[tilespmem:s25], [sflag:$0x8] =	stream.strided.gather [hbm4b:s11+s17], $0x800, s15, s17, $0x38;
	[tilespmem:$0x18400] =	vst v63  }
0x3ba: {  	s12 =	sadd.s32 s1, s9  }
0x3bb: {  	[tilespmem:s10], [sflag:$0x8] =	stream.strided.gather [hbm4b:s12+s17], $0x800, s15, s17, $0x38;
	[tilespmem:$0x18400] =	vst v63  }
0x3bc: {  	s11 =	sadd.s32 s3, s9  }
0x3bd: {  	[tilespmem:s16], [sflag:$0x8] =	stream.strided.gather [hbm4b:s11+s17], $0x800, s15, s17, $0x38;
	[tilespmem:$0x18400] =	vst v63  }
0x3be: {  	s11 =	rddreg [dreg:$0x11];
	_ =	swait.ge [sflag:s21], $0x800  }
0x3bf: {  	[sflag:s21] =	ssyncset.done $0x0  }
0x3c0: {  	[sflag:s21] =	ssyncadd.s32 $0xFFFFF800  }
0x3c1: {  	_ =	swait.ge [sflag:s21], $0x800  }
0x3c2: {  	[sflag:s21] =	ssyncset.done $0x0  }
0x3c3: {  	v19 =	vbroadcast v17, $0x8;
	[sflag:s21] =	ssyncadd.s32 $0xFFFFF800  }
0x3c4: {  	_ =	swait.ge [sflag:s21], $0x800  }
0x3c5: {  	v19 =	vadd.s32 v0, v19;
	[sflag:s21] =	ssyncset.done $0x0  }
0x3c6: {  	v20 =	vmov s8;
	[sflag:s21] =	ssyncadd.s32 $0xFFFFF800  }
0x3c7: {  	v61 =	vshll.u32 v20, $0x3;
	_ =	swait.ge [sflag:s21], $0x800  }
0x3c8: {  	v20 =	vand.u32 $0x78, v20;
	v21 =	vand.u32 $0xC00, v61;
	[sflag:s21] =	ssyncset.done $0x0  }
0x3c9: {  	v20 =	vor.u32 v21, v20;
	[sflag:s21] =	ssyncadd.s32 $0xFFFFF800  }
0x3ca: {  	v20 =	vor.u32 v1, v20;
	v62 =	vld.idx.msk [tilespmem:v19+s17+$0x0], $0xffff;
	_ =	sdelay $0x4  }
0x3cb: {  	v63 =	vbroadcast v18, $0x8;
	s10 =	simm.s32 $0x1400;
	[tilespmem:v20+s0+$0x0] =	vst.idx.msk $0xffff, v62  }
0x3cc: {  	v19 =	vld.idx.msk [tilespmem:v19+s10+$0x0], $0xffff  }
0x3cd: {  	v21 =	vadd.s32 v0, v63;
	_ =	sdelay $0x3  }
0x3ce: {  	s30 =	simm.s32 $0xC00;
	[tilespmem:v20+s24+$0x0] =	vst.idx.msk $0xffff, v19  }
0x3cf: {  	v19 =	vld.idx.msk [tilespmem:v21+s30+$0x0], $0xffff;
	_ =	sdelay $0x4  }
0x3d0: {  	s31 =	simm.s32 $0x1C00;
	[tilespmem:v20+s20+$0x0] =	vst.idx.msk $0xffff, v19  }
0x3d1: {  	p0 =	sne.s32 s8, $0x1F8;
	v19 =	vld.idx.msk [tilespmem:v21+s31+$0x0], $0xffff  }
.Ltmp0:
0x3d2: {  	_ = 	snop;
	(pc) =	sbr.rel @p0 .LBB2_2-.Ltmp0, $4  }
0x3d3: {  	s14 =	simm.s32 $0xD400;
	s18 =	simm.s32 $0xE400;
	s26 =	simm.s32 $0xC400  }
0x3d4: {  	s19 =	simm.s32 $0xF400;
	s23 =	simm.s32 $0xCC00;
	s28 =	simm.s32 $0xDC00  }
0x3d5: {  	s8 =	sadd.s32 $0x10, s8;
	s25 =	simm.s32 $0xEC00;
	s16 =	rddreg [dreg:$0x10]  }
0x3d6: {  	s12 =	simm.s32 $0xFC00;
	s4 =	sadd.s32 $0x10, s11;
	s0 =	sadd.s32 $0x10, s16;
	[tilespmem:v20+s22+$0x0] =	vst.idx.msk $0xffff, v19  }
0x3d7: {  	s0 =	simm.s32 $0x2  }
0x3d8: {  	_ =	swait.ge [sflag:s0], $0x800  }
0x3d9: {  	[sflag:s0] =	ssyncset.done $0x0  }
0x3da: {  	[sflag:s0] =	ssyncadd.s32 $0xFFFFF800  }
0x3db: {  	_ =	swait.ge [sflag:s0], $0x800  }
0x3dc: {  	[sflag:s0] =	ssyncset.done $0x0  }
0x3dd: {  	v19 =	vbroadcast v17, $0x9;
	[sflag:s0] =	ssyncadd.s32 $0xFFFFF800  }
0x3de: {  	_ =	swait.ge [sflag:s0], $0x800  }
0x3df: {  	v19 =	vadd.s32 v0, v19;
	[sflag:s0] =	ssyncset.done $0x0  }
0x3e0: {  	[sflag:s0] =	ssyncadd.s32 $0xFFFFF800  }
0x3e1: {  	_ =	swait.ge [sflag:s0], $0x800  }
0x3e2: {  	[sflag:s0] =	ssyncset.done $0x0  }
0x3e3: {  	s8 =	simm.s32 $0x2400;
	[sflag:s0] =	ssyncadd.s32 $0xFFFFF800  }
0x3e4: {  	v20 =	vld.idx.msk [tilespmem:v19+s8+$0x0], $0xffff;
	_ =	sdelay $0x3  }
0x3e5: {  	s0 =	simm.s32 $0x10400  }
0x3e6: {  	v53 =	vbroadcast v18, $0x9;
	s11 =	simm.s32 $0x3400;
	[tilespmem:v10+s0+$0x0] =	vst.idx.msk $0xffff, v20  }
0x3e7: {  	v19 =	vld.idx.msk [tilespmem:v19+s11+$0x0], $0xffff  }
0x3e8: {  	v20 =	vadd.s32 v0, v53;
	_ =	sdelay $0x2  }
0x3e9: {  	s9 =	simm.s32 $0x14400  }
0x3ea: {  	s16 =	simm.s32 $0x2C00;
	[tilespmem:v10+s9+$0x0] =	vst.idx.msk $0xffff, v19  }
0x3eb: {  	v19 =	vld.idx.msk [tilespmem:v20+s16+$0x0], $0xffff;
	_ =	sdelay $0x3  }
0x3ec: {  	s11 =	simm.s32 $0x12400  }
0x3ed: {  	s20 =	simm.s32 $0x3C00;
	[tilespmem:v10+s11+$0x0] =	vst.idx.msk $0xffff, v19  }
0x3ee: {  	v19 =	vld.idx.msk [tilespmem:v20+s20+$0x0], $0xffff;
	_ =	sdelay $0x3  }
0x3ef: {  	s20 =	simm.s32 $0x16400  }
0x3f0: {  	s4 =	simm.s32 $0x3;
	[tilespmem:v10+s20+$0x0] =	vst.idx.msk $0xffff, v19  }
0x3f1: {  	_ =	swait.ge [sflag:s4], $0x800  }
0x3f2: {  	[sflag:s4] =	ssyncset.done $0x0  }
0x3f3: {  	[sflag:s4] =	ssyncadd.s32 $0xFFFFF800  }
0x3f4: {  	_ =	swait.ge [sflag:s4], $0x800  }
0x3f5: {  	[sflag:s4] =	ssyncset.done $0x0  }
0x3f6: {  	v19 =	vbroadcast v17, $0xA;
	[sflag:s4] =	ssyncadd.s32 $0xFFFFF800  }
0x3f7: {  	_ =	swait.ge [sflag:s4], $0x800  }
0x3f8: {  	v19 =	vadd.s32 v0, v19;
	[sflag:s4] =	ssyncset.done $0x0  }
0x3f9: {  	[sflag:s4] =	ssyncadd.s32 $0xFFFFF800  }
0x3fa: {  	_ =	swait.ge [sflag:s4], $0x800  }
0x3fb: {  	[sflag:s4] =	ssyncset.done $0x0  }
0x3fc: {  	s22 =	simm.s32 $0x4400;
	[sflag:s4] =	ssyncadd.s32 $0xFFFFF800  }
0x3fd: {  	v54 =	vld.idx.msk [tilespmem:v19+s22+$0x0], $0xffff;
	_ =	sdelay $0x4  }
0x3fe: {  	v55 =	vbroadcast v18, $0xA;
	s24 =	simm.s32 $0x5400;
	[tilespmem:v11+s0+$0x0] =	vst.idx.msk $0xffff, v54  }
0x3ff: {  	v19 =	vld.idx.msk [tilespmem:v19+s24+$0x0], $0xffff  }
0x400: {  	v20 =	vadd.s32 v0, v55;
	_ =	sdelay $0x3  }
0x401: {  	s29 =	simm.s32 $0x4C00;
	[tilespmem:v11+s9+$0x0] =	vst.idx.msk $0xffff, v19  }
0x402: {  	v19 =	vld.idx.msk [tilespmem:v20+s29+$0x0], $0xffff;
	_ =	sdelay $0x4  }
0x403: {  	s30 =	simm.s32 $0x5C00;
	[tilespmem:v11+s11+$0x0] =	vst.idx.msk $0xffff, v19  }
0x404: {  	v19 =	vld.idx.msk [tilespmem:v20+s30+$0x0], $0xffff;
	_ =	sdelay $0x4  }
0x405: {  	s31 =	simm.s32 $0x4;
	[tilespmem:v11+s20+$0x0] =	vst.idx.msk $0xffff, v19  }
0x406: {  	_ =	swait.ge [sflag:s31], $0x800  }
0x407: {  	[sflag:s31] =	ssyncset.done $0x0  }
0x408: {  	[sflag:s31] =	ssyncadd.s32 $0xFFFFF800  }
0x409: {  	_ =	swait.ge [sflag:s31], $0x800  }
0x40a: {  	[sflag:s31] =	ssyncset.done $0x0  }
0x40b: {  	v19 =	vbroadcast v17, $0xB;
	[sflag:s31] =	ssyncadd.s32 $0xFFFFF800  }
0x40c: {  	_ =	swait.ge [sflag:s31], $0x800  }
0x40d: {  	v19 =	vadd.s32 v0, v19;
	[sflag:s31] =	ssyncset.done $0x0  }
0x40e: {  	[sflag:s31] =	ssyncadd.s32 $0xFFFFF800  }
0x40f: {  	_ =	swait.ge [sflag:s31], $0x800  }
0x410: {  	[sflag:s31] =	ssyncset.done $0x0  }
0x411: {  	s5 =	simm.s32 $0x6400;
	[sflag:s31] =	ssyncadd.s32 $0xFFFFF800  }
0x412: {  	v56 =	vld.idx.msk [tilespmem:v19+s5+$0x0], $0xffff;
	_ =	sdelay $0x4  }
0x413: {  	v57 =	vbroadcast v18, $0xB;
	s6 =	simm.s32 $0x7400;
	[tilespmem:v12+s0+$0x0] =	vst.idx.msk $0xffff, v56  }
0x414: {  	v19 =	vld.idx.msk [tilespmem:v19+s6+$0x0], $0xffff  }
0x415: {  	v20 =	vadd.s32 v0, v57;
	_ =	sdelay $0x3  }
0x416: {  	s7 =	simm.s32 $0x6C00;
	[tilespmem:v12+s9+$0x0] =	vst.idx.msk $0xffff, v19  }
0x417: {  	v19 =	vld.idx.msk [tilespmem:v20+s7+$0x0], $0xffff;
	_ =	sdelay $0x4  }
0x418: {  	s10 =	simm.s32 $0x7C00;
	[tilespmem:v12+s11+$0x0] =	vst.idx.msk $0xffff, v19  }
0x419: {  	v19 =	vld.idx.msk [tilespmem:v20+s10+$0x0], $0xffff;
	_ =	sdelay $0x4  }
0x41a: {  	s16 =	simm.s32 $0x5;
	[tilespmem:v12+s20+$0x0] =	vst.idx.msk $0xffff, v19  }
0x41b: {  	_ =	swait.ge [sflag:s16], $0x800  }
0x41c: {  	[sflag:s16] =	ssyncset.done $0x0  }
0x41d: {  	[sflag:s16] =	ssyncadd.s32 $0xFFFFF800  }
0x41e: {  	_ =	swait.ge [sflag:s16], $0x800  }
0x41f: {  	[sflag:s16] =	ssyncset.done $0x0  }
0x420: {  	v19 =	vbroadcast v17, $0xC;
	[sflag:s16] =	ssyncadd.s32 $0xFFFFF800  }
0x421: {  	_ =	swait.ge [sflag:s16], $0x800  }
0x422: {  	v19 =	vadd.s32 v0, v19;
	[sflag:s16] =	ssyncset.done $0x0  }
0x423: {  	[sflag:s16] =	ssyncadd.s32 $0xFFFFF800  }
0x424: {  	_ =	swait.ge [sflag:s16], $0x800  }
0x425: {  	[sflag:s16] =	ssyncset.done $0x0  }
0x426: {  	s22 =	simm.s32 $0x8400;
	[sflag:s16] =	ssyncadd.s32 $0xFFFFF800  }
0x427: {  	v58 =	vld.idx.msk [tilespmem:v19+s22+$0x0], $0xffff;
	_ =	sdelay $0x4  }
0x428: {  	v59 =	vbroadcast v18, $0xC;
	s24 =	simm.s32 $0x9400;
	[tilespmem:v13+s0+$0x0] =	vst.idx.msk $0xffff, v58  }
0x429: {  	v19 =	vld.idx.msk [tilespmem:v19+s24+$0x0], $0xffff  }
0x42a: {  	v20 =	vadd.s32 v0, v59;
	_ =	sdelay $0x3  }
0x42b: {  	s29 =	simm.s32 $0x8C00;
	[tilespmem:v13+s9+$0x0] =	vst.idx.msk $0xffff, v19  }
0x42c: {  	v19 =	vld.idx.msk [tilespmem:v20+s29+$0x0], $0xffff;
	_ =	sdelay $0x4  }
0x42d: {  	s30 =	simm.s32 $0x9C00;
	[tilespmem:v13+s11+$0x0] =	vst.idx.msk $0xffff, v19  }
0x42e: {  	v19 =	vld.idx.msk [tilespmem:v20+s30+$0x0], $0xffff;
	_ =	sdelay $0x4  }
0x42f: {  	s31 =	simm.s32 $0x6;
	[tilespmem:v13+s20+$0x0] =	vst.idx.msk $0xffff, v19  }
0x430: {  	_ =	swait.ge [sflag:s31], $0x800  }
0x431: {  	[sflag:s31] =	ssyncset.done $0x0  }
0x432: {  	[sflag:s31] =	ssyncadd.s32 $0xFFFFF800  }
0x433: {  	_ =	swait.ge [sflag:s31], $0x800  }
0x434: {  	[sflag:s31] =	ssyncset.done $0x0  }
0x435: {  	v19 =	vbroadcast v17, $0xD;
	[sflag:s31] =	ssyncadd.s32 $0xFFFFF800  }
0x436: {  	_ =	swait.ge [sflag:s31], $0x800  }
0x437: {  	v19 =	vadd.s32 v0, v19;
	[sflag:s31] =	ssyncset.done $0x0  }
0x438: {  	[sflag:s31] =	ssyncadd.s32 $0xFFFFF800  }
0x439: {  	_ =	swait.ge [sflag:s31], $0x800  }
0x43a: {  	[sflag:s31] =	ssyncset.done $0x0  }
0x43b: {  	s5 =	simm.s32 $0xA400;
	[sflag:s31] =	ssyncadd.s32 $0xFFFFF800  }
0x43c: {  	v60 =	vld.idx.msk [tilespmem:v19+s5+$0x0], $0xffff;
	_ =	sdelay $0x4  }
0x43d: {  	v61 =	vbroadcast v18, $0xD;
	s6 =	simm.s32 $0xB400;
	[tilespmem:v14+s0+$0x0] =	vst.idx.msk $0xffff, v60  }
0x43e: {  	v19 =	vld.idx.msk [tilespmem:v19+s6+$0x0], $0xffff  }
0x43f: {  	v20 =	vadd.s32 v0, v61;
	_ =	sdelay $0x3  }
0x440: {  	s7 =	simm.s32 $0xAC00;
	[tilespmem:v14+s9+$0x0] =	vst.idx.msk $0xffff, v19  }
0x441: {  	v19 =	vld.idx.msk [tilespmem:v20+s7+$0x0], $0xffff;
	_ =	sdelay $0x4  }
0x442: {  	s10 =	simm.s32 $0xBC00;
	[tilespmem:v14+s11+$0x0] =	vst.idx.msk $0xffff, v19  }
0x443: {  	v19 =	vld.idx.msk [tilespmem:v20+s10+$0x0], $0xffff;
	_ =	sdelay $0x4  }
0x444: {  	s16 =	simm.s32 $0x7;
	[tilespmem:v14+s20+$0x0] =	vst.idx.msk $0xffff, v19  }
0x445: {  	_ =	swait.ge [sflag:s16], $0x800  }
0x446: {  	[sflag:s16] =	ssyncset.done $0x0  }
0x447: {  	[sflag:s16] =	ssyncadd.s32 $0xFFFFF800  }
0x448: {  	_ =	swait.ge [sflag:s16], $0x800  }
0x449: {  	[sflag:s16] =	ssyncset.done $0x0  }
0x44a: {  	v19 =	vbroadcast v17, $0xE;
	[sflag:s16] =	ssyncadd.s32 $0xFFFFF800  }
0x44b: {  	_ =	swait.ge [sflag:s16], $0x800  }
0x44c: {  	v19 =	vadd.s32 v0, v19;
	[sflag:s16] =	ssyncset.done $0x0  }
0x44d: {  	[sflag:s16] =	ssyncadd.s32 $0xFFFFF800  }
0x44e: {  	_ =	swait.ge [sflag:s16], $0x800  }
0x44f: {  	[sflag:s16] =	ssyncset.done $0x0  }
0x450: {  	[sflag:s16] =	ssyncadd.s32 $0xFFFFF800  }
0x451: {  	v62 =	vld.idx.msk [tilespmem:v19+s26+$0x0], $0xffff;
	_ =	sdelay $0x4  }
0x452: {  	v63 =	vbroadcast v18, $0xE;
	[tilespmem:v15+s0+$0x0] =	vst.idx.msk $0xffff, v62  }
0x453: {  	v19 =	vld.idx.msk [tilespmem:v19+s14+$0x0], $0xffff  }
0x454: {  	v20 =	vadd.s32 v0, v63;
	_ =	sdelay $0x3  }
0x455: {  	[tilespmem:v15+s9+$0x0] =	vst.idx.msk $0xffff, v19  }
0x456: {  	v19 =	vld.idx.msk [tilespmem:v20+s23+$0x0], $0xffff;
	_ =	sdelay $0x4  }
0x457: {  	[tilespmem:v15+s11+$0x0] =	vst.idx.msk $0xffff, v19  }
0x458: {  	v19 =	vld.idx.msk [tilespmem:v20+s28+$0x0], $0xffff;
	_ =	sdelay $0x4  }
0x459: {  	s22 =	simm.s32 $0x8;
	[tilespmem:v15+s20+$0x0] =	vst.idx.msk $0xffff, v19  }
0x45a: {  	_ =	swait.ge [sflag:s22], $0x800  }
0x45b: {  	[sflag:s22] =	ssyncset.done $0x0  }
0x45c: {  	[sflag:s22] =	ssyncadd.s32 $0xFFFFF800  }
0x45d: {  	_ =	swait.ge [sflag:s22], $0x800  }
0x45e: {  	[sflag:s22] =	ssyncset.done $0x0  }
0x45f: {  	v17 =	vbroadcast v17, $0xF;
	[sflag:s22] =	ssyncadd.s32 $0xFFFFF800  }
0x460: {  	_ =	swait.ge [sflag:s22], $0x800  }
0x461: {  	v17 =	vadd.s32 v0, v17;
	[sflag:s22] =	ssyncset.done $0x0  }
0x462: {  	[sflag:s22] =	ssyncadd.s32 $0xFFFFF800  }
0x463: {  	_ =	swait.ge [sflag:s22], $0x800  }
0x464: {  	[sflag:s22] =	ssyncset.done $0x0  }
0x465: {  	[sflag:s22] =	ssyncadd.s32 $0xFFFFF800  }
0x466: {  	v19 =	vld.idx.msk [tilespmem:v17+s18+$0x0], $0xffff;
	_ =	sdelay $0x4  }
0x467: {  	v18 =	vbroadcast v18, $0xF;
	[tilespmem:v16+s0+$0x0] =	vst.idx.msk $0xffff, v19  }
0x468: {  	v17 =	vld.idx.msk [tilespmem:v17+s19+$0x0], $0xffff  }
0x469: {  	v18 =	vadd.s32 v0, v18;
	_ =	sdelay $0x3  }
0x46a: {  	[tilespmem:v16+s9+$0x0] =	vst.idx.msk $0xffff, v17  }
0x46b: {  	v17 =	vld.idx.msk [tilespmem:v18+s25+$0x0], $0xffff;
	_ =	sdelay $0x4  }
0x46c: {  	[tilespmem:v16+s11+$0x0] =	vst.idx.msk $0xffff, v17  }
0x46d: {  	v17 =	vld.idx.msk [tilespmem:v18+s12+$0x0], $0xffff;
	_ =	sdelay $0x3  }
0x46e: {  	s24 =	simm.s32 $0x1000  }
0x46f: {  	s10 =	simm.s32 $0x9;
	s23 =	rddreg [dreg:$0xa];
	s25 =	simm.s32 $0x20000;
	[tilespmem:v16+s20+$0x0] =	vst.idx.msk $0xffff, v17  }
0x470: {  	[hbm4b:s23+s24] =	stream.strided.scatter [tilespmem:s0], [sflag:$0x9], $0x2000, s25, s24, $0x38;
	[tilespmem:$0x18400] =	vst v63  }
0x471: {  	_ =	swait.ge [sflag:s10], $0x2000  }
0x472: {  	[sflag:s10] =	ssyncset.done $0x0  }
0x473: {  	s26 =	rddreg [dreg:$0xb];
	[sflag:s10] =	ssyncadd.s32 $0xFFFFE000  }
0x474: {  	[hbm4b:s26+s24] =	stream.strided.scatter [tilespmem:s11], [sflag:$0x9], $0x2000, s25, s24, $0x38;
	[tilespmem:$0x18400] =	vst v63  }
0x475: {  	_ =	swait.ge [sflag:s10], $0x2000  }
0x476: {  	[sflag:s10] =	ssyncset.done $0x0  }
0x477: {  	s28 =	rddreg [dreg:$0xc];
	[sflag:s10] =	ssyncadd.s32 $0xFFFFE000  }
0x478: {  	[hbm4b:s28+s24] =	stream.strided.scatter [tilespmem:s9], [sflag:$0x9], $0x2000, s25, s24, $0x38;
	[tilespmem:$0x18400] =	vst v63  }
0x479: {  	_ =	swait.ge [sflag:s10], $0x2000  }
0x47a: {  	[sflag:s10] =	ssyncset.done $0x0  }
0x47b: {  	s29 =	rddreg [dreg:$0xd];
	[sflag:s10] =	ssyncadd.s32 $0xFFFFE000  }
0x47c: {  	[hbm4b:s29+s24] =	stream.strided.scatter [tilespmem:s20], [sflag:$0x9], $0x2000, s25, s24, $0x38;
	[tilespmem:$0x18400] =	vst v63  }
0x47d: {  	_ =	swait.ge [sflag:s10], $0x2000  }
0x47e: {  	s30 =	rddreg [dreg:$0xf]  }
0x47f: {  	s31 =	rddreg [dreg:$0xe];
	s0 =	sadd.s32 $0x1, s30  }
0x480: {  	p0 =	sne.s32 s0, s31  }
.Ltmp1:
0x481: {  	_ = 	snop;
	(pc) =	sbr.rel @p0 .LBB2_1-.Ltmp1, $3  }
0x482: {  	_ =	sdelay $0x1  }
0x483: {  	[sflag:s10] =	ssyncset.done $0x0  }
0x484: {  	[sflag:s10] =	ssyncadd.s32 $0xFFFFE000  }
0x485: {  	_ =	sfence.sel $0x180000  }
0x486: {  	[bflag:$0x0] =	sbarrier.arrive $0xFFFF  }
0x487: {  	_ =	strace $0x90000047  }
0x488: {  	s0 =	stileid.u32;
	[bflag:$0x2] =	sbarrier.arrive $0xFFFF  }
0x489: {  	p0 =	sne.s32 s0, $0x0;
	s0 =	rddreg [dreg:$0x7]  }
0x48a: {  	s0 =	sadd.s32 @!p0 $0x100000, s0  }
0x48b: {  	[sflag:s0] =	ssyncadd.tile.s32 @!p0 $0x1;
	_ =	shalt  }
.Lfunc_end2:
_tile_overlayer_lowered:
.L_overlay_start_2:
0x48c: {  	(tag) =	ssettag $0x2  }
0x48d: {  	s0 =	rddreg [dreg:$0x0];
	s2 =	stileid.u32  }
0x48e: {  	s1 =	rddreg [dreg:$0x1];
	p0 =	sne.s32 s2, $0x0  }
0x48f: {  	s3 =	rddreg [dreg:$0x2];
	[bflag:$0x3] =	sbarrier.arrive $0xFFFF;
	s2 =	simm.s32 @!p0 $0x1C09  }
0x490: {  	[timem:s3], [sflag:s2] =	dma.local @!p0 [hbm:s0], s1  }
0x491: {  	s0 =	simm.s32 @!p0 $0x9  }
0x492: {  	_ =	swait.ge @!p0 [sflag:s0], s1  }
0x493: {  	s1 =	ssub.s32 @!p0 $0x0, s1;
	[sflag:s0] =	ssyncset.done @!p0 $0x0  }
0x494: {  	[sflag:s0] =	ssyncadd.s32 @!p0 s1  }
0x495: {  	[bflag:$0x3] =	sbarrier.arrive $0xFFFF  }
0x496: {  	_ =	shalt  }

</sc_bundles>
